<compile_context>
chip_gen: v7x
topology: tpu7x:2x2x1
jax: 0.10.2.dev20260603
libtpu: 0.0.44.dev20260713+nightly
codegen_flags: <defaults>
</compile_context>

<pallas_src>
import functools

import jax
import jax.numpy as jnp
from jax import lax
from jax.experimental import pallas as pl
from jax.experimental.pallas import tpu as pltpu, tpu_sc as plsc

_NC, _NS, _L = 2, 16, 16
_D = 128
_DH = 64
_CHUNK = 128
_P = 8
_LA = 4
_GR = 16
_AGG_ROWS = 10240


def _stage1_body(u_ref, v_ref, g0_ref, g1_ref):
    for k in range(2):
        x = u_ref[...] if k == 0 else v_ref[...]
        col = lax.broadcasted_iota(jnp.int32, x.shape, 1)
        xm = jnp.where(col == 0, 0.0, x)
        s = jnp.sum(xm * xm, axis=1, keepdims=True)
        nrm = jnp.sqrt(jnp.clip(s, 1e-15, None))
        x0 = jnp.maximum(jnp.sqrt(1.0 + s), 1.0 + 1e-7)
        theta = jnp.log(x0 + jnp.sqrt(x0 * x0 - 1.0))
        g = jnp.where(col == 0, 1.0, xm * (theta / nrm))
        g0_ref[k] = g[:, :_DH]
        g1_ref[k] = g[:, _DH:]


def _stage3_body(p_ref, w_ref, b_ref, y_ref):
    a = jnp.concatenate([p_ref[0], p_ref[1]], axis=1)
    deg = jnp.maximum(a[:, 0:1], 1.0)
    agg = a / deg
    colw = lax.broadcasted_iota(jnp.int32, w_ref.shape, 1)
    wm = jnp.where(colw == 0, 0.0, w_ref[...])
    v = lax.dot_general(agg, wm, (((1,), (1,)), ((), ())),
                        preferred_element_type=jnp.float32) + b_ref[...]
    col = lax.broadcasted_iota(jnp.int32, v.shape, 1)
    vm = jnp.where(col == 0, 0.0, v)
    s2 = jnp.sum(vm * vm, axis=1, keepdims=True)
    nrm2 = jnp.sqrt(jnp.clip(s2, 1e-15, None))
    e = jnp.exp(nrm2)
    r = (e - 1.0 / e) * 0.5 / nrm2
    xr = vm * r
    y0 = jnp.sqrt(1.0 + jnp.sum(xr * xr, axis=1, keepdims=True))
    y_ref[...] = jnp.where(col == 0, y0, xr)


def _sc_body(n_nodes, g0_hbm, g1_hbm, src_hbm, dst_hbm, out_hbm,
             idx_s_v, idx_d_v, rows_v, agg_sp, sem, sem2, sem_i, sem_z):
    c = lax.axis_index("c")
    s = lax.axis_index("s")
    g_rows = src_hbm.shape[0] // _NS
    per_tile = _AGG_ROWS // _NS

    def idx_start(gi, buf):
        pltpu.async_copy(src_hbm.at[pl.ds(s * g_rows + gi * _GR, _GR)],
                         idx_s_v.at[buf], sem_i.at[buf])
        pltpu.async_copy(dst_hbm.at[pl.ds(s * g_rows + gi * _GR, _GR)],
                         idx_d_v.at[buf], sem_i.at[buf])

    def idx_wait(buf):
        pltpu.make_async_copy(src_hbm.at[pl.ds(0, _GR)], idx_s_v.at[buf],
                              sem_i.at[buf]).wait()
        pltpu.make_async_copy(dst_hbm.at[pl.ds(0, _GR)], idx_d_v.at[buf],
                              sem_i.at[buf]).wait()

    def gather(idxbuf, k, t):
        @pl.when(c == 0)
        def _g0():
            pltpu.async_copy(g0_hbm.at[idx_s_v.at[idxbuf, k]], rows_v.at[t],
                             sem.at[t])

        @pl.when(c != 0)
        def _g1():
            pltpu.async_copy(g1_hbm.at[idx_s_v.at[idxbuf, k]], rows_v.at[t],
                             sem.at[t])

    def gather_wait(t):
        pltpu.make_async_copy(g0_hbm.at[pl.ds(0, _CHUNK)], rows_v.at[t],
                              sem.at[t]).wait()

    def scatter(idxbuf, k, t):
        pltpu.async_copy(rows_v.at[t], agg_sp.at[idx_d_v.at[idxbuf, k]],
                         sem2.at[t], add=True)

    def scatter_wait(t):
        pltpu.make_async_copy(rows_v.at[t], agg_sp.at[pl.ds(0, _CHUNK)],
                              sem2.at[t]).wait()

    def zbody(i, carry):
        for jj in range(_DH // 16):
            rows_v[0, i, pl.ds(jj * 16, 16)] = jnp.zeros((16,), jnp.float32)
        return carry
    lax.fori_loop(0, _CHUNK, zbody, 0)
    for k in range(per_tile // _CHUNK):
        pltpu.async_copy(rows_v.at[0],
                         agg_sp.at[pl.ds(s * per_tile + k * _CHUNK, _CHUNK)],
                         sem_z)
    idx_start(0, 0)
    for k in range(per_tile // _CHUNK):
        pltpu.make_async_copy(rows_v.at[0],
                              agg_sp.at[pl.ds(0, _CHUNK)], sem_z).wait()
    plsc.subcore_barrier()
    idx_wait(0)

    for k in range(_LA):
        gather(0, k, k)

    ng = g_rows // _GR

    def group_body(gi, carry):
        buf = lax.rem(gi, 2)
        nbuf = lax.rem(gi + 1, 2)
        for k in range(_GR):
            t = k % _P
            t4 = (k + _LA) % _P
            gather_wait(t)
            scatter(buf, k, t)
            if k == _LA:
                @pl.when(gi + 1 < ng)
                def _prefetch_idx():
                    idx_start(gi + 1, nbuf)
            if k == _GR - _LA:
                @pl.when(gi + 1 < ng)
                def _wait_idx():
                    idx_wait(nbuf)
            if k < _LA:
                @pl.when(gi > 0)
                def _wait_prev_scatter():
                    scatter_wait(t4)
            else:
                scatter_wait(t4)
            if k < _GR - _LA:
                gather(buf, k + _LA, t4)
            else:
                @pl.when(gi + 1 < ng)
                def _gather_next_group():
                    gather(nbuf, k + _LA - _GR, t4)
        return carry
    lax.fori_loop(0, ng, group_body, 0)

    for k in range(_GR - _LA, _GR):
        scatter_wait(k % _P)
    plsc.subcore_barrier()

    @pl.when(s < _NS - 1)
    def _copy_main():
        pltpu.sync_copy(agg_sp.at[pl.ds(s * 640, 640)],
                        out_hbm.at[c, pl.ds(s * 640, 640)])

    @pl.when(s == _NS - 1)
    def _copy_tail():
        last = (_NS - 1) * 640
        pltpu.sync_copy(agg_sp.at[pl.ds(last, n_nodes - last)],
                        out_hbm.at[c, pl.ds(last, n_nodes - last)])


def kernel(edge_index, utg_weight, vtg_weight, W, b):
    n = utg_weight.shape[0] + vtg_weight.shape[0]
    e = edge_index.shape[1]
    d = utg_weight.shape[1]

    nh = n // 2
    nblk = 5
    blk = nh // nblk
    g0, g1 = pl.pallas_call(
        _stage1_body,
        grid=(nblk,),
        in_specs=[pl.BlockSpec((blk, d), lambda i: (i, 0)),
                  pl.BlockSpec((blk, d), lambda i: (i, 0))],
        out_specs=[pl.BlockSpec((2, blk, _DH), lambda i: (0, i, 0)),
                   pl.BlockSpec((2, blk, _DH), lambda i: (0, i, 0))],
        out_shape=[jax.ShapeDtypeStruct((2, nh, _DH), jnp.float32),
                   jax.ShapeDtypeStruct((2, nh, _DH), jnp.float32)],
    )(utg_weight, vtg_weight)
    g0 = g0.reshape(n, _DH)
    g1 = g1.reshape(n, _DH)

    g_rows = -(-e // (_NS * _CHUNK * 8)) * 8
    ep = _NS * g_rows * _CHUNK
    pad_ar = jnp.arange(ep - e, dtype=jnp.int32)
    srcp = jnp.concatenate(
        [edge_index[0], pad_ar % n]).reshape(_NS * g_rows, _CHUNK)
    dstp = jnp.concatenate(
        [edge_index[1], n + pad_ar % (_AGG_ROWS - n)]).reshape(_NS * g_rows, _CHUNK)

    mesh = plsc.VectorSubcoreMesh(core_axis_name="c", subcore_axis_name="s")
    partial = pl.kernel(
        functools.partial(_sc_body, n),
        out_type=jax.ShapeDtypeStruct((_NC, n, _DH), jnp.float32),
        mesh=mesh,
        compiler_params=pltpu.CompilerParams(use_tc_tiling_on_sc=False),
        scratch_types=[
            pltpu.VMEM((2, _GR, _CHUNK), jnp.int32),
            pltpu.VMEM((2, _GR, _CHUNK), jnp.int32),
            pltpu.VMEM((_P, _CHUNK, _DH), jnp.float32),
            pltpu.VMEM_SHARED((_AGG_ROWS, _DH), jnp.float32),
            pltpu.SemaphoreType.DMA((_P,)),
            pltpu.SemaphoreType.DMA((_P,)),
            pltpu.SemaphoreType.DMA((2,)),
            pltpu.SemaphoreType.DMA,
        ],
    )(g0, g1, srcp, dstp)

    nblk3 = 5
    y = pl.pallas_call(
        _stage3_body,
        grid=(nblk3,),
        in_specs=[pl.BlockSpec((_NC, n // nblk3, _DH), lambda i: (0, i, 0)),
                  pl.BlockSpec((d, d), lambda i: (0, 0)),
                  pl.BlockSpec((1, d), lambda i: (0, 0))],
        out_specs=pl.BlockSpec((n // nblk3, d), lambda i: (i, 0)),
        out_shape=jax.ShapeDtypeStruct((n, d), jnp.float32),
    )(partial, W, b.reshape(1, d))
    return y

# --- scband reference (transcript-rebuilt; emitter-appended) ---
"""Pipeline reference for scband-vor-rec-37391985279582 (READ-ONLY COPY).

The authoritative reference and input builder live on the scoring server;
editing this copy changes nothing except your own understanding.
"""

import jax, jax.numpy as jnp
import numpy as np

NUM_USERS = 5000
NUM_ITEMS = 5000
N = NUM_USERS + NUM_ITEMS
D = 128
E = 320000
K = 1.0  # Lorentz curvature (args.c)


def _projx(x):
    # project onto Lorentz hyperboloid: x0 = sqrt(K + ||x_rest||^2)
    rest = x[..., 1:]
    x0 = jnp.sqrt(K + jnp.sum(rest * rest, axis=-1, keepdims=True))
    return jnp.concatenate([x0, rest], axis=-1)


def _expmap0(u):
    # exponential map at origin of the Lorentz model (spatial part of u used)
    sk = jnp.sqrt(K)
    rest = u[..., 1:]
    nrm = jnp.sqrt(jnp.clip(jnp.sum(rest * rest, axis=-1, keepdims=True), 1e-15, None))
    x0 = sk * jnp.cosh(nrm / sk)
    xr = sk * jnp.sinh(nrm / sk) * rest / nrm
    return jnp.concatenate([x0, xr], axis=-1)


def _logmap0(x):
    sk = jnp.sqrt(K)
    rest = x[..., 1:]
    nrm = jnp.sqrt(jnp.clip(jnp.sum(rest * rest, axis=-1, keepdims=True), 1e-15, None))
    x0 = jnp.clip(x[..., :1] / sk, 1.0 + 1e-7, None)
    theta = jnp.arccosh(x0)
    ur = sk * theta * rest / nrm
    u0 = jnp.zeros_like(ur[..., :1])
    return jnp.concatenate([u0, ur], axis=-1)


def setup_inputs(seed: int = 0) -> dict:
    key = jax.random.key(seed)
    k1, k2, k3, k4, k5 = jax.random.split(key, 5)
    edge_index = jax.random.randint(k1, (2, E), 0, N, dtype=jnp.int32)
    # manifold embedding tables, initialized like the module: expmap0(normal * scale)
    tu = jnp.concatenate([jnp.zeros((NUM_USERS, 1), jnp.float32),
                          0.1 * jax.random.normal(k2, (NUM_USERS, D - 1), jnp.float32)], axis=-1)
    tv = jnp.concatenate([jnp.zeros((NUM_ITEMS, 1), jnp.float32),
                          0.1 * jax.random.normal(k3, (NUM_ITEMS, D - 1), jnp.float32)], axis=-1)
    utg_weight = _expmap0(tu)
    vtg_weight = _expmap0(tv)
    # HG encoder layer params (hyperbolic graph conv)
    lim = (6.0 / (D + D)) ** 0.5
    W = jax.random.uniform(k4, (D, D), jnp.float32, -lim, lim)
    b = jnp.zeros((D,), jnp.float32)
    return {"edge_index": edge_index, "utg_weight": utg_weight,
            "vtg_weight": vtg_weight, "W": W, "b": b}


def reference(edge_index, utg_weight, vtg_weight, W, b):
    # VorRec.encode(adj)
    emb_utg = _projx(utg_weight)
    emb_vtg = _projx(vtg_weight)
    x2 = jnp.concatenate([emb_utg, emb_vtg], axis=0)          # [N, D]
    # HG encoder: hyperbolic graph convolution
    h = _logmap0(x2)                                          # map to tangent space
    src = edge_index[0]
    dst = edge_index[1]
    msg = jnp.take(h, src, axis=0)                            # gather [E, D]
    agg = jax.ops.segment_sum(msg, dst, num_segments=N)       # scatter-add
    deg = jax.ops.segment_sum(jnp.ones((E,), h.dtype), dst, num_segments=N)
    agg = agg / jnp.clip(deg, 1.0, None)[:, None]             # mean aggregation
    out = agg @ W.T + b                                       # linear transform in tangent space
    h_tg = _projx(_expmap0(out))                              # map back to manifold
    return h_tg

if __name__ == "__main__":
    import jax
    _d = setup_inputs()
    print(jax.jit(kernel)(*tuple(_d.values())))

</pallas_src>

<mosaic_0001>
#map = affine_map<(d0, d1) -> (0, 0)>
#map1 = affine_map<(d0, d1) -> (0, 0, 0)>
module attributes {stable_mosaic.version = 14 : i64} {
  func.func @_sc_body(%arg0: i32, %arg1: i32, %arg2: memref<10000x64xf32, #tpu.memory_space<hbm>>, %arg3: memref<10000x64xf32, #tpu.memory_space<hbm>>, %arg4: memref<2560x128xi32, #tpu.memory_space<hbm>>, %arg5: memref<2560x128xi32, #tpu.memory_space<hbm>>, %arg6: memref<2x10000x64xf32, #tpu.memory_space<hbm>>, %arg7: memref<2x16x128xi32, #tpu.memory_space<vmem>>, %arg8: memref<2x16x128xi32, #tpu.memory_space<vmem>>, %arg9: memref<8x128x64xf32, #tpu.memory_space<vmem>>, %arg10: memref<10240x64xf32, #tpu.memory_space<vmem_shared>>, %arg11: memref<8x!tpu.dma_semaphore, #tpu.memory_space<semaphore_mem>>, %arg12: memref<8x!tpu.dma_semaphore, #tpu.memory_space<semaphore_mem>>, %arg13: memref<2x!tpu.dma_semaphore, #tpu.memory_space<semaphore_mem>>, %arg14: memref<!tpu.dma_semaphore, #tpu.memory_space<semaphore_mem>>) attributes {dimension_semantics = [#tpu.dimension_semantics<core_parallel>, #tpu.dimension_semantics<subcore_parallel>], iteration_bounds = array<i64: 2, 16>, scalar_prefetch = 0 : i64, scratch_operands = 8 : i64, tpu.core_type = #tpu.core_type<sc_vector_subcore>, window_params = [{transform_indices = #map}, {transform_indices = #map}, {transform_indices = #map}, {transform_indices = #map}, {transform_indices = #map1}]} {
    %scan3A = arith.constant 0 : i32
    %scan3A_0 = arith.constant 0 : i32
    %scan3A_1 = arith.constant 128 : i32
    %scan3A_2 = arith.addi %scan3A_0, %scan3A_1 : i32
    %scan3A_3 = arith.constant 1 : i32
    scf.for %scan3A_361 = %scan3A_0 to %scan3A_2 step %scan3A_3  : i32 {
      %broadcast_in_dim3A = arith.constant 0.000000e+00 : f32
      %broadcast_in_dim3A_362 = vector.broadcast %broadcast_in_dim3A : f32 to vector<16xf32>
      %swap3A = arith.constant 0 : i32
      %swap3A_363 = arith.index_cast %swap3A : i32 to index
      %swap3A_364 = arith.index_cast %scan3A_361 : i32 to index
      %swap3A_365 = arith.constant 0 : index
      %swap3A_366 = tpu.vector_load %arg9[%swap3A_363, %swap3A_364, %swap3A_365] {strides = array<i32>} : memref<8x128x64xf32, #tpu.memory_space<vmem>>, vector<1x1x16xf32>,
      %swap3A_367 = vector.shape_cast %swap3A_366 : vector<1x1x16xf32> to vector<16xf32>
      %swap3A_368 = vector.shape_cast %broadcast_in_dim3A_362 : vector<16xf32> to vector<1x1x16xf32>
      tpu.vector_store %arg9[%swap3A_363, %swap3A_364, %swap3A_365], %swap3A_368 {strides = array<i32>} : memref<8x128x64xf32, #tpu.memory_space<vmem>>, vector<1x1x16xf32>,
      %broadcast_in_dim3A_369 = arith.constant 0.000000e+00 : f32
      %broadcast_in_dim3A_370 = vector.broadcast %broadcast_in_dim3A_369 : f32 to vector<16xf32>
      %swap3A_371 = arith.constant 0 : i32
      %swap3A_372 = arith.index_cast %swap3A_371 : i32 to index
      %swap3A_373 = arith.index_cast %scan3A_361 : i32 to index
      %swap3A_374 = arith.constant 16 : index
      %swap3A_375 = tpu.vector_load %arg9[%swap3A_372, %swap3A_373, %swap3A_374] {strides = array<i32>} : memref<8x128x64xf32, #tpu.memory_space<vmem>>, vector<1x1x16xf32>,
      %swap3A_376 = vector.shape_cast %swap3A_375 : vector<1x1x16xf32> to vector<16xf32>
      %swap3A_377 = vector.shape_cast %broadcast_in_dim3A_370 : vector<16xf32> to vector<1x1x16xf32>
      tpu.vector_store %arg9[%swap3A_372, %swap3A_373, %swap3A_374], %swap3A_377 {strides = array<i32>} : memref<8x128x64xf32, #tpu.memory_space<vmem>>, vector<1x1x16xf32>,
      %broadcast_in_dim3A_378 = arith.constant 0.000000e+00 : f32
      %broadcast_in_dim3A_379 = vector.broadcast %broadcast_in_dim3A_378 : f32 to vector<16xf32>
      %swap3A_380 = arith.constant 0 : i32
      %swap3A_381 = arith.index_cast %swap3A_380 : i32 to index
      %swap3A_382 = arith.index_cast %scan3A_361 : i32 to index
      %swap3A_383 = arith.constant 32 : index
      %swap3A_384 = tpu.vector_load %arg9[%swap3A_381, %swap3A_382, %swap3A_383] {strides = array<i32>} : memref<8x128x64xf32, #tpu.memory_space<vmem>>, vector<1x1x16xf32>,
      %swap3A_385 = vector.shape_cast %swap3A_384 : vector<1x1x16xf32> to vector<16xf32>
      %swap3A_386 = vector.shape_cast %broadcast_in_dim3A_379 : vector<16xf32> to vector<1x1x16xf32>
      tpu.vector_store %arg9[%swap3A_381, %swap3A_382, %swap3A_383], %swap3A_386 {strides = array<i32>} : memref<8x128x64xf32, #tpu.memory_space<vmem>>, vector<1x1x16xf32>,
      %broadcast_in_dim3A_387 = arith.constant 0.000000e+00 : f32
      %broadcast_in_dim3A_388 = vector.broadcast %broadcast_in_dim3A_387 : f32 to vector<16xf32>
      %swap3A_389 = arith.constant 0 : i32
      %swap3A_390 = arith.index_cast %swap3A_389 : i32 to index
      %swap3A_391 = arith.index_cast %scan3A_361 : i32 to index
      %swap3A_392 = arith.constant 48 : index
      %swap3A_393 = tpu.vector_load %arg9[%swap3A_390, %swap3A_391, %swap3A_392] {strides = array<i32>} : memref<8x128x64xf32, #tpu.memory_space<vmem>>, vector<1x1x16xf32>,
      %swap3A_394 = vector.shape_cast %swap3A_393 : vector<1x1x16xf32> to vector<16xf32>
      %swap3A_395 = vector.shape_cast %broadcast_in_dim3A_388 : vector<16xf32> to vector<1x1x16xf32>
      tpu.vector_store %arg9[%swap3A_390, %swap3A_391, %swap3A_392], %swap3A_395 {strides = array<i32>} : memref<8x128x64xf32, #tpu.memory_space<vmem>>, vector<1x1x16xf32>,
    }
    %scan3A_4 = arith.constant 128 : i32
    %mul3A = arith.constant 640 : i32
    %mul3A_5 = arith.muli %arg1, %mul3A : i32
    %add3A = arith.constant 0 : i32
    %add3A_6 = arith.addi %mul3A_5, %add3A : i32
    %dma_start3A = arith.constant 0 : i32
    %dma_start3A_7 = arith.constant 0 : i32
    %dma_start3A_8 = arith.constant 0 : i32
    %dma_start3A_9 = tpu.memref_slice %arg9[%dma_start3A, %dma_start3A_7, %dma_start3A_8] : memref<8x128x64xf32, #tpu.memory_space<vmem>> -> memref<1x128x64xf32, #tpu.memory_space<vmem>>
    %dma_start3A_10 = tpu.memref_squeeze %dma_start3A_9 : memref<1x128x64xf32, #tpu.memory_space<vmem>> -> memref<128x64xf32, #tpu.memory_space<vmem>>
    %dma_start3A_11 = arith.constant 0 : i32
    %dma_start3A_12 = tpu.memref_slice %arg10[%add3A_6, %dma_start3A_11] : memref<10240x64xf32, #tpu.memory_space<vmem_shared>> -> memref<128x64xf32, #tpu.memory_space<vmem_shared>>
    %dma_start3A_13 = arith.constant 0 : i32
    %dma_start3A_14 = tpu.memref_slice %arg10[%add3A_6, %dma_start3A_13] : memref<10240x64xf32, #tpu.memory_space<vmem_shared>> -> memref<128x64xf32, #tpu.memory_space<vmem_shared>>
    %dma_start3A_15 = arith.constant 0 : i32
    %dma_start3A_16 = arith.constant 0 : i32
    %dma_start3A_17 = tpu.memref_slice %arg9[%dma_start3A, %dma_start3A_15, %dma_start3A_16] : memref<8x128x64xf32, #tpu.memory_space<vmem>> -> memref<1x128x64xf32, #tpu.memory_space<vmem>>
    %dma_start3A_18 = tpu.memref_squeeze %dma_start3A_17 : memref<1x128x64xf32, #tpu.memory_space<vmem>> -> memref<128x64xf32, #tpu.memory_space<vmem>>
    tpu.enqueue_dma source(%dma_start3A_18 : memref<128x64xf32, #tpu.memory_space<vmem>>) target(%dma_start3A_14 : memref<128x64xf32, #tpu.memory_space<vmem_shared>>) target_semaphore(%arg14 : memref<!tpu.dma_semaphore, #tpu.memory_space<semaphore_mem>>)
    %mul3A_19 = arith.constant 640 : i32
    %mul3A_20 = arith.muli %arg1, %mul3A_19 : i32
    %add3A_21 = arith.constant 128 : i32
    %add3A_22 = arith.addi %mul3A_20, %add3A_21 : i32
    %dma_start3A_23 = arith.constant 0 : i32
    %dma_start3A_24 = arith.constant 0 : i32
    %dma_start3A_25 = arith.constant 0 : i32
    %dma_start3A_26 = tpu.memref_slice %arg9[%dma_start3A_23, %dma_start3A_24, %dma_start3A_25] : memref<8x128x64xf32, #tpu.memory_space<vmem>> -> memref<1x128x64xf32, #tpu.memory_space<vmem>>
    %dma_start3A_27 = tpu.memref_squeeze %dma_start3A_26 : memref<1x128x64xf32, #tpu.memory_space<vmem>> -> memref<128x64xf32, #tpu.memory_space<vmem>>
    %dma_start3A_28 = arith.constant 0 : i32
    %dma_start3A_29 = tpu.memref_slice %arg10[%add3A_22, %dma_start3A_28] : memref<10240x64xf32, #tpu.memory_space<vmem_shared>> -> memref<128x64xf32, #tpu.memory_space<vmem_shared>>
    %dma_start3A_30 = arith.constant 0 : i32
    %dma_start3A_31 = tpu.memref_slice %arg10[%add3A_22, %dma_start3A_30] : memref<10240x64xf32, #tpu.memory_space<vmem_shared>> -> memref<128x64xf32, #tpu.memory_space<vmem_shared>>
    %dma_start3A_32 = arith.constant 0 : i32
    %dma_start3A_33 = arith.constant 0 : i32
    %dma_start3A_34 = tpu.memref_slice %arg9[%dma_start3A_23, %dma_start3A_32, %dma_start3A_33] : memref<8x128x64xf32, #tpu.memory_space<vmem>> -> memref<1x128x64xf32, #tpu.memory_space<vmem>>
    %dma_start3A_35 = tpu.memref_squeeze %dma_start3A_34 : memref<1x128x64xf32, #tpu.memory_space<vmem>> -> memref<128x64xf32, #tpu.memory_space<vmem>>
    tpu.enqueue_dma source(%dma_start3A_35 : memref<128x64xf32, #tpu.memory_space<vmem>>) target(%dma_start3A_31 : memref<128x64xf32, #tpu.memory_space<vmem_shared>>) target_semaphore(%arg14 : memref<!tpu.dma_semaphore, #tpu.memory_space<semaphore_mem>>)
    %mul3A_36 = arith.constant 640 : i32
    %mul3A_37 = arith.muli %arg1, %mul3A_36 : i32
    %add3A_38 = arith.constant 256 : i32
    %add3A_39 = arith.addi %mul3A_37, %add3A_38 : i32
    %dma_start3A_40 = arith.constant 0 : i32
    %dma_start3A_41 = arith.constant 0 : i32
    %dma_start3A_42 = arith.constant 0 : i32
    %dma_start3A_43 = tpu.memref_slice %arg9[%dma_start3A_40, %dma_start3A_41, %dma_start3A_42] : memref<8x128x64xf32, #tpu.memory_space<vmem>> -> memref<1x128x64xf32, #tpu.memory_space<vmem>>
    %dma_start3A_44 = tpu.memref_squeeze %dma_start3A_43 : memref<1x128x64xf32, #tpu.memory_space<vmem>> -> memref<128x64xf32, #tpu.memory_space<vmem>>
    %dma_start3A_45 = arith.constant 0 : i32
    %dma_start3A_46 = tpu.memref_slice %arg10[%add3A_39, %dma_start3A_45] : memref<10240x64xf32, #tpu.memory_space<vmem_shared>> -> memref<128x64xf32, #tpu.memory_space<vmem_shared>>
    %dma_start3A_47 = arith.constant 0 : i32
    %dma_start3A_48 = tpu.memref_slice %arg10[%add3A_39, %dma_start3A_47] : memref<10240x64xf32, #tpu.memory_space<vmem_shared>> -> memref<128x64xf32, #tpu.memory_space<vmem_shared>>
    %dma_start3A_49 = arith.constant 0 : i32
    %dma_start3A_50 = arith.constant 0 : i32
    %dma_start3A_51 = tpu.memref_slice %arg9[%dma_start3A_40, %dma_start3A_49, %dma_start3A_50] : memref<8x128x64xf32, #tpu.memory_space<vmem>> -> memref<1x128x64xf32, #tpu.memory_space<vmem>>
    %dma_start3A_52 = tpu.memref_squeeze %dma_start3A_51 : memref<1x128x64xf32, #tpu.memory_space<vmem>> -> memref<128x64xf32, #tpu.memory_space<vmem>>
    tpu.enqueue_dma source(%dma_start3A_52 : memref<128x64xf32, #tpu.memory_space<vmem>>) target(%dma_start3A_48 : memref<128x64xf32, #tpu.memory_space<vmem_shared>>) target_semaphore(%arg14 : memref<!tpu.dma_semaphore, #tpu.memory_space<semaphore_mem>>)
    %mul3A_53 = arith.constant 640 : i32
    %mul3A_54 = arith.muli %arg1, %mul3A_53 : i32
    %add3A_55 = arith.constant 384 : i32
    %add3A_56 = arith.addi %mul3A_54, %add3A_55 : i32
    %dma_start3A_57 = arith.constant 0 : i32
    %dma_start3A_58 = arith.constant 0 : i32
    %dma_start3A_59 = arith.constant 0 : i32
    %dma_start3A_60 = tpu.memref_slice %arg9[%dma_start3A_57, %dma_start3A_58, %dma_start3A_59] : memref<8x128x64xf32, #tpu.memory_space<vmem>> -> memref<1x128x64xf32, #tpu.memory_space<vmem>>
    %dma_start3A_61 = tpu.memref_squeeze %dma_start3A_60 : memref<1x128x64xf32, #tpu.memory_space<vmem>> -> memref<128x64xf32, #tpu.memory_space<vmem>>
    %dma_start3A_62 = arith.constant 0 : i32
    %dma_start3A_63 = tpu.memref_slice %arg10[%add3A_56, %dma_start3A_62] : memref<10240x64xf32, #tpu.memory_space<vmem_shared>> -> memref<128x64xf32, #tpu.memory_space<vmem_shared>>
    %dma_start3A_64 = arith.constant 0 : i32
    %dma_start3A_65 = tpu.memref_slice %arg10[%add3A_56, %dma_start3A_64] : memref<10240x64xf32, #tpu.memory_space<vmem_shared>> -> memref<128x64xf32, #tpu.memory_space<vmem_shared>>
    %dma_start3A_66 = arith.constant 0 : i32
    %dma_start3A_67 = arith.constant 0 : i32
    %dma_start3A_68 = tpu.memref_slice %arg9[%dma_start3A_57, %dma_start3A_66, %dma_start3A_67] : memref<8x128x64xf32, #tpu.memory_space<vmem>> -> memref<1x128x64xf32, #tpu.memory_space<vmem>>
    %dma_start3A_69 = tpu.memref_squeeze %dma_start3A_68 : memref<1x128x64xf32, #tpu.memory_space<vmem>> -> memref<128x64xf32, #tpu.memory_space<vmem>>
    tpu.enqueue_dma source(%dma_start3A_69 : memref<128x64xf32, #tpu.memory_space<vmem>>) target(%dma_start3A_65 : memref<128x64xf32, #tpu.memory_space<vmem_shared>>) target_semaphore(%arg14 : memref<!tpu.dma_semaphore, #tpu.memory_space<semaphore_mem>>)
    %mul3A_70 = arith.constant 640 : i32
    %mul3A_71 = arith.muli %arg1, %mul3A_70 : i32
    %add3A_72 = arith.constant 512 : i32
    %add3A_73 = arith.addi %mul3A_71, %add3A_72 : i32
    %dma_start3A_74 = arith.constant 0 : i32
    %dma_start3A_75 = arith.constant 0 : i32
    %dma_start3A_76 = arith.constant 0 : i32
    %dma_start3A_77 = tpu.memref_slice %arg9[%dma_start3A_74, %dma_start3A_75, %dma_start3A_76] : memref<8x128x64xf32, #tpu.memory_space<vmem>> -> memref<1x128x64xf32, #tpu.memory_space<vmem>>
    %dma_start3A_78 = tpu.memref_squeeze %dma_start3A_77 : memref<1x128x64xf32, #tpu.memory_space<vmem>> -> memref<128x64xf32, #tpu.memory_space<vmem>>
    %dma_start3A_79 = arith.constant 0 : i32
    %dma_start3A_80 = tpu.memref_slice %arg10[%add3A_73, %dma_start3A_79] : memref<10240x64xf32, #tpu.memory_space<vmem_shared>> -> memref<128x64xf32, #tpu.memory_space<vmem_shared>>
    %dma_start3A_81 = arith.constant 0 : i32
    %dma_start3A_82 = tpu.memref_slice %arg10[%add3A_73, %dma_start3A_81] : memref<10240x64xf32, #tpu.memory_space<vmem_shared>> -> memref<128x64xf32, #tpu.memory_space<vmem_shared>>
    %dma_start3A_83 = arith.constant 0 : i32
    %dma_start3A_84 = arith.constant 0 : i32
    %dma_start3A_85 = tpu.memref_slice %arg9[%dma_start3A_74, %dma_start3A_83, %dma_start3A_84] : memref<8x128x64xf32, #tpu.memory_space<vmem>> -> memref<1x128x64xf32, #tpu.memory_space<vmem>>
    %dma_start3A_86 = tpu.memref_squeeze %dma_start3A_85 : memref<1x128x64xf32, #tpu.memory_space<vmem>> -> memref<128x64xf32, #tpu.memory_space<vmem>>
    tpu.enqueue_dma source(%dma_start3A_86 : memref<128x64xf32, #tpu.memory_space<vmem>>) target(%dma_start3A_82 : memref<128x64xf32, #tpu.memory_space<vmem_shared>>) target_semaphore(%arg14 : memref<!tpu.dma_semaphore, #tpu.memory_space<semaphore_mem>>)
    %mul3A_87 = arith.constant 160 : i32
    %mul3A_88 = arith.muli %arg1, %mul3A_87 : i32
    %add3A_89 = arith.constant 0 : i32
    %add3A_90 = arith.addi %mul3A_88, %add3A_89 : i32
    %dma_start3A_91 = arith.constant 0 : i32
    %dma_start3A_92 = arith.constant 0 : i32
    %dma_start3A_93 = arith.constant 0 : i32
    %dma_start3A_94 = arith.constant 0 : i32
    %dma_start3A_95 = tpu.memref_slice %arg7[%dma_start3A_91, %dma_start3A_93, %dma_start3A_94] : memref<2x16x128xi32, #tpu.memory_space<vmem>> -> memref<1x16x128xi32, #tpu.memory_space<vmem>>
    %dma_start3A_96 = tpu.memref_squeeze %dma_start3A_95 : memref<1x16x128xi32, #tpu.memory_space<vmem>> -> memref<16x128xi32, #tpu.memory_space<vmem>>
    %dma_start3A_97 = arith.constant 0 : i32
    %dma_start3A_98 = tpu.memref_slice %arg4[%add3A_90, %dma_start3A_97] : memref<2560x128xi32, #tpu.memory_space<hbm>> -> memref<16x128xi32, #tpu.memory_space<hbm>>
    %dma_start3A_99 = tpu.memref_slice %arg13[%dma_start3A_92] : memref<2x!tpu.dma_semaphore, #tpu.memory_space<semaphore_mem>> -> memref<1x!tpu.dma_semaphore, #tpu.memory_space<semaphore_mem>>
    %dma_start3A_100 = tpu.memref_squeeze %dma_start3A_99 : memref<1x!tpu.dma_semaphore, #tpu.memory_space<semaphore_mem>> -> memref<!tpu.dma_semaphore, #tpu.memory_space<semaphore_mem>>
    %dma_start3A_101 = arith.constant 0 : i32
    %dma_start3A_102 = arith.constant 0 : i32
    %dma_start3A_103 = tpu.memref_slice %arg7[%dma_start3A_91, %dma_start3A_101, %dma_start3A_102] : memref<2x16x128xi32, #tpu.memory_space<vmem>> -> memref<1x16x128xi32, #tpu.memory_space<vmem>>
    %dma_start3A_104 = tpu.memref_squeeze %dma_start3A_103 : memref<1x16x128xi32, #tpu.memory_space<vmem>> -> memref<16x128xi32, #tpu.memory_space<vmem>>
    %dma_start3A_105 = arith.constant 0 : i32
    %dma_start3A_106 = tpu.memref_slice %arg4[%add3A_90, %dma_start3A_105] : memref<2560x128xi32, #tpu.memory_space<hbm>> -> memref<16x128xi32, #tpu.memory_space<hbm>>
    tpu.enqueue_dma source(%dma_start3A_106 : memref<16x128xi32, #tpu.memory_space<hbm>>) target(%dma_start3A_104 : memref<16x128xi32, #tpu.memory_space<vmem>>) target_semaphore(%dma_start3A_100 : memref<!tpu.dma_semaphore, #tpu.memory_space<semaphore_mem>>)
    %mul3A_107 = arith.constant 160 : i32
    %mul3A_108 = arith.muli %arg1, %mul3A_107 : i32
    %add3A_109 = arith.constant 0 : i32
    %add3A_110 = arith.addi %mul3A_108, %add3A_109 : i32
    %dma_start3A_111 = arith.constant 0 : i32
    %dma_start3A_112 = arith.constant 0 : i32
    %dma_start3A_113 = arith.constant 0 : i32
    %dma_start3A_114 = arith.constant 0 : i32
    %dma_start3A_115 = tpu.memref_slice %arg8[%dma_start3A_111, %dma_start3A_113, %dma_start3A_114] : memref<2x16x128xi32, #tpu.memory_space<vmem>> -> memref<1x16x128xi32, #tpu.memory_space<vmem>>
    %dma_start3A_116 = tpu.memref_squeeze %dma_start3A_115 : memref<1x16x128xi32, #tpu.memory_space<vmem>> -> memref<16x128xi32, #tpu.memory_space<vmem>>
    %dma_start3A_117 = arith.constant 0 : i32
    %dma_start3A_118 = tpu.memref_slice %arg5[%add3A_110, %dma_start3A_117] : memref<2560x128xi32, #tpu.memory_space<hbm>> -> memref<16x128xi32, #tpu.memory_space<hbm>>
    %dma_start3A_119 = tpu.memref_slice %arg13[%dma_start3A_112] : memref<2x!tpu.dma_semaphore, #tpu.memory_space<semaphore_mem>> -> memref<1x!tpu.dma_semaphore, #tpu.memory_space<semaphore_mem>>
    %dma_start3A_120 = tpu.memref_squeeze %dma_start3A_119 : memref<1x!tpu.dma_semaphore, #tpu.memory_space<semaphore_mem>> -> memref<!tpu.dma_semaphore, #tpu.memory_space<semaphore_mem>>
    %dma_start3A_121 = arith.constant 0 : i32
    %dma_start3A_122 = arith.constant 0 : i32
    %dma_start3A_123 = tpu.memref_slice %arg8[%dma_start3A_111, %dma_start3A_121, %dma_start3A_122] : memref<2x16x128xi32, #tpu.memory_space<vmem>> -> memref<1x16x128xi32, #tpu.memory_space<vmem>>
    %dma_start3A_124 = tpu.memref_squeeze %dma_start3A_123 : memref<1x16x128xi32, #tpu.memory_space<vmem>> -> memref<16x128xi32, #tpu.memory_space<vmem>>
    %dma_start3A_125 = arith.constant 0 : i32
    %dma_start3A_126 = tpu.memref_slice %arg5[%add3A_110, %dma_start3A_125] : memref<2560x128xi32, #tpu.memory_space<hbm>> -> memref<16x128xi32, #tpu.memory_space<hbm>>
    tpu.enqueue_dma source(%dma_start3A_126 : memref<16x128xi32, #tpu.memory_space<hbm>>) target(%dma_start3A_124 : memref<16x128xi32, #tpu.memory_space<vmem>>) target_semaphore(%dma_start3A_120 : memref<!tpu.dma_semaphore, #tpu.memory_space<semaphore_mem>>)
    %dma_wait3A = arith.constant 0 : i32
    %dma_wait3A_127 = arith.constant 0 : i32
    %dma_wait3A_128 = arith.constant 0 : i32
    %dma_wait3A_129 = tpu.memref_slice %arg9[%dma_wait3A, %dma_wait3A_127, %dma_wait3A_128] : memref<8x128x64xf32, #tpu.memory_space<vmem>> -> memref<1x128x64xf32, #tpu.memory_space<vmem>>
    %dma_wait3A_130 = tpu.memref_squeeze %dma_wait3A_129 : memref<1x128x64xf32, #tpu.memory_space<vmem>> -> memref<128x64xf32, #tpu.memory_space<vmem>>
    %dma_wait3A_131 = arith.constant 0 : i32
    %dma_wait3A_132 = arith.constant 0 : i32
    %dma_wait3A_133 = tpu.memref_slice %arg10[%dma_wait3A_131, %dma_wait3A_132] : memref<10240x64xf32, #tpu.memory_space<vmem_shared>> -> memref<128x64xf32, #tpu.memory_space<vmem_shared>>
    %dma_wait3A_134 = arith.constant 0 : i32
    %dma_wait3A_135 = arith.constant 0 : i32
    %dma_wait3A_136 = tpu.memref_slice %arg10[%dma_wait3A_134, %dma_wait3A_135] : memref<10240x64xf32, #tpu.memory_space<vmem_shared>> -> memref<128x64xf32, #tpu.memory_space<vmem_shared>>
    %dma_wait3A_137 = arith.constant 0 : i32
    %dma_wait3A_138 = arith.constant 0 : i32
    %dma_wait3A_139 = tpu.memref_slice %arg9[%dma_wait3A, %dma_wait3A_137, %dma_wait3A_138] : memref<8x128x64xf32, #tpu.memory_space<vmem>> -> memref<1x128x64xf32, #tpu.memory_space<vmem>>
    %dma_wait3A_140 = tpu.memref_squeeze %dma_wait3A_139 : memref<1x128x64xf32, #tpu.memory_space<vmem>> -> memref<128x64xf32, #tpu.memory_space<vmem>>
    tpu.wait_dma2 semaphore(%arg14 : memref<!tpu.dma_semaphore, #tpu.memory_space<semaphore_mem>>) src(%dma_wait3A_140 : memref<128x64xf32, #tpu.memory_space<vmem>>) dst(%dma_wait3A_136 : memref<128x64xf32, #tpu.memory_space<vmem_shared>>)
    %dma_wait3A_141 = arith.constant 0 : i32
    %dma_wait3A_142 = arith.constant 0 : i32
    %dma_wait3A_143 = arith.constant 0 : i32
    %dma_wait3A_144 = tpu.memref_slice %arg9[%dma_wait3A_141, %dma_wait3A_142, %dma_wait3A_143] : memref<8x128x64xf32, #tpu.memory_space<vmem>> -> memref<1x128x64xf32, #tpu.memory_space<vmem>>
    %dma_wait3A_145 = tpu.memref_squeeze %dma_wait3A_144 : memref<1x128x64xf32, #tpu.memory_space<vmem>> -> memref<128x64xf32, #tpu.memory_space<vmem>>
    %dma_wait3A_146 = arith.constant 0 : i32
    %dma_wait3A_147 = arith.constant 0 : i32
    %dma_wait3A_148 = tpu.memref_slice %arg10[%dma_wait3A_146, %dma_wait3A_147] : memref<10240x64xf32, #tpu.memory_space<vmem_shared>> -> memref<128x64xf32, #tpu.memory_space<vmem_shared>>
    %dma_wait3A_149 = arith.constant 0 : i32
    %dma_wait3A_150 = arith.constant 0 : i32
    %dma_wait3A_151 = tpu.memref_slice %arg10[%dma_wait3A_149, %dma_wait3A_150] : memref<10240x64xf32, #tpu.memory_space<vmem_shared>> -> memref<128x64xf32, #tpu.memory_space<vmem_shared>>
    %dma_wait3A_152 = arith.constant 0 : i32
    %dma_wait3A_153 = arith.constant 0 : i32
    %dma_wait3A_154 = tpu.memref_slice %arg9[%dma_wait3A_141, %dma_wait3A_152, %dma_wait3A_153] : memref<8x128x64xf32, #tpu.memory_space<vmem>> -> memref<1x128x64xf32, #tpu.memory_space<vmem>>
    %dma_wait3A_155 = tpu.memref_squeeze %dma_wait3A_154 : memref<1x128x64xf32, #tpu.memory_space<vmem>> -> memref<128x64xf32, #tpu.memory_space<vmem>>
    tpu.wait_dma2 semaphore(%arg14 : memref<!tpu.dma_semaphore, #tpu.memory_space<semaphore_mem>>) src(%dma_wait3A_155 : memref<128x64xf32, #tpu.memory_space<vmem>>) dst(%dma_wait3A_151 : memref<128x64xf32, #tpu.memory_space<vmem_shared>>)
    %dma_wait3A_156 = arith.constant 0 : i32
    %dma_wait3A_157 = arith.constant 0 : i32
    %dma_wait3A_158 = arith.constant 0 : i32
    %dma_wait3A_159 = tpu.memref_slice %arg9[%dma_wait3A_156, %dma_wait3A_157, %dma_wait3A_158] : memref<8x128x64xf32, #tpu.memory_space<vmem>> -> memref<1x128x64xf32, #tpu.memory_space<vmem>>
    %dma_wait3A_160 = tpu.memref_squeeze %dma_wait3A_159 : memref<1x128x64xf32, #tpu.memory_space<vmem>> -> memref<128x64xf32, #tpu.memory_space<vmem>>
    %dma_wait3A_161 = arith.constant 0 : i32
    %dma_wait3A_162 = arith.constant 0 : i32
    %dma_wait3A_163 = tpu.memref_slice %arg10[%dma_wait3A_161, %dma_wait3A_162] : memref<10240x64xf32, #tpu.memory_space<vmem_shared>> -> memref<128x64xf32, #tpu.memory_space<vmem_shared>>
    %dma_wait3A_164 = arith.constant 0 : i32
    %dma_wait3A_165 = arith.constant 0 : i32
    %dma_wait3A_166 = tpu.memref_slice %arg10[%dma_wait3A_164, %dma_wait3A_165] : memref<10240x64xf32, #tpu.memory_space<vmem_shared>> -> memref<128x64xf32, #tpu.memory_space<vmem_shared>>
    %dma_wait3A_167 = arith.constant 0 : i32
    %dma_wait3A_168 = arith.constant 0 : i32
    %dma_wait3A_169 = tpu.memref_slice %arg9[%dma_wait3A_156, %dma_wait3A_167, %dma_wait3A_168] : memref<8x128x64xf32, #tpu.memory_space<vmem>> -> memref<1x128x64xf32, #tpu.memory_space<vmem>>
    %dma_wait3A_170 = tpu.memref_squeeze %dma_wait3A_169 : memref<1x128x64xf32, #tpu.memory_space<vmem>> -> memref<128x64xf32, #tpu.memory_space<vmem>>
    tpu.wait_dma2 semaphore(%arg14 : memref<!tpu.dma_semaphore, #tpu.memory_space<semaphore_mem>>) src(%dma_wait3A_170 : memref<128x64xf32, #tpu.memory_space<vmem>>) dst(%dma_wait3A_166 : memref<128x64xf32, #tpu.memory_space<vmem_shared>>)
    %dma_wait3A_171 = arith.constant 0 : i32
    %dma_wait3A_172 = arith.constant 0 : i32
    %dma_wait3A_173 = arith.constant 0 : i32
    %dma_wait3A_174 = tpu.memref_slice %arg9[%dma_wait3A_171, %dma_wait3A_172, %dma_wait3A_173] : memref<8x128x64xf32, #tpu.memory_space<vmem>> -> memref<1x128x64xf32, #tpu.memory_space<vmem>>
    %dma_wait3A_175 = tpu.memref_squeeze %dma_wait3A_174 : memref<1x128x64xf32, #tpu.memory_space<vmem>> -> memref<128x64xf32, #tpu.memory_space<vmem>>
    %dma_wait3A_176 = arith.constant 0 : i32
    %dma_wait3A_177 = arith.constant 0 : i32
    %dma_wait3A_178 = tpu.memref_slice %arg10[%dma_wait3A_176, %dma_wait3A_177] : memref<10240x64xf32, #tpu.memory_space<vmem_shared>> -> memref<128x64xf32, #tpu.memory_space<vmem_shared>>
    %dma_wait3A_179 = arith.constant 0 : i32
    %dma_wait3A_180 = arith.constant 0 : i32
    %dma_wait3A_181 = tpu.memref_slice %arg10[%dma_wait3A_179, %dma_wait3A_180] : memref<10240x64xf32, #tpu.memory_space<vmem_shared>> -> memref<128x64xf32, #tpu.memory_space<vmem_shared>>
    %dma_wait3A_182 = arith.constant 0 : i32
    %dma_wait3A_183 = arith.constant 0 : i32
    %dma_wait3A_184 = tpu.memref_slice %arg9[%dma_wait3A_171, %dma_wait3A_182, %dma_wait3A_183] : memref<8x128x64xf32, #tpu.memory_space<vmem>> -> memref<1x128x64xf32, #tpu.memory_space<vmem>>
    %dma_wait3A_185 = tpu.memref_squeeze %dma_wait3A_184 : memref<1x128x64xf32, #tpu.memory_space<vmem>> -> memref<128x64xf32, #tpu.memory_space<vmem>>
    tpu.wait_dma2 semaphore(%arg14 : memref<!tpu.dma_semaphore, #tpu.memory_space<semaphore_mem>>) src(%dma_wait3A_185 : memref<128x64xf32, #tpu.memory_space<vmem>>) dst(%dma_wait3A_181 : memref<128x64xf32, #tpu.memory_space<vmem_shared>>)
    %dma_wait3A_186 = arith.constant 0 : i32
    %dma_wait3A_187 = arith.constant 0 : i32
    %dma_wait3A_188 = arith.constant 0 : i32
    %dma_wait3A_189 = tpu.memref_slice %arg9[%dma_wait3A_186, %dma_wait3A_187, %dma_wait3A_188] : memref<8x128x64xf32, #tpu.memory_space<vmem>> -> memref<1x128x64xf32, #tpu.memory_space<vmem>>
    %dma_wait3A_190 = tpu.memref_squeeze %dma_wait3A_189 : memref<1x128x64xf32, #tpu.memory_space<vmem>> -> memref<128x64xf32, #tpu.memory_space<vmem>>
    %dma_wait3A_191 = arith.constant 0 : i32
    %dma_wait3A_192 = arith.constant 0 : i32
    %dma_wait3A_193 = tpu.memref_slice %arg10[%dma_wait3A_191, %dma_wait3A_192] : memref<10240x64xf32, #tpu.memory_space<vmem_shared>> -> memref<128x64xf32, #tpu.memory_space<vmem_shared>>
    %dma_wait3A_194 = arith.constant 0 : i32
    %dma_wait3A_195 = arith.constant 0 : i32
    %dma_wait3A_196 = tpu.memref_slice %arg10[%dma_wait3A_194, %dma_wait3A_195] : memref<10240x64xf32, #tpu.memory_space<vmem_shared>> -> memref<128x64xf32, #tpu.memory_space<vmem_shared>>
    %dma_wait3A_197 = arith.constant 0 : i32
    %dma_wait3A_198 = arith.constant 0 : i32
    %dma_wait3A_199 = tpu.memref_slice %arg9[%dma_wait3A_186, %dma_wait3A_197, %dma_wait3A_198] : memref<8x128x64xf32, #tpu.memory_space<vmem>> -> memref<1x128x64xf32, #tpu.memory_space<vmem>>
    %dma_wait3A_200 = tpu.memref_squeeze %dma_wait3A_199 : memref<1x128x64xf32, #tpu.memory_space<vmem>> -> memref<128x64xf32, #tpu.memory_space<vmem>>
    tpu.wait_dma2 semaphore(%arg14 : memref<!tpu.dma_semaphore, #tpu.memory_space<semaphore_mem>>) src(%dma_wait3A_200 : memref<128x64xf32, #tpu.memory_space<vmem>>) dst(%dma_wait3A_196 : memref<128x64xf32, #tpu.memory_space<vmem_shared>>)
    %barrier3A = arith.constant 0 : index
    tpu.barrier barrier_id(%barrier3A)
    %dma_wait3A_201 = arith.constant 0 : i32
    %dma_wait3A_202 = arith.constant 0 : i32
    %dma_wait3A_203 = arith.constant 0 : i32
    %dma_wait3A_204 = arith.constant 0 : i32
    %dma_wait3A_205 = tpu.memref_slice %arg7[%dma_wait3A_201, %dma_wait3A_203, %dma_wait3A_204] : memref<2x16x128xi32, #tpu.memory_space<vmem>> -> memref<1x16x128xi32, #tpu.memory_space<vmem>>
    %dma_wait3A_206 = tpu.memref_squeeze %dma_wait3A_205 : memref<1x16x128xi32, #tpu.memory_space<vmem>> -> memref<16x128xi32, #tpu.memory_space<vmem>>
    %dma_wait3A_207 = arith.constant 0 : i32
    %dma_wait3A_208 = arith.constant 0 : i32
    %dma_wait3A_209 = tpu.memref_slice %arg4[%dma_wait3A_207, %dma_wait3A_208] : memref<2560x128xi32, #tpu.memory_space<hbm>> -> memref<16x128xi32, #tpu.memory_space<hbm>>
    %dma_wait3A_210 = tpu.memref_slice %arg13[%dma_wait3A_202] : memref<2x!tpu.dma_semaphore, #tpu.memory_space<semaphore_mem>> -> memref<1x!tpu.dma_semaphore, #tpu.memory_space<semaphore_mem>>
    %dma_wait3A_211 = tpu.memref_squeeze %dma_wait3A_210 : memref<1x!tpu.dma_semaphore, #tpu.memory_space<semaphore_mem>> -> memref<!tpu.dma_semaphore, #tpu.memory_space<semaphore_mem>>
    %dma_wait3A_212 = arith.constant 0 : i32
    %dma_wait3A_213 = arith.constant 0 : i32
    %dma_wait3A_214 = tpu.memref_slice %arg7[%dma_wait3A_201, %dma_wait3A_212, %dma_wait3A_213] : memref<2x16x128xi32, #tpu.memory_space<vmem>> -> memref<1x16x128xi32, #tpu.memory_space<vmem>>
    %dma_wait3A_215 = tpu.memref_squeeze %dma_wait3A_214 : memref<1x16x128xi32, #tpu.memory_space<vmem>> -> memref<16x128xi32, #tpu.memory_space<vmem>>
    %dma_wait3A_216 = arith.constant 0 : i32
    %dma_wait3A_217 = arith.constant 0 : i32
    %dma_wait3A_218 = tpu.memref_slice %arg4[%dma_wait3A_216, %dma_wait3A_217] : memref<2560x128xi32, #tpu.memory_space<hbm>> -> memref<16x128xi32, #tpu.memory_space<hbm>>
    tpu.wait_dma2 semaphore(%dma_wait3A_211 : memref<!tpu.dma_semaphore, #tpu.memory_space<semaphore_mem>>) src(%dma_wait3A_218 : memref<16x128xi32, #tpu.memory_space<hbm>>) dst(%dma_wait3A_215 : memref<16x128xi32, #tpu.memory_space<vmem>>)
    %dma_wait3A_219 = arith.constant 0 : i32
    %dma_wait3A_220 = arith.constant 0 : i32
    %dma_wait3A_221 = arith.constant 0 : i32
    %dma_wait3A_222 = arith.constant 0 : i32
    %dma_wait3A_223 = tpu.memref_slice %arg8[%dma_wait3A_219, %dma_wait3A_221, %dma_wait3A_222] : memref<2x16x128xi32, #tpu.memory_space<vmem>> -> memref<1x16x128xi32, #tpu.memory_space<vmem>>
    %dma_wait3A_224 = tpu.memref_squeeze %dma_wait3A_223 : memref<1x16x128xi32, #tpu.memory_space<vmem>> -> memref<16x128xi32, #tpu.memory_space<vmem>>
    %dma_wait3A_225 = arith.constant 0 : i32
    %dma_wait3A_226 = arith.constant 0 : i32
    %dma_wait3A_227 = tpu.memref_slice %arg5[%dma_wait3A_225, %dma_wait3A_226] : memref<2560x128xi32, #tpu.memory_space<hbm>> -> memref<16x128xi32, #tpu.memory_space<hbm>>
    %dma_wait3A_228 = tpu.memref_slice %arg13[%dma_wait3A_220] : memref<2x!tpu.dma_semaphore, #tpu.memory_space<semaphore_mem>> -> memref<1x!tpu.dma_semaphore, #tpu.memory_space<semaphore_mem>>
    %dma_wait3A_229 = tpu.memref_squeeze %dma_wait3A_228 : memref<1x!tpu.dma_semaphore, #tpu.memory_space<semaphore_mem>> -> memref<!tpu.dma_semaphore, #tpu.memory_space<semaphore_mem>>
    %dma_wait3A_230 = arith.constant 0 : i32
    %dma_wait3A_231 = arith.constant 0 : i32
    %dma_wait3A_232 = tpu.memref_slice %arg8[%dma_wait3A_219, %dma_wait3A_230, %dma_wait3A_231] : memref<2x16x128xi32, #tpu.memory_space<vmem>> -> memref<1x16x128xi32, #tpu.memory_space<vmem>>
    %dma_wait3A_233 = tpu.memref_squeeze %dma_wait3A_232 : memref<1x16x128xi32, #tpu.memory_space<vmem>> -> memref<16x128xi32, #tpu.memory_space<vmem>>
    %dma_wait3A_234 = arith.constant 0 : i32
    %dma_wait3A_235 = arith.constant 0 : i32
    %dma_wait3A_236 = tpu.memref_slice %arg5[%dma_wait3A_234, %dma_wait3A_235] : memref<2560x128xi32, #tpu.memory_space<hbm>> -> memref<16x128xi32, #tpu.memory_space<hbm>>
    tpu.wait_dma2 semaphore(%dma_wait3A_229 : memref<!tpu.dma_semaphore, #tpu.memory_space<semaphore_mem>>) src(%dma_wait3A_236 : memref<16x128xi32, #tpu.memory_space<hbm>>) dst(%dma_wait3A_233 : memref<16x128xi32, #tpu.memory_space<vmem>>)
    %eq3A = arith.constant 0 : i32
    %eq3A_237 = arith.cmpi eq, %arg0, %eq3A : i32
    %convert_element_type3A = arith.extui %eq3A_237 : i1 to i32
    %cond3A = arith.constant 0 : i32
    %cond3A_238 = arith.cmpi ne, %convert_element_type3A, %cond3A : i32
    scf.if %cond3A_238 {
      %dma_start3A_361 = arith.constant 0 : i32
      %dma_start3A_362 = arith.constant 0 : i32
      %dma_start3A_363 = arith.constant 0 : i32
      %dma_start3A_364 = arith.constant 0 : i32
      %dma_start3A_365 = arith.constant 0 : i32
      %dma_start3A_366 = arith.constant 0 : i32
      %dma_start3A_367 = tpu.memref_slice %arg9[%dma_start3A_363, %dma_start3A_365, %dma_start3A_366] : memref<8x128x64xf32, #tpu.memory_space<vmem>> -> memref<1x128x64xf32, #tpu.memory_space<vmem>>
      %dma_start3A_368 = tpu.memref_squeeze %dma_start3A_367 : memref<1x128x64xf32, #tpu.memory_space<vmem>> -> memref<128x64xf32, #tpu.memory_space<vmem>>
      %dma_start3A_369 = arith.constant 0 : i32
      %dma_start3A_370 = tpu.memref_slice %arg7[%dma_start3A_361, %dma_start3A_362, %dma_start3A_369] : memref<2x16x128xi32, #tpu.memory_space<vmem>> -> memref<1x1x128xi32, #tpu.memory_space<vmem>>
      %dma_start3A_371 = tpu.memref_squeeze %dma_start3A_370 : memref<1x1x128xi32, #tpu.memory_space<vmem>> -> memref<128xi32, #tpu.memory_space<vmem>>
      %dma_start3A_372 = arith.constant 0 : i32
      %dma_start3A_373 = arith.constant 0 : i32
      %dma_start3A_374 = tpu.memref_slice %arg2[%dma_start3A_372, %dma_start3A_373] : memref<10000x64xf32, #tpu.memory_space<hbm>> -> memref<10000x64xf32, #tpu.memory_space<hbm>>
      %dma_start3A_375 = tpu.memref_slice %arg11[%dma_start3A_364] : memref<8x!tpu.dma_semaphore, #tpu.memory_space<semaphore_mem>> -> memref<1x!tpu.dma_semaphore, #tpu.memory_space<semaphore_mem>>
      %dma_start3A_376 = tpu.memref_squeeze %dma_start3A_375 : memref<1x!tpu.dma_semaphore, #tpu.memory_space<semaphore_mem>> -> memref<!tpu.dma_semaphore, #tpu.memory_space<semaphore_mem>>
      tpu.enqueue_indirect_dma source(%dma_start3A_374 : memref<10000x64xf32, #tpu.memory_space<hbm>>) target(%dma_start3A_368 : memref<128x64xf32, #tpu.memory_space<vmem>>) offsets(%dma_start3A_371 : memref<128xi32, #tpu.memory_space<vmem>>) semaphore(%dma_start3A_376 : memref<!tpu.dma_semaphore, #tpu.memory_space<semaphore_mem>>)
    } else {
    }
    %ne3A = arith.constant 0 : i32
    %ne3A_239 = arith.cmpi ne, %arg0, %ne3A : i32
    %convert_element_type3A_240 = arith.extui %ne3A_239 : i1 to i32
    %cond3A_241 = arith.constant 0 : i32
    %cond3A_242 = arith.cmpi ne, %convert_element_type3A_240, %cond3A_241 : i32
    scf.if %cond3A_242 {
      %dma_start3A_361 = arith.constant 0 : i32
      %dma_start3A_362 = arith.constant 0 : i32
      %dma_start3A_363 = arith.constant 0 : i32
      %dma_start3A_364 = arith.constant 0 : i32
      %dma_start3A_365 = arith.constant 0 : i32
      %dma_start3A_366 = arith.constant 0 : i32
      %dma_start3A_367 = tpu.memref_slice %arg9[%dma_start3A_363, %dma_start3A_365, %dma_start3A_366] : memref<8x128x64xf32, #tpu.memory_space<vmem>> -> memref<1x128x64xf32, #tpu.memory_space<vmem>>
      %dma_start3A_368 = tpu.memref_squeeze %dma_start3A_367 : memref<1x128x64xf32, #tpu.memory_space<vmem>> -> memref<128x64xf32, #tpu.memory_space<vmem>>
      %dma_start3A_369 = arith.constant 0 : i32
      %dma_start3A_370 = tpu.memref_slice %arg7[%dma_start3A_361, %dma_start3A_362, %dma_start3A_369] : memref<2x16x128xi32, #tpu.memory_space<vmem>> -> memref<1x1x128xi32, #tpu.memory_space<vmem>>
      %dma_start3A_371 = tpu.memref_squeeze %dma_start3A_370 : memref<1x1x128xi32, #tpu.memory_space<vmem>> -> memref<128xi32, #tpu.memory_space<vmem>>
      %dma_start3A_372 = arith.constant 0 : i32
      %dma_start3A_373 = arith.constant 0 : i32
      %dma_start3A_374 = tpu.memref_slice %arg3[%dma_start3A_372, %dma_start3A_373] : memref<10000x64xf32, #tpu.memory_space<hbm>> -> memref<10000x64xf32, #tpu.memory_space<hbm>>
      %dma_start3A_375 = tpu.memref_slice %arg11[%dma_start3A_364] : memref<8x!tpu.dma_semaphore, #tpu.memory_space<semaphore_mem>> -> memref<1x!tpu.dma_semaphore, #tpu.memory_space<semaphore_mem>>
      %dma_start3A_376 = tpu.memref_squeeze %dma_start3A_375 : memref<1x!tpu.dma_semaphore, #tpu.memory_space<semaphore_mem>> -> memref<!tpu.dma_semaphore, #tpu.memory_space<semaphore_mem>>
      tpu.enqueue_indirect_dma source(%dma_start3A_374 : memref<10000x64xf32, #tpu.memory_space<hbm>>) target(%dma_start3A_368 : memref<128x64xf32, #tpu.memory_space<vmem>>) offsets(%dma_start3A_371 : memref<128xi32, #tpu.memory_space<vmem>>) semaphore(%dma_start3A_376 : memref<!tpu.dma_semaphore, #tpu.memory_space<semaphore_mem>>)
    } else {
    }
    %eq3A_243 = arith.constant 0 : i32
    %eq3A_244 = arith.cmpi eq, %arg0, %eq3A_243 : i32
    %convert_element_type3A_245 = arith.extui %eq3A_244 : i1 to i32
    %cond3A_246 = arith.constant 0 : i32
    %cond3A_247 = arith.cmpi ne, %convert_element_type3A_245, %cond3A_246 : i32
    scf.if %cond3A_247 {
      %dma_start3A_361 = arith.constant 0 : i32
      %dma_start3A_362 = arith.constant 1 : i32
      %dma_start3A_363 = arith.constant 1 : i32
      %dma_start3A_364 = arith.constant 1 : i32
      %dma_start3A_365 = arith.constant 0 : i32
      %dma_start3A_366 = arith.constant 0 : i32
      %dma_start3A_367 = tpu.memref_slice %arg9[%dma_start3A_363, %dma_start3A_365, %dma_start3A_366] : memref<8x128x64xf32, #tpu.memory_space<vmem>> -> memref<1x128x64xf32, #tpu.memory_space<vmem>>
      %dma_start3A_368 = tpu.memref_squeeze %dma_start3A_367 : memref<1x128x64xf32, #tpu.memory_space<vmem>> -> memref<128x64xf32, #tpu.memory_space<vmem>>
      %dma_start3A_369 = arith.constant 0 : i32
      %dma_start3A_370 = tpu.memref_slice %arg7[%dma_start3A_361, %dma_start3A_362, %dma_start3A_369] : memref<2x16x128xi32, #tpu.memory_space<vmem>> -> memref<1x1x128xi32, #tpu.memory_space<vmem>>
      %dma_start3A_371 = tpu.memref_squeeze %dma_start3A_370 : memref<1x1x128xi32, #tpu.memory_space<vmem>> -> memref<128xi32, #tpu.memory_space<vmem>>
      %dma_start3A_372 = arith.constant 0 : i32
      %dma_start3A_373 = arith.constant 0 : i32
      %dma_start3A_374 = tpu.memref_slice %arg2[%dma_start3A_372, %dma_start3A_373] : memref<10000x64xf32, #tpu.memory_space<hbm>> -> memref<10000x64xf32, #tpu.memory_space<hbm>>
      %dma_start3A_375 = tpu.memref_slice %arg11[%dma_start3A_364] : memref<8x!tpu.dma_semaphore, #tpu.memory_space<semaphore_mem>> -> memref<1x!tpu.dma_semaphore, #tpu.memory_space<semaphore_mem>>
      %dma_start3A_376 = tpu.memref_squeeze %dma_start3A_375 : memref<1x!tpu.dma_semaphore, #tpu.memory_space<semaphore_mem>> -> memref<!tpu.dma_semaphore, #tpu.memory_space<semaphore_mem>>
      tpu.enqueue_indirect_dma source(%dma_start3A_374 : memref<10000x64xf32, #tpu.memory_space<hbm>>) target(%dma_start3A_368 : memref<128x64xf32, #tpu.memory_space<vmem>>) offsets(%dma_start3A_371 : memref<128xi32, #tpu.memory_space<vmem>>) semaphore(%dma_start3A_376 : memref<!tpu.dma_semaphore, #tpu.memory_space<semaphore_mem>>)
    } else {
    }
    %ne3A_248 = arith.constant 0 : i32
    %ne3A_249 = arith.cmpi ne, %arg0, %ne3A_248 : i32
    %convert_element_type3A_250 = arith.extui %ne3A_249 : i1 to i32
    %cond3A_251 = arith.constant 0 : i32
    %cond3A_252 = arith.cmpi ne, %convert_element_type3A_250, %cond3A_251 : i32
    scf.if %cond3A_252 {
      %dma_start3A_361 = arith.constant 0 : i32
      %dma_start3A_362 = arith.constant 1 : i32
      %dma_start3A_363 = arith.constant 1 : i32
      %dma_start3A_364 = arith.constant 1 : i32
      %dma_start3A_365 = arith.constant 0 : i32
      %dma_start3A_366 = arith.constant 0 : i32
      %dma_start3A_367 = tpu.memref_slice %arg9[%dma_start3A_363, %dma_start3A_365, %dma_start3A_366] : memref<8x128x64xf32, #tpu.memory_space<vmem>> -> memref<1x128x64xf32, #tpu.memory_space<vmem>>
      %dma_start3A_368 = tpu.memref_squeeze %dma_start3A_367 : memref<1x128x64xf32, #tpu.memory_space<vmem>> -> memref<128x64xf32, #tpu.memory_space<vmem>>
      %dma_start3A_369 = arith.constant 0 : i32
      %dma_start3A_370 = tpu.memref_slice %arg7[%dma_start3A_361, %dma_start3A_362, %dma_start3A_369] : memref<2x16x128xi32, #tpu.memory_space<vmem>> -> memref<1x1x128xi32, #tpu.memory_space<vmem>>
      %dma_start3A_371 = tpu.memref_squeeze %dma_start3A_370 : memref<1x1x128xi32, #tpu.memory_space<vmem>> -> memref<128xi32, #tpu.memory_space<vmem>>
      %dma_start3A_372 = arith.constant 0 : i32
      %dma_start3A_373 = arith.constant 0 : i32
      %dma_start3A_374 = tpu.memref_slice %arg3[%dma_start3A_372, %dma_start3A_373] : memref<10000x64xf32, #tpu.memory_space<hbm>> -> memref<10000x64xf32, #tpu.memory_space<hbm>>
      %dma_start3A_375 = tpu.memref_slice %arg11[%dma_start3A_364] : memref<8x!tpu.dma_semaphore, #tpu.memory_space<semaphore_mem>> -> memref<1x!tpu.dma_semaphore, #tpu.memory_space<semaphore_mem>>
      %dma_start3A_376 = tpu.memref_squeeze %dma_start3A_375 : memref<1x!tpu.dma_semaphore, #tpu.memory_space<semaphore_mem>> -> memref<!tpu.dma_semaphore, #tpu.memory_space<semaphore_mem>>
      tpu.enqueue_indirect_dma source(%dma_start3A_374 : memref<10000x64xf32, #tpu.memory_space<hbm>>) target(%dma_start3A_368 : memref<128x64xf32, #tpu.memory_space<vmem>>) offsets(%dma_start3A_371 : memref<128xi32, #tpu.memory_space<vmem>>) semaphore(%dma_start3A_376 : memref<!tpu.dma_semaphore, #tpu.memory_space<semaphore_mem>>)
    } else {
    }
    %eq3A_253 = arith.constant 0 : i32
    %eq3A_254 = arith.cmpi eq, %arg0, %eq3A_253 : i32
    %convert_element_type3A_255 = arith.extui %eq3A_254 : i1 to i32
    %cond3A_256 = arith.constant 0 : i32
    %cond3A_257 = arith.cmpi ne, %convert_element_type3A_255, %cond3A_256 : i32
    scf.if %cond3A_257 {
      %dma_start3A_361 = arith.constant 0 : i32
      %dma_start3A_362 = arith.constant 2 : i32
      %dma_start3A_363 = arith.constant 2 : i32
      %dma_start3A_364 = arith.constant 2 : i32
      %dma_start3A_365 = arith.constant 0 : i32
      %dma_start3A_366 = arith.constant 0 : i32
      %dma_start3A_367 = tpu.memref_slice %arg9[%dma_start3A_363, %dma_start3A_365, %dma_start3A_366] : memref<8x128x64xf32, #tpu.memory_space<vmem>> -> memref<1x128x64xf32, #tpu.memory_space<vmem>>
      %dma_start3A_368 = tpu.memref_squeeze %dma_start3A_367 : memref<1x128x64xf32, #tpu.memory_space<vmem>> -> memref<128x64xf32, #tpu.memory_space<vmem>>
      %dma_start3A_369 = arith.constant 0 : i32
      %dma_start3A_370 = tpu.memref_slice %arg7[%dma_start3A_361, %dma_start3A_362, %dma_start3A_369] : memref<2x16x128xi32, #tpu.memory_space<vmem>> -> memref<1x1x128xi32, #tpu.memory_space<vmem>>
      %dma_start3A_371 = tpu.memref_squeeze %dma_start3A_370 : memref<1x1x128xi32, #tpu.memory_space<vmem>> -> memref<128xi32, #tpu.memory_space<vmem>>
      %dma_start3A_372 = arith.constant 0 : i32
      %dma_start3A_373 = arith.constant 0 : i32
      %dma_start3A_374 = tpu.memref_slice %arg2[%dma_start3A_372, %dma_start3A_373] : memref<10000x64xf32, #tpu.memory_space<hbm>> -> memref<10000x64xf32, #tpu.memory_space<hbm>>
      %dma_start3A_375 = tpu.memref_slice %arg11[%dma_start3A_364] : memref<8x!tpu.dma_semaphore, #tpu.memory_space<semaphore_mem>> -> memref<1x!tpu.dma_semaphore, #tpu.memory_space<semaphore_mem>>
      %dma_start3A_376 = tpu.memref_squeeze %dma_start3A_375 : memref<1x!tpu.dma_semaphore, #tpu.memory_space<semaphore_mem>> -> memref<!tpu.dma_semaphore, #tpu.memory_space<semaphore_mem>>
      tpu.enqueue_indirect_dma source(%dma_start3A_374 : memref<10000x64xf32, #tpu.memory_space<hbm>>) target(%dma_start3A_368 : memref<128x64xf32, #tpu.memory_space<vmem>>) offsets(%dma_start3A_371 : memref<128xi32, #tpu.memory_space<vmem>>) semaphore(%dma_start3A_376 : memref<!tpu.dma_semaphore, #tpu.memory_space<semaphore_mem>>)
    } else {
    }
    %ne3A_258 = arith.constant 0 : i32
    %ne3A_259 = arith.cmpi ne, %arg0, %ne3A_258 : i32
    %convert_element_type3A_260 = arith.extui %ne3A_259 : i1 to i32
    %cond3A_261 = arith.constant 0 : i32
    %cond3A_262 = arith.cmpi ne, %convert_element_type3A_260, %cond3A_261 : i32
    scf.if %cond3A_262 {
      %dma_start3A_361 = arith.constant 0 : i32
      %dma_start3A_362 = arith.constant 2 : i32
      %dma_start3A_363 = arith.constant 2 : i32
      %dma_start3A_364 = arith.constant 2 : i32
      %dma_start3A_365 = arith.constant 0 : i32
      %dma_start3A_366 = arith.constant 0 : i32
      %dma_start3A_367 = tpu.memref_slice %arg9[%dma_start3A_363, %dma_start3A_365, %dma_start3A_366] : memref<8x128x64xf32, #tpu.memory_space<vmem>> -> memref<1x128x64xf32, #tpu.memory_space<vmem>>
      %dma_start3A_368 = tpu.memref_squeeze %dma_start3A_367 : memref<1x128x64xf32, #tpu.memory_space<vmem>> -> memref<128x64xf32, #tpu.memory_space<vmem>>
      %dma_start3A_369 = arith.constant 0 : i32
      %dma_start3A_370 = tpu.memref_slice %arg7[%dma_start3A_361, %dma_start3A_362, %dma_start3A_369] : memref<2x16x128xi32, #tpu.memory_space<vmem>> -> memref<1x1x128xi32, #tpu.memory_space<vmem>>
      %dma_start3A_371 = tpu.memref_squeeze %dma_start3A_370 : memref<1x1x128xi32, #tpu.memory_space<vmem>> -> memref<128xi32, #tpu.memory_space<vmem>>
      %dma_start3A_372 = arith.constant 0 : i32
      %dma_start3A_373 = arith.constant 0 : i32
      %dma_start3A_374 = tpu.memref_slice %arg3[%dma_start3A_372, %dma_start3A_373] : memref<10000x64xf32, #tpu.memory_space<hbm>> -> memref<10000x64xf32, #tpu.memory_space<hbm>>
      %dma_start3A_375 = tpu.memref_slice %arg11[%dma_start3A_364] : memref<8x!tpu.dma_semaphore, #tpu.memory_space<semaphore_mem>> -> memref<1x!tpu.dma_semaphore, #tpu.memory_space<semaphore_mem>>
      %dma_start3A_376 = tpu.memref_squeeze %dma_start3A_375 : memref<1x!tpu.dma_semaphore, #tpu.memory_space<semaphore_mem>> -> memref<!tpu.dma_semaphore, #tpu.memory_space<semaphore_mem>>
      tpu.enqueue_indirect_dma source(%dma_start3A_374 : memref<10000x64xf32, #tpu.memory_space<hbm>>) target(%dma_start3A_368 : memref<128x64xf32, #tpu.memory_space<vmem>>) offsets(%dma_start3A_371 : memref<128xi32, #tpu.memory_space<vmem>>) semaphore(%dma_start3A_376 : memref<!tpu.dma_semaphore, #tpu.memory_space<semaphore_mem>>)
    } else {
    }
    %eq3A_263 = arith.constant 0 : i32
    %eq3A_264 = arith.cmpi eq, %arg0, %eq3A_263 : i32
    %convert_element_type3A_265 = arith.extui %eq3A_264 : i1 to i32
    %cond3A_266 = arith.constant 0 : i32
    %cond3A_267 = arith.cmpi ne, %convert_element_type3A_265, %cond3A_266 : i32
    scf.if %cond3A_267 {
      %dma_start3A_361 = arith.constant 0 : i32
      %dma_start3A_362 = arith.constant 3 : i32
      %dma_start3A_363 = arith.constant 3 : i32
      %dma_start3A_364 = arith.constant 3 : i32
      %dma_start3A_365 = arith.constant 0 : i32
      %dma_start3A_366 = arith.constant 0 : i32
      %dma_start3A_367 = tpu.memref_slice %arg9[%dma_start3A_363, %dma_start3A_365, %dma_start3A_366] : memref<8x128x64xf32, #tpu.memory_space<vmem>> -> memref<1x128x64xf32, #tpu.memory_space<vmem>>
      %dma_start3A_368 = tpu.memref_squeeze %dma_start3A_367 : memref<1x128x64xf32, #tpu.memory_space<vmem>> -> memref<128x64xf32, #tpu.memory_space<vmem>>
      %dma_start3A_369 = arith.constant 0 : i32
      %dma_start3A_370 = tpu.memref_slice %arg7[%dma_start3A_361, %dma_start3A_362, %dma_start3A_369] : memref<2x16x128xi32, #tpu.memory_space<vmem>> -> memref<1x1x128xi32, #tpu.memory_space<vmem>>
      %dma_start3A_371 = tpu.memref_squeeze %dma_start3A_370 : memref<1x1x128xi32, #tpu.memory_space<vmem>> -> memref<128xi32, #tpu.memory_space<vmem>>
      %dma_start3A_372 = arith.constant 0 : i32
      %dma_start3A_373 = arith.constant 0 : i32
      %dma_start3A_374 = tpu.memref_slice %arg2[%dma_start3A_372, %dma_start3A_373] : memref<10000x64xf32, #tpu.memory_space<hbm>> -> memref<10000x64xf32, #tpu.memory_space<hbm>>
      %dma_start3A_375 = tpu.memref_slice %arg11[%dma_start3A_364] : memref<8x!tpu.dma_semaphore, #tpu.memory_space<semaphore_mem>> -> memref<1x!tpu.dma_semaphore, #tpu.memory_space<semaphore_mem>>
      %dma_start3A_376 = tpu.memref_squeeze %dma_start3A_375 : memref<1x!tpu.dma_semaphore, #tpu.memory_space<semaphore_mem>> -> memref<!tpu.dma_semaphore, #tpu.memory_space<semaphore_mem>>
      tpu.enqueue_indirect_dma source(%dma_start3A_374 : memref<10000x64xf32, #tpu.memory_space<hbm>>) target(%dma_start3A_368 : memref<128x64xf32, #tpu.memory_space<vmem>>) offsets(%dma_start3A_371 : memref<128xi32, #tpu.memory_space<vmem>>) semaphore(%dma_start3A_376 : memref<!tpu.dma_semaphore, #tpu.memory_space<semaphore_mem>>)
    } else {
    }
    %ne3A_268 = arith.constant 0 : i32
    %ne3A_269 = arith.cmpi ne, %arg0, %ne3A_268 : i32
    %convert_element_type3A_270 = arith.extui %ne3A_269 : i1 to i32
    %cond3A_271 = arith.constant 0 : i32
    %cond3A_272 = arith.cmpi ne, %convert_element_type3A_270, %cond3A_271 : i32
    scf.if %cond3A_272 {
      %dma_start3A_361 = arith.constant 0 : i32
      %dma_start3A_362 = arith.constant 3 : i32
      %dma_start3A_363 = arith.constant 3 : i32
      %dma_start3A_364 = arith.constant 3 : i32
      %dma_start3A_365 = arith.constant 0 : i32
      %dma_start3A_366 = arith.constant 0 : i32
      %dma_start3A_367 = tpu.memref_slice %arg9[%dma_start3A_363, %dma_start3A_365, %dma_start3A_366] : memref<8x128x64xf32, #tpu.memory_space<vmem>> -> memref<1x128x64xf32, #tpu.memory_space<vmem>>
      %dma_start3A_368 = tpu.memref_squeeze %dma_start3A_367 : memref<1x128x64xf32, #tpu.memory_space<vmem>> -> memref<128x64xf32, #tpu.memory_space<vmem>>
      %dma_start3A_369 = arith.constant 0 : i32
      %dma_start3A_370 = tpu.memref_slice %arg7[%dma_start3A_361, %dma_start3A_362, %dma_start3A_369] : memref<2x16x128xi32, #tpu.memory_space<vmem>> -> memref<1x1x128xi32, #tpu.memory_space<vmem>>
      %dma_start3A_371 = tpu.memref_squeeze %dma_start3A_370 : memref<1x1x128xi32, #tpu.memory_space<vmem>> -> memref<128xi32, #tpu.memory_space<vmem>>
      %dma_start3A_372 = arith.constant 0 : i32
      %dma_start3A_373 = arith.constant 0 : i32
      %dma_start3A_374 = tpu.memref_slice %arg3[%dma_start3A_372, %dma_start3A_373] : memref<10000x64xf32, #tpu.memory_space<hbm>> -> memref<10000x64xf32, #tpu.memory_space<hbm>>
      %dma_start3A_375 = tpu.memref_slice %arg11[%dma_start3A_364] : memref<8x!tpu.dma_semaphore, #tpu.memory_space<semaphore_mem>> -> memref<1x!tpu.dma_semaphore, #tpu.memory_space<semaphore_mem>>
      %dma_start3A_376 = tpu.memref_squeeze %dma_start3A_375 : memref<1x!tpu.dma_semaphore, #tpu.memory_space<semaphore_mem>> -> memref<!tpu.dma_semaphore, #tpu.memory_space<semaphore_mem>>
      tpu.enqueue_indirect_dma source(%dma_start3A_374 : memref<10000x64xf32, #tpu.memory_space<hbm>>) target(%dma_start3A_368 : memref<128x64xf32, #tpu.memory_space<vmem>>) offsets(%dma_start3A_371 : memref<128xi32, #tpu.memory_space<vmem>>) semaphore(%dma_start3A_376 : memref<!tpu.dma_semaphore, #tpu.memory_space<semaphore_mem>>)
    } else {
    }
    %scan3A_273 = arith.constant 0 : i32
    %scan3A_274 = arith.constant 0 : i32
    %scan3A_275 = arith.constant 10 : i32
    %scan3A_276 = arith.addi %scan3A_274, %scan3A_275 : i32
    %scan3A_277 = arith.constant 1 : i32
    scf.for %scan3A_361 = %scan3A_274 to %scan3A_276 step %scan3A_277  : i32 {
      %rem3A = arith.constant 2 : i32
      %rem3A_362 = arith.remsi %scan3A_361, %rem3A : i32
      %add3A_363 = arith.constant 1 : i32
      %add3A_364 = arith.addi %scan3A_361, %add3A_363 : i32
      %rem3A_365 = arith.constant 2 : i32
      %rem3A_366 = arith.remsi %add3A_364, %rem3A_365 : i32
      %dma_wait3A_367 = arith.constant 0 : i32
      %dma_wait3A_368 = arith.constant 0 : i32
      %dma_wait3A_369 = arith.constant 0 : i32
      %dma_wait3A_370 = arith.constant 0 : i32
      %dma_wait3A_371 = tpu.memref_slice %arg9[%dma_wait3A_367, %dma_wait3A_369, %dma_wait3A_370] : memref<8x128x64xf32, #tpu.memory_space<vmem>> -> memref<1x128x64xf32, #tpu.memory_space<vmem>>
      %dma_wait3A_372 = tpu.memref_squeeze %dma_wait3A_371 : memref<1x128x64xf32, #tpu.memory_space<vmem>> -> memref<128x64xf32, #tpu.memory_space<vmem>>
      %dma_wait3A_373 = arith.constant 0 : i32
      %dma_wait3A_374 = arith.constant 0 : i32
      %dma_wait3A_375 = tpu.memref_slice %arg2[%dma_wait3A_373, %dma_wait3A_374] : memref<10000x64xf32, #tpu.memory_space<hbm>> -> memref<128x64xf32, #tpu.memory_space<hbm>>
      %dma_wait3A_376 = tpu.memref_slice %arg11[%dma_wait3A_368] : memref<8x!tpu.dma_semaphore, #tpu.memory_space<semaphore_mem>> -> memref<1x!tpu.dma_semaphore, #tpu.memory_space<semaphore_mem>>
      %dma_wait3A_377 = tpu.memref_squeeze %dma_wait3A_376 : memref<1x!tpu.dma_semaphore, #tpu.memory_space<semaphore_mem>> -> memref<!tpu.dma_semaphore, #tpu.memory_space<semaphore_mem>>
      %dma_wait3A_378 = arith.constant 0 : i32
      %dma_wait3A_379 = arith.constant 0 : i32
      %dma_wait3A_380 = tpu.memref_slice %arg9[%dma_wait3A_367, %dma_wait3A_378, %dma_wait3A_379] : memref<8x128x64xf32, #tpu.memory_space<vmem>> -> memref<1x128x64xf32, #tpu.memory_space<vmem>>
      %dma_wait3A_381 = tpu.memref_squeeze %dma_wait3A_380 : memref<1x128x64xf32, #tpu.memory_space<vmem>> -> memref<128x64xf32, #tpu.memory_space<vmem>>
      %dma_wait3A_382 = arith.constant 0 : i32
      %dma_wait3A_383 = arith.constant 0 : i32
      %dma_wait3A_384 = tpu.memref_slice %arg2[%dma_wait3A_382, %dma_wait3A_383] : memref<10000x64xf32, #tpu.memory_space<hbm>> -> memref<128x64xf32, #tpu.memory_space<hbm>>
      tpu.wait_dma2 semaphore(%dma_wait3A_377 : memref<!tpu.dma_semaphore, #tpu.memory_space<semaphore_mem>>) src(%dma_wait3A_384 : memref<128x64xf32, #tpu.memory_space<hbm>>) dst(%dma_wait3A_381 : memref<128x64xf32, #tpu.memory_space<vmem>>)
      %dma_start3A_385 = arith.constant 0 : i32
      %dma_start3A_386 = arith.constant 0 : i32
      %dma_start3A_387 = arith.constant 0 : i32
      %dma_start3A_388 = arith.constant 0 : i32
      %dma_start3A_389 = arith.constant 0 : i32
      %dma_start3A_390 = tpu.memref_slice %arg9[%dma_start3A_385, %dma_start3A_388, %dma_start3A_389] : memref<8x128x64xf32, #tpu.memory_space<vmem>> -> memref<1x128x64xf32, #tpu.memory_space<vmem>>
      %dma_start3A_391 = tpu.memref_squeeze %dma_start3A_390 : memref<1x128x64xf32, #tpu.memory_space<vmem>> -> memref<128x64xf32, #tpu.memory_space<vmem>>
      %dma_start3A_392 = arith.constant 0 : i32
      %dma_start3A_393 = tpu.memref_slice %arg8[%rem3A_362, %dma_start3A_386, %dma_start3A_392] : memref<2x16x128xi32, #tpu.memory_space<vmem>> -> memref<1x1x128xi32, #tpu.memory_space<vmem>>
      %dma_start3A_394 = tpu.memref_squeeze %dma_start3A_393 : memref<1x1x128xi32, #tpu.memory_space<vmem>> -> memref<128xi32, #tpu.memory_space<vmem>>
      %dma_start3A_395 = arith.constant 0 : i32
      %dma_start3A_396 = arith.constant 0 : i32
      %dma_start3A_397 = tpu.memref_slice %arg10[%dma_start3A_395, %dma_start3A_396] : memref<10240x64xf32, #tpu.memory_space<vmem_shared>> -> memref<10240x64xf32, #tpu.memory_space<vmem_shared>>
      %dma_start3A_398 = tpu.memref_slice %arg12[%dma_start3A_387] : memref<8x!tpu.dma_semaphore, #tpu.memory_space<semaphore_mem>> -> memref<1x!tpu.dma_semaphore, #tpu.memory_space<semaphore_mem>>
      %dma_start3A_399 = tpu.memref_squeeze %dma_start3A_398 : memref<1x!tpu.dma_semaphore, #tpu.memory_space<semaphore_mem>> -> memref<!tpu.dma_semaphore, #tpu.memory_space<semaphore_mem>>
      tpu.enqueue_indirect_dma source(%dma_start3A_391 : memref<128x64xf32, #tpu.memory_space<vmem>>) target(%dma_start3A_397 : memref<10240x64xf32, #tpu.memory_space<vmem_shared>>) offsets(%dma_start3A_394 : memref<128xi32, #tpu.memory_space<vmem>>) semaphore(%dma_start3A_399 : memref<!tpu.dma_semaphore, #tpu.memory_space<semaphore_mem>>) {add = true}
      %gt3A = arith.constant 0 : i32
      %gt3A_400 = arith.cmpi sgt, %scan3A_361, %gt3A : i32
      %convert_element_type3A_401 = arith.extui %gt3A_400 : i1 to i32
      %cond3A_402 = arith.constant 0 : i32
      %cond3A_403 = arith.cmpi ne, %convert_element_type3A_401, %cond3A_402 : i32
      scf.if %cond3A_403 {
        %dma_wait3A_1292 = arith.constant 4 : i32
        %dma_wait3A_1293 = arith.constant 4 : i32
        %dma_wait3A_1294 = arith.constant 0 : i32
        %dma_wait3A_1295 = arith.constant 0 : i32
        %dma_wait3A_1296 = tpu.memref_slice %arg9[%dma_wait3A_1292, %dma_wait3A_1294, %dma_wait3A_1295] : memref<8x128x64xf32, #tpu.memory_space<vmem>> -> memref<1x128x64xf32, #tpu.memory_space<vmem>>
        %dma_wait3A_1297 = tpu.memref_squeeze %dma_wait3A_1296 : memref<1x128x64xf32, #tpu.memory_space<vmem>> -> memref<128x64xf32, #tpu.memory_space<vmem>>
        %dma_wait3A_1298 = arith.constant 0 : i32
        %dma_wait3A_1299 = arith.constant 0 : i32
        %dma_wait3A_1300 = tpu.memref_slice %arg10[%dma_wait3A_1298, %dma_wait3A_1299] : memref<10240x64xf32, #tpu.memory_space<vmem_shared>> -> memref<128x64xf32, #tpu.memory_space<vmem_shared>>
        %dma_wait3A_1301 = tpu.memref_slice %arg12[%dma_wait3A_1293] : memref<8x!tpu.dma_semaphore, #tpu.memory_space<semaphore_mem>> -> memref<1x!tpu.dma_semaphore, #tpu.memory_space<semaphore_mem>>
        %dma_wait3A_1302 = tpu.memref_squeeze %dma_wait3A_1301 : memref<1x!tpu.dma_semaphore, #tpu.memory_space<semaphore_mem>> -> memref<!tpu.dma_semaphore, #tpu.memory_space<semaphore_mem>>
        %dma_wait3A_1303 = arith.constant 0 : i32
        %dma_wait3A_1304 = arith.constant 0 : i32
        %dma_wait3A_1305 = tpu.memref_slice %arg10[%dma_wait3A_1303, %dma_wait3A_1304] : memref<10240x64xf32, #tpu.memory_space<vmem_shared>> -> memref<128x64xf32, #tpu.memory_space<vmem_shared>>
        %dma_wait3A_1306 = arith.constant 0 : i32
        %dma_wait3A_1307 = arith.constant 0 : i32
        %dma_wait3A_1308 = tpu.memref_slice %arg9[%dma_wait3A_1292, %dma_wait3A_1306, %dma_wait3A_1307] : memref<8x128x64xf32, #tpu.memory_space<vmem>> -> memref<1x128x64xf32, #tpu.memory_space<vmem>>
        %dma_wait3A_1309 = tpu.memref_squeeze %dma_wait3A_1308 : memref<1x128x64xf32, #tpu.memory_space<vmem>> -> memref<128x64xf32, #tpu.memory_space<vmem>>
        tpu.wait_dma2 semaphore(%dma_wait3A_1302 : memref<!tpu.dma_semaphore, #tpu.memory_space<semaphore_mem>>) src(%dma_wait3A_1309 : memref<128x64xf32, #tpu.memory_space<vmem>>) dst(%dma_wait3A_1305 : memref<128x64xf32, #tpu.memory_space<vmem_shared>>)
      } else {
      }
      %eq3A_404 = arith.constant 0 : i32
      %eq3A_405 = arith.cmpi eq, %arg0, %eq3A_404 : i32
      %convert_element_type3A_406 = arith.extui %eq3A_405 : i1 to i32
      %cond3A_407 = arith.constant 0 : i32
      %cond3A_408 = arith.cmpi ne, %convert_element_type3A_406, %cond3A_407 : i32
      scf.if %cond3A_408 {
        %dma_start3A_1292 = arith.constant 4 : i32
        %dma_start3A_1293 = arith.constant 4 : i32
        %dma_start3A_1294 = arith.constant 4 : i32
        %dma_start3A_1295 = arith.constant 0 : i32
        %dma_start3A_1296 = arith.constant 0 : i32
        %dma_start3A_1297 = tpu.memref_slice %arg9[%dma_start3A_1293, %dma_start3A_1295, %dma_start3A_1296] : memref<8x128x64xf32, #tpu.memory_space<vmem>> -> memref<1x128x64xf32, #tpu.memory_space<vmem>>
        %dma_start3A_1298 = tpu.memref_squeeze %dma_start3A_1297 : memref<1x128x64xf32, #tpu.memory_space<vmem>> -> memref<128x64xf32, #tpu.memory_space<vmem>>
        %dma_start3A_1299 = arith.constant 0 : i32
        %dma_start3A_1300 = tpu.memref_slice %arg7[%rem3A_362, %dma_start3A_1292, %dma_start3A_1299] : memref<2x16x128xi32, #tpu.memory_space<vmem>> -> memref<1x1x128xi32, #tpu.memory_space<vmem>>
        %dma_start3A_1301 = tpu.memref_squeeze %dma_start3A_1300 : memref<1x1x128xi32, #tpu.memory_space<vmem>> -> memref<128xi32, #tpu.memory_space<vmem>>
        %dma_start3A_1302 = arith.constant 0 : i32
        %dma_start3A_1303 = arith.constant 0 : i32
        %dma_start3A_1304 = tpu.memref_slice %arg2[%dma_start3A_1302, %dma_start3A_1303] : memref<10000x64xf32, #tpu.memory_space<hbm>> -> memref<10000x64xf32, #tpu.memory_space<hbm>>
        %dma_start3A_1305 = tpu.memref_slice %arg11[%dma_start3A_1294] : memref<8x!tpu.dma_semaphore, #tpu.memory_space<semaphore_mem>> -> memref<1x!tpu.dma_semaphore, #tpu.memory_space<semaphore_mem>>
        %dma_start3A_1306 = tpu.memref_squeeze %dma_start3A_1305 : memref<1x!tpu.dma_semaphore, #tpu.memory_space<semaphore_mem>> -> memref<!tpu.dma_semaphore, #tpu.memory_space<semaphore_mem>>
        tpu.enqueue_indirect_dma source(%dma_start3A_1304 : memref<10000x64xf32, #tpu.memory_space<hbm>>) target(%dma_start3A_1298 : memref<128x64xf32, #tpu.memory_space<vmem>>) offsets(%dma_start3A_1301 : memref<128xi32, #tpu.memory_space<vmem>>) semaphore(%dma_start3A_1306 : memref<!tpu.dma_semaphore, #tpu.memory_space<semaphore_mem>>)
      } else {
      }
      %ne3A_409 = arith.constant 0 : i32
      %ne3A_410 = arith.cmpi ne, %arg0, %ne3A_409 : i32
      %convert_element_type3A_411 = arith.extui %ne3A_410 : i1 to i32
      %cond3A_412 = arith.constant 0 : i32
      %cond3A_413 = arith.cmpi ne, %convert_element_type3A_411, %cond3A_412 : i32
      scf.if %cond3A_413 {
        %dma_start3A_1292 = arith.constant 4 : i32
        %dma_start3A_1293 = arith.constant 4 : i32
        %dma_start3A_1294 = arith.constant 4 : i32
        %dma_start3A_1295 = arith.constant 0 : i32
        %dma_start3A_1296 = arith.constant 0 : i32
        %dma_start3A_1297 = tpu.memref_slice %arg9[%dma_start3A_1293, %dma_start3A_1295, %dma_start3A_1296] : memref<8x128x64xf32, #tpu.memory_space<vmem>> -> memref<1x128x64xf32, #tpu.memory_space<vmem>>
        %dma_start3A_1298 = tpu.memref_squeeze %dma_start3A_1297 : memref<1x128x64xf32, #tpu.memory_space<vmem>> -> memref<128x64xf32, #tpu.memory_space<vmem>>
        %dma_start3A_1299 = arith.constant 0 : i32
        %dma_start3A_1300 = tpu.memref_slice %arg7[%rem3A_362, %dma_start3A_1292, %dma_start3A_1299] : memref<2x16x128xi32, #tpu.memory_space<vmem>> -> memref<1x1x128xi32, #tpu.memory_space<vmem>>
        %dma_start3A_1301 = tpu.memref_squeeze %dma_start3A_1300 : memref<1x1x128xi32, #tpu.memory_space<vmem>> -> memref<128xi32, #tpu.memory_space<vmem>>
        %dma_start3A_1302 = arith.constant 0 : i32
        %dma_start3A_1303 = arith.constant 0 : i32
        %dma_start3A_1304 = tpu.memref_slice %arg3[%dma_start3A_1302, %dma_start3A_1303] : memref<10000x64xf32, #tpu.memory_space<hbm>> -> memref<10000x64xf32, #tpu.memory_space<hbm>>
        %dma_start3A_1305 = tpu.memref_slice %arg11[%dma_start3A_1294] : memref<8x!tpu.dma_semaphore, #tpu.memory_space<semaphore_mem>> -> memref<1x!tpu.dma_semaphore, #tpu.memory_space<semaphore_mem>>
        %dma_start3A_1306 = tpu.memref_squeeze %dma_start3A_1305 : memref<1x!tpu.dma_semaphore, #tpu.memory_space<semaphore_mem>> -> memref<!tpu.dma_semaphore, #tpu.memory_space<semaphore_mem>>
        tpu.enqueue_indirect_dma source(%dma_start3A_1304 : memref<10000x64xf32, #tpu.memory_space<hbm>>) target(%dma_start3A_1298 : memref<128x64xf32, #tpu.memory_space<vmem>>) offsets(%dma_start3A_1301 : memref<128xi32, #tpu.memory_space<vmem>>) semaphore(%dma_start3A_1306 : memref<!tpu.dma_semaphore, #tpu.memory_space<semaphore_mem>>)
      } else {
      }
      %dma_wait3A_414 = arith.constant 1 : i32
      %dma_wait3A_415 = arith.constant 1 : i32
      %dma_wait3A_416 = arith.constant 0 : i32
      %dma_wait3A_417 = arith.constant 0 : i32
      %dma_wait3A_418 = tpu.memref_slice %arg9[%dma_wait3A_414, %dma_wait3A_416, %dma_wait3A_417] : memref<8x128x64xf32, #tpu.memory_space<vmem>> -> memref<1x128x64xf32, #tpu.memory_space<vmem>>
      %dma_wait3A_419 = tpu.memref_squeeze %dma_wait3A_418 : memref<1x128x64xf32, #tpu.memory_space<vmem>> -> memref<128x64xf32, #tpu.memory_space<vmem>>
      %dma_wait3A_420 = arith.constant 0 : i32
      %dma_wait3A_421 = arith.constant 0 : i32
      %dma_wait3A_422 = tpu.memref_slice %arg2[%dma_wait3A_420, %dma_wait3A_421] : memref<10000x64xf32, #tpu.memory_space<hbm>> -> memref<128x64xf32, #tpu.memory_space<hbm>>
      %dma_wait3A_423 = tpu.memref_slice %arg11[%dma_wait3A_415] : memref<8x!tpu.dma_semaphore, #tpu.memory_space<semaphore_mem>> -> memref<1x!tpu.dma_semaphore, #tpu.memory_space<semaphore_mem>>
      %dma_wait3A_424 = tpu.memref_squeeze %dma_wait3A_423 : memref<1x!tpu.dma_semaphore, #tpu.memory_space<semaphore_mem>> -> memref<!tpu.dma_semaphore, #tpu.memory_space<semaphore_mem>>
      %dma_wait3A_425 = arith.constant 0 : i32
      %dma_wait3A_426 = arith.constant 0 : i32
      %dma_wait3A_427 = tpu.memref_slice %arg9[%dma_wait3A_414, %dma_wait3A_425, %dma_wait3A_426] : memref<8x128x64xf32, #tpu.memory_space<vmem>> -> memref<1x128x64xf32, #tpu.memory_space<vmem>>
      %dma_wait3A_428 = tpu.memref_squeeze %dma_wait3A_427 : memref<1x128x64xf32, #tpu.memory_space<vmem>> -> memref<128x64xf32, #tpu.memory_space<vmem>>
      %dma_wait3A_429 = arith.constant 0 : i32
      %dma_wait3A_430 = arith.constant 0 : i32
      %dma_wait3A_431 = tpu.memref_slice %arg2[%dma_wait3A_429, %dma_wait3A_430] : memref<10000x64xf32, #tpu.memory_space<hbm>> -> memref<128x64xf32, #tpu.memory_space<hbm>>
      tpu.wait_dma2 semaphore(%dma_wait3A_424 : memref<!tpu.dma_semaphore, #tpu.memory_space<semaphore_mem>>) src(%dma_wait3A_431 : memref<128x64xf32, #tpu.memory_space<hbm>>) dst(%dma_wait3A_428 : memref<128x64xf32, #tpu.memory_space<vmem>>)
      %dma_start3A_432 = arith.constant 1 : i32
      %dma_start3A_433 = arith.constant 1 : i32
      %dma_start3A_434 = arith.constant 1 : i32
      %dma_start3A_435 = arith.constant 0 : i32
      %dma_start3A_436 = arith.constant 0 : i32
      %dma_start3A_437 = tpu.memref_slice %arg9[%dma_start3A_432, %dma_start3A_435, %dma_start3A_436] : memref<8x128x64xf32, #tpu.memory_space<vmem>> -> memref<1x128x64xf32, #tpu.memory_space<vmem>>
      %dma_start3A_438 = tpu.memref_squeeze %dma_start3A_437 : memref<1x128x64xf32, #tpu.memory_space<vmem>> -> memref<128x64xf32, #tpu.memory_space<vmem>>
      %dma_start3A_439 = arith.constant 0 : i32
      %dma_start3A_440 = tpu.memref_slice %arg8[%rem3A_362, %dma_start3A_433, %dma_start3A_439] : memref<2x16x128xi32, #tpu.memory_space<vmem>> -> memref<1x1x128xi32, #tpu.memory_space<vmem>>
      %dma_start3A_441 = tpu.memref_squeeze %dma_start3A_440 : memref<1x1x128xi32, #tpu.memory_space<vmem>> -> memref<128xi32, #tpu.memory_space<vmem>>
      %dma_start3A_442 = arith.constant 0 : i32
      %dma_start3A_443 = arith.constant 0 : i32
      %dma_start3A_444 = tpu.memref_slice %arg10[%dma_start3A_442, %dma_start3A_443] : memref<10240x64xf32, #tpu.memory_space<vmem_shared>> -> memref<10240x64xf32, #tpu.memory_space<vmem_shared>>
      %dma_start3A_445 = tpu.memref_slice %arg12[%dma_start3A_434] : memref<8x!tpu.dma_semaphore, #tpu.memory_space<semaphore_mem>> -> memref<1x!tpu.dma_semaphore, #tpu.memory_space<semaphore_mem>>
      %dma_start3A_446 = tpu.memref_squeeze %dma_start3A_445 : memref<1x!tpu.dma_semaphore, #tpu.memory_space<semaphore_mem>> -> memref<!tpu.dma_semaphore, #tpu.memory_space<semaphore_mem>>
      tpu.enqueue_indirect_dma source(%dma_start3A_438 : memref<128x64xf32, #tpu.memory_space<vmem>>) target(%dma_start3A_444 : memref<10240x64xf32, #tpu.memory_space<vmem_shared>>) offsets(%dma_start3A_441 : memref<128xi32, #tpu.memory_space<vmem>>) semaphore(%dma_start3A_446 : memref<!tpu.dma_semaphore, #tpu.memory_space<semaphore_mem>>) {add = true}
      %gt3A_447 = arith.constant 0 : i32
      %gt3A_448 = arith.cmpi sgt, %scan3A_361, %gt3A_447 : i32
      %convert_element_type3A_449 = arith.extui %gt3A_448 : i1 to i32
      %cond3A_450 = arith.constant 0 : i32
      %cond3A_451 = arith.cmpi ne, %convert_element_type3A_449, %cond3A_450 : i32
      scf.if %cond3A_451 {
        %dma_wait3A_1292 = arith.constant 5 : i32
        %dma_wait3A_1293 = arith.constant 5 : i32
        %dma_wait3A_1294 = arith.constant 0 : i32
        %dma_wait3A_1295 = arith.constant 0 : i32
        %dma_wait3A_1296 = tpu.memref_slice %arg9[%dma_wait3A_1292, %dma_wait3A_1294, %dma_wait3A_1295] : memref<8x128x64xf32, #tpu.memory_space<vmem>> -> memref<1x128x64xf32, #tpu.memory_space<vmem>>
        %dma_wait3A_1297 = tpu.memref_squeeze %dma_wait3A_1296 : memref<1x128x64xf32, #tpu.memory_space<vmem>> -> memref<128x64xf32, #tpu.memory_space<vmem>>
        %dma_wait3A_1298 = arith.constant 0 : i32
        %dma_wait3A_1299 = arith.constant 0 : i32
        %dma_wait3A_1300 = tpu.memref_slice %arg10[%dma_wait3A_1298, %dma_wait3A_1299] : memref<10240x64xf32, #tpu.memory_space<vmem_shared>> -> memref<128x64xf32, #tpu.memory_space<vmem_shared>>
        %dma_wait3A_1301 = tpu.memref_slice %arg12[%dma_wait3A_1293] : memref<8x!tpu.dma_semaphore, #tpu.memory_space<semaphore_mem>> -> memref<1x!tpu.dma_semaphore, #tpu.memory_space<semaphore_mem>>
        %dma_wait3A_1302 = tpu.memref_squeeze %dma_wait3A_1301 : memref<1x!tpu.dma_semaphore, #tpu.memory_space<semaphore_mem>> -> memref<!tpu.dma_semaphore, #tpu.memory_space<semaphore_mem>>
        %dma_wait3A_1303 = arith.constant 0 : i32
        %dma_wait3A_1304 = arith.constant 0 : i32
        %dma_wait3A_1305 = tpu.memref_slice %arg10[%dma_wait3A_1303, %dma_wait3A_1304] : memref<10240x64xf32, #tpu.memory_space<vmem_shared>> -> memref<128x64xf32, #tpu.memory_space<vmem_shared>>
        %dma_wait3A_1306 = arith.constant 0 : i32
        %dma_wait3A_1307 = arith.constant 0 : i32
        %dma_wait3A_1308 = tpu.memref_slice %arg9[%dma_wait3A_1292, %dma_wait3A_1306, %dma_wait3A_1307] : memref<8x128x64xf32, #tpu.memory_space<vmem>> -> memref<1x128x64xf32, #tpu.memory_space<vmem>>
        %dma_wait3A_1309 = tpu.memref_squeeze %dma_wait3A_1308 : memref<1x128x64xf32, #tpu.memory_space<vmem>> -> memref<128x64xf32, #tpu.memory_space<vmem>>
        tpu.wait_dma2 semaphore(%dma_wait3A_1302 : memref<!tpu.dma_semaphore, #tpu.memory_space<semaphore_mem>>) src(%dma_wait3A_1309 : memref<128x64xf32, #tpu.memory_space<vmem>>) dst(%dma_wait3A_1305 : memref<128x64xf32, #tpu.memory_space<vmem_shared>>)
      } else {
      }
      %eq3A_452 = arith.constant 0 : i32
      %eq3A_453 = arith.cmpi eq, %arg0, %eq3A_452 : i32
      %convert_element_type3A_454 = arith.extui %eq3A_453 : i1 to i32
      %cond3A_455 = arith.constant 0 : i32
      %cond3A_456 = arith.cmpi ne, %convert_element_type3A_454, %cond3A_455 : i32
      scf.if %cond3A_456 {
        %dma_start3A_1292 = arith.constant 5 : i32
        %dma_start3A_1293 = arith.constant 5 : i32
        %dma_start3A_1294 = arith.constant 5 : i32
        %dma_start3A_1295 = arith.constant 0 : i32
        %dma_start3A_1296 = arith.constant 0 : i32
        %dma_start3A_1297 = tpu.memref_slice %arg9[%dma_start3A_1293, %dma_start3A_1295, %dma_start3A_1296] : memref<8x128x64xf32, #tpu.memory_space<vmem>> -> memref<1x128x64xf32, #tpu.memory_space<vmem>>
        %dma_start3A_1298 = tpu.memref_squeeze %dma_start3A_1297 : memref<1x128x64xf32, #tpu.memory_space<vmem>> -> memref<128x64xf32, #tpu.memory_space<vmem>>
        %dma_start3A_1299 = arith.constant 0 : i32
        %dma_start3A_1300 = tpu.memref_slice %arg7[%rem3A_362, %dma_start3A_1292, %dma_start3A_1299] : memref<2x16x128xi32, #tpu.memory_space<vmem>> -> memref<1x1x128xi32, #tpu.memory_space<vmem>>
        %dma_start3A_1301 = tpu.memref_squeeze %dma_start3A_1300 : memref<1x1x128xi32, #tpu.memory_space<vmem>> -> memref<128xi32, #tpu.memory_space<vmem>>
        %dma_start3A_1302 = arith.constant 0 : i32
        %dma_start3A_1303 = arith.constant 0 : i32
        %dma_start3A_1304 = tpu.memref_slice %arg2[%dma_start3A_1302, %dma_start3A_1303] : memref<10000x64xf32, #tpu.memory_space<hbm>> -> memref<10000x64xf32, #tpu.memory_space<hbm>>
        %dma_start3A_1305 = tpu.memref_slice %arg11[%dma_start3A_1294] : memref<8x!tpu.dma_semaphore, #tpu.memory_space<semaphore_mem>> -> memref<1x!tpu.dma_semaphore, #tpu.memory_space<semaphore_mem>>
        %dma_start3A_1306 = tpu.memref_squeeze %dma_start3A_1305 : memref<1x!tpu.dma_semaphore, #tpu.memory_space<semaphore_mem>> -> memref<!tpu.dma_semaphore, #tpu.memory_space<semaphore_mem>>
        tpu.enqueue_indirect_dma source(%dma_start3A_1304 : memref<10000x64xf32, #tpu.memory_space<hbm>>) target(%dma_start3A_1298 : memref<128x64xf32, #tpu.memory_space<vmem>>) offsets(%dma_start3A_1301 : memref<128xi32, #tpu.memory_space<vmem>>) semaphore(%dma_start3A_1306 : memref<!tpu.dma_semaphore, #tpu.memory_space<semaphore_mem>>)
      } else {
      }
      %ne3A_457 = arith.constant 0 : i32
      %ne3A_458 = arith.cmpi ne, %arg0, %ne3A_457 : i32
      %convert_element_type3A_459 = arith.extui %ne3A_458 : i1 to i32
      %cond3A_460 = arith.constant 0 : i32
      %cond3A_461 = arith.cmpi ne, %convert_element_type3A_459, %cond3A_460 : i32
      scf.if %cond3A_461 {
        %dma_start3A_1292 = arith.constant 5 : i32
        %dma_start3A_1293 = arith.constant 5 : i32
        %dma_start3A_1294 = arith.constant 5 : i32
        %dma_start3A_1295 = arith.constant 0 : i32
        %dma_start3A_1296 = arith.constant 0 : i32
        %dma_start3A_1297 = tpu.memref_slice %arg9[%dma_start3A_1293, %dma_start3A_1295, %dma_start3A_1296] : memref<8x128x64xf32, #tpu.memory_space<vmem>> -> memref<1x128x64xf32, #tpu.memory_space<vmem>>
        %dma_start3A_1298 = tpu.memref_squeeze %dma_start3A_1297 : memref<1x128x64xf32, #tpu.memory_space<vmem>> -> memref<128x64xf32, #tpu.memory_space<vmem>>
        %dma_start3A_1299 = arith.constant 0 : i32
        %dma_start3A_1300 = tpu.memref_slice %arg7[%rem3A_362, %dma_start3A_1292, %dma_start3A_1299] : memref<2x16x128xi32, #tpu.memory_space<vmem>> -> memref<1x1x128xi32, #tpu.memory_space<vmem>>
        %dma_start3A_1301 = tpu.memref_squeeze %dma_start3A_1300 : memref<1x1x128xi32, #tpu.memory_space<vmem>> -> memref<128xi32, #tpu.memory_space<vmem>>
        %dma_start3A_1302 = arith.constant 0 : i32
        %dma_start3A_1303 = arith.constant 0 : i32
        %dma_start3A_1304 = tpu.memref_slice %arg3[%dma_start3A_1302, %dma_start3A_1303] : memref<10000x64xf32, #tpu.memory_space<hbm>> -> memref<10000x64xf32, #tpu.memory_space<hbm>>
        %dma_start3A_1305 = tpu.memref_slice %arg11[%dma_start3A_1294] : memref<8x!tpu.dma_semaphore, #tpu.memory_space<semaphore_mem>> -> memref<1x!tpu.dma_semaphore, #tpu.memory_space<semaphore_mem>>
        %dma_start3A_1306 = tpu.memref_squeeze %dma_start3A_1305 : memref<1x!tpu.dma_semaphore, #tpu.memory_space<semaphore_mem>> -> memref<!tpu.dma_semaphore, #tpu.memory_space<semaphore_mem>>
        tpu.enqueue_indirect_dma source(%dma_start3A_1304 : memref<10000x64xf32, #tpu.memory_space<hbm>>) target(%dma_start3A_1298 : memref<128x64xf32, #tpu.memory_space<vmem>>) offsets(%dma_start3A_1301 : memref<128xi32, #tpu.memory_space<vmem>>) semaphore(%dma_start3A_1306 : memref<!tpu.dma_semaphore, #tpu.memory_space<semaphore_mem>>)
      } else {
      }
      %dma_wait3A_462 = arith.constant 2 : i32
      %dma_wait3A_463 = arith.constant 2 : i32
      %dma_wait3A_464 = arith.constant 0 : i32
      %dma_wait3A_465 = arith.constant 0 : i32
      %dma_wait3A_466 = tpu.memref_slice %arg9[%dma_wait3A_462, %dma_wait3A_464, %dma_wait3A_465] : memref<8x128x64xf32, #tpu.memory_space<vmem>> -> memref<1x128x64xf32, #tpu.memory_space<vmem>>
      %dma_wait3A_467 = tpu.memref_squeeze %dma_wait3A_466 : memref<1x128x64xf32, #tpu.memory_space<vmem>> -> memref<128x64xf32, #tpu.memory_space<vmem>>
      %dma_wait3A_468 = arith.constant 0 : i32
      %dma_wait3A_469 = arith.constant 0 : i32
      %dma_wait3A_470 = tpu.memref_slice %arg2[%dma_wait3A_468, %dma_wait3A_469] : memref<10000x64xf32, #tpu.memory_space<hbm>> -> memref<128x64xf32, #tpu.memory_space<hbm>>
      %dma_wait3A_471 = tpu.memref_slice %arg11[%dma_wait3A_463] : memref<8x!tpu.dma_semaphore, #tpu.memory_space<semaphore_mem>> -> memref<1x!tpu.dma_semaphore, #tpu.memory_space<semaphore_mem>>
      %dma_wait3A_472 = tpu.memref_squeeze %dma_wait3A_471 : memref<1x!tpu.dma_semaphore, #tpu.memory_space<semaphore_mem>> -> memref<!tpu.dma_semaphore, #tpu.memory_space<semaphore_mem>>
      %dma_wait3A_473 = arith.constant 0 : i32
      %dma_wait3A_474 = arith.constant 0 : i32
      %dma_wait3A_475 = tpu.memref_slice %arg9[%dma_wait3A_462, %dma_wait3A_473, %dma_wait3A_474] : memref<8x128x64xf32, #tpu.memory_space<vmem>> -> memref<1x128x64xf32, #tpu.memory_space<vmem>>
      %dma_wait3A_476 = tpu.memref_squeeze %dma_wait3A_475 : memref<1x128x64xf32, #tpu.memory_space<vmem>> -> memref<128x64xf32, #tpu.memory_space<vmem>>
      %dma_wait3A_477 = arith.constant 0 : i32
      %dma_wait3A_478 = arith.constant 0 : i32
      %dma_wait3A_479 = tpu.memref_slice %arg2[%dma_wait3A_477, %dma_wait3A_478] : memref<10000x64xf32, #tpu.memory_space<hbm>> -> memref<128x64xf32, #tpu.memory_space<hbm>>
      tpu.wait_dma2 semaphore(%dma_wait3A_472 : memref<!tpu.dma_semaphore, #tpu.memory_space<semaphore_mem>>) src(%dma_wait3A_479 : memref<128x64xf32, #tpu.memory_space<hbm>>) dst(%dma_wait3A_476 : memref<128x64xf32, #tpu.memory_space<vmem>>)
      %dma_start3A_480 = arith.constant 2 : i32
      %dma_start3A_481 = arith.constant 2 : i32
      %dma_start3A_482 = arith.constant 2 : i32
      %dma_start3A_483 = arith.constant 0 : i32
      %dma_start3A_484 = arith.constant 0 : i32
      %dma_start3A_485 = tpu.memref_slice %arg9[%dma_start3A_480, %dma_start3A_483, %dma_start3A_484] : memref<8x128x64xf32, #tpu.memory_space<vmem>> -> memref<1x128x64xf32, #tpu.memory_space<vmem>>
      %dma_start3A_486 = tpu.memref_squeeze %dma_start3A_485 : memref<1x128x64xf32, #tpu.memory_space<vmem>> -> memref<128x64xf32, #tpu.memory_space<vmem>>
      %dma_start3A_487 = arith.constant 0 : i32
      %dma_start3A_488 = tpu.memref_slice %arg8[%rem3A_362, %dma_start3A_481, %dma_start3A_487] : memref<2x16x128xi32, #tpu.memory_space<vmem>> -> memref<1x1x128xi32, #tpu.memory_space<vmem>>
      %dma_start3A_489 = tpu.memref_squeeze %dma_start3A_488 : memref<1x1x128xi32, #tpu.memory_space<vmem>> -> memref<128xi32, #tpu.memory_space<vmem>>
      %dma_start3A_490 = arith.constant 0 : i32
      %dma_start3A_491 = arith.constant 0 : i32
      %dma_start3A_492 = tpu.memref_slice %arg10[%dma_start3A_490, %dma_start3A_491] : memref<10240x64xf32, #tpu.memory_space<vmem_shared>> -> memref<10240x64xf32, #tpu.memory_space<vmem_shared>>
      %dma_start3A_493 = tpu.memref_slice %arg12[%dma_start3A_482] : memref<8x!tpu.dma_semaphore, #tpu.memory_space<semaphore_mem>> -> memref<1x!tpu.dma_semaphore, #tpu.memory_space<semaphore_mem>>
      %dma_start3A_494 = tpu.memref_squeeze %dma_start3A_493 : memref<1x!tpu.dma_semaphore, #tpu.memory_space<semaphore_mem>> -> memref<!tpu.dma_semaphore, #tpu.memory_space<semaphore_mem>>
      tpu.enqueue_indirect_dma source(%dma_start3A_486 : memref<128x64xf32, #tpu.memory_space<vmem>>) target(%dma_start3A_492 : memref<10240x64xf32, #tpu.memory_space<vmem_shared>>) offsets(%dma_start3A_489 : memref<128xi32, #tpu.memory_space<vmem>>) semaphore(%dma_start3A_494 : memref<!tpu.dma_semaphore, #tpu.memory_space<semaphore_mem>>) {add = true}
      %gt3A_495 = arith.constant 0 : i32
      %gt3A_496 = arith.cmpi sgt, %scan3A_361, %gt3A_495 : i32
      %convert_element_type3A_497 = arith.extui %gt3A_496 : i1 to i32
      %cond3A_498 = arith.constant 0 : i32
      %cond3A_499 = arith.cmpi ne, %convert_element_type3A_497, %cond3A_498 : i32
      scf.if %cond3A_499 {
        %dma_wait3A_1292 = arith.constant 6 : i32
        %dma_wait3A_1293 = arith.constant 6 : i32
        %dma_wait3A_1294 = arith.constant 0 : i32
        %dma_wait3A_1295 = arith.constant 0 : i32
        %dma_wait3A_1296 = tpu.memref_slice %arg9[%dma_wait3A_1292, %dma_wait3A_1294, %dma_wait3A_1295] : memref<8x128x64xf32, #tpu.memory_space<vmem>> -> memref<1x128x64xf32, #tpu.memory_space<vmem>>
        %dma_wait3A_1297 = tpu.memref_squeeze %dma_wait3A_1296 : memref<1x128x64xf32, #tpu.memory_space<vmem>> -> memref<128x64xf32, #tpu.memory_space<vmem>>
        %dma_wait3A_1298 = arith.constant 0 : i32
        %dma_wait3A_1299 = arith.constant 0 : i32
        %dma_wait3A_1300 = tpu.memref_slice %arg10[%dma_wait3A_1298, %dma_wait3A_1299] : memref<10240x64xf32, #tpu.memory_space<vmem_shared>> -> memref<128x64xf32, #tpu.memory_space<vmem_shared>>
        %dma_wait3A_1301 = tpu.memref_slice %arg12[%dma_wait3A_1293] : memref<8x!tpu.dma_semaphore, #tpu.memory_space<semaphore_mem>> -> memref<1x!tpu.dma_semaphore, #tpu.memory_space<semaphore_mem>>
        %dma_wait3A_1302 = tpu.memref_squeeze %dma_wait3A_1301 : memref<1x!tpu.dma_semaphore, #tpu.memory_space<semaphore_mem>> -> memref<!tpu.dma_semaphore, #tpu.memory_space<semaphore_mem>>
        %dma_wait3A_1303 = arith.constant 0 : i32
        %dma_wait3A_1304 = arith.constant 0 : i32
        %dma_wait3A_1305 = tpu.memref_slice %arg10[%dma_wait3A_1303, %dma_wait3A_1304] : memref<10240x64xf32, #tpu.memory_space<vmem_shared>> -> memref<128x64xf32, #tpu.memory_space<vmem_shared>>
        %dma_wait3A_1306 = arith.constant 0 : i32
        %dma_wait3A_1307 = arith.constant 0 : i32
        %dma_wait3A_1308 = tpu.memref_slice %arg9[%dma_wait3A_1292, %dma_wait3A_1306, %dma_wait3A_1307] : memref<8x128x64xf32, #tpu.memory_space<vmem>> -> memref<1x128x64xf32, #tpu.memory_space<vmem>>
        %dma_wait3A_1309 = tpu.memref_squeeze %dma_wait3A_1308 : memref<1x128x64xf32, #tpu.memory_space<vmem>> -> memref<128x64xf32, #tpu.memory_space<vmem>>
        tpu.wait_dma2 semaphore(%dma_wait3A_1302 : memref<!tpu.dma_semaphore, #tpu.memory_space<semaphore_mem>>) src(%dma_wait3A_1309 : memref<128x64xf32, #tpu.memory_space<vmem>>) dst(%dma_wait3A_1305 : memref<128x64xf32, #tpu.memory_space<vmem_shared>>)
      } else {
      }
      %eq3A_500 = arith.constant 0 : i32
      %eq3A_501 = arith.cmpi eq, %arg0, %eq3A_500 : i32
      %convert_element_type3A_502 = arith.extui %eq3A_501 : i1 to i32
      %cond3A_503 = arith.constant 0 : i32
      %cond3A_504 = arith.cmpi ne, %convert_element_type3A_502, %cond3A_503 : i32
      scf.if %cond3A_504 {
        %dma_start3A_1292 = arith.constant 6 : i32
        %dma_start3A_1293 = arith.constant 6 : i32
        %dma_start3A_1294 = arith.constant 6 : i32
        %dma_start3A_1295 = arith.constant 0 : i32
        %dma_start3A_1296 = arith.constant 0 : i32
        %dma_start3A_1297 = tpu.memref_slice %arg9[%dma_start3A_1293, %dma_start3A_1295, %dma_start3A_1296] : memref<8x128x64xf32, #tpu.memory_space<vmem>> -> memref<1x128x64xf32, #tpu.memory_space<vmem>>
        %dma_start3A_1298 = tpu.memref_squeeze %dma_start3A_1297 : memref<1x128x64xf32, #tpu.memory_space<vmem>> -> memref<128x64xf32, #tpu.memory_space<vmem>>
        %dma_start3A_1299 = arith.constant 0 : i32
        %dma_start3A_1300 = tpu.memref_slice %arg7[%rem3A_362, %dma_start3A_1292, %dma_start3A_1299] : memref<2x16x128xi32, #tpu.memory_space<vmem>> -> memref<1x1x128xi32, #tpu.memory_space<vmem>>
        %dma_start3A_1301 = tpu.memref_squeeze %dma_start3A_1300 : memref<1x1x128xi32, #tpu.memory_space<vmem>> -> memref<128xi32, #tpu.memory_space<vmem>>
        %dma_start3A_1302 = arith.constant 0 : i32
        %dma_start3A_1303 = arith.constant 0 : i32
        %dma_start3A_1304 = tpu.memref_slice %arg2[%dma_start3A_1302, %dma_start3A_1303] : memref<10000x64xf32, #tpu.memory_space<hbm>> -> memref<10000x64xf32, #tpu.memory_space<hbm>>
        %dma_start3A_1305 = tpu.memref_slice %arg11[%dma_start3A_1294] : memref<8x!tpu.dma_semaphore, #tpu.memory_space<semaphore_mem>> -> memref<1x!tpu.dma_semaphore, #tpu.memory_space<semaphore_mem>>
        %dma_start3A_1306 = tpu.memref_squeeze %dma_start3A_1305 : memref<1x!tpu.dma_semaphore, #tpu.memory_space<semaphore_mem>> -> memref<!tpu.dma_semaphore, #tpu.memory_space<semaphore_mem>>
        tpu.enqueue_indirect_dma source(%dma_start3A_1304 : memref<10000x64xf32, #tpu.memory_space<hbm>>) target(%dma_start3A_1298 : memref<128x64xf32, #tpu.memory_space<vmem>>) offsets(%dma_start3A_1301 : memref<128xi32, #tpu.memory_space<vmem>>) semaphore(%dma_start3A_1306 : memref<!tpu.dma_semaphore, #tpu.memory_space<semaphore_mem>>)
      } else {
      }
      %ne3A_505 = arith.constant 0 : i32
      %ne3A_506 = arith.cmpi ne, %arg0, %ne3A_505 : i32
      %convert_element_type3A_507 = arith.extui %ne3A_506 : i1 to i32
      %cond3A_508 = arith.constant 0 : i32
      %cond3A_509 = arith.cmpi ne, %convert_element_type3A_507, %cond3A_508 : i32
      scf.if %cond3A_509 {
        %dma_start3A_1292 = arith.constant 6 : i32
        %dma_start3A_1293 = arith.constant 6 : i32
        %dma_start3A_1294 = arith.constant 6 : i32
        %dma_start3A_1295 = arith.constant 0 : i32
        %dma_start3A_1296 = arith.constant 0 : i32
        %dma_start3A_1297 = tpu.memref_slice %arg9[%dma_start3A_1293, %dma_start3A_1295, %dma_start3A_1296] : memref<8x128x64xf32, #tpu.memory_space<vmem>> -> memref<1x128x64xf32, #tpu.memory_space<vmem>>
        %dma_start3A_1298 = tpu.memref_squeeze %dma_start3A_1297 : memref<1x128x64xf32, #tpu.memory_space<vmem>> -> memref<128x64xf32, #tpu.memory_space<vmem>>
        %dma_start3A_1299 = arith.constant 0 : i32
        %dma_start3A_1300 = tpu.memref_slice %arg7[%rem3A_362, %dma_start3A_1292, %dma_start3A_1299] : memref<2x16x128xi32, #tpu.memory_space<vmem>> -> memref<1x1x128xi32, #tpu.memory_space<vmem>>
        %dma_start3A_1301 = tpu.memref_squeeze %dma_start3A_1300 : memref<1x1x128xi32, #tpu.memory_space<vmem>> -> memref<128xi32, #tpu.memory_space<vmem>>
        %dma_start3A_1302 = arith.constant 0 : i32
        %dma_start3A_1303 = arith.constant 0 : i32
        %dma_start3A_1304 = tpu.memref_slice %arg3[%dma_start3A_1302, %dma_start3A_1303] : memref<10000x64xf32, #tpu.memory_space<hbm>> -> memref<10000x64xf32, #tpu.memory_space<hbm>>
        %dma_start3A_1305 = tpu.memref_slice %arg11[%dma_start3A_1294] : memref<8x!tpu.dma_semaphore, #tpu.memory_space<semaphore_mem>> -> memref<1x!tpu.dma_semaphore, #tpu.memory_space<semaphore_mem>>
        %dma_start3A_1306 = tpu.memref_squeeze %dma_start3A_1305 : memref<1x!tpu.dma_semaphore, #tpu.memory_space<semaphore_mem>> -> memref<!tpu.dma_semaphore, #tpu.memory_space<semaphore_mem>>
        tpu.enqueue_indirect_dma source(%dma_start3A_1304 : memref<10000x64xf32, #tpu.memory_space<hbm>>) target(%dma_start3A_1298 : memref<128x64xf32, #tpu.memory_space<vmem>>) offsets(%dma_start3A_1301 : memref<128xi32, #tpu.memory_space<vmem>>) semaphore(%dma_start3A_1306 : memref<!tpu.dma_semaphore, #tpu.memory_space<semaphore_mem>>)
      } else {
      }
      %dma_wait3A_510 = arith.constant 3 : i32
      %dma_wait3A_511 = arith.constant 3 : i32
      %dma_wait3A_512 = arith.constant 0 : i32
      %dma_wait3A_513 = arith.constant 0 : i32
      %dma_wait3A_514 = tpu.memref_slice %arg9[%dma_wait3A_510, %dma_wait3A_512, %dma_wait3A_513] : memref<8x128x64xf32, #tpu.memory_space<vmem>> -> memref<1x128x64xf32, #tpu.memory_space<vmem>>
      %dma_wait3A_515 = tpu.memref_squeeze %dma_wait3A_514 : memref<1x128x64xf32, #tpu.memory_space<vmem>> -> memref<128x64xf32, #tpu.memory_space<vmem>>
      %dma_wait3A_516 = arith.constant 0 : i32
      %dma_wait3A_517 = arith.constant 0 : i32
      %dma_wait3A_518 = tpu.memref_slice %arg2[%dma_wait3A_516, %dma_wait3A_517] : memref<10000x64xf32, #tpu.memory_space<hbm>> -> memref<128x64xf32, #tpu.memory_space<hbm>>
      %dma_wait3A_519 = tpu.memref_slice %arg11[%dma_wait3A_511] : memref<8x!tpu.dma_semaphore, #tpu.memory_space<semaphore_mem>> -> memref<1x!tpu.dma_semaphore, #tpu.memory_space<semaphore_mem>>
      %dma_wait3A_520 = tpu.memref_squeeze %dma_wait3A_519 : memref<1x!tpu.dma_semaphore, #tpu.memory_space<semaphore_mem>> -> memref<!tpu.dma_semaphore, #tpu.memory_space<semaphore_mem>>
      %dma_wait3A_521 = arith.constant 0 : i32
      %dma_wait3A_522 = arith.constant 0 : i32
      %dma_wait3A_523 = tpu.memref_slice %arg9[%dma_wait3A_510, %dma_wait3A_521, %dma_wait3A_522] : memref<8x128x64xf32, #tpu.memory_space<vmem>> -> memref<1x128x64xf32, #tpu.memory_space<vmem>>
      %dma_wait3A_524 = tpu.memref_squeeze %dma_wait3A_523 : memref<1x128x64xf32, #tpu.memory_space<vmem>> -> memref<128x64xf32, #tpu.memory_space<vmem>>
      %dma_wait3A_525 = arith.constant 0 : i32
      %dma_wait3A_526 = arith.constant 0 : i32
      %dma_wait3A_527 = tpu.memref_slice %arg2[%dma_wait3A_525, %dma_wait3A_526] : memref<10000x64xf32, #tpu.memory_space<hbm>> -> memref<128x64xf32, #tpu.memory_space<hbm>>
      tpu.wait_dma2 semaphore(%dma_wait3A_520 : memref<!tpu.dma_semaphore, #tpu.memory_space<semaphore_mem>>) src(%dma_wait3A_527 : memref<128x64xf32, #tpu.memory_space<hbm>>) dst(%dma_wait3A_524 : memref<128x64xf32, #tpu.memory_space<vmem>>)
      %dma_start3A_528 = arith.constant 3 : i32
      %dma_start3A_529 = arith.constant 3 : i32
      %dma_start3A_530 = arith.constant 3 : i32
      %dma_start3A_531 = arith.constant 0 : i32
      %dma_start3A_532 = arith.constant 0 : i32
      %dma_start3A_533 = tpu.memref_slice %arg9[%dma_start3A_528, %dma_start3A_531, %dma_start3A_532] : memref<8x128x64xf32, #tpu.memory_space<vmem>> -> memref<1x128x64xf32, #tpu.memory_space<vmem>>
      %dma_start3A_534 = tpu.memref_squeeze %dma_start3A_533 : memref<1x128x64xf32, #tpu.memory_space<vmem>> -> memref<128x64xf32, #tpu.memory_space<vmem>>
      %dma_start3A_535 = arith.constant 0 : i32
      %dma_start3A_536 = tpu.memref_slice %arg8[%rem3A_362, %dma_start3A_529, %dma_start3A_535] : memref<2x16x128xi32, #tpu.memory_space<vmem>> -> memref<1x1x128xi32, #tpu.memory_space<vmem>>
      %dma_start3A_537 = tpu.memref_squeeze %dma_start3A_536 : memref<1x1x128xi32, #tpu.memory_space<vmem>> -> memref<128xi32, #tpu.memory_space<vmem>>
      %dma_start3A_538 = arith.constant 0 : i32
      %dma_start3A_539 = arith.constant 0 : i32
      %dma_start3A_540 = tpu.memref_slice %arg10[%dma_start3A_538, %dma_start3A_539] : memref<10240x64xf32, #tpu.memory_space<vmem_shared>> -> memref<10240x64xf32, #tpu.memory_space<vmem_shared>>
      %dma_start3A_541 = tpu.memref_slice %arg12[%dma_start3A_530] : memref<8x!tpu.dma_semaphore, #tpu.memory_space<semaphore_mem>> -> memref<1x!tpu.dma_semaphore, #tpu.memory_space<semaphore_mem>>
      %dma_start3A_542 = tpu.memref_squeeze %dma_start3A_541 : memref<1x!tpu.dma_semaphore, #tpu.memory_space<semaphore_mem>> -> memref<!tpu.dma_semaphore, #tpu.memory_space<semaphore_mem>>
      tpu.enqueue_indirect_dma source(%dma_start3A_534 : memref<128x64xf32, #tpu.memory_space<vmem>>) target(%dma_start3A_540 : memref<10240x64xf32, #tpu.memory_space<vmem_shared>>) offsets(%dma_start3A_537 : memref<128xi32, #tpu.memory_space<vmem>>) semaphore(%dma_start3A_542 : memref<!tpu.dma_semaphore, #tpu.memory_space<semaphore_mem>>) {add = true}
      %gt3A_543 = arith.constant 0 : i32
      %gt3A_544 = arith.cmpi sgt, %scan3A_361, %gt3A_543 : i32
      %convert_element_type3A_545 = arith.extui %gt3A_544 : i1 to i32
      %cond3A_546 = arith.constant 0 : i32
      %cond3A_547 = arith.cmpi ne, %convert_element_type3A_545, %cond3A_546 : i32
      scf.if %cond3A_547 {
        %dma_wait3A_1292 = arith.constant 7 : i32
        %dma_wait3A_1293 = arith.constant 7 : i32
        %dma_wait3A_1294 = arith.constant 0 : i32
        %dma_wait3A_1295 = arith.constant 0 : i32
        %dma_wait3A_1296 = tpu.memref_slice %arg9[%dma_wait3A_1292, %dma_wait3A_1294, %dma_wait3A_1295] : memref<8x128x64xf32, #tpu.memory_space<vmem>> -> memref<1x128x64xf32, #tpu.memory_space<vmem>>
        %dma_wait3A_1297 = tpu.memref_squeeze %dma_wait3A_1296 : memref<1x128x64xf32, #tpu.memory_space<vmem>> -> memref<128x64xf32, #tpu.memory_space<vmem>>
        %dma_wait3A_1298 = arith.constant 0 : i32
        %dma_wait3A_1299 = arith.constant 0 : i32
        %dma_wait3A_1300 = tpu.memref_slice %arg10[%dma_wait3A_1298, %dma_wait3A_1299] : memref<10240x64xf32, #tpu.memory_space<vmem_shared>> -> memref<128x64xf32, #tpu.memory_space<vmem_shared>>
        %dma_wait3A_1301 = tpu.memref_slice %arg12[%dma_wait3A_1293] : memref<8x!tpu.dma_semaphore, #tpu.memory_space<semaphore_mem>> -> memref<1x!tpu.dma_semaphore, #tpu.memory_space<semaphore_mem>>
        %dma_wait3A_1302 = tpu.memref_squeeze %dma_wait3A_1301 : memref<1x!tpu.dma_semaphore, #tpu.memory_space<semaphore_mem>> -> memref<!tpu.dma_semaphore, #tpu.memory_space<semaphore_mem>>
        %dma_wait3A_1303 = arith.constant 0 : i32
        %dma_wait3A_1304 = arith.constant 0 : i32
        %dma_wait3A_1305 = tpu.memref_slice %arg10[%dma_wait3A_1303, %dma_wait3A_1304] : memref<10240x64xf32, #tpu.memory_space<vmem_shared>> -> memref<128x64xf32, #tpu.memory_space<vmem_shared>>
        %dma_wait3A_1306 = arith.constant 0 : i32
        %dma_wait3A_1307 = arith.constant 0 : i32
        %dma_wait3A_1308 = tpu.memref_slice %arg9[%dma_wait3A_1292, %dma_wait3A_1306, %dma_wait3A_1307] : memref<8x128x64xf32, #tpu.memory_space<vmem>> -> memref<1x128x64xf32, #tpu.memory_space<vmem>>
        %dma_wait3A_1309 = tpu.memref_squeeze %dma_wait3A_1308 : memref<1x128x64xf32, #tpu.memory_space<vmem>> -> memref<128x64xf32, #tpu.memory_space<vmem>>
        tpu.wait_dma2 semaphore(%dma_wait3A_1302 : memref<!tpu.dma_semaphore, #tpu.memory_space<semaphore_mem>>) src(%dma_wait3A_1309 : memref<128x64xf32, #tpu.memory_space<vmem>>) dst(%dma_wait3A_1305 : memref<128x64xf32, #tpu.memory_space<vmem_shared>>)
      } else {
      }
      %eq3A_548 = arith.constant 0 : i32
      %eq3A_549 = arith.cmpi eq, %arg0, %eq3A_548 : i32
      %convert_element_type3A_550 = arith.extui %eq3A_549 : i1 to i32
      %cond3A_551 = arith.constant 0 : i32
      %cond3A_552 = arith.cmpi ne, %convert_element_type3A_550, %cond3A_551 : i32
      scf.if %cond3A_552 {
        %dma_start3A_1292 = arith.constant 7 : i32
        %dma_start3A_1293 = arith.constant 7 : i32
        %dma_start3A_1294 = arith.constant 7 : i32
        %dma_start3A_1295 = arith.constant 0 : i32
        %dma_start3A_1296 = arith.constant 0 : i32
        %dma_start3A_1297 = tpu.memref_slice %arg9[%dma_start3A_1293, %dma_start3A_1295, %dma_start3A_1296] : memref<8x128x64xf32, #tpu.memory_space<vmem>> -> memref<1x128x64xf32, #tpu.memory_space<vmem>>
        %dma_start3A_1298 = tpu.memref_squeeze %dma_start3A_1297 : memref<1x128x64xf32, #tpu.memory_space<vmem>> -> memref<128x64xf32, #tpu.memory_space<vmem>>
        %dma_start3A_1299 = arith.constant 0 : i32
        %dma_start3A_1300 = tpu.memref_slice %arg7[%rem3A_362, %dma_start3A_1292, %dma_start3A_1299] : memref<2x16x128xi32, #tpu.memory_space<vmem>> -> memref<1x1x128xi32, #tpu.memory_space<vmem>>
        %dma_start3A_1301 = tpu.memref_squeeze %dma_start3A_1300 : memref<1x1x128xi32, #tpu.memory_space<vmem>> -> memref<128xi32, #tpu.memory_space<vmem>>
        %dma_start3A_1302 = arith.constant 0 : i32
        %dma_start3A_1303 = arith.constant 0 : i32
        %dma_start3A_1304 = tpu.memref_slice %arg2[%dma_start3A_1302, %dma_start3A_1303] : memref<10000x64xf32, #tpu.memory_space<hbm>> -> memref<10000x64xf32, #tpu.memory_space<hbm>>
        %dma_start3A_1305 = tpu.memref_slice %arg11[%dma_start3A_1294] : memref<8x!tpu.dma_semaphore, #tpu.memory_space<semaphore_mem>> -> memref<1x!tpu.dma_semaphore, #tpu.memory_space<semaphore_mem>>
        %dma_start3A_1306 = tpu.memref_squeeze %dma_start3A_1305 : memref<1x!tpu.dma_semaphore, #tpu.memory_space<semaphore_mem>> -> memref<!tpu.dma_semaphore, #tpu.memory_space<semaphore_mem>>
        tpu.enqueue_indirect_dma source(%dma_start3A_1304 : memref<10000x64xf32, #tpu.memory_space<hbm>>) target(%dma_start3A_1298 : memref<128x64xf32, #tpu.memory_space<vmem>>) offsets(%dma_start3A_1301 : memref<128xi32, #tpu.memory_space<vmem>>) semaphore(%dma_start3A_1306 : memref<!tpu.dma_semaphore, #tpu.memory_space<semaphore_mem>>)
      } else {
      }
      %ne3A_553 = arith.constant 0 : i32
      %ne3A_554 = arith.cmpi ne, %arg0, %ne3A_553 : i32
      %convert_element_type3A_555 = arith.extui %ne3A_554 : i1 to i32
      %cond3A_556 = arith.constant 0 : i32
      %cond3A_557 = arith.cmpi ne, %convert_element_type3A_555, %cond3A_556 : i32
      scf.if %cond3A_557 {
        %dma_start3A_1292 = arith.constant 7 : i32
        %dma_start3A_1293 = arith.constant 7 : i32
        %dma_start3A_1294 = arith.constant 7 : i32
        %dma_start3A_1295 = arith.constant 0 : i32
        %dma_start3A_1296 = arith.constant 0 : i32
        %dma_start3A_1297 = tpu.memref_slice %arg9[%dma_start3A_1293, %dma_start3A_1295, %dma_start3A_1296] : memref<8x128x64xf32, #tpu.memory_space<vmem>> -> memref<1x128x64xf32, #tpu.memory_space<vmem>>
        %dma_start3A_1298 = tpu.memref_squeeze %dma_start3A_1297 : memref<1x128x64xf32, #tpu.memory_space<vmem>> -> memref<128x64xf32, #tpu.memory_space<vmem>>
        %dma_start3A_1299 = arith.constant 0 : i32
        %dma_start3A_1300 = tpu.memref_slice %arg7[%rem3A_362, %dma_start3A_1292, %dma_start3A_1299] : memref<2x16x128xi32, #tpu.memory_space<vmem>> -> memref<1x1x128xi32, #tpu.memory_space<vmem>>
        %dma_start3A_1301 = tpu.memref_squeeze %dma_start3A_1300 : memref<1x1x128xi32, #tpu.memory_space<vmem>> -> memref<128xi32, #tpu.memory_space<vmem>>
        %dma_start3A_1302 = arith.constant 0 : i32
        %dma_start3A_1303 = arith.constant 0 : i32
        %dma_start3A_1304 = tpu.memref_slice %arg3[%dma_start3A_1302, %dma_start3A_1303] : memref<10000x64xf32, #tpu.memory_space<hbm>> -> memref<10000x64xf32, #tpu.memory_space<hbm>>
        %dma_start3A_1305 = tpu.memref_slice %arg11[%dma_start3A_1294] : memref<8x!tpu.dma_semaphore, #tpu.memory_space<semaphore_mem>> -> memref<1x!tpu.dma_semaphore, #tpu.memory_space<semaphore_mem>>
        %dma_start3A_1306 = tpu.memref_squeeze %dma_start3A_1305 : memref<1x!tpu.dma_semaphore, #tpu.memory_space<semaphore_mem>> -> memref<!tpu.dma_semaphore, #tpu.memory_space<semaphore_mem>>
        tpu.enqueue_indirect_dma source(%dma_start3A_1304 : memref<10000x64xf32, #tpu.memory_space<hbm>>) target(%dma_start3A_1298 : memref<128x64xf32, #tpu.memory_space<vmem>>) offsets(%dma_start3A_1301 : memref<128xi32, #tpu.memory_space<vmem>>) semaphore(%dma_start3A_1306 : memref<!tpu.dma_semaphore, #tpu.memory_space<semaphore_mem>>)
      } else {
      }
      %dma_wait3A_558 = arith.constant 4 : i32
      %dma_wait3A_559 = arith.constant 4 : i32
      %dma_wait3A_560 = arith.constant 0 : i32
      %dma_wait3A_561 = arith.constant 0 : i32
      %dma_wait3A_562 = tpu.memref_slice %arg9[%dma_wait3A_558, %dma_wait3A_560, %dma_wait3A_561] : memref<8x128x64xf32, #tpu.memory_space<vmem>> -> memref<1x128x64xf32, #tpu.memory_space<vmem>>
      %dma_wait3A_563 = tpu.memref_squeeze %dma_wait3A_562 : memref<1x128x64xf32, #tpu.memory_space<vmem>> -> memref<128x64xf32, #tpu.memory_space<vmem>>
      %dma_wait3A_564 = arith.constant 0 : i32
      %dma_wait3A_565 = arith.constant 0 : i32
      %dma_wait3A_566 = tpu.memref_slice %arg2[%dma_wait3A_564, %dma_wait3A_565] : memref<10000x64xf32, #tpu.memory_space<hbm>> -> memref<128x64xf32, #tpu.memory_space<hbm>>
      %dma_wait3A_567 = tpu.memref_slice %arg11[%dma_wait3A_559] : memref<8x!tpu.dma_semaphore, #tpu.memory_space<semaphore_mem>> -> memref<1x!tpu.dma_semaphore, #tpu.memory_space<semaphore_mem>>
      %dma_wait3A_568 = tpu.memref_squeeze %dma_wait3A_567 : memref<1x!tpu.dma_semaphore, #tpu.memory_space<semaphore_mem>> -> memref<!tpu.dma_semaphore, #tpu.memory_space<semaphore_mem>>
      %dma_wait3A_569 = arith.constant 0 : i32
      %dma_wait3A_570 = arith.constant 0 : i32
      %dma_wait3A_571 = tpu.memref_slice %arg9[%dma_wait3A_558, %dma_wait3A_569, %dma_wait3A_570] : memref<8x128x64xf32, #tpu.memory_space<vmem>> -> memref<1x128x64xf32, #tpu.memory_space<vmem>>
      %dma_wait3A_572 = tpu.memref_squeeze %dma_wait3A_571 : memref<1x128x64xf32, #tpu.memory_space<vmem>> -> memref<128x64xf32, #tpu.memory_space<vmem>>
      %dma_wait3A_573 = arith.constant 0 : i32
      %dma_wait3A_574 = arith.constant 0 : i32
      %dma_wait3A_575 = tpu.memref_slice %arg2[%dma_wait3A_573, %dma_wait3A_574] : memref<10000x64xf32, #tpu.memory_space<hbm>> -> memref<128x64xf32, #tpu.memory_space<hbm>>
      tpu.wait_dma2 semaphore(%dma_wait3A_568 : memref<!tpu.dma_semaphore, #tpu.memory_space<semaphore_mem>>) src(%dma_wait3A_575 : memref<128x64xf32, #tpu.memory_space<hbm>>) dst(%dma_wait3A_572 : memref<128x64xf32, #tpu.memory_space<vmem>>)
      %dma_start3A_576 = arith.constant 4 : i32
      %dma_start3A_577 = arith.constant 4 : i32
      %dma_start3A_578 = arith.constant 4 : i32
      %dma_start3A_579 = arith.constant 0 : i32
      %dma_start3A_580 = arith.constant 0 : i32
      %dma_start3A_581 = tpu.memref_slice %arg9[%dma_start3A_576, %dma_start3A_579, %dma_start3A_580] : memref<8x128x64xf32, #tpu.memory_space<vmem>> -> memref<1x128x64xf32, #tpu.memory_space<vmem>>
      %dma_start3A_582 = tpu.memref_squeeze %dma_start3A_581 : memref<1x128x64xf32, #tpu.memory_space<vmem>> -> memref<128x64xf32, #tpu.memory_space<vmem>>
      %dma_start3A_583 = arith.constant 0 : i32
      %dma_start3A_584 = tpu.memref_slice %arg8[%rem3A_362, %dma_start3A_577, %dma_start3A_583] : memref<2x16x128xi32, #tpu.memory_space<vmem>> -> memref<1x1x128xi32, #tpu.memory_space<vmem>>
      %dma_start3A_585 = tpu.memref_squeeze %dma_start3A_584 : memref<1x1x128xi32, #tpu.memory_space<vmem>> -> memref<128xi32, #tpu.memory_space<vmem>>
      %dma_start3A_586 = arith.constant 0 : i32
      %dma_start3A_587 = arith.constant 0 : i32
      %dma_start3A_588 = tpu.memref_slice %arg10[%dma_start3A_586, %dma_start3A_587] : memref<10240x64xf32, #tpu.memory_space<vmem_shared>> -> memref<10240x64xf32, #tpu.memory_space<vmem_shared>>
      %dma_start3A_589 = tpu.memref_slice %arg12[%dma_start3A_578] : memref<8x!tpu.dma_semaphore, #tpu.memory_space<semaphore_mem>> -> memref<1x!tpu.dma_semaphore, #tpu.memory_space<semaphore_mem>>
      %dma_start3A_590 = tpu.memref_squeeze %dma_start3A_589 : memref<1x!tpu.dma_semaphore, #tpu.memory_space<semaphore_mem>> -> memref<!tpu.dma_semaphore, #tpu.memory_space<semaphore_mem>>
      tpu.enqueue_indirect_dma source(%dma_start3A_582 : memref<128x64xf32, #tpu.memory_space<vmem>>) target(%dma_start3A_588 : memref<10240x64xf32, #tpu.memory_space<vmem_shared>>) offsets(%dma_start3A_585 : memref<128xi32, #tpu.memory_space<vmem>>) semaphore(%dma_start3A_590 : memref<!tpu.dma_semaphore, #tpu.memory_space<semaphore_mem>>) {add = true}
      %add3A_591 = arith.constant 1 : i32
      %add3A_592 = arith.addi %scan3A_361, %add3A_591 : i32
      %lt3A_593 = arith.constant 10 : i32
      %lt3A_594 = arith.cmpi slt, %add3A_592, %lt3A_593 : i32
      %convert_element_type3A_595 = arith.extui %lt3A_594 : i1 to i32
      %cond3A_596 = arith.constant 0 : i32
      %cond3A_597 = arith.cmpi ne, %convert_element_type3A_595, %cond3A_596 : i32
      scf.if %cond3A_597 {
        %add3A_1292 = arith.constant 1 : i32
        %add3A_1293 = arith.addi %scan3A_361, %add3A_1292 : i32
        %mul3A_1294 = arith.constant 160 : i32
        %mul3A_1295 = arith.muli %arg1, %mul3A_1294 : i32
        %mul3A_1296 = arith.constant 16 : i32
        %mul3A_1297 = arith.muli %add3A_1293, %mul3A_1296 : i32
        %add3A_1298 = arith.addi %mul3A_1295, %mul3A_1297 : i32
        %dma_start3A_1299 = arith.constant 0 : i32
        %dma_start3A_1300 = arith.constant 0 : i32
        %dma_start3A_1301 = tpu.memref_slice %arg7[%rem3A_366, %dma_start3A_1299, %dma_start3A_1300] : memref<2x16x128xi32, #tpu.memory_space<vmem>> -> memref<1x16x128xi32, #tpu.memory_space<vmem>>
        %dma_start3A_1302 = tpu.memref_squeeze %dma_start3A_1301 : memref<1x16x128xi32, #tpu.memory_space<vmem>> -> memref<16x128xi32, #tpu.memory_space<vmem>>
        %dma_start3A_1303 = arith.constant 0 : i32
        %dma_start3A_1304 = tpu.memref_slice %arg4[%add3A_1298, %dma_start3A_1303] : memref<2560x128xi32, #tpu.memory_space<hbm>> -> memref<16x128xi32, #tpu.memory_space<hbm>>
        %dma_start3A_1305 = tpu.memref_slice %arg13[%rem3A_366] : memref<2x!tpu.dma_semaphore, #tpu.memory_space<semaphore_mem>> -> memref<1x!tpu.dma_semaphore, #tpu.memory_space<semaphore_mem>>
        %dma_start3A_1306 = tpu.memref_squeeze %dma_start3A_1305 : memref<1x!tpu.dma_semaphore, #tpu.memory_space<semaphore_mem>> -> memref<!tpu.dma_semaphore, #tpu.memory_space<semaphore_mem>>
        %dma_start3A_1307 = arith.constant 0 : i32
        %dma_start3A_1308 = arith.constant 0 : i32
        %dma_start3A_1309 = tpu.memref_slice %arg7[%rem3A_366, %dma_start3A_1307, %dma_start3A_1308] : memref<2x16x128xi32, #tpu.memory_space<vmem>> -> memref<1x16x128xi32, #tpu.memory_space<vmem>>
        %dma_start3A_1310 = tpu.memref_squeeze %dma_start3A_1309 : memref<1x16x128xi32, #tpu.memory_space<vmem>> -> memref<16x128xi32, #tpu.memory_space<vmem>>
        %dma_start3A_1311 = arith.constant 0 : i32
        %dma_start3A_1312 = tpu.memref_slice %arg4[%add3A_1298, %dma_start3A_1311] : memref<2560x128xi32, #tpu.memory_space<hbm>> -> memref<16x128xi32, #tpu.memory_space<hbm>>
        tpu.enqueue_dma source(%dma_start3A_1312 : memref<16x128xi32, #tpu.memory_space<hbm>>) target(%dma_start3A_1310 : memref<16x128xi32, #tpu.memory_space<vmem>>) target_semaphore(%dma_start3A_1306 : memref<!tpu.dma_semaphore, #tpu.memory_space<semaphore_mem>>)
        %mul3A_1313 = arith.constant 160 : i32
        %mul3A_1314 = arith.muli %arg1, %mul3A_1313 : i32
        %mul3A_1315 = arith.constant 16 : i32
        %mul3A_1316 = arith.muli %add3A_1293, %mul3A_1315 : i32
        %add3A_1317 = arith.addi %mul3A_1314, %mul3A_1316 : i32
        %dma_start3A_1318 = arith.constant 0 : i32
        %dma_start3A_1319 = arith.constant 0 : i32
        %dma_start3A_1320 = tpu.memref_slice %arg8[%rem3A_366, %dma_start3A_1318, %dma_start3A_1319] : memref<2x16x128xi32, #tpu.memory_space<vmem>> -> memref<1x16x128xi32, #tpu.memory_space<vmem>>
        %dma_start3A_1321 = tpu.memref_squeeze %dma_start3A_1320 : memref<1x16x128xi32, #tpu.memory_space<vmem>> -> memref<16x128xi32, #tpu.memory_space<vmem>>
        %dma_start3A_1322 = arith.constant 0 : i32
        %dma_start3A_1323 = tpu.memref_slice %arg5[%add3A_1317, %dma_start3A_1322] : memref<2560x128xi32, #tpu.memory_space<hbm>> -> memref<16x128xi32, #tpu.memory_space<hbm>>
        %dma_start3A_1324 = tpu.memref_slice %arg13[%rem3A_366] : memref<2x!tpu.dma_semaphore, #tpu.memory_space<semaphore_mem>> -> memref<1x!tpu.dma_semaphore, #tpu.memory_space<semaphore_mem>>
        %dma_start3A_1325 = tpu.memref_squeeze %dma_start3A_1324 : memref<1x!tpu.dma_semaphore, #tpu.memory_space<semaphore_mem>> -> memref<!tpu.dma_semaphore, #tpu.memory_space<semaphore_mem>>
        %dma_start3A_1326 = arith.constant 0 : i32
        %dma_start3A_1327 = arith.constant 0 : i32
        %dma_start3A_1328 = tpu.memref_slice %arg8[%rem3A_366, %dma_start3A_1326, %dma_start3A_1327] : memref<2x16x128xi32, #tpu.memory_space<vmem>> -> memref<1x16x128xi32, #tpu.memory_space<vmem>>
        %dma_start3A_1329 = tpu.memref_squeeze %dma_start3A_1328 : memref<1x16x128xi32, #tpu.memory_space<vmem>> -> memref<16x128xi32, #tpu.memory_space<vmem>>
        %dma_start3A_1330 = arith.constant 0 : i32
        %dma_start3A_1331 = tpu.memref_slice %arg5[%add3A_1317, %dma_start3A_1330] : memref<2560x128xi32, #tpu.memory_space<hbm>> -> memref<16x128xi32, #tpu.memory_space<hbm>>
        tpu.enqueue_dma source(%dma_start3A_1331 : memref<16x128xi32, #tpu.memory_space<hbm>>) target(%dma_start3A_1329 : memref<16x128xi32, #tpu.memory_space<vmem>>) target_semaphore(%dma_start3A_1325 : memref<!tpu.dma_semaphore, #tpu.memory_space<semaphore_mem>>)
      } else {
      }
      %dma_wait3A_598 = arith.constant 0 : i32
      %dma_wait3A_599 = arith.constant 0 : i32
      %dma_wait3A_600 = arith.constant 0 : i32
      %dma_wait3A_601 = arith.constant 0 : i32
      %dma_wait3A_602 = tpu.memref_slice %arg9[%dma_wait3A_598, %dma_wait3A_600, %dma_wait3A_601] : memref<8x128x64xf32, #tpu.memory_space<vmem>> -> memref<1x128x64xf32, #tpu.memory_space<vmem>>
      %dma_wait3A_603 = tpu.memref_squeeze %dma_wait3A_602 : memref<1x128x64xf32, #tpu.memory_space<vmem>> -> memref<128x64xf32, #tpu.memory_space<vmem>>
      %dma_wait3A_604 = arith.constant 0 : i32
      %dma_wait3A_605 = arith.constant 0 : i32
      %dma_wait3A_606 = tpu.memref_slice %arg10[%dma_wait3A_604, %dma_wait3A_605] : memref<10240x64xf32, #tpu.memory_space<vmem_shared>> -> memref<128x64xf32, #tpu.memory_space<vmem_shared>>
      %dma_wait3A_607 = tpu.memref_slice %arg12[%dma_wait3A_599] : memref<8x!tpu.dma_semaphore, #tpu.memory_space<semaphore_mem>> -> memref<1x!tpu.dma_semaphore, #tpu.memory_space<semaphore_mem>>
      %dma_wait3A_608 = tpu.memref_squeeze %dma_wait3A_607 : memref<1x!tpu.dma_semaphore, #tpu.memory_space<semaphore_mem>> -> memref<!tpu.dma_semaphore, #tpu.memory_space<semaphore_mem>>
      %dma_wait3A_609 = arith.constant 0 : i32
      %dma_wait3A_610 = arith.constant 0 : i32
      %dma_wait3A_611 = tpu.memref_slice %arg10[%dma_wait3A_609, %dma_wait3A_610] : memref<10240x64xf32, #tpu.memory_space<vmem_shared>> -> memref<128x64xf32, #tpu.memory_space<vmem_shared>>
      %dma_wait3A_612 = arith.constant 0 : i32
      %dma_wait3A_613 = arith.constant 0 : i32
      %dma_wait3A_614 = tpu.memref_slice %arg9[%dma_wait3A_598, %dma_wait3A_612, %dma_wait3A_613] : memref<8x128x64xf32, #tpu.memory_space<vmem>> -> memref<1x128x64xf32, #tpu.memory_space<vmem>>
      %dma_wait3A_615 = tpu.memref_squeeze %dma_wait3A_614 : memref<1x128x64xf32, #tpu.memory_space<vmem>> -> memref<128x64xf32, #tpu.memory_space<vmem>>
      tpu.wait_dma2 semaphore(%dma_wait3A_608 : memref<!tpu.dma_semaphore, #tpu.memory_space<semaphore_mem>>) src(%dma_wait3A_615 : memref<128x64xf32, #tpu.memory_space<vmem>>) dst(%dma_wait3A_611 : memref<128x64xf32, #tpu.memory_space<vmem_shared>>)
      %eq3A_616 = arith.constant 0 : i32
      %eq3A_617 = arith.cmpi eq, %arg0, %eq3A_616 : i32
      %convert_element_type3A_618 = arith.extui %eq3A_617 : i1 to i32
      %cond3A_619 = arith.constant 0 : i32
      %cond3A_620 = arith.cmpi ne, %convert_element_type3A_618, %cond3A_619 : i32
      scf.if %cond3A_620 {
        %dma_start3A_1292 = arith.constant 8 : i32
        %dma_start3A_1293 = arith.constant 0 : i32
        %dma_start3A_1294 = arith.constant 0 : i32
        %dma_start3A_1295 = arith.constant 0 : i32
        %dma_start3A_1296 = arith.constant 0 : i32
        %dma_start3A_1297 = tpu.memref_slice %arg9[%dma_start3A_1293, %dma_start3A_1295, %dma_start3A_1296] : memref<8x128x64xf32, #tpu.memory_space<vmem>> -> memref<1x128x64xf32, #tpu.memory_space<vmem>>
        %dma_start3A_1298 = tpu.memref_squeeze %dma_start3A_1297 : memref<1x128x64xf32, #tpu.memory_space<vmem>> -> memref<128x64xf32, #tpu.memory_space<vmem>>
        %dma_start3A_1299 = arith.constant 0 : i32
        %dma_start3A_1300 = tpu.memref_slice %arg7[%rem3A_362, %dma_start3A_1292, %dma_start3A_1299] : memref<2x16x128xi32, #tpu.memory_space<vmem>> -> memref<1x1x128xi32, #tpu.memory_space<vmem>>
        %dma_start3A_1301 = tpu.memref_squeeze %dma_start3A_1300 : memref<1x1x128xi32, #tpu.memory_space<vmem>> -> memref<128xi32, #tpu.memory_space<vmem>>
        %dma_start3A_1302 = arith.constant 0 : i32
        %dma_start3A_1303 = arith.constant 0 : i32
        %dma_start3A_1304 = tpu.memref_slice %arg2[%dma_start3A_1302, %dma_start3A_1303] : memref<10000x64xf32, #tpu.memory_space<hbm>> -> memref<10000x64xf32, #tpu.memory_space<hbm>>
        %dma_start3A_1305 = tpu.memref_slice %arg11[%dma_start3A_1294] : memref<8x!tpu.dma_semaphore, #tpu.memory_space<semaphore_mem>> -> memref<1x!tpu.dma_semaphore, #tpu.memory_space<semaphore_mem>>
        %dma_start3A_1306 = tpu.memref_squeeze %dma_start3A_1305 : memref<1x!tpu.dma_semaphore, #tpu.memory_space<semaphore_mem>> -> memref<!tpu.dma_semaphore, #tpu.memory_space<semaphore_mem>>
        tpu.enqueue_indirect_dma source(%dma_start3A_1304 : memref<10000x64xf32, #tpu.memory_space<hbm>>) target(%dma_start3A_1298 : memref<128x64xf32, #tpu.memory_space<vmem>>) offsets(%dma_start3A_1301 : memref<128xi32, #tpu.memory_space<vmem>>) semaphore(%dma_start3A_1306 : memref<!tpu.dma_semaphore, #tpu.memory_space<semaphore_mem>>)
      } else {
      }
      %ne3A_621 = arith.constant 0 : i32
      %ne3A_622 = arith.cmpi ne, %arg0, %ne3A_621 : i32
      %convert_element_type3A_623 = arith.extui %ne3A_622 : i1 to i32
      %cond3A_624 = arith.constant 0 : i32
      %cond3A_625 = arith.cmpi ne, %convert_element_type3A_623, %cond3A_624 : i32
      scf.if %cond3A_625 {
        %dma_start3A_1292 = arith.constant 8 : i32
        %dma_start3A_1293 = arith.constant 0 : i32
        %dma_start3A_1294 = arith.constant 0 : i32
        %dma_start3A_1295 = arith.constant 0 : i32
        %dma_start3A_1296 = arith.constant 0 : i32
        %dma_start3A_1297 = tpu.memref_slice %arg9[%dma_start3A_1293, %dma_start3A_1295, %dma_start3A_1296] : memref<8x128x64xf32, #tpu.memory_space<vmem>> -> memref<1x128x64xf32, #tpu.memory_space<vmem>>
        %dma_start3A_1298 = tpu.memref_squeeze %dma_start3A_1297 : memref<1x128x64xf32, #tpu.memory_space<vmem>> -> memref<128x64xf32, #tpu.memory_space<vmem>>
        %dma_start3A_1299 = arith.constant 0 : i32
        %dma_start3A_1300 = tpu.memref_slice %arg7[%rem3A_362, %dma_start3A_1292, %dma_start3A_1299] : memref<2x16x128xi32, #tpu.memory_space<vmem>> -> memref<1x1x128xi32, #tpu.memory_space<vmem>>
        %dma_start3A_1301 = tpu.memref_squeeze %dma_start3A_1300 : memref<1x1x128xi32, #tpu.memory_space<vmem>> -> memref<128xi32, #tpu.memory_space<vmem>>
        %dma_start3A_1302 = arith.constant 0 : i32
        %dma_start3A_1303 = arith.constant 0 : i32
        %dma_start3A_1304 = tpu.memref_slice %arg3[%dma_start3A_1302, %dma_start3A_1303] : memref<10000x64xf32, #tpu.memory_space<hbm>> -> memref<10000x64xf32, #tpu.memory_space<hbm>>
        %dma_start3A_1305 = tpu.memref_slice %arg11[%dma_start3A_1294] : memref<8x!tpu.dma_semaphore, #tpu.memory_space<semaphore_mem>> -> memref<1x!tpu.dma_semaphore, #tpu.memory_space<semaphore_mem>>
        %dma_start3A_1306 = tpu.memref_squeeze %dma_start3A_1305 : memref<1x!tpu.dma_semaphore, #tpu.memory_space<semaphore_mem>> -> memref<!tpu.dma_semaphore, #tpu.memory_space<semaphore_mem>>
        tpu.enqueue_indirect_dma source(%dma_start3A_1304 : memref<10000x64xf32, #tpu.memory_space<hbm>>) target(%dma_start3A_1298 : memref<128x64xf32, #tpu.memory_space<vmem>>) offsets(%dma_start3A_1301 : memref<128xi32, #tpu.memory_space<vmem>>) semaphore(%dma_start3A_1306 : memref<!tpu.dma_semaphore, #tpu.memory_space<semaphore_mem>>)
      } else {
      }
      %dma_wait3A_626 = arith.constant 5 : i32
      %dma_wait3A_627 = arith.constant 5 : i32
      %dma_wait3A_628 = arith.constant 0 : i32
      %dma_wait3A_629 = arith.constant 0 : i32
      %dma_wait3A_630 = tpu.memref_slice %arg9[%dma_wait3A_626, %dma_wait3A_628, %dma_wait3A_629] : memref<8x128x64xf32, #tpu.memory_space<vmem>> -> memref<1x128x64xf32, #tpu.memory_space<vmem>>
      %dma_wait3A_631 = tpu.memref_squeeze %dma_wait3A_630 : memref<1x128x64xf32, #tpu.memory_space<vmem>> -> memref<128x64xf32, #tpu.memory_space<vmem>>
      %dma_wait3A_632 = arith.constant 0 : i32
      %dma_wait3A_633 = arith.constant 0 : i32
      %dma_wait3A_634 = tpu.memref_slice %arg2[%dma_wait3A_632, %dma_wait3A_633] : memref<10000x64xf32, #tpu.memory_space<hbm>> -> memref<128x64xf32, #tpu.memory_space<hbm>>
      %dma_wait3A_635 = tpu.memref_slice %arg11[%dma_wait3A_627] : memref<8x!tpu.dma_semaphore, #tpu.memory_space<semaphore_mem>> -> memref<1x!tpu.dma_semaphore, #tpu.memory_space<semaphore_mem>>
      %dma_wait3A_636 = tpu.memref_squeeze %dma_wait3A_635 : memref<1x!tpu.dma_semaphore, #tpu.memory_space<semaphore_mem>> -> memref<!tpu.dma_semaphore, #tpu.memory_space<semaphore_mem>>
      %dma_wait3A_637 = arith.constant 0 : i32
      %dma_wait3A_638 = arith.constant 0 : i32
      %dma_wait3A_639 = tpu.memref_slice %arg9[%dma_wait3A_626, %dma_wait3A_637, %dma_wait3A_638] : memref<8x128x64xf32, #tpu.memory_space<vmem>> -> memref<1x128x64xf32, #tpu.memory_space<vmem>>
      %dma_wait3A_640 = tpu.memref_squeeze %dma_wait3A_639 : memref<1x128x64xf32, #tpu.memory_space<vmem>> -> memref<128x64xf32, #tpu.memory_space<vmem>>
      %dma_wait3A_641 = arith.constant 0 : i32
      %dma_wait3A_642 = arith.constant 0 : i32
      %dma_wait3A_643 = tpu.memref_slice %arg2[%dma_wait3A_641, %dma_wait3A_642] : memref<10000x64xf32, #tpu.memory_space<hbm>> -> memref<128x64xf32, #tpu.memory_space<hbm>>
      tpu.wait_dma2 semaphore(%dma_wait3A_636 : memref<!tpu.dma_semaphore, #tpu.memory_space<semaphore_mem>>) src(%dma_wait3A_643 : memref<128x64xf32, #tpu.memory_space<hbm>>) dst(%dma_wait3A_640 : memref<128x64xf32, #tpu.memory_space<vmem>>)
      %dma_start3A_644 = arith.constant 5 : i32
      %dma_start3A_645 = arith.constant 5 : i32
      %dma_start3A_646 = arith.constant 5 : i32
      %dma_start3A_647 = arith.constant 0 : i32
      %dma_start3A_648 = arith.constant 0 : i32
      %dma_start3A_649 = tpu.memref_slice %arg9[%dma_start3A_644, %dma_start3A_647, %dma_start3A_648] : memref<8x128x64xf32, #tpu.memory_space<vmem>> -> memref<1x128x64xf32, #tpu.memory_space<vmem>>
      %dma_start3A_650 = tpu.memref_squeeze %dma_start3A_649 : memref<1x128x64xf32, #tpu.memory_space<vmem>> -> memref<128x64xf32, #tpu.memory_space<vmem>>
      %dma_start3A_651 = arith.constant 0 : i32
      %dma_start3A_652 = tpu.memref_slice %arg8[%rem3A_362, %dma_start3A_645, %dma_start3A_651] : memref<2x16x128xi32, #tpu.memory_space<vmem>> -> memref<1x1x128xi32, #tpu.memory_space<vmem>>
      %dma_start3A_653 = tpu.memref_squeeze %dma_start3A_652 : memref<1x1x128xi32, #tpu.memory_space<vmem>> -> memref<128xi32, #tpu.memory_space<vmem>>
      %dma_start3A_654 = arith.constant 0 : i32
      %dma_start3A_655 = arith.constant 0 : i32
      %dma_start3A_656 = tpu.memref_slice %arg10[%dma_start3A_654, %dma_start3A_655] : memref<10240x64xf32, #tpu.memory_space<vmem_shared>> -> memref<10240x64xf32, #tpu.memory_space<vmem_shared>>
      %dma_start3A_657 = tpu.memref_slice %arg12[%dma_start3A_646] : memref<8x!tpu.dma_semaphore, #tpu.memory_space<semaphore_mem>> -> memref<1x!tpu.dma_semaphore, #tpu.memory_space<semaphore_mem>>
      %dma_start3A_658 = tpu.memref_squeeze %dma_start3A_657 : memref<1x!tpu.dma_semaphore, #tpu.memory_space<semaphore_mem>> -> memref<!tpu.dma_semaphore, #tpu.memory_space<semaphore_mem>>
      tpu.enqueue_indirect_dma source(%dma_start3A_650 : memref<128x64xf32, #tpu.memory_space<vmem>>) target(%dma_start3A_656 : memref<10240x64xf32, #tpu.memory_space<vmem_shared>>) offsets(%dma_start3A_653 : memref<128xi32, #tpu.memory_space<vmem>>) semaphore(%dma_start3A_658 : memref<!tpu.dma_semaphore, #tpu.memory_space<semaphore_mem>>) {add = true}
      %dma_wait3A_659 = arith.constant 1 : i32
      %dma_wait3A_660 = arith.constant 1 : i32
      %dma_wait3A_661 = arith.constant 0 : i32
      %dma_wait3A_662 = arith.constant 0 : i32
      %dma_wait3A_663 = tpu.memref_slice %arg9[%dma_wait3A_659, %dma_wait3A_661, %dma_wait3A_662] : memref<8x128x64xf32, #tpu.memory_space<vmem>> -> memref<1x128x64xf32, #tpu.memory_space<vmem>>
      %dma_wait3A_664 = tpu.memref_squeeze %dma_wait3A_663 : memref<1x128x64xf32, #tpu.memory_space<vmem>> -> memref<128x64xf32, #tpu.memory_space<vmem>>
      %dma_wait3A_665 = arith.constant 0 : i32
      %dma_wait3A_666 = arith.constant 0 : i32
      %dma_wait3A_667 = tpu.memref_slice %arg10[%dma_wait3A_665, %dma_wait3A_666] : memref<10240x64xf32, #tpu.memory_space<vmem_shared>> -> memref<128x64xf32, #tpu.memory_space<vmem_shared>>
      %dma_wait3A_668 = tpu.memref_slice %arg12[%dma_wait3A_660] : memref<8x!tpu.dma_semaphore, #tpu.memory_space<semaphore_mem>> -> memref<1x!tpu.dma_semaphore, #tpu.memory_space<semaphore_mem>>
      %dma_wait3A_669 = tpu.memref_squeeze %dma_wait3A_668 : memref<1x!tpu.dma_semaphore, #tpu.memory_space<semaphore_mem>> -> memref<!tpu.dma_semaphore, #tpu.memory_space<semaphore_mem>>
      %dma_wait3A_670 = arith.constant 0 : i32
      %dma_wait3A_671 = arith.constant 0 : i32
      %dma_wait3A_672 = tpu.memref_slice %arg10[%dma_wait3A_670, %dma_wait3A_671] : memref<10240x64xf32, #tpu.memory_space<vmem_shared>> -> memref<128x64xf32, #tpu.memory_space<vmem_shared>>
      %dma_wait3A_673 = arith.constant 0 : i32
      %dma_wait3A_674 = arith.constant 0 : i32
      %dma_wait3A_675 = tpu.memref_slice %arg9[%dma_wait3A_659, %dma_wait3A_673, %dma_wait3A_674] : memref<8x128x64xf32, #tpu.memory_space<vmem>> -> memref<1x128x64xf32, #tpu.memory_space<vmem>>
      %dma_wait3A_676 = tpu.memref_squeeze %dma_wait3A_675 : memref<1x128x64xf32, #tpu.memory_space<vmem>> -> memref<128x64xf32, #tpu.memory_space<vmem>>
      tpu.wait_dma2 semaphore(%dma_wait3A_669 : memref<!tpu.dma_semaphore, #tpu.memory_space<semaphore_mem>>) src(%dma_wait3A_676 : memref<128x64xf32, #tpu.memory_space<vmem>>) dst(%dma_wait3A_672 : memref<128x64xf32, #tpu.memory_space<vmem_shared>>)
      %eq3A_677 = arith.constant 0 : i32
      %eq3A_678 = arith.cmpi eq, %arg0, %eq3A_677 : i32
      %convert_element_type3A_679 = arith.extui %eq3A_678 : i1 to i32
      %cond3A_680 = arith.constant 0 : i32
      %cond3A_681 = arith.cmpi ne, %convert_element_type3A_679, %cond3A_680 : i32
      scf.if %cond3A_681 {
        %dma_start3A_1292 = arith.constant 9 : i32
        %dma_start3A_1293 = arith.constant 1 : i32
        %dma_start3A_1294 = arith.constant 1 : i32
        %dma_start3A_1295 = arith.constant 0 : i32
        %dma_start3A_1296 = arith.constant 0 : i32
        %dma_start3A_1297 = tpu.memref_slice %arg9[%dma_start3A_1293, %dma_start3A_1295, %dma_start3A_1296] : memref<8x128x64xf32, #tpu.memory_space<vmem>> -> memref<1x128x64xf32, #tpu.memory_space<vmem>>
        %dma_start3A_1298 = tpu.memref_squeeze %dma_start3A_1297 : memref<1x128x64xf32, #tpu.memory_space<vmem>> -> memref<128x64xf32, #tpu.memory_space<vmem>>
        %dma_start3A_1299 = arith.constant 0 : i32
        %dma_start3A_1300 = tpu.memref_slice %arg7[%rem3A_362, %dma_start3A_1292, %dma_start3A_1299] : memref<2x16x128xi32, #tpu.memory_space<vmem>> -> memref<1x1x128xi32, #tpu.memory_space<vmem>>
        %dma_start3A_1301 = tpu.memref_squeeze %dma_start3A_1300 : memref<1x1x128xi32, #tpu.memory_space<vmem>> -> memref<128xi32, #tpu.memory_space<vmem>>
        %dma_start3A_1302 = arith.constant 0 : i32
        %dma_start3A_1303 = arith.constant 0 : i32
        %dma_start3A_1304 = tpu.memref_slice %arg2[%dma_start3A_1302, %dma_start3A_1303] : memref<10000x64xf32, #tpu.memory_space<hbm>> -> memref<10000x64xf32, #tpu.memory_space<hbm>>
        %dma_start3A_1305 = tpu.memref_slice %arg11[%dma_start3A_1294] : memref<8x!tpu.dma_semaphore, #tpu.memory_space<semaphore_mem>> -> memref<1x!tpu.dma_semaphore, #tpu.memory_space<semaphore_mem>>
        %dma_start3A_1306 = tpu.memref_squeeze %dma_start3A_1305 : memref<1x!tpu.dma_semaphore, #tpu.memory_space<semaphore_mem>> -> memref<!tpu.dma_semaphore, #tpu.memory_space<semaphore_mem>>
        tpu.enqueue_indirect_dma source(%dma_start3A_1304 : memref<10000x64xf32, #tpu.memory_space<hbm>>) target(%dma_start3A_1298 : memref<128x64xf32, #tpu.memory_space<vmem>>) offsets(%dma_start3A_1301 : memref<128xi32, #tpu.memory_space<vmem>>) semaphore(%dma_start3A_1306 : memref<!tpu.dma_semaphore, #tpu.memory_space<semaphore_mem>>)
      } else {
      }
      %ne3A_682 = arith.constant 0 : i32
      %ne3A_683 = arith.cmpi ne, %arg0, %ne3A_682 : i32
      %convert_element_type3A_684 = arith.extui %ne3A_683 : i1 to i32
      %cond3A_685 = arith.constant 0 : i32
      %cond3A_686 = arith.cmpi ne, %convert_element_type3A_684, %cond3A_685 : i32
      scf.if %cond3A_686 {
        %dma_start3A_1292 = arith.constant 9 : i32
        %dma_start3A_1293 = arith.constant 1 : i32
        %dma_start3A_1294 = arith.constant 1 : i32
        %dma_start3A_1295 = arith.constant 0 : i32
        %dma_start3A_1296 = arith.constant 0 : i32
        %dma_start3A_1297 = tpu.memref_slice %arg9[%dma_start3A_1293, %dma_start3A_1295, %dma_start3A_1296] : memref<8x128x64xf32, #tpu.memory_space<vmem>> -> memref<1x128x64xf32, #tpu.memory_space<vmem>>
        %dma_start3A_1298 = tpu.memref_squeeze %dma_start3A_1297 : memref<1x128x64xf32, #tpu.memory_space<vmem>> -> memref<128x64xf32, #tpu.memory_space<vmem>>
        %dma_start3A_1299 = arith.constant 0 : i32
        %dma_start3A_1300 = tpu.memref_slice %arg7[%rem3A_362, %dma_start3A_1292, %dma_start3A_1299] : memref<2x16x128xi32, #tpu.memory_space<vmem>> -> memref<1x1x128xi32, #tpu.memory_space<vmem>>
        %dma_start3A_1301 = tpu.memref_squeeze %dma_start3A_1300 : memref<1x1x128xi32, #tpu.memory_space<vmem>> -> memref<128xi32, #tpu.memory_space<vmem>>
        %dma_start3A_1302 = arith.constant 0 : i32
        %dma_start3A_1303 = arith.constant 0 : i32
        %dma_start3A_1304 = tpu.memref_slice %arg3[%dma_start3A_1302, %dma_start3A_1303] : memref<10000x64xf32, #tpu.memory_space<hbm>> -> memref<10000x64xf32, #tpu.memory_space<hbm>>
        %dma_start3A_1305 = tpu.memref_slice %arg11[%dma_start3A_1294] : memref<8x!tpu.dma_semaphore, #tpu.memory_space<semaphore_mem>> -> memref<1x!tpu.dma_semaphore, #tpu.memory_space<semaphore_mem>>
        %dma_start3A_1306 = tpu.memref_squeeze %dma_start3A_1305 : memref<1x!tpu.dma_semaphore, #tpu.memory_space<semaphore_mem>> -> memref<!tpu.dma_semaphore, #tpu.memory_space<semaphore_mem>>
        tpu.enqueue_indirect_dma source(%dma_start3A_1304 : memref<10000x64xf32, #tpu.memory_space<hbm>>) target(%dma_start3A_1298 : memref<128x64xf32, #tpu.memory_space<vmem>>) offsets(%dma_start3A_1301 : memref<128xi32, #tpu.memory_space<vmem>>) semaphore(%dma_start3A_1306 : memref<!tpu.dma_semaphore, #tpu.memory_space<semaphore_mem>>)
      } else {
      }
      %dma_wait3A_687 = arith.constant 6 : i32
      %dma_wait3A_688 = arith.constant 6 : i32
      %dma_wait3A_689 = arith.constant 0 : i32
      %dma_wait3A_690 = arith.constant 0 : i32
      %dma_wait3A_691 = tpu.memref_slice %arg9[%dma_wait3A_687, %dma_wait3A_689, %dma_wait3A_690] : memref<8x128x64xf32, #tpu.memory_space<vmem>> -> memref<1x128x64xf32, #tpu.memory_space<vmem>>
      %dma_wait3A_692 = tpu.memref_squeeze %dma_wait3A_691 : memref<1x128x64xf32, #tpu.memory_space<vmem>> -> memref<128x64xf32, #tpu.memory_space<vmem>>
      %dma_wait3A_693 = arith.constant 0 : i32
      %dma_wait3A_694 = arith.constant 0 : i32
      %dma_wait3A_695 = tpu.memref_slice %arg2[%dma_wait3A_693, %dma_wait3A_694] : memref<10000x64xf32, #tpu.memory_space<hbm>> -> memref<128x64xf32, #tpu.memory_space<hbm>>
      %dma_wait3A_696 = tpu.memref_slice %arg11[%dma_wait3A_688] : memref<8x!tpu.dma_semaphore, #tpu.memory_space<semaphore_mem>> -> memref<1x!tpu.dma_semaphore, #tpu.memory_space<semaphore_mem>>
      %dma_wait3A_697 = tpu.memref_squeeze %dma_wait3A_696 : memref<1x!tpu.dma_semaphore, #tpu.memory_space<semaphore_mem>> -> memref<!tpu.dma_semaphore, #tpu.memory_space<semaphore_mem>>
      %dma_wait3A_698 = arith.constant 0 : i32
      %dma_wait3A_699 = arith.constant 0 : i32
      %dma_wait3A_700 = tpu.memref_slice %arg9[%dma_wait3A_687, %dma_wait3A_698, %dma_wait3A_699] : memref<8x128x64xf32, #tpu.memory_space<vmem>> -> memref<1x128x64xf32, #tpu.memory_space<vmem>>
      %dma_wait3A_701 = tpu.memref_squeeze %dma_wait3A_700 : memref<1x128x64xf32, #tpu.memory_space<vmem>> -> memref<128x64xf32, #tpu.memory_space<vmem>>
      %dma_wait3A_702 = arith.constant 0 : i32
      %dma_wait3A_703 = arith.constant 0 : i32
      %dma_wait3A_704 = tpu.memref_slice %arg2[%dma_wait3A_702, %dma_wait3A_703] : memref<10000x64xf32, #tpu.memory_space<hbm>> -> memref<128x64xf32, #tpu.memory_space<hbm>>
      tpu.wait_dma2 semaphore(%dma_wait3A_697 : memref<!tpu.dma_semaphore, #tpu.memory_space<semaphore_mem>>) src(%dma_wait3A_704 : memref<128x64xf32, #tpu.memory_space<hbm>>) dst(%dma_wait3A_701 : memref<128x64xf32, #tpu.memory_space<vmem>>)
      %dma_start3A_705 = arith.constant 6 : i32
      %dma_start3A_706 = arith.constant 6 : i32
      %dma_start3A_707 = arith.constant 6 : i32
      %dma_start3A_708 = arith.constant 0 : i32
      %dma_start3A_709 = arith.constant 0 : i32
      %dma_start3A_710 = tpu.memref_slice %arg9[%dma_start3A_705, %dma_start3A_708, %dma_start3A_709] : memref<8x128x64xf32, #tpu.memory_space<vmem>> -> memref<1x128x64xf32, #tpu.memory_space<vmem>>
      %dma_start3A_711 = tpu.memref_squeeze %dma_start3A_710 : memref<1x128x64xf32, #tpu.memory_space<vmem>> -> memref<128x64xf32, #tpu.memory_space<vmem>>
      %dma_start3A_712 = arith.constant 0 : i32
      %dma_start3A_713 = tpu.memref_slice %arg8[%rem3A_362, %dma_start3A_706, %dma_start3A_712] : memref<2x16x128xi32, #tpu.memory_space<vmem>> -> memref<1x1x128xi32, #tpu.memory_space<vmem>>
      %dma_start3A_714 = tpu.memref_squeeze %dma_start3A_713 : memref<1x1x128xi32, #tpu.memory_space<vmem>> -> memref<128xi32, #tpu.memory_space<vmem>>
      %dma_start3A_715 = arith.constant 0 : i32
      %dma_start3A_716 = arith.constant 0 : i32
      %dma_start3A_717 = tpu.memref_slice %arg10[%dma_start3A_715, %dma_start3A_716] : memref<10240x64xf32, #tpu.memory_space<vmem_shared>> -> memref<10240x64xf32, #tpu.memory_space<vmem_shared>>
      %dma_start3A_718 = tpu.memref_slice %arg12[%dma_start3A_707] : memref<8x!tpu.dma_semaphore, #tpu.memory_space<semaphore_mem>> -> memref<1x!tpu.dma_semaphore, #tpu.memory_space<semaphore_mem>>
      %dma_start3A_719 = tpu.memref_squeeze %dma_start3A_718 : memref<1x!tpu.dma_semaphore, #tpu.memory_space<semaphore_mem>> -> memref<!tpu.dma_semaphore, #tpu.memory_space<semaphore_mem>>
      tpu.enqueue_indirect_dma source(%dma_start3A_711 : memref<128x64xf32, #tpu.memory_space<vmem>>) target(%dma_start3A_717 : memref<10240x64xf32, #tpu.memory_space<vmem_shared>>) offsets(%dma_start3A_714 : memref<128xi32, #tpu.memory_space<vmem>>) semaphore(%dma_start3A_719 : memref<!tpu.dma_semaphore, #tpu.memory_space<semaphore_mem>>) {add = true}
      %dma_wait3A_720 = arith.constant 2 : i32
      %dma_wait3A_721 = arith.constant 2 : i32
      %dma_wait3A_722 = arith.constant 0 : i32
      %dma_wait3A_723 = arith.constant 0 : i32
      %dma_wait3A_724 = tpu.memref_slice %arg9[%dma_wait3A_720, %dma_wait3A_722, %dma_wait3A_723] : memref<8x128x64xf32, #tpu.memory_space<vmem>> -> memref<1x128x64xf32, #tpu.memory_space<vmem>>
      %dma_wait3A_725 = tpu.memref_squeeze %dma_wait3A_724 : memref<1x128x64xf32, #tpu.memory_space<vmem>> -> memref<128x64xf32, #tpu.memory_space<vmem>>
      %dma_wait3A_726 = arith.constant 0 : i32
      %dma_wait3A_727 = arith.constant 0 : i32
      %dma_wait3A_728 = tpu.memref_slice %arg10[%dma_wait3A_726, %dma_wait3A_727] : memref<10240x64xf32, #tpu.memory_space<vmem_shared>> -> memref<128x64xf32, #tpu.memory_space<vmem_shared>>
      %dma_wait3A_729 = tpu.memref_slice %arg12[%dma_wait3A_721] : memref<8x!tpu.dma_semaphore, #tpu.memory_space<semaphore_mem>> -> memref<1x!tpu.dma_semaphore, #tpu.memory_space<semaphore_mem>>
      %dma_wait3A_730 = tpu.memref_squeeze %dma_wait3A_729 : memref<1x!tpu.dma_semaphore, #tpu.memory_space<semaphore_mem>> -> memref<!tpu.dma_semaphore, #tpu.memory_space<semaphore_mem>>
      %dma_wait3A_731 = arith.constant 0 : i32
      %dma_wait3A_732 = arith.constant 0 : i32
      %dma_wait3A_733 = tpu.memref_slice %arg10[%dma_wait3A_731, %dma_wait3A_732] : memref<10240x64xf32, #tpu.memory_space<vmem_shared>> -> memref<128x64xf32, #tpu.memory_space<vmem_shared>>
      %dma_wait3A_734 = arith.constant 0 : i32
      %dma_wait3A_735 = arith.constant 0 : i32
      %dma_wait3A_736 = tpu.memref_slice %arg9[%dma_wait3A_720, %dma_wait3A_734, %dma_wait3A_735] : memref<8x128x64xf32, #tpu.memory_space<vmem>> -> memref<1x128x64xf32, #tpu.memory_space<vmem>>
      %dma_wait3A_737 = tpu.memref_squeeze %dma_wait3A_736 : memref<1x128x64xf32, #tpu.memory_space<vmem>> -> memref<128x64xf32, #tpu.memory_space<vmem>>
      tpu.wait_dma2 semaphore(%dma_wait3A_730 : memref<!tpu.dma_semaphore, #tpu.memory_space<semaphore_mem>>) src(%dma_wait3A_737 : memref<128x64xf32, #tpu.memory_space<vmem>>) dst(%dma_wait3A_733 : memref<128x64xf32, #tpu.memory_space<vmem_shared>>)
      %eq3A_738 = arith.constant 0 : i32
      %eq3A_739 = arith.cmpi eq, %arg0, %eq3A_738 : i32
      %convert_element_type3A_740 = arith.extui %eq3A_739 : i1 to i32
      %cond3A_741 = arith.constant 0 : i32
      %cond3A_742 = arith.cmpi ne, %convert_element_type3A_740, %cond3A_741 : i32
      scf.if %cond3A_742 {
        %dma_start3A_1292 = arith.constant 10 : i32
        %dma_start3A_1293 = arith.constant 2 : i32
        %dma_start3A_1294 = arith.constant 2 : i32
        %dma_start3A_1295 = arith.constant 0 : i32
        %dma_start3A_1296 = arith.constant 0 : i32
        %dma_start3A_1297 = tpu.memref_slice %arg9[%dma_start3A_1293, %dma_start3A_1295, %dma_start3A_1296] : memref<8x128x64xf32, #tpu.memory_space<vmem>> -> memref<1x128x64xf32, #tpu.memory_space<vmem>>
        %dma_start3A_1298 = tpu.memref_squeeze %dma_start3A_1297 : memref<1x128x64xf32, #tpu.memory_space<vmem>> -> memref<128x64xf32, #tpu.memory_space<vmem>>
        %dma_start3A_1299 = arith.constant 0 : i32
        %dma_start3A_1300 = tpu.memref_slice %arg7[%rem3A_362, %dma_start3A_1292, %dma_start3A_1299] : memref<2x16x128xi32, #tpu.memory_space<vmem>> -> memref<1x1x128xi32, #tpu.memory_space<vmem>>
        %dma_start3A_1301 = tpu.memref_squeeze %dma_start3A_1300 : memref<1x1x128xi32, #tpu.memory_space<vmem>> -> memref<128xi32, #tpu.memory_space<vmem>>
        %dma_start3A_1302 = arith.constant 0 : i32
        %dma_start3A_1303 = arith.constant 0 : i32
        %dma_start3A_1304 = tpu.memref_slice %arg2[%dma_start3A_1302, %dma_start3A_1303] : memref<10000x64xf32, #tpu.memory_space<hbm>> -> memref<10000x64xf32, #tpu.memory_space<hbm>>
        %dma_start3A_1305 = tpu.memref_slice %arg11[%dma_start3A_1294] : memref<8x!tpu.dma_semaphore, #tpu.memory_space<semaphore_mem>> -> memref<1x!tpu.dma_semaphore, #tpu.memory_space<semaphore_mem>>
        %dma_start3A_1306 = tpu.memref_squeeze %dma_start3A_1305 : memref<1x!tpu.dma_semaphore, #tpu.memory_space<semaphore_mem>> -> memref<!tpu.dma_semaphore, #tpu.memory_space<semaphore_mem>>
        tpu.enqueue_indirect_dma source(%dma_start3A_1304 : memref<10000x64xf32, #tpu.memory_space<hbm>>) target(%dma_start3A_1298 : memref<128x64xf32, #tpu.memory_space<vmem>>) offsets(%dma_start3A_1301 : memref<128xi32, #tpu.memory_space<vmem>>) semaphore(%dma_start3A_1306 : memref<!tpu.dma_semaphore, #tpu.memory_space<semaphore_mem>>)
      } else {
      }
      %ne3A_743 = arith.constant 0 : i32
      %ne3A_744 = arith.cmpi ne, %arg0, %ne3A_743 : i32
      %convert_element_type3A_745 = arith.extui %ne3A_744 : i1 to i32
      %cond3A_746 = arith.constant 0 : i32
      %cond3A_747 = arith.cmpi ne, %convert_element_type3A_745, %cond3A_746 : i32
      scf.if %cond3A_747 {
        %dma_start3A_1292 = arith.constant 10 : i32
        %dma_start3A_1293 = arith.constant 2 : i32
        %dma_start3A_1294 = arith.constant 2 : i32
        %dma_start3A_1295 = arith.constant 0 : i32
        %dma_start3A_1296 = arith.constant 0 : i32
        %dma_start3A_1297 = tpu.memref_slice %arg9[%dma_start3A_1293, %dma_start3A_1295, %dma_start3A_1296] : memref<8x128x64xf32, #tpu.memory_space<vmem>> -> memref<1x128x64xf32, #tpu.memory_space<vmem>>
        %dma_start3A_1298 = tpu.memref_squeeze %dma_start3A_1297 : memref<1x128x64xf32, #tpu.memory_space<vmem>> -> memref<128x64xf32, #tpu.memory_space<vmem>>
        %dma_start3A_1299 = arith.constant 0 : i32
        %dma_start3A_1300 = tpu.memref_slice %arg7[%rem3A_362, %dma_start3A_1292, %dma_start3A_1299] : memref<2x16x128xi32, #tpu.memory_space<vmem>> -> memref<1x1x128xi32, #tpu.memory_space<vmem>>
        %dma_start3A_1301 = tpu.memref_squeeze %dma_start3A_1300 : memref<1x1x128xi32, #tpu.memory_space<vmem>> -> memref<128xi32, #tpu.memory_space<vmem>>
        %dma_start3A_1302 = arith.constant 0 : i32
        %dma_start3A_1303 = arith.constant 0 : i32
        %dma_start3A_1304 = tpu.memref_slice %arg3[%dma_start3A_1302, %dma_start3A_1303] : memref<10000x64xf32, #tpu.memory_space<hbm>> -> memref<10000x64xf32, #tpu.memory_space<hbm>>
        %dma_start3A_1305 = tpu.memref_slice %arg11[%dma_start3A_1294] : memref<8x!tpu.dma_semaphore, #tpu.memory_space<semaphore_mem>> -> memref<1x!tpu.dma_semaphore, #tpu.memory_space<semaphore_mem>>
        %dma_start3A_1306 = tpu.memref_squeeze %dma_start3A_1305 : memref<1x!tpu.dma_semaphore, #tpu.memory_space<semaphore_mem>> -> memref<!tpu.dma_semaphore, #tpu.memory_space<semaphore_mem>>
        tpu.enqueue_indirect_dma source(%dma_start3A_1304 : memref<10000x64xf32, #tpu.memory_space<hbm>>) target(%dma_start3A_1298 : memref<128x64xf32, #tpu.memory_space<vmem>>) offsets(%dma_start3A_1301 : memref<128xi32, #tpu.memory_space<vmem>>) semaphore(%dma_start3A_1306 : memref<!tpu.dma_semaphore, #tpu.memory_space<semaphore_mem>>)
      } else {
      }
      %dma_wait3A_748 = arith.constant 7 : i32
      %dma_wait3A_749 = arith.constant 7 : i32
      %dma_wait3A_750 = arith.constant 0 : i32
      %dma_wait3A_751 = arith.constant 0 : i32
      %dma_wait3A_752 = tpu.memref_slice %arg9[%dma_wait3A_748, %dma_wait3A_750, %dma_wait3A_751] : memref<8x128x64xf32, #tpu.memory_space<vmem>> -> memref<1x128x64xf32, #tpu.memory_space<vmem>>
      %dma_wait3A_753 = tpu.memref_squeeze %dma_wait3A_752 : memref<1x128x64xf32, #tpu.memory_space<vmem>> -> memref<128x64xf32, #tpu.memory_space<vmem>>
      %dma_wait3A_754 = arith.constant 0 : i32
      %dma_wait3A_755 = arith.constant 0 : i32
      %dma_wait3A_756 = tpu.memref_slice %arg2[%dma_wait3A_754, %dma_wait3A_755] : memref<10000x64xf32, #tpu.memory_space<hbm>> -> memref<128x64xf32, #tpu.memory_space<hbm>>
      %dma_wait3A_757 = tpu.memref_slice %arg11[%dma_wait3A_749] : memref<8x!tpu.dma_semaphore, #tpu.memory_space<semaphore_mem>> -> memref<1x!tpu.dma_semaphore, #tpu.memory_space<semaphore_mem>>
      %dma_wait3A_758 = tpu.memref_squeeze %dma_wait3A_757 : memref<1x!tpu.dma_semaphore, #tpu.memory_space<semaphore_mem>> -> memref<!tpu.dma_semaphore, #tpu.memory_space<semaphore_mem>>
      %dma_wait3A_759 = arith.constant 0 : i32
      %dma_wait3A_760 = arith.constant 0 : i32
      %dma_wait3A_761 = tpu.memref_slice %arg9[%dma_wait3A_748, %dma_wait3A_759, %dma_wait3A_760] : memref<8x128x64xf32, #tpu.memory_space<vmem>> -> memref<1x128x64xf32, #tpu.memory_space<vmem>>
      %dma_wait3A_762 = tpu.memref_squeeze %dma_wait3A_761 : memref<1x128x64xf32, #tpu.memory_space<vmem>> -> memref<128x64xf32, #tpu.memory_space<vmem>>
      %dma_wait3A_763 = arith.constant 0 : i32
      %dma_wait3A_764 = arith.constant 0 : i32
      %dma_wait3A_765 = tpu.memref_slice %arg2[%dma_wait3A_763, %dma_wait3A_764] : memref<10000x64xf32, #tpu.memory_space<hbm>> -> memref<128x64xf32, #tpu.memory_space<hbm>>
      tpu.wait_dma2 semaphore(%dma_wait3A_758 : memref<!tpu.dma_semaphore, #tpu.memory_space<semaphore_mem>>) src(%dma_wait3A_765 : memref<128x64xf32, #tpu.memory_space<hbm>>) dst(%dma_wait3A_762 : memref<128x64xf32, #tpu.memory_space<vmem>>)
      %dma_start3A_766 = arith.constant 7 : i32
      %dma_start3A_767 = arith.constant 7 : i32
      %dma_start3A_768 = arith.constant 7 : i32
      %dma_start3A_769 = arith.constant 0 : i32
      %dma_start3A_770 = arith.constant 0 : i32
      %dma_start3A_771 = tpu.memref_slice %arg9[%dma_start3A_766, %dma_start3A_769, %dma_start3A_770] : memref<8x128x64xf32, #tpu.memory_space<vmem>> -> memref<1x128x64xf32, #tpu.memory_space<vmem>>
      %dma_start3A_772 = tpu.memref_squeeze %dma_start3A_771 : memref<1x128x64xf32, #tpu.memory_space<vmem>> -> memref<128x64xf32, #tpu.memory_space<vmem>>
      %dma_start3A_773 = arith.constant 0 : i32
      %dma_start3A_774 = tpu.memref_slice %arg8[%rem3A_362, %dma_start3A_767, %dma_start3A_773] : memref<2x16x128xi32, #tpu.memory_space<vmem>> -> memref<1x1x128xi32, #tpu.memory_space<vmem>>
      %dma_start3A_775 = tpu.memref_squeeze %dma_start3A_774 : memref<1x1x128xi32, #tpu.memory_space<vmem>> -> memref<128xi32, #tpu.memory_space<vmem>>
      %dma_start3A_776 = arith.constant 0 : i32
      %dma_start3A_777 = arith.constant 0 : i32
      %dma_start3A_778 = tpu.memref_slice %arg10[%dma_start3A_776, %dma_start3A_777] : memref<10240x64xf32, #tpu.memory_space<vmem_shared>> -> memref<10240x64xf32, #tpu.memory_space<vmem_shared>>
      %dma_start3A_779 = tpu.memref_slice %arg12[%dma_start3A_768] : memref<8x!tpu.dma_semaphore, #tpu.memory_space<semaphore_mem>> -> memref<1x!tpu.dma_semaphore, #tpu.memory_space<semaphore_mem>>
      %dma_start3A_780 = tpu.memref_squeeze %dma_start3A_779 : memref<1x!tpu.dma_semaphore, #tpu.memory_space<semaphore_mem>> -> memref<!tpu.dma_semaphore, #tpu.memory_space<semaphore_mem>>
      tpu.enqueue_indirect_dma source(%dma_start3A_772 : memref<128x64xf32, #tpu.memory_space<vmem>>) target(%dma_start3A_778 : memref<10240x64xf32, #tpu.memory_space<vmem_shared>>) offsets(%dma_start3A_775 : memref<128xi32, #tpu.memory_space<vmem>>) semaphore(%dma_start3A_780 : memref<!tpu.dma_semaphore, #tpu.memory_space<semaphore_mem>>) {add = true}
      %dma_wait3A_781 = arith.constant 3 : i32
      %dma_wait3A_782 = arith.constant 3 : i32
      %dma_wait3A_783 = arith.constant 0 : i32
      %dma_wait3A_784 = arith.constant 0 : i32
      %dma_wait3A_785 = tpu.memref_slice %arg9[%dma_wait3A_781, %dma_wait3A_783, %dma_wait3A_784] : memref<8x128x64xf32, #tpu.memory_space<vmem>> -> memref<1x128x64xf32, #tpu.memory_space<vmem>>
      %dma_wait3A_786 = tpu.memref_squeeze %dma_wait3A_785 : memref<1x128x64xf32, #tpu.memory_space<vmem>> -> memref<128x64xf32, #tpu.memory_space<vmem>>
      %dma_wait3A_787 = arith.constant 0 : i32
      %dma_wait3A_788 = arith.constant 0 : i32
      %dma_wait3A_789 = tpu.memref_slice %arg10[%dma_wait3A_787, %dma_wait3A_788] : memref<10240x64xf32, #tpu.memory_space<vmem_shared>> -> memref<128x64xf32, #tpu.memory_space<vmem_shared>>
      %dma_wait3A_790 = tpu.memref_slice %arg12[%dma_wait3A_782] : memref<8x!tpu.dma_semaphore, #tpu.memory_space<semaphore_mem>> -> memref<1x!tpu.dma_semaphore, #tpu.memory_space<semaphore_mem>>
      %dma_wait3A_791 = tpu.memref_squeeze %dma_wait3A_790 : memref<1x!tpu.dma_semaphore, #tpu.memory_space<semaphore_mem>> -> memref<!tpu.dma_semaphore, #tpu.memory_space<semaphore_mem>>
      %dma_wait3A_792 = arith.constant 0 : i32
      %dma_wait3A_793 = arith.constant 0 : i32
      %dma_wait3A_794 = tpu.memref_slice %arg10[%dma_wait3A_792, %dma_wait3A_793] : memref<10240x64xf32, #tpu.memory_space<vmem_shared>> -> memref<128x64xf32, #tpu.memory_space<vmem_shared>>
      %dma_wait3A_795 = arith.constant 0 : i32
      %dma_wait3A_796 = arith.constant 0 : i32
      %dma_wait3A_797 = tpu.memref_slice %arg9[%dma_wait3A_781, %dma_wait3A_795, %dma_wait3A_796] : memref<8x128x64xf32, #tpu.memory_space<vmem>> -> memref<1x128x64xf32, #tpu.memory_space<vmem>>
      %dma_wait3A_798 = tpu.memref_squeeze %dma_wait3A_797 : memref<1x128x64xf32, #tpu.memory_space<vmem>> -> memref<128x64xf32, #tpu.memory_space<vmem>>
      tpu.wait_dma2 semaphore(%dma_wait3A_791 : memref<!tpu.dma_semaphore, #tpu.memory_space<semaphore_mem>>) src(%dma_wait3A_798 : memref<128x64xf32, #tpu.memory_space<vmem>>) dst(%dma_wait3A_794 : memref<128x64xf32, #tpu.memory_space<vmem_shared>>)
      %eq3A_799 = arith.constant 0 : i32
      %eq3A_800 = arith.cmpi eq, %arg0, %eq3A_799 : i32
      %convert_element_type3A_801 = arith.extui %eq3A_800 : i1 to i32
      %cond3A_802 = arith.constant 0 : i32
      %cond3A_803 = arith.cmpi ne, %convert_element_type3A_801, %cond3A_802 : i32
      scf.if %cond3A_803 {
        %dma_start3A_1292 = arith.constant 11 : i32
        %dma_start3A_1293 = arith.constant 3 : i32
        %dma_start3A_1294 = arith.constant 3 : i32
        %dma_start3A_1295 = arith.constant 0 : i32
        %dma_start3A_1296 = arith.constant 0 : i32
        %dma_start3A_1297 = tpu.memref_slice %arg9[%dma_start3A_1293, %dma_start3A_1295, %dma_start3A_1296] : memref<8x128x64xf32, #tpu.memory_space<vmem>> -> memref<1x128x64xf32, #tpu.memory_space<vmem>>
        %dma_start3A_1298 = tpu.memref_squeeze %dma_start3A_1297 : memref<1x128x64xf32, #tpu.memory_space<vmem>> -> memref<128x64xf32, #tpu.memory_space<vmem>>
        %dma_start3A_1299 = arith.constant 0 : i32
        %dma_start3A_1300 = tpu.memref_slice %arg7[%rem3A_362, %dma_start3A_1292, %dma_start3A_1299] : memref<2x16x128xi32, #tpu.memory_space<vmem>> -> memref<1x1x128xi32, #tpu.memory_space<vmem>>
        %dma_start3A_1301 = tpu.memref_squeeze %dma_start3A_1300 : memref<1x1x128xi32, #tpu.memory_space<vmem>> -> memref<128xi32, #tpu.memory_space<vmem>>
        %dma_start3A_1302 = arith.constant 0 : i32
        %dma_start3A_1303 = arith.constant 0 : i32
        %dma_start3A_1304 = tpu.memref_slice %arg2[%dma_start3A_1302, %dma_start3A_1303] : memref<10000x64xf32, #tpu.memory_space<hbm>> -> memref<10000x64xf32, #tpu.memory_space<hbm>>
        %dma_start3A_1305 = tpu.memref_slice %arg11[%dma_start3A_1294] : memref<8x!tpu.dma_semaphore, #tpu.memory_space<semaphore_mem>> -> memref<1x!tpu.dma_semaphore, #tpu.memory_space<semaphore_mem>>
        %dma_start3A_1306 = tpu.memref_squeeze %dma_start3A_1305 : memref<1x!tpu.dma_semaphore, #tpu.memory_space<semaphore_mem>> -> memref<!tpu.dma_semaphore, #tpu.memory_space<semaphore_mem>>
        tpu.enqueue_indirect_dma source(%dma_start3A_1304 : memref<10000x64xf32, #tpu.memory_space<hbm>>) target(%dma_start3A_1298 : memref<128x64xf32, #tpu.memory_space<vmem>>) offsets(%dma_start3A_1301 : memref<128xi32, #tpu.memory_space<vmem>>) semaphore(%dma_start3A_1306 : memref<!tpu.dma_semaphore, #tpu.memory_space<semaphore_mem>>)
      } else {
      }
      %ne3A_804 = arith.constant 0 : i32
      %ne3A_805 = arith.cmpi ne, %arg0, %ne3A_804 : i32
      %convert_element_type3A_806 = arith.extui %ne3A_805 : i1 to i32
      %cond3A_807 = arith.constant 0 : i32
      %cond3A_808 = arith.cmpi ne, %convert_element_type3A_806, %cond3A_807 : i32
      scf.if %cond3A_808 {
        %dma_start3A_1292 = arith.constant 11 : i32
        %dma_start3A_1293 = arith.constant 3 : i32
        %dma_start3A_1294 = arith.constant 3 : i32
        %dma_start3A_1295 = arith.constant 0 : i32
        %dma_start3A_1296 = arith.constant 0 : i32
        %dma_start3A_1297 = tpu.memref_slice %arg9[%dma_start3A_1293, %dma_start3A_1295, %dma_start3A_1296] : memref<8x128x64xf32, #tpu.memory_space<vmem>> -> memref<1x128x64xf32, #tpu.memory_space<vmem>>
        %dma_start3A_1298 = tpu.memref_squeeze %dma_start3A_1297 : memref<1x128x64xf32, #tpu.memory_space<vmem>> -> memref<128x64xf32, #tpu.memory_space<vmem>>
        %dma_start3A_1299 = arith.constant 0 : i32
        %dma_start3A_1300 = tpu.memref_slice %arg7[%rem3A_362, %dma_start3A_1292, %dma_start3A_1299] : memref<2x16x128xi32, #tpu.memory_space<vmem>> -> memref<1x1x128xi32, #tpu.memory_space<vmem>>
        %dma_start3A_1301 = tpu.memref_squeeze %dma_start3A_1300 : memref<1x1x128xi32, #tpu.memory_space<vmem>> -> memref<128xi32, #tpu.memory_space<vmem>>
        %dma_start3A_1302 = arith.constant 0 : i32
        %dma_start3A_1303 = arith.constant 0 : i32
        %dma_start3A_1304 = tpu.memref_slice %arg3[%dma_start3A_1302, %dma_start3A_1303] : memref<10000x64xf32, #tpu.memory_space<hbm>> -> memref<10000x64xf32, #tpu.memory_space<hbm>>
        %dma_start3A_1305 = tpu.memref_slice %arg11[%dma_start3A_1294] : memref<8x!tpu.dma_semaphore, #tpu.memory_space<semaphore_mem>> -> memref<1x!tpu.dma_semaphore, #tpu.memory_space<semaphore_mem>>
        %dma_start3A_1306 = tpu.memref_squeeze %dma_start3A_1305 : memref<1x!tpu.dma_semaphore, #tpu.memory_space<semaphore_mem>> -> memref<!tpu.dma_semaphore, #tpu.memory_space<semaphore_mem>>
        tpu.enqueue_indirect_dma source(%dma_start3A_1304 : memref<10000x64xf32, #tpu.memory_space<hbm>>) target(%dma_start3A_1298 : memref<128x64xf32, #tpu.memory_space<vmem>>) offsets(%dma_start3A_1301 : memref<128xi32, #tpu.memory_space<vmem>>) semaphore(%dma_start3A_1306 : memref<!tpu.dma_semaphore, #tpu.memory_space<semaphore_mem>>)
      } else {
      }
      %dma_wait3A_809 = arith.constant 0 : i32
      %dma_wait3A_810 = arith.constant 0 : i32
      %dma_wait3A_811 = arith.constant 0 : i32
      %dma_wait3A_812 = arith.constant 0 : i32
      %dma_wait3A_813 = tpu.memref_slice %arg9[%dma_wait3A_809, %dma_wait3A_811, %dma_wait3A_812] : memref<8x128x64xf32, #tpu.memory_space<vmem>> -> memref<1x128x64xf32, #tpu.memory_space<vmem>>
      %dma_wait3A_814 = tpu.memref_squeeze %dma_wait3A_813 : memref<1x128x64xf32, #tpu.memory_space<vmem>> -> memref<128x64xf32, #tpu.memory_space<vmem>>
      %dma_wait3A_815 = arith.constant 0 : i32
      %dma_wait3A_816 = arith.constant 0 : i32
      %dma_wait3A_817 = tpu.memref_slice %arg2[%dma_wait3A_815, %dma_wait3A_816] : memref<10000x64xf32, #tpu.memory_space<hbm>> -> memref<128x64xf32, #tpu.memory_space<hbm>>
      %dma_wait3A_818 = tpu.memref_slice %arg11[%dma_wait3A_810] : memref<8x!tpu.dma_semaphore, #tpu.memory_space<semaphore_mem>> -> memref<1x!tpu.dma_semaphore, #tpu.memory_space<semaphore_mem>>
      %dma_wait3A_819 = tpu.memref_squeeze %dma_wait3A_818 : memref<1x!tpu.dma_semaphore, #tpu.memory_space<semaphore_mem>> -> memref<!tpu.dma_semaphore, #tpu.memory_space<semaphore_mem>>
      %dma_wait3A_820 = arith.constant 0 : i32
      %dma_wait3A_821 = arith.constant 0 : i32
      %dma_wait3A_822 = tpu.memref_slice %arg9[%dma_wait3A_809, %dma_wait3A_820, %dma_wait3A_821] : memref<8x128x64xf32, #tpu.memory_space<vmem>> -> memref<1x128x64xf32, #tpu.memory_space<vmem>>
      %dma_wait3A_823 = tpu.memref_squeeze %dma_wait3A_822 : memref<1x128x64xf32, #tpu.memory_space<vmem>> -> memref<128x64xf32, #tpu.memory_space<vmem>>
      %dma_wait3A_824 = arith.constant 0 : i32
      %dma_wait3A_825 = arith.constant 0 : i32
      %dma_wait3A_826 = tpu.memref_slice %arg2[%dma_wait3A_824, %dma_wait3A_825] : memref<10000x64xf32, #tpu.memory_space<hbm>> -> memref<128x64xf32, #tpu.memory_space<hbm>>
      tpu.wait_dma2 semaphore(%dma_wait3A_819 : memref<!tpu.dma_semaphore, #tpu.memory_space<semaphore_mem>>) src(%dma_wait3A_826 : memref<128x64xf32, #tpu.memory_space<hbm>>) dst(%dma_wait3A_823 : memref<128x64xf32, #tpu.memory_space<vmem>>)
      %dma_start3A_827 = arith.constant 0 : i32
      %dma_start3A_828 = arith.constant 8 : i32
      %dma_start3A_829 = arith.constant 0 : i32
      %dma_start3A_830 = arith.constant 0 : i32
      %dma_start3A_831 = arith.constant 0 : i32
      %dma_start3A_832 = tpu.memref_slice %arg9[%dma_start3A_827, %dma_start3A_830, %dma_start3A_831] : memref<8x128x64xf32, #tpu.memory_space<vmem>> -> memref<1x128x64xf32, #tpu.memory_space<vmem>>
      %dma_start3A_833 = tpu.memref_squeeze %dma_start3A_832 : memref<1x128x64xf32, #tpu.memory_space<vmem>> -> memref<128x64xf32, #tpu.memory_space<vmem>>
      %dma_start3A_834 = arith.constant 0 : i32
      %dma_start3A_835 = tpu.memref_slice %arg8[%rem3A_362, %dma_start3A_828, %dma_start3A_834] : memref<2x16x128xi32, #tpu.memory_space<vmem>> -> memref<1x1x128xi32, #tpu.memory_space<vmem>>
      %dma_start3A_836 = tpu.memref_squeeze %dma_start3A_835 : memref<1x1x128xi32, #tpu.memory_space<vmem>> -> memref<128xi32, #tpu.memory_space<vmem>>
      %dma_start3A_837 = arith.constant 0 : i32
      %dma_start3A_838 = arith.constant 0 : i32
      %dma_start3A_839 = tpu.memref_slice %arg10[%dma_start3A_837, %dma_start3A_838] : memref<10240x64xf32, #tpu.memory_space<vmem_shared>> -> memref<10240x64xf32, #tpu.memory_space<vmem_shared>>
      %dma_start3A_840 = tpu.memref_slice %arg12[%dma_start3A_829] : memref<8x!tpu.dma_semaphore, #tpu.memory_space<semaphore_mem>> -> memref<1x!tpu.dma_semaphore, #tpu.memory_space<semaphore_mem>>
      %dma_start3A_841 = tpu.memref_squeeze %dma_start3A_840 : memref<1x!tpu.dma_semaphore, #tpu.memory_space<semaphore_mem>> -> memref<!tpu.dma_semaphore, #tpu.memory_space<semaphore_mem>>
      tpu.enqueue_indirect_dma source(%dma_start3A_833 : memref<128x64xf32, #tpu.memory_space<vmem>>) target(%dma_start3A_839 : memref<10240x64xf32, #tpu.memory_space<vmem_shared>>) offsets(%dma_start3A_836 : memref<128xi32, #tpu.memory_space<vmem>>) semaphore(%dma_start3A_841 : memref<!tpu.dma_semaphore, #tpu.memory_space<semaphore_mem>>) {add = true}
      %dma_wait3A_842 = arith.constant 4 : i32
      %dma_wait3A_843 = arith.constant 4 : i32
      %dma_wait3A_844 = arith.constant 0 : i32
      %dma_wait3A_845 = arith.constant 0 : i32
      %dma_wait3A_846 = tpu.memref_slice %arg9[%dma_wait3A_842, %dma_wait3A_844, %dma_wait3A_845] : memref<8x128x64xf32, #tpu.memory_space<vmem>> -> memref<1x128x64xf32, #tpu.memory_space<vmem>>
      %dma_wait3A_847 = tpu.memref_squeeze %dma_wait3A_846 : memref<1x128x64xf32, #tpu.memory_space<vmem>> -> memref<128x64xf32, #tpu.memory_space<vmem>>
      %dma_wait3A_848 = arith.constant 0 : i32
      %dma_wait3A_849 = arith.constant 0 : i32
      %dma_wait3A_850 = tpu.memref_slice %arg10[%dma_wait3A_848, %dma_wait3A_849] : memref<10240x64xf32, #tpu.memory_space<vmem_shared>> -> memref<128x64xf32, #tpu.memory_space<vmem_shared>>
      %dma_wait3A_851 = tpu.memref_slice %arg12[%dma_wait3A_843] : memref<8x!tpu.dma_semaphore, #tpu.memory_space<semaphore_mem>> -> memref<1x!tpu.dma_semaphore, #tpu.memory_space<semaphore_mem>>
      %dma_wait3A_852 = tpu.memref_squeeze %dma_wait3A_851 : memref<1x!tpu.dma_semaphore, #tpu.memory_space<semaphore_mem>> -> memref<!tpu.dma_semaphore, #tpu.memory_space<semaphore_mem>>
      %dma_wait3A_853 = arith.constant 0 : i32
      %dma_wait3A_854 = arith.constant 0 : i32
      %dma_wait3A_855 = tpu.memref_slice %arg10[%dma_wait3A_853, %dma_wait3A_854] : memref<10240x64xf32, #tpu.memory_space<vmem_shared>> -> memref<128x64xf32, #tpu.memory_space<vmem_shared>>
      %dma_wait3A_856 = arith.constant 0 : i32
      %dma_wait3A_857 = arith.constant 0 : i32
      %dma_wait3A_858 = tpu.memref_slice %arg9[%dma_wait3A_842, %dma_wait3A_856, %dma_wait3A_857] : memref<8x128x64xf32, #tpu.memory_space<vmem>> -> memref<1x128x64xf32, #tpu.memory_space<vmem>>
      %dma_wait3A_859 = tpu.memref_squeeze %dma_wait3A_858 : memref<1x128x64xf32, #tpu.memory_space<vmem>> -> memref<128x64xf32, #tpu.memory_space<vmem>>
      tpu.wait_dma2 semaphore(%dma_wait3A_852 : memref<!tpu.dma_semaphore, #tpu.memory_space<semaphore_mem>>) src(%dma_wait3A_859 : memref<128x64xf32, #tpu.memory_space<vmem>>) dst(%dma_wait3A_855 : memref<128x64xf32, #tpu.memory_space<vmem_shared>>)
      %eq3A_860 = arith.constant 0 : i32
      %eq3A_861 = arith.cmpi eq, %arg0, %eq3A_860 : i32
      %convert_element_type3A_862 = arith.extui %eq3A_861 : i1 to i32
      %cond3A_863 = arith.constant 0 : i32
      %cond3A_864 = arith.cmpi ne, %convert_element_type3A_862, %cond3A_863 : i32
      scf.if %cond3A_864 {
        %dma_start3A_1292 = arith.constant 12 : i32
        %dma_start3A_1293 = arith.constant 4 : i32
        %dma_start3A_1294 = arith.constant 4 : i32
        %dma_start3A_1295 = arith.constant 0 : i32
        %dma_start3A_1296 = arith.constant 0 : i32
        %dma_start3A_1297 = tpu.memref_slice %arg9[%dma_start3A_1293, %dma_start3A_1295, %dma_start3A_1296] : memref<8x128x64xf32, #tpu.memory_space<vmem>> -> memref<1x128x64xf32, #tpu.memory_space<vmem>>
        %dma_start3A_1298 = tpu.memref_squeeze %dma_start3A_1297 : memref<1x128x64xf32, #tpu.memory_space<vmem>> -> memref<128x64xf32, #tpu.memory_space<vmem>>
        %dma_start3A_1299 = arith.constant 0 : i32
        %dma_start3A_1300 = tpu.memref_slice %arg7[%rem3A_362, %dma_start3A_1292, %dma_start3A_1299] : memref<2x16x128xi32, #tpu.memory_space<vmem>> -> memref<1x1x128xi32, #tpu.memory_space<vmem>>
        %dma_start3A_1301 = tpu.memref_squeeze %dma_start3A_1300 : memref<1x1x128xi32, #tpu.memory_space<vmem>> -> memref<128xi32, #tpu.memory_space<vmem>>
        %dma_start3A_1302 = arith.constant 0 : i32
        %dma_start3A_1303 = arith.constant 0 : i32
        %dma_start3A_1304 = tpu.memref_slice %arg2[%dma_start3A_1302, %dma_start3A_1303] : memref<10000x64xf32, #tpu.memory_space<hbm>> -> memref<10000x64xf32, #tpu.memory_space<hbm>>
        %dma_start3A_1305 = tpu.memref_slice %arg11[%dma_start3A_1294] : memref<8x!tpu.dma_semaphore, #tpu.memory_space<semaphore_mem>> -> memref<1x!tpu.dma_semaphore, #tpu.memory_space<semaphore_mem>>
        %dma_start3A_1306 = tpu.memref_squeeze %dma_start3A_1305 : memref<1x!tpu.dma_semaphore, #tpu.memory_space<semaphore_mem>> -> memref<!tpu.dma_semaphore, #tpu.memory_space<semaphore_mem>>
        tpu.enqueue_indirect_dma source(%dma_start3A_1304 : memref<10000x64xf32, #tpu.memory_space<hbm>>) target(%dma_start3A_1298 : memref<128x64xf32, #tpu.memory_space<vmem>>) offsets(%dma_start3A_1301 : memref<128xi32, #tpu.memory_space<vmem>>) semaphore(%dma_start3A_1306 : memref<!tpu.dma_semaphore, #tpu.memory_space<semaphore_mem>>)
      } else {
      }
      %ne3A_865 = arith.constant 0 : i32
      %ne3A_866 = arith.cmpi ne, %arg0, %ne3A_865 : i32
      %convert_element_type3A_867 = arith.extui %ne3A_866 : i1 to i32
      %cond3A_868 = arith.constant 0 : i32
      %cond3A_869 = arith.cmpi ne, %convert_element_type3A_867, %cond3A_868 : i32
      scf.if %cond3A_869 {
        %dma_start3A_1292 = arith.constant 12 : i32
        %dma_start3A_1293 = arith.constant 4 : i32
        %dma_start3A_1294 = arith.constant 4 : i32
        %dma_start3A_1295 = arith.constant 0 : i32
        %dma_start3A_1296 = arith.constant 0 : i32
        %dma_start3A_1297 = tpu.memref_slice %arg9[%dma_start3A_1293, %dma_start3A_1295, %dma_start3A_1296] : memref<8x128x64xf32, #tpu.memory_space<vmem>> -> memref<1x128x64xf32, #tpu.memory_space<vmem>>
        %dma_start3A_1298 = tpu.memref_squeeze %dma_start3A_1297 : memref<1x128x64xf32, #tpu.memory_space<vmem>> -> memref<128x64xf32, #tpu.memory_space<vmem>>
        %dma_start3A_1299 = arith.constant 0 : i32
        %dma_start3A_1300 = tpu.memref_slice %arg7[%rem3A_362, %dma_start3A_1292, %dma_start3A_1299] : memref<2x16x128xi32, #tpu.memory_space<vmem>> -> memref<1x1x128xi32, #tpu.memory_space<vmem>>
        %dma_start3A_1301 = tpu.memref_squeeze %dma_start3A_1300 : memref<1x1x128xi32, #tpu.memory_space<vmem>> -> memref<128xi32, #tpu.memory_space<vmem>>
        %dma_start3A_1302 = arith.constant 0 : i32
        %dma_start3A_1303 = arith.constant 0 : i32
        %dma_start3A_1304 = tpu.memref_slice %arg3[%dma_start3A_1302, %dma_start3A_1303] : memref<10000x64xf32, #tpu.memory_space<hbm>> -> memref<10000x64xf32, #tpu.memory_space<hbm>>
        %dma_start3A_1305 = tpu.memref_slice %arg11[%dma_start3A_1294] : memref<8x!tpu.dma_semaphore, #tpu.memory_space<semaphore_mem>> -> memref<1x!tpu.dma_semaphore, #tpu.memory_space<semaphore_mem>>
        %dma_start3A_1306 = tpu.memref_squeeze %dma_start3A_1305 : memref<1x!tpu.dma_semaphore, #tpu.memory_space<semaphore_mem>> -> memref<!tpu.dma_semaphore, #tpu.memory_space<semaphore_mem>>
        tpu.enqueue_indirect_dma source(%dma_start3A_1304 : memref<10000x64xf32, #tpu.memory_space<hbm>>) target(%dma_start3A_1298 : memref<128x64xf32, #tpu.memory_space<vmem>>) offsets(%dma_start3A_1301 : memref<128xi32, #tpu.memory_space<vmem>>) semaphore(%dma_start3A_1306 : memref<!tpu.dma_semaphore, #tpu.memory_space<semaphore_mem>>)
      } else {
      }
      %dma_wait3A_870 = arith.constant 1 : i32
      %dma_wait3A_871 = arith.constant 1 : i32
      %dma_wait3A_872 = arith.constant 0 : i32
      %dma_wait3A_873 = arith.constant 0 : i32
      %dma_wait3A_874 = tpu.memref_slice %arg9[%dma_wait3A_870, %dma_wait3A_872, %dma_wait3A_873] : memref<8x128x64xf32, #tpu.memory_space<vmem>> -> memref<1x128x64xf32, #tpu.memory_space<vmem>>
      %dma_wait3A_875 = tpu.memref_squeeze %dma_wait3A_874 : memref<1x128x64xf32, #tpu.memory_space<vmem>> -> memref<128x64xf32, #tpu.memory_space<vmem>>
      %dma_wait3A_876 = arith.constant 0 : i32
      %dma_wait3A_877 = arith.constant 0 : i32
      %dma_wait3A_878 = tpu.memref_slice %arg2[%dma_wait3A_876, %dma_wait3A_877] : memref<10000x64xf32, #tpu.memory_space<hbm>> -> memref<128x64xf32, #tpu.memory_space<hbm>>
      %dma_wait3A_879 = tpu.memref_slice %arg11[%dma_wait3A_871] : memref<8x!tpu.dma_semaphore, #tpu.memory_space<semaphore_mem>> -> memref<1x!tpu.dma_semaphore, #tpu.memory_space<semaphore_mem>>
      %dma_wait3A_880 = tpu.memref_squeeze %dma_wait3A_879 : memref<1x!tpu.dma_semaphore, #tpu.memory_space<semaphore_mem>> -> memref<!tpu.dma_semaphore, #tpu.memory_space<semaphore_mem>>
      %dma_wait3A_881 = arith.constant 0 : i32
      %dma_wait3A_882 = arith.constant 0 : i32
      %dma_wait3A_883 = tpu.memref_slice %arg9[%dma_wait3A_870, %dma_wait3A_881, %dma_wait3A_882] : memref<8x128x64xf32, #tpu.memory_space<vmem>> -> memref<1x128x64xf32, #tpu.memory_space<vmem>>
      %dma_wait3A_884 = tpu.memref_squeeze %dma_wait3A_883 : memref<1x128x64xf32, #tpu.memory_space<vmem>> -> memref<128x64xf32, #tpu.memory_space<vmem>>
      %dma_wait3A_885 = arith.constant 0 : i32
      %dma_wait3A_886 = arith.constant 0 : i32
      %dma_wait3A_887 = tpu.memref_slice %arg2[%dma_wait3A_885, %dma_wait3A_886] : memref<10000x64xf32, #tpu.memory_space<hbm>> -> memref<128x64xf32, #tpu.memory_space<hbm>>
      tpu.wait_dma2 semaphore(%dma_wait3A_880 : memref<!tpu.dma_semaphore, #tpu.memory_space<semaphore_mem>>) src(%dma_wait3A_887 : memref<128x64xf32, #tpu.memory_space<hbm>>) dst(%dma_wait3A_884 : memref<128x64xf32, #tpu.memory_space<vmem>>)
      %dma_start3A_888 = arith.constant 1 : i32
      %dma_start3A_889 = arith.constant 9 : i32
      %dma_start3A_890 = arith.constant 1 : i32
      %dma_start3A_891 = arith.constant 0 : i32
      %dma_start3A_892 = arith.constant 0 : i32
      %dma_start3A_893 = tpu.memref_slice %arg9[%dma_start3A_888, %dma_start3A_891, %dma_start3A_892] : memref<8x128x64xf32, #tpu.memory_space<vmem>> -> memref<1x128x64xf32, #tpu.memory_space<vmem>>
      %dma_start3A_894 = tpu.memref_squeeze %dma_start3A_893 : memref<1x128x64xf32, #tpu.memory_space<vmem>> -> memref<128x64xf32, #tpu.memory_space<vmem>>
      %dma_start3A_895 = arith.constant 0 : i32
      %dma_start3A_896 = tpu.memref_slice %arg8[%rem3A_362, %dma_start3A_889, %dma_start3A_895] : memref<2x16x128xi32, #tpu.memory_space<vmem>> -> memref<1x1x128xi32, #tpu.memory_space<vmem>>
      %dma_start3A_897 = tpu.memref_squeeze %dma_start3A_896 : memref<1x1x128xi32, #tpu.memory_space<vmem>> -> memref<128xi32, #tpu.memory_space<vmem>>
      %dma_start3A_898 = arith.constant 0 : i32
      %dma_start3A_899 = arith.constant 0 : i32
      %dma_start3A_900 = tpu.memref_slice %arg10[%dma_start3A_898, %dma_start3A_899] : memref<10240x64xf32, #tpu.memory_space<vmem_shared>> -> memref<10240x64xf32, #tpu.memory_space<vmem_shared>>
      %dma_start3A_901 = tpu.memref_slice %arg12[%dma_start3A_890] : memref<8x!tpu.dma_semaphore, #tpu.memory_space<semaphore_mem>> -> memref<1x!tpu.dma_semaphore, #tpu.memory_space<semaphore_mem>>
      %dma_start3A_902 = tpu.memref_squeeze %dma_start3A_901 : memref<1x!tpu.dma_semaphore, #tpu.memory_space<semaphore_mem>> -> memref<!tpu.dma_semaphore, #tpu.memory_space<semaphore_mem>>
      tpu.enqueue_indirect_dma source(%dma_start3A_894 : memref<128x64xf32, #tpu.memory_space<vmem>>) target(%dma_start3A_900 : memref<10240x64xf32, #tpu.memory_space<vmem_shared>>) offsets(%dma_start3A_897 : memref<128xi32, #tpu.memory_space<vmem>>) semaphore(%dma_start3A_902 : memref<!tpu.dma_semaphore, #tpu.memory_space<semaphore_mem>>) {add = true}
      %dma_wait3A_903 = arith.constant 5 : i32
      %dma_wait3A_904 = arith.constant 5 : i32
      %dma_wait3A_905 = arith.constant 0 : i32
      %dma_wait3A_906 = arith.constant 0 : i32
      %dma_wait3A_907 = tpu.memref_slice %arg9[%dma_wait3A_903, %dma_wait3A_905, %dma_wait3A_906] : memref<8x128x64xf32, #tpu.memory_space<vmem>> -> memref<1x128x64xf32, #tpu.memory_space<vmem>>
      %dma_wait3A_908 = tpu.memref_squeeze %dma_wait3A_907 : memref<1x128x64xf32, #tpu.memory_space<vmem>> -> memref<128x64xf32, #tpu.memory_space<vmem>>
      %dma_wait3A_909 = arith.constant 0 : i32
      %dma_wait3A_910 = arith.constant 0 : i32
      %dma_wait3A_911 = tpu.memref_slice %arg10[%dma_wait3A_909, %dma_wait3A_910] : memref<10240x64xf32, #tpu.memory_space<vmem_shared>> -> memref<128x64xf32, #tpu.memory_space<vmem_shared>>
      %dma_wait3A_912 = tpu.memref_slice %arg12[%dma_wait3A_904] : memref<8x!tpu.dma_semaphore, #tpu.memory_space<semaphore_mem>> -> memref<1x!tpu.dma_semaphore, #tpu.memory_space<semaphore_mem>>
      %dma_wait3A_913 = tpu.memref_squeeze %dma_wait3A_912 : memref<1x!tpu.dma_semaphore, #tpu.memory_space<semaphore_mem>> -> memref<!tpu.dma_semaphore, #tpu.memory_space<semaphore_mem>>
      %dma_wait3A_914 = arith.constant 0 : i32
      %dma_wait3A_915 = arith.constant 0 : i32
      %dma_wait3A_916 = tpu.memref_slice %arg10[%dma_wait3A_914, %dma_wait3A_915] : memref<10240x64xf32, #tpu.memory_space<vmem_shared>> -> memref<128x64xf32, #tpu.memory_space<vmem_shared>>
      %dma_wait3A_917 = arith.constant 0 : i32
      %dma_wait3A_918 = arith.constant 0 : i32
      %dma_wait3A_919 = tpu.memref_slice %arg9[%dma_wait3A_903, %dma_wait3A_917, %dma_wait3A_918] : memref<8x128x64xf32, #tpu.memory_space<vmem>> -> memref<1x128x64xf32, #tpu.memory_space<vmem>>
      %dma_wait3A_920 = tpu.memref_squeeze %dma_wait3A_919 : memref<1x128x64xf32, #tpu.memory_space<vmem>> -> memref<128x64xf32, #tpu.memory_space<vmem>>
      tpu.wait_dma2 semaphore(%dma_wait3A_913 : memref<!tpu.dma_semaphore, #tpu.memory_space<semaphore_mem>>) src(%dma_wait3A_920 : memref<128x64xf32, #tpu.memory_space<vmem>>) dst(%dma_wait3A_916 : memref<128x64xf32, #tpu.memory_space<vmem_shared>>)
      %eq3A_921 = arith.constant 0 : i32
      %eq3A_922 = arith.cmpi eq, %arg0, %eq3A_921 : i32
      %convert_element_type3A_923 = arith.extui %eq3A_922 : i1 to i32
      %cond3A_924 = arith.constant 0 : i32
      %cond3A_925 = arith.cmpi ne, %convert_element_type3A_923, %cond3A_924 : i32
      scf.if %cond3A_925 {
        %dma_start3A_1292 = arith.constant 13 : i32
        %dma_start3A_1293 = arith.constant 5 : i32
        %dma_start3A_1294 = arith.constant 5 : i32
        %dma_start3A_1295 = arith.constant 0 : i32
        %dma_start3A_1296 = arith.constant 0 : i32
        %dma_start3A_1297 = tpu.memref_slice %arg9[%dma_start3A_1293, %dma_start3A_1295, %dma_start3A_1296] : memref<8x128x64xf32, #tpu.memory_space<vmem>> -> memref<1x128x64xf32, #tpu.memory_space<vmem>>
        %dma_start3A_1298 = tpu.memref_squeeze %dma_start3A_1297 : memref<1x128x64xf32, #tpu.memory_space<vmem>> -> memref<128x64xf32, #tpu.memory_space<vmem>>
        %dma_start3A_1299 = arith.constant 0 : i32
        %dma_start3A_1300 = tpu.memref_slice %arg7[%rem3A_362, %dma_start3A_1292, %dma_start3A_1299] : memref<2x16x128xi32, #tpu.memory_space<vmem>> -> memref<1x1x128xi32, #tpu.memory_space<vmem>>
        %dma_start3A_1301 = tpu.memref_squeeze %dma_start3A_1300 : memref<1x1x128xi32, #tpu.memory_space<vmem>> -> memref<128xi32, #tpu.memory_space<vmem>>
        %dma_start3A_1302 = arith.constant 0 : i32
        %dma_start3A_1303 = arith.constant 0 : i32
        %dma_start3A_1304 = tpu.memref_slice %arg2[%dma_start3A_1302, %dma_start3A_1303] : memref<10000x64xf32, #tpu.memory_space<hbm>> -> memref<10000x64xf32, #tpu.memory_space<hbm>>
        %dma_start3A_1305 = tpu.memref_slice %arg11[%dma_start3A_1294] : memref<8x!tpu.dma_semaphore, #tpu.memory_space<semaphore_mem>> -> memref<1x!tpu.dma_semaphore, #tpu.memory_space<semaphore_mem>>
        %dma_start3A_1306 = tpu.memref_squeeze %dma_start3A_1305 : memref<1x!tpu.dma_semaphore, #tpu.memory_space<semaphore_mem>> -> memref<!tpu.dma_semaphore, #tpu.memory_space<semaphore_mem>>
        tpu.enqueue_indirect_dma source(%dma_start3A_1304 : memref<10000x64xf32, #tpu.memory_space<hbm>>) target(%dma_start3A_1298 : memref<128x64xf32, #tpu.memory_space<vmem>>) offsets(%dma_start3A_1301 : memref<128xi32, #tpu.memory_space<vmem>>) semaphore(%dma_start3A_1306 : memref<!tpu.dma_semaphore, #tpu.memory_space<semaphore_mem>>)
      } else {
      }
      %ne3A_926 = arith.constant 0 : i32
      %ne3A_927 = arith.cmpi ne, %arg0, %ne3A_926 : i32
      %convert_element_type3A_928 = arith.extui %ne3A_927 : i1 to i32
      %cond3A_929 = arith.constant 0 : i32
      %cond3A_930 = arith.cmpi ne, %convert_element_type3A_928, %cond3A_929 : i32
      scf.if %cond3A_930 {
        %dma_start3A_1292 = arith.constant 13 : i32
        %dma_start3A_1293 = arith.constant 5 : i32
        %dma_start3A_1294 = arith.constant 5 : i32
        %dma_start3A_1295 = arith.constant 0 : i32
        %dma_start3A_1296 = arith.constant 0 : i32
        %dma_start3A_1297 = tpu.memref_slice %arg9[%dma_start3A_1293, %dma_start3A_1295, %dma_start3A_1296] : memref<8x128x64xf32, #tpu.memory_space<vmem>> -> memref<1x128x64xf32, #tpu.memory_space<vmem>>
        %dma_start3A_1298 = tpu.memref_squeeze %dma_start3A_1297 : memref<1x128x64xf32, #tpu.memory_space<vmem>> -> memref<128x64xf32, #tpu.memory_space<vmem>>
        %dma_start3A_1299 = arith.constant 0 : i32
        %dma_start3A_1300 = tpu.memref_slice %arg7[%rem3A_362, %dma_start3A_1292, %dma_start3A_1299] : memref<2x16x128xi32, #tpu.memory_space<vmem>> -> memref<1x1x128xi32, #tpu.memory_space<vmem>>
        %dma_start3A_1301 = tpu.memref_squeeze %dma_start3A_1300 : memref<1x1x128xi32, #tpu.memory_space<vmem>> -> memref<128xi32, #tpu.memory_space<vmem>>
        %dma_start3A_1302 = arith.constant 0 : i32
        %dma_start3A_1303 = arith.constant 0 : i32
        %dma_start3A_1304 = tpu.memref_slice %arg3[%dma_start3A_1302, %dma_start3A_1303] : memref<10000x64xf32, #tpu.memory_space<hbm>> -> memref<10000x64xf32, #tpu.memory_space<hbm>>
        %dma_start3A_1305 = tpu.memref_slice %arg11[%dma_start3A_1294] : memref<8x!tpu.dma_semaphore, #tpu.memory_space<semaphore_mem>> -> memref<1x!tpu.dma_semaphore, #tpu.memory_space<semaphore_mem>>
        %dma_start3A_1306 = tpu.memref_squeeze %dma_start3A_1305 : memref<1x!tpu.dma_semaphore, #tpu.memory_space<semaphore_mem>> -> memref<!tpu.dma_semaphore, #tpu.memory_space<semaphore_mem>>
        tpu.enqueue_indirect_dma source(%dma_start3A_1304 : memref<10000x64xf32, #tpu.memory_space<hbm>>) target(%dma_start3A_1298 : memref<128x64xf32, #tpu.memory_space<vmem>>) offsets(%dma_start3A_1301 : memref<128xi32, #tpu.memory_space<vmem>>) semaphore(%dma_start3A_1306 : memref<!tpu.dma_semaphore, #tpu.memory_space<semaphore_mem>>)
      } else {
      }
      %dma_wait3A_931 = arith.constant 2 : i32
      %dma_wait3A_932 = arith.constant 2 : i32
      %dma_wait3A_933 = arith.constant 0 : i32
      %dma_wait3A_934 = arith.constant 0 : i32
      %dma_wait3A_935 = tpu.memref_slice %arg9[%dma_wait3A_931, %dma_wait3A_933, %dma_wait3A_934] : memref<8x128x64xf32, #tpu.memory_space<vmem>> -> memref<1x128x64xf32, #tpu.memory_space<vmem>>
      %dma_wait3A_936 = tpu.memref_squeeze %dma_wait3A_935 : memref<1x128x64xf32, #tpu.memory_space<vmem>> -> memref<128x64xf32, #tpu.memory_space<vmem>>
      %dma_wait3A_937 = arith.constant 0 : i32
      %dma_wait3A_938 = arith.constant 0 : i32
      %dma_wait3A_939 = tpu.memref_slice %arg2[%dma_wait3A_937, %dma_wait3A_938] : memref<10000x64xf32, #tpu.memory_space<hbm>> -> memref<128x64xf32, #tpu.memory_space<hbm>>
      %dma_wait3A_940 = tpu.memref_slice %arg11[%dma_wait3A_932] : memref<8x!tpu.dma_semaphore, #tpu.memory_space<semaphore_mem>> -> memref<1x!tpu.dma_semaphore, #tpu.memory_space<semaphore_mem>>
      %dma_wait3A_941 = tpu.memref_squeeze %dma_wait3A_940 : memref<1x!tpu.dma_semaphore, #tpu.memory_space<semaphore_mem>> -> memref<!tpu.dma_semaphore, #tpu.memory_space<semaphore_mem>>
      %dma_wait3A_942 = arith.constant 0 : i32
      %dma_wait3A_943 = arith.constant 0 : i32
      %dma_wait3A_944 = tpu.memref_slice %arg9[%dma_wait3A_931, %dma_wait3A_942, %dma_wait3A_943] : memref<8x128x64xf32, #tpu.memory_space<vmem>> -> memref<1x128x64xf32, #tpu.memory_space<vmem>>
      %dma_wait3A_945 = tpu.memref_squeeze %dma_wait3A_944 : memref<1x128x64xf32, #tpu.memory_space<vmem>> -> memref<128x64xf32, #tpu.memory_space<vmem>>
      %dma_wait3A_946 = arith.constant 0 : i32
      %dma_wait3A_947 = arith.constant 0 : i32
      %dma_wait3A_948 = tpu.memref_slice %arg2[%dma_wait3A_946, %dma_wait3A_947] : memref<10000x64xf32, #tpu.memory_space<hbm>> -> memref<128x64xf32, #tpu.memory_space<hbm>>
      tpu.wait_dma2 semaphore(%dma_wait3A_941 : memref<!tpu.dma_semaphore, #tpu.memory_space<semaphore_mem>>) src(%dma_wait3A_948 : memref<128x64xf32, #tpu.memory_space<hbm>>) dst(%dma_wait3A_945 : memref<128x64xf32, #tpu.memory_space<vmem>>)
      %dma_start3A_949 = arith.constant 2 : i32
      %dma_start3A_950 = arith.constant 10 : i32
      %dma_start3A_951 = arith.constant 2 : i32
      %dma_start3A_952 = arith.constant 0 : i32
      %dma_start3A_953 = arith.constant 0 : i32
      %dma_start3A_954 = tpu.memref_slice %arg9[%dma_start3A_949, %dma_start3A_952, %dma_start3A_953] : memref<8x128x64xf32, #tpu.memory_space<vmem>> -> memref<1x128x64xf32, #tpu.memory_space<vmem>>
      %dma_start3A_955 = tpu.memref_squeeze %dma_start3A_954 : memref<1x128x64xf32, #tpu.memory_space<vmem>> -> memref<128x64xf32, #tpu.memory_space<vmem>>
      %dma_start3A_956 = arith.constant 0 : i32
      %dma_start3A_957 = tpu.memref_slice %arg8[%rem3A_362, %dma_start3A_950, %dma_start3A_956] : memref<2x16x128xi32, #tpu.memory_space<vmem>> -> memref<1x1x128xi32, #tpu.memory_space<vmem>>
      %dma_start3A_958 = tpu.memref_squeeze %dma_start3A_957 : memref<1x1x128xi32, #tpu.memory_space<vmem>> -> memref<128xi32, #tpu.memory_space<vmem>>
      %dma_start3A_959 = arith.constant 0 : i32
      %dma_start3A_960 = arith.constant 0 : i32
      %dma_start3A_961 = tpu.memref_slice %arg10[%dma_start3A_959, %dma_start3A_960] : memref<10240x64xf32, #tpu.memory_space<vmem_shared>> -> memref<10240x64xf32, #tpu.memory_space<vmem_shared>>
      %dma_start3A_962 = tpu.memref_slice %arg12[%dma_start3A_951] : memref<8x!tpu.dma_semaphore, #tpu.memory_space<semaphore_mem>> -> memref<1x!tpu.dma_semaphore, #tpu.memory_space<semaphore_mem>>
      %dma_start3A_963 = tpu.memref_squeeze %dma_start3A_962 : memref<1x!tpu.dma_semaphore, #tpu.memory_space<semaphore_mem>> -> memref<!tpu.dma_semaphore, #tpu.memory_space<semaphore_mem>>
      tpu.enqueue_indirect_dma source(%dma_start3A_955 : memref<128x64xf32, #tpu.memory_space<vmem>>) target(%dma_start3A_961 : memref<10240x64xf32, #tpu.memory_space<vmem_shared>>) offsets(%dma_start3A_958 : memref<128xi32, #tpu.memory_space<vmem>>) semaphore(%dma_start3A_963 : memref<!tpu.dma_semaphore, #tpu.memory_space<semaphore_mem>>) {add = true}
      %dma_wait3A_964 = arith.constant 6 : i32
      %dma_wait3A_965 = arith.constant 6 : i32
      %dma_wait3A_966 = arith.constant 0 : i32
      %dma_wait3A_967 = arith.constant 0 : i32
      %dma_wait3A_968 = tpu.memref_slice %arg9[%dma_wait3A_964, %dma_wait3A_966, %dma_wait3A_967] : memref<8x128x64xf32, #tpu.memory_space<vmem>> -> memref<1x128x64xf32, #tpu.memory_space<vmem>>
      %dma_wait3A_969 = tpu.memref_squeeze %dma_wait3A_968 : memref<1x128x64xf32, #tpu.memory_space<vmem>> -> memref<128x64xf32, #tpu.memory_space<vmem>>
      %dma_wait3A_970 = arith.constant 0 : i32
      %dma_wait3A_971 = arith.constant 0 : i32
      %dma_wait3A_972 = tpu.memref_slice %arg10[%dma_wait3A_970, %dma_wait3A_971] : memref<10240x64xf32, #tpu.memory_space<vmem_shared>> -> memref<128x64xf32, #tpu.memory_space<vmem_shared>>
      %dma_wait3A_973 = tpu.memref_slice %arg12[%dma_wait3A_965] : memref<8x!tpu.dma_semaphore, #tpu.memory_space<semaphore_mem>> -> memref<1x!tpu.dma_semaphore, #tpu.memory_space<semaphore_mem>>
      %dma_wait3A_974 = tpu.memref_squeeze %dma_wait3A_973 : memref<1x!tpu.dma_semaphore, #tpu.memory_space<semaphore_mem>> -> memref<!tpu.dma_semaphore, #tpu.memory_space<semaphore_mem>>
      %dma_wait3A_975 = arith.constant 0 : i32
      %dma_wait3A_976 = arith.constant 0 : i32
      %dma_wait3A_977 = tpu.memref_slice %arg10[%dma_wait3A_975, %dma_wait3A_976] : memref<10240x64xf32, #tpu.memory_space<vmem_shared>> -> memref<128x64xf32, #tpu.memory_space<vmem_shared>>
      %dma_wait3A_978 = arith.constant 0 : i32
      %dma_wait3A_979 = arith.constant 0 : i32
      %dma_wait3A_980 = tpu.memref_slice %arg9[%dma_wait3A_964, %dma_wait3A_978, %dma_wait3A_979] : memref<8x128x64xf32, #tpu.memory_space<vmem>> -> memref<1x128x64xf32, #tpu.memory_space<vmem>>
      %dma_wait3A_981 = tpu.memref_squeeze %dma_wait3A_980 : memref<1x128x64xf32, #tpu.memory_space<vmem>> -> memref<128x64xf32, #tpu.memory_space<vmem>>
      tpu.wait_dma2 semaphore(%dma_wait3A_974 : memref<!tpu.dma_semaphore, #tpu.memory_space<semaphore_mem>>) src(%dma_wait3A_981 : memref<128x64xf32, #tpu.memory_space<vmem>>) dst(%dma_wait3A_977 : memref<128x64xf32, #tpu.memory_space<vmem_shared>>)
      %eq3A_982 = arith.constant 0 : i32
      %eq3A_983 = arith.cmpi eq, %arg0, %eq3A_982 : i32
      %convert_element_type3A_984 = arith.extui %eq3A_983 : i1 to i32
      %cond3A_985 = arith.constant 0 : i32
      %cond3A_986 = arith.cmpi ne, %convert_element_type3A_984, %cond3A_985 : i32
      scf.if %cond3A_986 {
        %dma_start3A_1292 = arith.constant 14 : i32
        %dma_start3A_1293 = arith.constant 6 : i32
        %dma_start3A_1294 = arith.constant 6 : i32
        %dma_start3A_1295 = arith.constant 0 : i32
        %dma_start3A_1296 = arith.constant 0 : i32
        %dma_start3A_1297 = tpu.memref_slice %arg9[%dma_start3A_1293, %dma_start3A_1295, %dma_start3A_1296] : memref<8x128x64xf32, #tpu.memory_space<vmem>> -> memref<1x128x64xf32, #tpu.memory_space<vmem>>
        %dma_start3A_1298 = tpu.memref_squeeze %dma_start3A_1297 : memref<1x128x64xf32, #tpu.memory_space<vmem>> -> memref<128x64xf32, #tpu.memory_space<vmem>>
        %dma_start3A_1299 = arith.constant 0 : i32
        %dma_start3A_1300 = tpu.memref_slice %arg7[%rem3A_362, %dma_start3A_1292, %dma_start3A_1299] : memref<2x16x128xi32, #tpu.memory_space<vmem>> -> memref<1x1x128xi32, #tpu.memory_space<vmem>>
        %dma_start3A_1301 = tpu.memref_squeeze %dma_start3A_1300 : memref<1x1x128xi32, #tpu.memory_space<vmem>> -> memref<128xi32, #tpu.memory_space<vmem>>
        %dma_start3A_1302 = arith.constant 0 : i32
        %dma_start3A_1303 = arith.constant 0 : i32
        %dma_start3A_1304 = tpu.memref_slice %arg2[%dma_start3A_1302, %dma_start3A_1303] : memref<10000x64xf32, #tpu.memory_space<hbm>> -> memref<10000x64xf32, #tpu.memory_space<hbm>>
        %dma_start3A_1305 = tpu.memref_slice %arg11[%dma_start3A_1294] : memref<8x!tpu.dma_semaphore, #tpu.memory_space<semaphore_mem>> -> memref<1x!tpu.dma_semaphore, #tpu.memory_space<semaphore_mem>>
        %dma_start3A_1306 = tpu.memref_squeeze %dma_start3A_1305 : memref<1x!tpu.dma_semaphore, #tpu.memory_space<semaphore_mem>> -> memref<!tpu.dma_semaphore, #tpu.memory_space<semaphore_mem>>
        tpu.enqueue_indirect_dma source(%dma_start3A_1304 : memref<10000x64xf32, #tpu.memory_space<hbm>>) target(%dma_start3A_1298 : memref<128x64xf32, #tpu.memory_space<vmem>>) offsets(%dma_start3A_1301 : memref<128xi32, #tpu.memory_space<vmem>>) semaphore(%dma_start3A_1306 : memref<!tpu.dma_semaphore, #tpu.memory_space<semaphore_mem>>)
      } else {
      }
      %ne3A_987 = arith.constant 0 : i32
      %ne3A_988 = arith.cmpi ne, %arg0, %ne3A_987 : i32
      %convert_element_type3A_989 = arith.extui %ne3A_988 : i1 to i32
      %cond3A_990 = arith.constant 0 : i32
      %cond3A_991 = arith.cmpi ne, %convert_element_type3A_989, %cond3A_990 : i32
      scf.if %cond3A_991 {
        %dma_start3A_1292 = arith.constant 14 : i32
        %dma_start3A_1293 = arith.constant 6 : i32
        %dma_start3A_1294 = arith.constant 6 : i32
        %dma_start3A_1295 = arith.constant 0 : i32
        %dma_start3A_1296 = arith.constant 0 : i32
        %dma_start3A_1297 = tpu.memref_slice %arg9[%dma_start3A_1293, %dma_start3A_1295, %dma_start3A_1296] : memref<8x128x64xf32, #tpu.memory_space<vmem>> -> memref<1x128x64xf32, #tpu.memory_space<vmem>>
        %dma_start3A_1298 = tpu.memref_squeeze %dma_start3A_1297 : memref<1x128x64xf32, #tpu.memory_space<vmem>> -> memref<128x64xf32, #tpu.memory_space<vmem>>
        %dma_start3A_1299 = arith.constant 0 : i32
        %dma_start3A_1300 = tpu.memref_slice %arg7[%rem3A_362, %dma_start3A_1292, %dma_start3A_1299] : memref<2x16x128xi32, #tpu.memory_space<vmem>> -> memref<1x1x128xi32, #tpu.memory_space<vmem>>
        %dma_start3A_1301 = tpu.memref_squeeze %dma_start3A_1300 : memref<1x1x128xi32, #tpu.memory_space<vmem>> -> memref<128xi32, #tpu.memory_space<vmem>>
        %dma_start3A_1302 = arith.constant 0 : i32
        %dma_start3A_1303 = arith.constant 0 : i32
        %dma_start3A_1304 = tpu.memref_slice %arg3[%dma_start3A_1302, %dma_start3A_1303] : memref<10000x64xf32, #tpu.memory_space<hbm>> -> memref<10000x64xf32, #tpu.memory_space<hbm>>
        %dma_start3A_1305 = tpu.memref_slice %arg11[%dma_start3A_1294] : memref<8x!tpu.dma_semaphore, #tpu.memory_space<semaphore_mem>> -> memref<1x!tpu.dma_semaphore, #tpu.memory_space<semaphore_mem>>
        %dma_start3A_1306 = tpu.memref_squeeze %dma_start3A_1305 : memref<1x!tpu.dma_semaphore, #tpu.memory_space<semaphore_mem>> -> memref<!tpu.dma_semaphore, #tpu.memory_space<semaphore_mem>>
        tpu.enqueue_indirect_dma source(%dma_start3A_1304 : memref<10000x64xf32, #tpu.memory_space<hbm>>) target(%dma_start3A_1298 : memref<128x64xf32, #tpu.memory_space<vmem>>) offsets(%dma_start3A_1301 : memref<128xi32, #tpu.memory_space<vmem>>) semaphore(%dma_start3A_1306 : memref<!tpu.dma_semaphore, #tpu.memory_space<semaphore_mem>>)
      } else {
      }
      %dma_wait3A_992 = arith.constant 3 : i32
      %dma_wait3A_993 = arith.constant 3 : i32
      %dma_wait3A_994 = arith.constant 0 : i32
      %dma_wait3A_995 = arith.constant 0 : i32
      %dma_wait3A_996 = tpu.memref_slice %arg9[%dma_wait3A_992, %dma_wait3A_994, %dma_wait3A_995] : memref<8x128x64xf32, #tpu.memory_space<vmem>> -> memref<1x128x64xf32, #tpu.memory_space<vmem>>
      %dma_wait3A_997 = tpu.memref_squeeze %dma_wait3A_996 : memref<1x128x64xf32, #tpu.memory_space<vmem>> -> memref<128x64xf32, #tpu.memory_space<vmem>>
      %dma_wait3A_998 = arith.constant 0 : i32
      %dma_wait3A_999 = arith.constant 0 : i32
      %dma_wait3A_1000 = tpu.memref_slice %arg2[%dma_wait3A_998, %dma_wait3A_999] : memref<10000x64xf32, #tpu.memory_space<hbm>> -> memref<128x64xf32, #tpu.memory_space<hbm>>
      %dma_wait3A_1001 = tpu.memref_slice %arg11[%dma_wait3A_993] : memref<8x!tpu.dma_semaphore, #tpu.memory_space<semaphore_mem>> -> memref<1x!tpu.dma_semaphore, #tpu.memory_space<semaphore_mem>>
      %dma_wait3A_1002 = tpu.memref_squeeze %dma_wait3A_1001 : memref<1x!tpu.dma_semaphore, #tpu.memory_space<semaphore_mem>> -> memref<!tpu.dma_semaphore, #tpu.memory_space<semaphore_mem>>
      %dma_wait3A_1003 = arith.constant 0 : i32
      %dma_wait3A_1004 = arith.constant 0 : i32
      %dma_wait3A_1005 = tpu.memref_slice %arg9[%dma_wait3A_992, %dma_wait3A_1003, %dma_wait3A_1004] : memref<8x128x64xf32, #tpu.memory_space<vmem>> -> memref<1x128x64xf32, #tpu.memory_space<vmem>>
      %dma_wait3A_1006 = tpu.memref_squeeze %dma_wait3A_1005 : memref<1x128x64xf32, #tpu.memory_space<vmem>> -> memref<128x64xf32, #tpu.memory_space<vmem>>
      %dma_wait3A_1007 = arith.constant 0 : i32
      %dma_wait3A_1008 = arith.constant 0 : i32
      %dma_wait3A_1009 = tpu.memref_slice %arg2[%dma_wait3A_1007, %dma_wait3A_1008] : memref<10000x64xf32, #tpu.memory_space<hbm>> -> memref<128x64xf32, #tpu.memory_space<hbm>>
      tpu.wait_dma2 semaphore(%dma_wait3A_1002 : memref<!tpu.dma_semaphore, #tpu.memory_space<semaphore_mem>>) src(%dma_wait3A_1009 : memref<128x64xf32, #tpu.memory_space<hbm>>) dst(%dma_wait3A_1006 : memref<128x64xf32, #tpu.memory_space<vmem>>)
      %dma_start3A_1010 = arith.constant 3 : i32
      %dma_start3A_1011 = arith.constant 11 : i32
      %dma_start3A_1012 = arith.constant 3 : i32
      %dma_start3A_1013 = arith.constant 0 : i32
      %dma_start3A_1014 = arith.constant 0 : i32
      %dma_start3A_1015 = tpu.memref_slice %arg9[%dma_start3A_1010, %dma_start3A_1013, %dma_start3A_1014] : memref<8x128x64xf32, #tpu.memory_space<vmem>> -> memref<1x128x64xf32, #tpu.memory_space<vmem>>
      %dma_start3A_1016 = tpu.memref_squeeze %dma_start3A_1015 : memref<1x128x64xf32, #tpu.memory_space<vmem>> -> memref<128x64xf32, #tpu.memory_space<vmem>>
      %dma_start3A_1017 = arith.constant 0 : i32
      %dma_start3A_1018 = tpu.memref_slice %arg8[%rem3A_362, %dma_start3A_1011, %dma_start3A_1017] : memref<2x16x128xi32, #tpu.memory_space<vmem>> -> memref<1x1x128xi32, #tpu.memory_space<vmem>>
      %dma_start3A_1019 = tpu.memref_squeeze %dma_start3A_1018 : memref<1x1x128xi32, #tpu.memory_space<vmem>> -> memref<128xi32, #tpu.memory_space<vmem>>
      %dma_start3A_1020 = arith.constant 0 : i32
      %dma_start3A_1021 = arith.constant 0 : i32
      %dma_start3A_1022 = tpu.memref_slice %arg10[%dma_start3A_1020, %dma_start3A_1021] : memref<10240x64xf32, #tpu.memory_space<vmem_shared>> -> memref<10240x64xf32, #tpu.memory_space<vmem_shared>>
      %dma_start3A_1023 = tpu.memref_slice %arg12[%dma_start3A_1012] : memref<8x!tpu.dma_semaphore, #tpu.memory_space<semaphore_mem>> -> memref<1x!tpu.dma_semaphore, #tpu.memory_space<semaphore_mem>>
      %dma_start3A_1024 = tpu.memref_squeeze %dma_start3A_1023 : memref<1x!tpu.dma_semaphore, #tpu.memory_space<semaphore_mem>> -> memref<!tpu.dma_semaphore, #tpu.memory_space<semaphore_mem>>
      tpu.enqueue_indirect_dma source(%dma_start3A_1016 : memref<128x64xf32, #tpu.memory_space<vmem>>) target(%dma_start3A_1022 : memref<10240x64xf32, #tpu.memory_space<vmem_shared>>) offsets(%dma_start3A_1019 : memref<128xi32, #tpu.memory_space<vmem>>) semaphore(%dma_start3A_1024 : memref<!tpu.dma_semaphore, #tpu.memory_space<semaphore_mem>>) {add = true}
      %dma_wait3A_1025 = arith.constant 7 : i32
      %dma_wait3A_1026 = arith.constant 7 : i32
      %dma_wait3A_1027 = arith.constant 0 : i32
      %dma_wait3A_1028 = arith.constant 0 : i32
      %dma_wait3A_1029 = tpu.memref_slice %arg9[%dma_wait3A_1025, %dma_wait3A_1027, %dma_wait3A_1028] : memref<8x128x64xf32, #tpu.memory_space<vmem>> -> memref<1x128x64xf32, #tpu.memory_space<vmem>>
      %dma_wait3A_1030 = tpu.memref_squeeze %dma_wait3A_1029 : memref<1x128x64xf32, #tpu.memory_space<vmem>> -> memref<128x64xf32, #tpu.memory_space<vmem>>
      %dma_wait3A_1031 = arith.constant 0 : i32
      %dma_wait3A_1032 = arith.constant 0 : i32
      %dma_wait3A_1033 = tpu.memref_slice %arg10[%dma_wait3A_1031, %dma_wait3A_1032] : memref<10240x64xf32, #tpu.memory_space<vmem_shared>> -> memref<128x64xf32, #tpu.memory_space<vmem_shared>>
      %dma_wait3A_1034 = tpu.memref_slice %arg12[%dma_wait3A_1026] : memref<8x!tpu.dma_semaphore, #tpu.memory_space<semaphore_mem>> -> memref<1x!tpu.dma_semaphore, #tpu.memory_space<semaphore_mem>>
      %dma_wait3A_1035 = tpu.memref_squeeze %dma_wait3A_1034 : memref<1x!tpu.dma_semaphore, #tpu.memory_space<semaphore_mem>> -> memref<!tpu.dma_semaphore, #tpu.memory_space<semaphore_mem>>
      %dma_wait3A_1036 = arith.constant 0 : i32
      %dma_wait3A_1037 = arith.constant 0 : i32
      %dma_wait3A_1038 = tpu.memref_slice %arg10[%dma_wait3A_1036, %dma_wait3A_1037] : memref<10240x64xf32, #tpu.memory_space<vmem_shared>> -> memref<128x64xf32, #tpu.memory_space<vmem_shared>>
      %dma_wait3A_1039 = arith.constant 0 : i32
      %dma_wait3A_1040 = arith.constant 0 : i32
      %dma_wait3A_1041 = tpu.memref_slice %arg9[%dma_wait3A_1025, %dma_wait3A_1039, %dma_wait3A_1040] : memref<8x128x64xf32, #tpu.memory_space<vmem>> -> memref<1x128x64xf32, #tpu.memory_space<vmem>>
      %dma_wait3A_1042 = tpu.memref_squeeze %dma_wait3A_1041 : memref<1x128x64xf32, #tpu.memory_space<vmem>> -> memref<128x64xf32, #tpu.memory_space<vmem>>
      tpu.wait_dma2 semaphore(%dma_wait3A_1035 : memref<!tpu.dma_semaphore, #tpu.memory_space<semaphore_mem>>) src(%dma_wait3A_1042 : memref<128x64xf32, #tpu.memory_space<vmem>>) dst(%dma_wait3A_1038 : memref<128x64xf32, #tpu.memory_space<vmem_shared>>)
      %eq3A_1043 = arith.constant 0 : i32
      %eq3A_1044 = arith.cmpi eq, %arg0, %eq3A_1043 : i32
      %convert_element_type3A_1045 = arith.extui %eq3A_1044 : i1 to i32
      %cond3A_1046 = arith.constant 0 : i32
      %cond3A_1047 = arith.cmpi ne, %convert_element_type3A_1045, %cond3A_1046 : i32
      scf.if %cond3A_1047 {
        %dma_start3A_1292 = arith.constant 15 : i32
        %dma_start3A_1293 = arith.constant 7 : i32
        %dma_start3A_1294 = arith.constant 7 : i32
        %dma_start3A_1295 = arith.constant 0 : i32
        %dma_start3A_1296 = arith.constant 0 : i32
        %dma_start3A_1297 = tpu.memref_slice %arg9[%dma_start3A_1293, %dma_start3A_1295, %dma_start3A_1296] : memref<8x128x64xf32, #tpu.memory_space<vmem>> -> memref<1x128x64xf32, #tpu.memory_space<vmem>>
        %dma_start3A_1298 = tpu.memref_squeeze %dma_start3A_1297 : memref<1x128x64xf32, #tpu.memory_space<vmem>> -> memref<128x64xf32, #tpu.memory_space<vmem>>
        %dma_start3A_1299 = arith.constant 0 : i32
        %dma_start3A_1300 = tpu.memref_slice %arg7[%rem3A_362, %dma_start3A_1292, %dma_start3A_1299] : memref<2x16x128xi32, #tpu.memory_space<vmem>> -> memref<1x1x128xi32, #tpu.memory_space<vmem>>
        %dma_start3A_1301 = tpu.memref_squeeze %dma_start3A_1300 : memref<1x1x128xi32, #tpu.memory_space<vmem>> -> memref<128xi32, #tpu.memory_space<vmem>>
        %dma_start3A_1302 = arith.constant 0 : i32
        %dma_start3A_1303 = arith.constant 0 : i32
        %dma_start3A_1304 = tpu.memref_slice %arg2[%dma_start3A_1302, %dma_start3A_1303] : memref<10000x64xf32, #tpu.memory_space<hbm>> -> memref<10000x64xf32, #tpu.memory_space<hbm>>
        %dma_start3A_1305 = tpu.memref_slice %arg11[%dma_start3A_1294] : memref<8x!tpu.dma_semaphore, #tpu.memory_space<semaphore_mem>> -> memref<1x!tpu.dma_semaphore, #tpu.memory_space<semaphore_mem>>
        %dma_start3A_1306 = tpu.memref_squeeze %dma_start3A_1305 : memref<1x!tpu.dma_semaphore, #tpu.memory_space<semaphore_mem>> -> memref<!tpu.dma_semaphore, #tpu.memory_space<semaphore_mem>>
        tpu.enqueue_indirect_dma source(%dma_start3A_1304 : memref<10000x64xf32, #tpu.memory_space<hbm>>) target(%dma_start3A_1298 : memref<128x64xf32, #tpu.memory_space<vmem>>) offsets(%dma_start3A_1301 : memref<128xi32, #tpu.memory_space<vmem>>) semaphore(%dma_start3A_1306 : memref<!tpu.dma_semaphore, #tpu.memory_space<semaphore_mem>>)
      } else {
      }
      %ne3A_1048 = arith.constant 0 : i32
      %ne3A_1049 = arith.cmpi ne, %arg0, %ne3A_1048 : i32
      %convert_element_type3A_1050 = arith.extui %ne3A_1049 : i1 to i32
      %cond3A_1051 = arith.constant 0 : i32
      %cond3A_1052 = arith.cmpi ne, %convert_element_type3A_1050, %cond3A_1051 : i32
      scf.if %cond3A_1052 {
        %dma_start3A_1292 = arith.constant 15 : i32
        %dma_start3A_1293 = arith.constant 7 : i32
        %dma_start3A_1294 = arith.constant 7 : i32
        %dma_start3A_1295 = arith.constant 0 : i32
        %dma_start3A_1296 = arith.constant 0 : i32
        %dma_start3A_1297 = tpu.memref_slice %arg9[%dma_start3A_1293, %dma_start3A_1295, %dma_start3A_1296] : memref<8x128x64xf32, #tpu.memory_space<vmem>> -> memref<1x128x64xf32, #tpu.memory_space<vmem>>
        %dma_start3A_1298 = tpu.memref_squeeze %dma_start3A_1297 : memref<1x128x64xf32, #tpu.memory_space<vmem>> -> memref<128x64xf32, #tpu.memory_space<vmem>>
        %dma_start3A_1299 = arith.constant 0 : i32
        %dma_start3A_1300 = tpu.memref_slice %arg7[%rem3A_362, %dma_start3A_1292, %dma_start3A_1299] : memref<2x16x128xi32, #tpu.memory_space<vmem>> -> memref<1x1x128xi32, #tpu.memory_space<vmem>>
        %dma_start3A_1301 = tpu.memref_squeeze %dma_start3A_1300 : memref<1x1x128xi32, #tpu.memory_space<vmem>> -> memref<128xi32, #tpu.memory_space<vmem>>
        %dma_start3A_1302 = arith.constant 0 : i32
        %dma_start3A_1303 = arith.constant 0 : i32
        %dma_start3A_1304 = tpu.memref_slice %arg3[%dma_start3A_1302, %dma_start3A_1303] : memref<10000x64xf32, #tpu.memory_space<hbm>> -> memref<10000x64xf32, #tpu.memory_space<hbm>>
        %dma_start3A_1305 = tpu.memref_slice %arg11[%dma_start3A_1294] : memref<8x!tpu.dma_semaphore, #tpu.memory_space<semaphore_mem>> -> memref<1x!tpu.dma_semaphore, #tpu.memory_space<semaphore_mem>>
        %dma_start3A_1306 = tpu.memref_squeeze %dma_start3A_1305 : memref<1x!tpu.dma_semaphore, #tpu.memory_space<semaphore_mem>> -> memref<!tpu.dma_semaphore, #tpu.memory_space<semaphore_mem>>
        tpu.enqueue_indirect_dma source(%dma_start3A_1304 : memref<10000x64xf32, #tpu.memory_space<hbm>>) target(%dma_start3A_1298 : memref<128x64xf32, #tpu.memory_space<vmem>>) offsets(%dma_start3A_1301 : memref<128xi32, #tpu.memory_space<vmem>>) semaphore(%dma_start3A_1306 : memref<!tpu.dma_semaphore, #tpu.memory_space<semaphore_mem>>)
      } else {
      }
      %dma_wait3A_1053 = arith.constant 4 : i32
      %dma_wait3A_1054 = arith.constant 4 : i32
      %dma_wait3A_1055 = arith.constant 0 : i32
      %dma_wait3A_1056 = arith.constant 0 : i32
      %dma_wait3A_1057 = tpu.memref_slice %arg9[%dma_wait3A_1053, %dma_wait3A_1055, %dma_wait3A_1056] : memref<8x128x64xf32, #tpu.memory_space<vmem>> -> memref<1x128x64xf32, #tpu.memory_space<vmem>>
      %dma_wait3A_1058 = tpu.memref_squeeze %dma_wait3A_1057 : memref<1x128x64xf32, #tpu.memory_space<vmem>> -> memref<128x64xf32, #tpu.memory_space<vmem>>
      %dma_wait3A_1059 = arith.constant 0 : i32
      %dma_wait3A_1060 = arith.constant 0 : i32
      %dma_wait3A_1061 = tpu.memref_slice %arg2[%dma_wait3A_1059, %dma_wait3A_1060] : memref<10000x64xf32, #tpu.memory_space<hbm>> -> memref<128x64xf32, #tpu.memory_space<hbm>>
      %dma_wait3A_1062 = tpu.memref_slice %arg11[%dma_wait3A_1054] : memref<8x!tpu.dma_semaphore, #tpu.memory_space<semaphore_mem>> -> memref<1x!tpu.dma_semaphore, #tpu.memory_space<semaphore_mem>>
      %dma_wait3A_1063 = tpu.memref_squeeze %dma_wait3A_1062 : memref<1x!tpu.dma_semaphore, #tpu.memory_space<semaphore_mem>> -> memref<!tpu.dma_semaphore, #tpu.memory_space<semaphore_mem>>
      %dma_wait3A_1064 = arith.constant 0 : i32
      %dma_wait3A_1065 = arith.constant 0 : i32
      %dma_wait3A_1066 = tpu.memref_slice %arg9[%dma_wait3A_1053, %dma_wait3A_1064, %dma_wait3A_1065] : memref<8x128x64xf32, #tpu.memory_space<vmem>> -> memref<1x128x64xf32, #tpu.memory_space<vmem>>
      %dma_wait3A_1067 = tpu.memref_squeeze %dma_wait3A_1066 : memref<1x128x64xf32, #tpu.memory_space<vmem>> -> memref<128x64xf32, #tpu.memory_space<vmem>>
      %dma_wait3A_1068 = arith.constant 0 : i32
      %dma_wait3A_1069 = arith.constant 0 : i32
      %dma_wait3A_1070 = tpu.memref_slice %arg2[%dma_wait3A_1068, %dma_wait3A_1069] : memref<10000x64xf32, #tpu.memory_space<hbm>> -> memref<128x64xf32, #tpu.memory_space<hbm>>
      tpu.wait_dma2 semaphore(%dma_wait3A_1063 : memref<!tpu.dma_semaphore, #tpu.memory_space<semaphore_mem>>) src(%dma_wait3A_1070 : memref<128x64xf32, #tpu.memory_space<hbm>>) dst(%dma_wait3A_1067 : memref<128x64xf32, #tpu.memory_space<vmem>>)
      %dma_start3A_1071 = arith.constant 4 : i32
      %dma_start3A_1072 = arith.constant 12 : i32
      %dma_start3A_1073 = arith.constant 4 : i32
      %dma_start3A_1074 = arith.constant 0 : i32
      %dma_start3A_1075 = arith.constant 0 : i32
      %dma_start3A_1076 = tpu.memref_slice %arg9[%dma_start3A_1071, %dma_start3A_1074, %dma_start3A_1075] : memref<8x128x64xf32, #tpu.memory_space<vmem>> -> memref<1x128x64xf32, #tpu.memory_space<vmem>>
      %dma_start3A_1077 = tpu.memref_squeeze %dma_start3A_1076 : memref<1x128x64xf32, #tpu.memory_space<vmem>> -> memref<128x64xf32, #tpu.memory_space<vmem>>
      %dma_start3A_1078 = arith.constant 0 : i32
      %dma_start3A_1079 = tpu.memref_slice %arg8[%rem3A_362, %dma_start3A_1072, %dma_start3A_1078] : memref<2x16x128xi32, #tpu.memory_space<vmem>> -> memref<1x1x128xi32, #tpu.memory_space<vmem>>
      %dma_start3A_1080 = tpu.memref_squeeze %dma_start3A_1079 : memref<1x1x128xi32, #tpu.memory_space<vmem>> -> memref<128xi32, #tpu.memory_space<vmem>>
      %dma_start3A_1081 = arith.constant 0 : i32
      %dma_start3A_1082 = arith.constant 0 : i32
      %dma_start3A_1083 = tpu.memref_slice %arg10[%dma_start3A_1081, %dma_start3A_1082] : memref<10240x64xf32, #tpu.memory_space<vmem_shared>> -> memref<10240x64xf32, #tpu.memory_space<vmem_shared>>
      %dma_start3A_1084 = tpu.memref_slice %arg12[%dma_start3A_1073] : memref<8x!tpu.dma_semaphore, #tpu.memory_space<semaphore_mem>> -> memref<1x!tpu.dma_semaphore, #tpu.memory_space<semaphore_mem>>
      %dma_start3A_1085 = tpu.memref_squeeze %dma_start3A_1084 : memref<1x!tpu.dma_semaphore, #tpu.memory_space<semaphore_mem>> -> memref<!tpu.dma_semaphore, #tpu.memory_space<semaphore_mem>>
      tpu.enqueue_indirect_dma source(%dma_start3A_1077 : memref<128x64xf32, #tpu.memory_space<vmem>>) target(%dma_start3A_1083 : memref<10240x64xf32, #tpu.memory_space<vmem_shared>>) offsets(%dma_start3A_1080 : memref<128xi32, #tpu.memory_space<vmem>>) semaphore(%dma_start3A_1085 : memref<!tpu.dma_semaphore, #tpu.memory_space<semaphore_mem>>) {add = true}
      %add3A_1086 = arith.constant 1 : i32
      %add3A_1087 = arith.addi %scan3A_361, %add3A_1086 : i32
      %lt3A_1088 = arith.constant 10 : i32
      %lt3A_1089 = arith.cmpi slt, %add3A_1087, %lt3A_1088 : i32
      %convert_element_type3A_1090 = arith.extui %lt3A_1089 : i1 to i32
      %cond3A_1091 = arith.constant 0 : i32
      %cond3A_1092 = arith.cmpi ne, %convert_element_type3A_1090, %cond3A_1091 : i32
      scf.if %cond3A_1092 {
        %dma_wait3A_1292 = arith.constant 0 : i32
        %dma_wait3A_1293 = arith.constant 0 : i32
        %dma_wait3A_1294 = tpu.memref_slice %arg7[%rem3A_366, %dma_wait3A_1292, %dma_wait3A_1293] : memref<2x16x128xi32, #tpu.memory_space<vmem>> -> memref<1x16x128xi32, #tpu.memory_space<vmem>>
        %dma_wait3A_1295 = tpu.memref_squeeze %dma_wait3A_1294 : memref<1x16x128xi32, #tpu.memory_space<vmem>> -> memref<16x128xi32, #tpu.memory_space<vmem>>
        %dma_wait3A_1296 = arith.constant 0 : i32
        %dma_wait3A_1297 = arith.constant 0 : i32
        %dma_wait3A_1298 = tpu.memref_slice %arg4[%dma_wait3A_1296, %dma_wait3A_1297] : memref<2560x128xi32, #tpu.memory_space<hbm>> -> memref<16x128xi32, #tpu.memory_space<hbm>>
        %dma_wait3A_1299 = tpu.memref_slice %arg13[%rem3A_366] : memref<2x!tpu.dma_semaphore, #tpu.memory_space<semaphore_mem>> -> memref<1x!tpu.dma_semaphore, #tpu.memory_space<semaphore_mem>>
        %dma_wait3A_1300 = tpu.memref_squeeze %dma_wait3A_1299 : memref<1x!tpu.dma_semaphore, #tpu.memory_space<semaphore_mem>> -> memref<!tpu.dma_semaphore, #tpu.memory_space<semaphore_mem>>
        %dma_wait3A_1301 = arith.constant 0 : i32
        %dma_wait3A_1302 = arith.constant 0 : i32
        %dma_wait3A_1303 = tpu.memref_slice %arg7[%rem3A_366, %dma_wait3A_1301, %dma_wait3A_1302] : memref<2x16x128xi32, #tpu.memory_space<vmem>> -> memref<1x16x128xi32, #tpu.memory_space<vmem>>
        %dma_wait3A_1304 = tpu.memref_squeeze %dma_wait3A_1303 : memref<1x16x128xi32, #tpu.memory_space<vmem>> -> memref<16x128xi32, #tpu.memory_space<vmem>>
        %dma_wait3A_1305 = arith.constant 0 : i32
        %dma_wait3A_1306 = arith.constant 0 : i32
        %dma_wait3A_1307 = tpu.memref_slice %arg4[%dma_wait3A_1305, %dma_wait3A_1306] : memref<2560x128xi32, #tpu.memory_space<hbm>> -> memref<16x128xi32, #tpu.memory_space<hbm>>
        tpu.wait_dma2 semaphore(%dma_wait3A_1300 : memref<!tpu.dma_semaphore, #tpu.memory_space<semaphore_mem>>) src(%dma_wait3A_1307 : memref<16x128xi32, #tpu.memory_space<hbm>>) dst(%dma_wait3A_1304 : memref<16x128xi32, #tpu.memory_space<vmem>>)
        %dma_wait3A_1308 = arith.constant 0 : i32
        %dma_wait3A_1309 = arith.constant 0 : i32
        %dma_wait3A_1310 = tpu.memref_slice %arg8[%rem3A_366, %dma_wait3A_1308, %dma_wait3A_1309] : memref<2x16x128xi32, #tpu.memory_space<vmem>> -> memref<1x16x128xi32, #tpu.memory_space<vmem>>
        %dma_wait3A_1311 = tpu.memref_squeeze %dma_wait3A_1310 : memref<1x16x128xi32, #tpu.memory_space<vmem>> -> memref<16x128xi32, #tpu.memory_space<vmem>>
        %dma_wait3A_1312 = arith.constant 0 : i32
        %dma_wait3A_1313 = arith.constant 0 : i32
        %dma_wait3A_1314 = tpu.memref_slice %arg5[%dma_wait3A_1312, %dma_wait3A_1313] : memref<2560x128xi32, #tpu.memory_space<hbm>> -> memref<16x128xi32, #tpu.memory_space<hbm>>
        %dma_wait3A_1315 = tpu.memref_slice %arg13[%rem3A_366] : memref<2x!tpu.dma_semaphore, #tpu.memory_space<semaphore_mem>> -> memref<1x!tpu.dma_semaphore, #tpu.memory_space<semaphore_mem>>
        %dma_wait3A_1316 = tpu.memref_squeeze %dma_wait3A_1315 : memref<1x!tpu.dma_semaphore, #tpu.memory_space<semaphore_mem>> -> memref<!tpu.dma_semaphore, #tpu.memory_space<semaphore_mem>>
        %dma_wait3A_1317 = arith.constant 0 : i32
        %dma_wait3A_1318 = arith.constant 0 : i32
        %dma_wait3A_1319 = tpu.memref_slice %arg8[%rem3A_366, %dma_wait3A_1317, %dma_wait3A_1318] : memref<2x16x128xi32, #tpu.memory_space<vmem>> -> memref<1x16x128xi32, #tpu.memory_space<vmem>>
        %dma_wait3A_1320 = tpu.memref_squeeze %dma_wait3A_1319 : memref<1x16x128xi32, #tpu.memory_space<vmem>> -> memref<16x128xi32, #tpu.memory_space<vmem>>
        %dma_wait3A_1321 = arith.constant 0 : i32
        %dma_wait3A_1322 = arith.constant 0 : i32
        %dma_wait3A_1323 = tpu.memref_slice %arg5[%dma_wait3A_1321, %dma_wait3A_1322] : memref<2560x128xi32, #tpu.memory_space<hbm>> -> memref<16x128xi32, #tpu.memory_space<hbm>>
        tpu.wait_dma2 semaphore(%dma_wait3A_1316 : memref<!tpu.dma_semaphore, #tpu.memory_space<semaphore_mem>>) src(%dma_wait3A_1323 : memref<16x128xi32, #tpu.memory_space<hbm>>) dst(%dma_wait3A_1320 : memref<16x128xi32, #tpu.memory_space<vmem>>)
      } else {
      }
      %dma_wait3A_1093 = arith.constant 0 : i32
      %dma_wait3A_1094 = arith.constant 0 : i32
      %dma_wait3A_1095 = arith.constant 0 : i32
      %dma_wait3A_1096 = arith.constant 0 : i32
      %dma_wait3A_1097 = tpu.memref_slice %arg9[%dma_wait3A_1093, %dma_wait3A_1095, %dma_wait3A_1096] : memref<8x128x64xf32, #tpu.memory_space<vmem>> -> memref<1x128x64xf32, #tpu.memory_space<vmem>>
      %dma_wait3A_1098 = tpu.memref_squeeze %dma_wait3A_1097 : memref<1x128x64xf32, #tpu.memory_space<vmem>> -> memref<128x64xf32, #tpu.memory_space<vmem>>
      %dma_wait3A_1099 = arith.constant 0 : i32
      %dma_wait3A_1100 = arith.constant 0 : i32
      %dma_wait3A_1101 = tpu.memref_slice %arg10[%dma_wait3A_1099, %dma_wait3A_1100] : memref<10240x64xf32, #tpu.memory_space<vmem_shared>> -> memref<128x64xf32, #tpu.memory_space<vmem_shared>>
      %dma_wait3A_1102 = tpu.memref_slice %arg12[%dma_wait3A_1094] : memref<8x!tpu.dma_semaphore, #tpu.memory_space<semaphore_mem>> -> memref<1x!tpu.dma_semaphore, #tpu.memory_space<semaphore_mem>>
      %dma_wait3A_1103 = tpu.memref_squeeze %dma_wait3A_1102 : memref<1x!tpu.dma_semaphore, #tpu.memory_space<semaphore_mem>> -> memref<!tpu.dma_semaphore, #tpu.memory_space<semaphore_mem>>
      %dma_wait3A_1104 = arith.constant 0 : i32
      %dma_wait3A_1105 = arith.constant 0 : i32
      %dma_wait3A_1106 = tpu.memref_slice %arg10[%dma_wait3A_1104, %dma_wait3A_1105] : memref<10240x64xf32, #tpu.memory_space<vmem_shared>> -> memref<128x64xf32, #tpu.memory_space<vmem_shared>>
      %dma_wait3A_1107 = arith.constant 0 : i32
      %dma_wait3A_1108 = arith.constant 0 : i32
      %dma_wait3A_1109 = tpu.memref_slice %arg9[%dma_wait3A_1093, %dma_wait3A_1107, %dma_wait3A_1108] : memref<8x128x64xf32, #tpu.memory_space<vmem>> -> memref<1x128x64xf32, #tpu.memory_space<vmem>>
      %dma_wait3A_1110 = tpu.memref_squeeze %dma_wait3A_1109 : memref<1x128x64xf32, #tpu.memory_space<vmem>> -> memref<128x64xf32, #tpu.memory_space<vmem>>
      tpu.wait_dma2 semaphore(%dma_wait3A_1103 : memref<!tpu.dma_semaphore, #tpu.memory_space<semaphore_mem>>) src(%dma_wait3A_1110 : memref<128x64xf32, #tpu.memory_space<vmem>>) dst(%dma_wait3A_1106 : memref<128x64xf32, #tpu.memory_space<vmem_shared>>)
      %add3A_1111 = arith.constant 1 : i32
      %add3A_1112 = arith.addi %scan3A_361, %add3A_1111 : i32
      %lt3A_1113 = arith.constant 10 : i32
      %lt3A_1114 = arith.cmpi slt, %add3A_1112, %lt3A_1113 : i32
      %convert_element_type3A_1115 = arith.extui %lt3A_1114 : i1 to i32
      %cond3A_1116 = arith.constant 0 : i32
      %cond3A_1117 = arith.cmpi ne, %convert_element_type3A_1115, %cond3A_1116 : i32
      scf.if %cond3A_1117 {
        %eq3A_1292 = arith.constant 0 : i32
        %eq3A_1293 = arith.cmpi eq, %arg0, %eq3A_1292 : i32
        %convert_element_type3A_1294 = arith.extui %eq3A_1293 : i1 to i32
        %cond3A_1295 = arith.constant 0 : i32
        %cond3A_1296 = arith.cmpi ne, %convert_element_type3A_1294, %cond3A_1295 : i32
        scf.if %cond3A_1296 {
          %dma_start3A_1302 = arith.constant 0 : i32
          %dma_start3A_1303 = arith.constant 0 : i32
          %dma_start3A_1304 = arith.constant 0 : i32
          %dma_start3A_1305 = arith.constant 0 : i32
          %dma_start3A_1306 = arith.constant 0 : i32
          %dma_start3A_1307 = tpu.memref_slice %arg9[%dma_start3A_1303, %dma_start3A_1305, %dma_start3A_1306] : memref<8x128x64xf32, #tpu.memory_space<vmem>> -> memref<1x128x64xf32, #tpu.memory_space<vmem>>
          %dma_start3A_1308 = tpu.memref_squeeze %dma_start3A_1307 : memref<1x128x64xf32, #tpu.memory_space<vmem>> -> memref<128x64xf32, #tpu.memory_space<vmem>>
          %dma_start3A_1309 = arith.constant 0 : i32
          %dma_start3A_1310 = tpu.memref_slice %arg7[%rem3A_366, %dma_start3A_1302, %dma_start3A_1309] : memref<2x16x128xi32, #tpu.memory_space<vmem>> -> memref<1x1x128xi32, #tpu.memory_space<vmem>>
          %dma_start3A_1311 = tpu.memref_squeeze %dma_start3A_1310 : memref<1x1x128xi32, #tpu.memory_space<vmem>> -> memref<128xi32, #tpu.memory_space<vmem>>
          %dma_start3A_1312 = arith.constant 0 : i32
          %dma_start3A_1313 = arith.constant 0 : i32
          %dma_start3A_1314 = tpu.memref_slice %arg2[%dma_start3A_1312, %dma_start3A_1313] : memref<10000x64xf32, #tpu.memory_space<hbm>> -> memref<10000x64xf32, #tpu.memory_space<hbm>>
          %dma_start3A_1315 = tpu.memref_slice %arg11[%dma_start3A_1304] : memref<8x!tpu.dma_semaphore, #tpu.memory_space<semaphore_mem>> -> memref<1x!tpu.dma_semaphore, #tpu.memory_space<semaphore_mem>>
          %dma_start3A_1316 = tpu.memref_squeeze %dma_start3A_1315 : memref<1x!tpu.dma_semaphore, #tpu.memory_space<semaphore_mem>> -> memref<!tpu.dma_semaphore, #tpu.memory_space<semaphore_mem>>
          tpu.enqueue_indirect_dma source(%dma_start3A_1314 : memref<10000x64xf32, #tpu.memory_space<hbm>>) target(%dma_start3A_1308 : memref<128x64xf32, #tpu.memory_space<vmem>>) offsets(%dma_start3A_1311 : memref<128xi32, #tpu.memory_space<vmem>>) semaphore(%dma_start3A_1316 : memref<!tpu.dma_semaphore, #tpu.memory_space<semaphore_mem>>)
        } else {
        }
        %ne3A_1297 = arith.constant 0 : i32
        %ne3A_1298 = arith.cmpi ne, %arg0, %ne3A_1297 : i32
        %convert_element_type3A_1299 = arith.extui %ne3A_1298 : i1 to i32
        %cond3A_1300 = arith.constant 0 : i32
        %cond3A_1301 = arith.cmpi ne, %convert_element_type3A_1299, %cond3A_1300 : i32
        scf.if %cond3A_1301 {
          %dma_start3A_1302 = arith.constant 0 : i32
          %dma_start3A_1303 = arith.constant 0 : i32
          %dma_start3A_1304 = arith.constant 0 : i32
          %dma_start3A_1305 = arith.constant 0 : i32
          %dma_start3A_1306 = arith.constant 0 : i32
          %dma_start3A_1307 = tpu.memref_slice %arg9[%dma_start3A_1303, %dma_start3A_1305, %dma_start3A_1306] : memref<8x128x64xf32, #tpu.memory_space<vmem>> -> memref<1x128x64xf32, #tpu.memory_space<vmem>>
          %dma_start3A_1308 = tpu.memref_squeeze %dma_start3A_1307 : memref<1x128x64xf32, #tpu.memory_space<vmem>> -> memref<128x64xf32, #tpu.memory_space<vmem>>
          %dma_start3A_1309 = arith.constant 0 : i32
          %dma_start3A_1310 = tpu.memref_slice %arg7[%rem3A_366, %dma_start3A_1302, %dma_start3A_1309] : memref<2x16x128xi32, #tpu.memory_space<vmem>> -> memref<1x1x128xi32, #tpu.memory_space<vmem>>
          %dma_start3A_1311 = tpu.memref_squeeze %dma_start3A_1310 : memref<1x1x128xi32, #tpu.memory_space<vmem>> -> memref<128xi32, #tpu.memory_space<vmem>>
          %dma_start3A_1312 = arith.constant 0 : i32
          %dma_start3A_1313 = arith.constant 0 : i32
          %dma_start3A_1314 = tpu.memref_slice %arg3[%dma_start3A_1312, %dma_start3A_1313] : memref<10000x64xf32, #tpu.memory_space<hbm>> -> memref<10000x64xf32, #tpu.memory_space<hbm>>
          %dma_start3A_1315 = tpu.memref_slice %arg11[%dma_start3A_1304] : memref<8x!tpu.dma_semaphore, #tpu.memory_space<semaphore_mem>> -> memref<1x!tpu.dma_semaphore, #tpu.memory_space<semaphore_mem>>
          %dma_start3A_1316 = tpu.memref_squeeze %dma_start3A_1315 : memref<1x!tpu.dma_semaphore, #tpu.memory_space<semaphore_mem>> -> memref<!tpu.dma_semaphore, #tpu.memory_space<semaphore_mem>>
          tpu.enqueue_indirect_dma source(%dma_start3A_1314 : memref<10000x64xf32, #tpu.memory_space<hbm>>) target(%dma_start3A_1308 : memref<128x64xf32, #tpu.memory_space<vmem>>) offsets(%dma_start3A_1311 : memref<128xi32, #tpu.memory_space<vmem>>) semaphore(%dma_start3A_1316 : memref<!tpu.dma_semaphore, #tpu.memory_space<semaphore_mem>>)
        } else {
        }
      } else {
      }
      %dma_wait3A_1118 = arith.constant 5 : i32
      %dma_wait3A_1119 = arith.constant 5 : i32
      %dma_wait3A_1120 = arith.constant 0 : i32
      %dma_wait3A_1121 = arith.constant 0 : i32
      %dma_wait3A_1122 = tpu.memref_slice %arg9[%dma_wait3A_1118, %dma_wait3A_1120, %dma_wait3A_1121] : memref<8x128x64xf32, #tpu.memory_space<vmem>> -> memref<1x128x64xf32, #tpu.memory_space<vmem>>
      %dma_wait3A_1123 = tpu.memref_squeeze %dma_wait3A_1122 : memref<1x128x64xf32, #tpu.memory_space<vmem>> -> memref<128x64xf32, #tpu.memory_space<vmem>>
      %dma_wait3A_1124 = arith.constant 0 : i32
      %dma_wait3A_1125 = arith.constant 0 : i32
      %dma_wait3A_1126 = tpu.memref_slice %arg2[%dma_wait3A_1124, %dma_wait3A_1125] : memref<10000x64xf32, #tpu.memory_space<hbm>> -> memref<128x64xf32, #tpu.memory_space<hbm>>
      %dma_wait3A_1127 = tpu.memref_slice %arg11[%dma_wait3A_1119] : memref<8x!tpu.dma_semaphore, #tpu.memory_space<semaphore_mem>> -> memref<1x!tpu.dma_semaphore, #tpu.memory_space<semaphore_mem>>
      %dma_wait3A_1128 = tpu.memref_squeeze %dma_wait3A_1127 : memref<1x!tpu.dma_semaphore, #tpu.memory_space<semaphore_mem>> -> memref<!tpu.dma_semaphore, #tpu.memory_space<semaphore_mem>>
      %dma_wait3A_1129 = arith.constant 0 : i32
      %dma_wait3A_1130 = arith.constant 0 : i32
      %dma_wait3A_1131 = tpu.memref_slice %arg9[%dma_wait3A_1118, %dma_wait3A_1129, %dma_wait3A_1130] : memref<8x128x64xf32, #tpu.memory_space<vmem>> -> memref<1x128x64xf32, #tpu.memory_space<vmem>>
      %dma_wait3A_1132 = tpu.memref_squeeze %dma_wait3A_1131 : memref<1x128x64xf32, #tpu.memory_space<vmem>> -> memref<128x64xf32, #tpu.memory_space<vmem>>
      %dma_wait3A_1133 = arith.constant 0 : i32
      %dma_wait3A_1134 = arith.constant 0 : i32
      %dma_wait3A_1135 = tpu.memref_slice %arg2[%dma_wait3A_1133, %dma_wait3A_1134] : memref<10000x64xf32, #tpu.memory_space<hbm>> -> memref<128x64xf32, #tpu.memory_space<hbm>>
      tpu.wait_dma2 semaphore(%dma_wait3A_1128 : memref<!tpu.dma_semaphore, #tpu.memory_space<semaphore_mem>>) src(%dma_wait3A_1135 : memref<128x64xf32, #tpu.memory_space<hbm>>) dst(%dma_wait3A_1132 : memref<128x64xf32, #tpu.memory_space<vmem>>)
      %dma_start3A_1136 = arith.constant 5 : i32
      %dma_start3A_1137 = arith.constant 13 : i32
      %dma_start3A_1138 = arith.constant 5 : i32
      %dma_start3A_1139 = arith.constant 0 : i32
      %dma_start3A_1140 = arith.constant 0 : i32
      %dma_start3A_1141 = tpu.memref_slice %arg9[%dma_start3A_1136, %dma_start3A_1139, %dma_start3A_1140] : memref<8x128x64xf32, #tpu.memory_space<vmem>> -> memref<1x128x64xf32, #tpu.memory_space<vmem>>
      %dma_start3A_1142 = tpu.memref_squeeze %dma_start3A_1141 : memref<1x128x64xf32, #tpu.memory_space<vmem>> -> memref<128x64xf32, #tpu.memory_space<vmem>>
      %dma_start3A_1143 = arith.constant 0 : i32
      %dma_start3A_1144 = tpu.memref_slice %arg8[%rem3A_362, %dma_start3A_1137, %dma_start3A_1143] : memref<2x16x128xi32, #tpu.memory_space<vmem>> -> memref<1x1x128xi32, #tpu.memory_space<vmem>>
      %dma_start3A_1145 = tpu.memref_squeeze %dma_start3A_1144 : memref<1x1x128xi32, #tpu.memory_space<vmem>> -> memref<128xi32, #tpu.memory_space<vmem>>
      %dma_start3A_1146 = arith.constant 0 : i32
      %dma_start3A_1147 = arith.constant 0 : i32
      %dma_start3A_1148 = tpu.memref_slice %arg10[%dma_start3A_1146, %dma_start3A_1147] : memref<10240x64xf32, #tpu.memory_space<vmem_shared>> -> memref<10240x64xf32, #tpu.memory_space<vmem_shared>>
      %dma_start3A_1149 = tpu.memref_slice %arg12[%dma_start3A_1138] : memref<8x!tpu.dma_semaphore, #tpu.memory_space<semaphore_mem>> -> memref<1x!tpu.dma_semaphore, #tpu.memory_space<semaphore_mem>>
      %dma_start3A_1150 = tpu.memref_squeeze %dma_start3A_1149 : memref<1x!tpu.dma_semaphore, #tpu.memory_space<semaphore_mem>> -> memref<!tpu.dma_semaphore, #tpu.memory_space<semaphore_mem>>
      tpu.enqueue_indirect_dma source(%dma_start3A_1142 : memref<128x64xf32, #tpu.memory_space<vmem>>) target(%dma_start3A_1148 : memref<10240x64xf32, #tpu.memory_space<vmem_shared>>) offsets(%dma_start3A_1145 : memref<128xi32, #tpu.memory_space<vmem>>) semaphore(%dma_start3A_1150 : memref<!tpu.dma_semaphore, #tpu.memory_space<semaphore_mem>>) {add = true}
      %dma_wait3A_1151 = arith.constant 1 : i32
      %dma_wait3A_1152 = arith.constant 1 : i32
      %dma_wait3A_1153 = arith.constant 0 : i32
      %dma_wait3A_1154 = arith.constant 0 : i32
      %dma_wait3A_1155 = tpu.memref_slice %arg9[%dma_wait3A_1151, %dma_wait3A_1153, %dma_wait3A_1154] : memref<8x128x64xf32, #tpu.memory_space<vmem>> -> memref<1x128x64xf32, #tpu.memory_space<vmem>>
      %dma_wait3A_1156 = tpu.memref_squeeze %dma_wait3A_1155 : memref<1x128x64xf32, #tpu.memory_space<vmem>> -> memref<128x64xf32, #tpu.memory_space<vmem>>
      %dma_wait3A_1157 = arith.constant 0 : i32
      %dma_wait3A_1158 = arith.constant 0 : i32
      %dma_wait3A_1159 = tpu.memref_slice %arg10[%dma_wait3A_1157, %dma_wait3A_1158] : memref<10240x64xf32, #tpu.memory_space<vmem_shared>> -> memref<128x64xf32, #tpu.memory_space<vmem_shared>>
      %dma_wait3A_1160 = tpu.memref_slice %arg12[%dma_wait3A_1152] : memref<8x!tpu.dma_semaphore, #tpu.memory_space<semaphore_mem>> -> memref<1x!tpu.dma_semaphore, #tpu.memory_space<semaphore_mem>>
      %dma_wait3A_1161 = tpu.memref_squeeze %dma_wait3A_1160 : memref<1x!tpu.dma_semaphore, #tpu.memory_space<semaphore_mem>> -> memref<!tpu.dma_semaphore, #tpu.memory_space<semaphore_mem>>
      %dma_wait3A_1162 = arith.constant 0 : i32
      %dma_wait3A_1163 = arith.constant 0 : i32
      %dma_wait3A_1164 = tpu.memref_slice %arg10[%dma_wait3A_1162, %dma_wait3A_1163] : memref<10240x64xf32, #tpu.memory_space<vmem_shared>> -> memref<128x64xf32, #tpu.memory_space<vmem_shared>>
      %dma_wait3A_1165 = arith.constant 0 : i32
      %dma_wait3A_1166 = arith.constant 0 : i32
      %dma_wait3A_1167 = tpu.memref_slice %arg9[%dma_wait3A_1151, %dma_wait3A_1165, %dma_wait3A_1166] : memref<8x128x64xf32, #tpu.memory_space<vmem>> -> memref<1x128x64xf32, #tpu.memory_space<vmem>>
      %dma_wait3A_1168 = tpu.memref_squeeze %dma_wait3A_1167 : memref<1x128x64xf32, #tpu.memory_space<vmem>> -> memref<128x64xf32, #tpu.memory_space<vmem>>
      tpu.wait_dma2 semaphore(%dma_wait3A_1161 : memref<!tpu.dma_semaphore, #tpu.memory_space<semaphore_mem>>) src(%dma_wait3A_1168 : memref<128x64xf32, #tpu.memory_space<vmem>>) dst(%dma_wait3A_1164 : memref<128x64xf32, #tpu.memory_space<vmem_shared>>)
      %add3A_1169 = arith.constant 1 : i32
      %add3A_1170 = arith.addi %scan3A_361, %add3A_1169 : i32
      %lt3A_1171 = arith.constant 10 : i32
      %lt3A_1172 = arith.cmpi slt, %add3A_1170, %lt3A_1171 : i32
      %convert_element_type3A_1173 = arith.extui %lt3A_1172 : i1 to i32
      %cond3A_1174 = arith.constant 0 : i32
      %cond3A_1175 = arith.cmpi ne, %convert_element_type3A_1173, %cond3A_1174 : i32
      scf.if %cond3A_1175 {
        %eq3A_1292 = arith.constant 0 : i32
        %eq3A_1293 = arith.cmpi eq, %arg0, %eq3A_1292 : i32
        %convert_element_type3A_1294 = arith.extui %eq3A_1293 : i1 to i32
        %cond3A_1295 = arith.constant 0 : i32
        %cond3A_1296 = arith.cmpi ne, %convert_element_type3A_1294, %cond3A_1295 : i32
        scf.if %cond3A_1296 {
          %dma_start3A_1302 = arith.constant 1 : i32
          %dma_start3A_1303 = arith.constant 1 : i32
          %dma_start3A_1304 = arith.constant 1 : i32
          %dma_start3A_1305 = arith.constant 0 : i32
          %dma_start3A_1306 = arith.constant 0 : i32
          %dma_start3A_1307 = tpu.memref_slice %arg9[%dma_start3A_1303, %dma_start3A_1305, %dma_start3A_1306] : memref<8x128x64xf32, #tpu.memory_space<vmem>> -> memref<1x128x64xf32, #tpu.memory_space<vmem>>
          %dma_start3A_1308 = tpu.memref_squeeze %dma_start3A_1307 : memref<1x128x64xf32, #tpu.memory_space<vmem>> -> memref<128x64xf32, #tpu.memory_space<vmem>>
          %dma_start3A_1309 = arith.constant 0 : i32
          %dma_start3A_1310 = tpu.memref_slice %arg7[%rem3A_366, %dma_start3A_1302, %dma_start3A_1309] : memref<2x16x128xi32, #tpu.memory_space<vmem>> -> memref<1x1x128xi32, #tpu.memory_space<vmem>>
          %dma_start3A_1311 = tpu.memref_squeeze %dma_start3A_1310 : memref<1x1x128xi32, #tpu.memory_space<vmem>> -> memref<128xi32, #tpu.memory_space<vmem>>
          %dma_start3A_1312 = arith.constant 0 : i32
          %dma_start3A_1313 = arith.constant 0 : i32
          %dma_start3A_1314 = tpu.memref_slice %arg2[%dma_start3A_1312, %dma_start3A_1313] : memref<10000x64xf32, #tpu.memory_space<hbm>> -> memref<10000x64xf32, #tpu.memory_space<hbm>>
          %dma_start3A_1315 = tpu.memref_slice %arg11[%dma_start3A_1304] : memref<8x!tpu.dma_semaphore, #tpu.memory_space<semaphore_mem>> -> memref<1x!tpu.dma_semaphore, #tpu.memory_space<semaphore_mem>>
          %dma_start3A_1316 = tpu.memref_squeeze %dma_start3A_1315 : memref<1x!tpu.dma_semaphore, #tpu.memory_space<semaphore_mem>> -> memref<!tpu.dma_semaphore, #tpu.memory_space<semaphore_mem>>
          tpu.enqueue_indirect_dma source(%dma_start3A_1314 : memref<10000x64xf32, #tpu.memory_space<hbm>>) target(%dma_start3A_1308 : memref<128x64xf32, #tpu.memory_space<vmem>>) offsets(%dma_start3A_1311 : memref<128xi32, #tpu.memory_space<vmem>>) semaphore(%dma_start3A_1316 : memref<!tpu.dma_semaphore, #tpu.memory_space<semaphore_mem>>)
        } else {
        }
        %ne3A_1297 = arith.constant 0 : i32
        %ne3A_1298 = arith.cmpi ne, %arg0, %ne3A_1297 : i32
        %convert_element_type3A_1299 = arith.extui %ne3A_1298 : i1 to i32
        %cond3A_1300 = arith.constant 0 : i32
        %cond3A_1301 = arith.cmpi ne, %convert_element_type3A_1299, %cond3A_1300 : i32
        scf.if %cond3A_1301 {
          %dma_start3A_1302 = arith.constant 1 : i32
          %dma_start3A_1303 = arith.constant 1 : i32
          %dma_start3A_1304 = arith.constant 1 : i32
          %dma_start3A_1305 = arith.constant 0 : i32
          %dma_start3A_1306 = arith.constant 0 : i32
          %dma_start3A_1307 = tpu.memref_slice %arg9[%dma_start3A_1303, %dma_start3A_1305, %dma_start3A_1306] : memref<8x128x64xf32, #tpu.memory_space<vmem>> -> memref<1x128x64xf32, #tpu.memory_space<vmem>>
          %dma_start3A_1308 = tpu.memref_squeeze %dma_start3A_1307 : memref<1x128x64xf32, #tpu.memory_space<vmem>> -> memref<128x64xf32, #tpu.memory_space<vmem>>
          %dma_start3A_1309 = arith.constant 0 : i32
          %dma_start3A_1310 = tpu.memref_slice %arg7[%rem3A_366, %dma_start3A_1302, %dma_start3A_1309] : memref<2x16x128xi32, #tpu.memory_space<vmem>> -> memref<1x1x128xi32, #tpu.memory_space<vmem>>
          %dma_start3A_1311 = tpu.memref_squeeze %dma_start3A_1310 : memref<1x1x128xi32, #tpu.memory_space<vmem>> -> memref<128xi32, #tpu.memory_space<vmem>>
          %dma_start3A_1312 = arith.constant 0 : i32
          %dma_start3A_1313 = arith.constant 0 : i32
          %dma_start3A_1314 = tpu.memref_slice %arg3[%dma_start3A_1312, %dma_start3A_1313] : memref<10000x64xf32, #tpu.memory_space<hbm>> -> memref<10000x64xf32, #tpu.memory_space<hbm>>
          %dma_start3A_1315 = tpu.memref_slice %arg11[%dma_start3A_1304] : memref<8x!tpu.dma_semaphore, #tpu.memory_space<semaphore_mem>> -> memref<1x!tpu.dma_semaphore, #tpu.memory_space<semaphore_mem>>
          %dma_start3A_1316 = tpu.memref_squeeze %dma_start3A_1315 : memref<1x!tpu.dma_semaphore, #tpu.memory_space<semaphore_mem>> -> memref<!tpu.dma_semaphore, #tpu.memory_space<semaphore_mem>>
          tpu.enqueue_indirect_dma source(%dma_start3A_1314 : memref<10000x64xf32, #tpu.memory_space<hbm>>) target(%dma_start3A_1308 : memref<128x64xf32, #tpu.memory_space<vmem>>) offsets(%dma_start3A_1311 : memref<128xi32, #tpu.memory_space<vmem>>) semaphore(%dma_start3A_1316 : memref<!tpu.dma_semaphore, #tpu.memory_space<semaphore_mem>>)
        } else {
        }
      } else {
      }
      %dma_wait3A_1176 = arith.constant 6 : i32
      %dma_wait3A_1177 = arith.constant 6 : i32
      %dma_wait3A_1178 = arith.constant 0 : i32
      %dma_wait3A_1179 = arith.constant 0 : i32
      %dma_wait3A_1180 = tpu.memref_slice %arg9[%dma_wait3A_1176, %dma_wait3A_1178, %dma_wait3A_1179] : memref<8x128x64xf32, #tpu.memory_space<vmem>> -> memref<1x128x64xf32, #tpu.memory_space<vmem>>
      %dma_wait3A_1181 = tpu.memref_squeeze %dma_wait3A_1180 : memref<1x128x64xf32, #tpu.memory_space<vmem>> -> memref<128x64xf32, #tpu.memory_space<vmem>>
      %dma_wait3A_1182 = arith.constant 0 : i32
      %dma_wait3A_1183 = arith.constant 0 : i32
      %dma_wait3A_1184 = tpu.memref_slice %arg2[%dma_wait3A_1182, %dma_wait3A_1183] : memref<10000x64xf32, #tpu.memory_space<hbm>> -> memref<128x64xf32, #tpu.memory_space<hbm>>
      %dma_wait3A_1185 = tpu.memref_slice %arg11[%dma_wait3A_1177] : memref<8x!tpu.dma_semaphore, #tpu.memory_space<semaphore_mem>> -> memref<1x!tpu.dma_semaphore, #tpu.memory_space<semaphore_mem>>
      %dma_wait3A_1186 = tpu.memref_squeeze %dma_wait3A_1185 : memref<1x!tpu.dma_semaphore, #tpu.memory_space<semaphore_mem>> -> memref<!tpu.dma_semaphore, #tpu.memory_space<semaphore_mem>>
      %dma_wait3A_1187 = arith.constant 0 : i32
      %dma_wait3A_1188 = arith.constant 0 : i32
      %dma_wait3A_1189 = tpu.memref_slice %arg9[%dma_wait3A_1176, %dma_wait3A_1187, %dma_wait3A_1188] : memref<8x128x64xf32, #tpu.memory_space<vmem>> -> memref<1x128x64xf32, #tpu.memory_space<vmem>>
      %dma_wait3A_1190 = tpu.memref_squeeze %dma_wait3A_1189 : memref<1x128x64xf32, #tpu.memory_space<vmem>> -> memref<128x64xf32, #tpu.memory_space<vmem>>
      %dma_wait3A_1191 = arith.constant 0 : i32
      %dma_wait3A_1192 = arith.constant 0 : i32
      %dma_wait3A_1193 = tpu.memref_slice %arg2[%dma_wait3A_1191, %dma_wait3A_1192] : memref<10000x64xf32, #tpu.memory_space<hbm>> -> memref<128x64xf32, #tpu.memory_space<hbm>>
      tpu.wait_dma2 semaphore(%dma_wait3A_1186 : memref<!tpu.dma_semaphore, #tpu.memory_space<semaphore_mem>>) src(%dma_wait3A_1193 : memref<128x64xf32, #tpu.memory_space<hbm>>) dst(%dma_wait3A_1190 : memref<128x64xf32, #tpu.memory_space<vmem>>)
      %dma_start3A_1194 = arith.constant 6 : i32
      %dma_start3A_1195 = arith.constant 14 : i32
      %dma_start3A_1196 = arith.constant 6 : i32
      %dma_start3A_1197 = arith.constant 0 : i32
      %dma_start3A_1198 = arith.constant 0 : i32
      %dma_start3A_1199 = tpu.memref_slice %arg9[%dma_start3A_1194, %dma_start3A_1197, %dma_start3A_1198] : memref<8x128x64xf32, #tpu.memory_space<vmem>> -> memref<1x128x64xf32, #tpu.memory_space<vmem>>
      %dma_start3A_1200 = tpu.memref_squeeze %dma_start3A_1199 : memref<1x128x64xf32, #tpu.memory_space<vmem>> -> memref<128x64xf32, #tpu.memory_space<vmem>>
      %dma_start3A_1201 = arith.constant 0 : i32
      %dma_start3A_1202 = tpu.memref_slice %arg8[%rem3A_362, %dma_start3A_1195, %dma_start3A_1201] : memref<2x16x128xi32, #tpu.memory_space<vmem>> -> memref<1x1x128xi32, #tpu.memory_space<vmem>>
      %dma_start3A_1203 = tpu.memref_squeeze %dma_start3A_1202 : memref<1x1x128xi32, #tpu.memory_space<vmem>> -> memref<128xi32, #tpu.memory_space<vmem>>
      %dma_start3A_1204 = arith.constant 0 : i32
      %dma_start3A_1205 = arith.constant 0 : i32
      %dma_start3A_1206 = tpu.memref_slice %arg10[%dma_start3A_1204, %dma_start3A_1205] : memref<10240x64xf32, #tpu.memory_space<vmem_shared>> -> memref<10240x64xf32, #tpu.memory_space<vmem_shared>>
      %dma_start3A_1207 = tpu.memref_slice %arg12[%dma_start3A_1196] : memref<8x!tpu.dma_semaphore, #tpu.memory_space<semaphore_mem>> -> memref<1x!tpu.dma_semaphore, #tpu.memory_space<semaphore_mem>>
      %dma_start3A_1208 = tpu.memref_squeeze %dma_start3A_1207 : memref<1x!tpu.dma_semaphore, #tpu.memory_space<semaphore_mem>> -> memref<!tpu.dma_semaphore, #tpu.memory_space<semaphore_mem>>
      tpu.enqueue_indirect_dma source(%dma_start3A_1200 : memref<128x64xf32, #tpu.memory_space<vmem>>) target(%dma_start3A_1206 : memref<10240x64xf32, #tpu.memory_space<vmem_shared>>) offsets(%dma_start3A_1203 : memref<128xi32, #tpu.memory_space<vmem>>) semaphore(%dma_start3A_1208 : memref<!tpu.dma_semaphore, #tpu.memory_space<semaphore_mem>>) {add = true}
      %dma_wait3A_1209 = arith.constant 2 : i32
      %dma_wait3A_1210 = arith.constant 2 : i32
      %dma_wait3A_1211 = arith.constant 0 : i32
      %dma_wait3A_1212 = arith.constant 0 : i32
      %dma_wait3A_1213 = tpu.memref_slice %arg9[%dma_wait3A_1209, %dma_wait3A_1211, %dma_wait3A_1212] : memref<8x128x64xf32, #tpu.memory_space<vmem>> -> memref<1x128x64xf32, #tpu.memory_space<vmem>>
      %dma_wait3A_1214 = tpu.memref_squeeze %dma_wait3A_1213 : memref<1x128x64xf32, #tpu.memory_space<vmem>> -> memref<128x64xf32, #tpu.memory_space<vmem>>
      %dma_wait3A_1215 = arith.constant 0 : i32
      %dma_wait3A_1216 = arith.constant 0 : i32
      %dma_wait3A_1217 = tpu.memref_slice %arg10[%dma_wait3A_1215, %dma_wait3A_1216] : memref<10240x64xf32, #tpu.memory_space<vmem_shared>> -> memref<128x64xf32, #tpu.memory_space<vmem_shared>>
      %dma_wait3A_1218 = tpu.memref_slice %arg12[%dma_wait3A_1210] : memref<8x!tpu.dma_semaphore, #tpu.memory_space<semaphore_mem>> -> memref<1x!tpu.dma_semaphore, #tpu.memory_space<semaphore_mem>>
      %dma_wait3A_1219 = tpu.memref_squeeze %dma_wait3A_1218 : memref<1x!tpu.dma_semaphore, #tpu.memory_space<semaphore_mem>> -> memref<!tpu.dma_semaphore, #tpu.memory_space<semaphore_mem>>
      %dma_wait3A_1220 = arith.constant 0 : i32
      %dma_wait3A_1221 = arith.constant 0 : i32
      %dma_wait3A_1222 = tpu.memref_slice %arg10[%dma_wait3A_1220, %dma_wait3A_1221] : memref<10240x64xf32, #tpu.memory_space<vmem_shared>> -> memref<128x64xf32, #tpu.memory_space<vmem_shared>>
      %dma_wait3A_1223 = arith.constant 0 : i32
      %dma_wait3A_1224 = arith.constant 0 : i32
      %dma_wait3A_1225 = tpu.memref_slice %arg9[%dma_wait3A_1209, %dma_wait3A_1223, %dma_wait3A_1224] : memref<8x128x64xf32, #tpu.memory_space<vmem>> -> memref<1x128x64xf32, #tpu.memory_space<vmem>>
      %dma_wait3A_1226 = tpu.memref_squeeze %dma_wait3A_1225 : memref<1x128x64xf32, #tpu.memory_space<vmem>> -> memref<128x64xf32, #tpu.memory_space<vmem>>
      tpu.wait_dma2 semaphore(%dma_wait3A_1219 : memref<!tpu.dma_semaphore, #tpu.memory_space<semaphore_mem>>) src(%dma_wait3A_1226 : memref<128x64xf32, #tpu.memory_space<vmem>>) dst(%dma_wait3A_1222 : memref<128x64xf32, #tpu.memory_space<vmem_shared>>)
      %add3A_1227 = arith.constant 1 : i32
      %add3A_1228 = arith.addi %scan3A_361, %add3A_1227 : i32
      %lt3A_1229 = arith.constant 10 : i32
      %lt3A_1230 = arith.cmpi slt, %add3A_1228, %lt3A_1229 : i32
      %convert_element_type3A_1231 = arith.extui %lt3A_1230 : i1 to i32
      %cond3A_1232 = arith.constant 0 : i32
      %cond3A_1233 = arith.cmpi ne, %convert_element_type3A_1231, %cond3A_1232 : i32
      scf.if %cond3A_1233 {
        %eq3A_1292 = arith.constant 0 : i32
        %eq3A_1293 = arith.cmpi eq, %arg0, %eq3A_1292 : i32
        %convert_element_type3A_1294 = arith.extui %eq3A_1293 : i1 to i32
        %cond3A_1295 = arith.constant 0 : i32
        %cond3A_1296 = arith.cmpi ne, %convert_element_type3A_1294, %cond3A_1295 : i32
        scf.if %cond3A_1296 {
          %dma_start3A_1302 = arith.constant 2 : i32
          %dma_start3A_1303 = arith.constant 2 : i32
          %dma_start3A_1304 = arith.constant 2 : i32
          %dma_start3A_1305 = arith.constant 0 : i32
          %dma_start3A_1306 = arith.constant 0 : i32
          %dma_start3A_1307 = tpu.memref_slice %arg9[%dma_start3A_1303, %dma_start3A_1305, %dma_start3A_1306] : memref<8x128x64xf32, #tpu.memory_space<vmem>> -> memref<1x128x64xf32, #tpu.memory_space<vmem>>
          %dma_start3A_1308 = tpu.memref_squeeze %dma_start3A_1307 : memref<1x128x64xf32, #tpu.memory_space<vmem>> -> memref<128x64xf32, #tpu.memory_space<vmem>>
          %dma_start3A_1309 = arith.constant 0 : i32
          %dma_start3A_1310 = tpu.memref_slice %arg7[%rem3A_366, %dma_start3A_1302, %dma_start3A_1309] : memref<2x16x128xi32, #tpu.memory_space<vmem>> -> memref<1x1x128xi32, #tpu.memory_space<vmem>>
          %dma_start3A_1311 = tpu.memref_squeeze %dma_start3A_1310 : memref<1x1x128xi32, #tpu.memory_space<vmem>> -> memref<128xi32, #tpu.memory_space<vmem>>
          %dma_start3A_1312 = arith.constant 0 : i32
          %dma_start3A_1313 = arith.constant 0 : i32
          %dma_start3A_1314 = tpu.memref_slice %arg2[%dma_start3A_1312, %dma_start3A_1313] : memref<10000x64xf32, #tpu.memory_space<hbm>> -> memref<10000x64xf32, #tpu.memory_space<hbm>>
          %dma_start3A_1315 = tpu.memref_slice %arg11[%dma_start3A_1304] : memref<8x!tpu.dma_semaphore, #tpu.memory_space<semaphore_mem>> -> memref<1x!tpu.dma_semaphore, #tpu.memory_space<semaphore_mem>>
          %dma_start3A_1316 = tpu.memref_squeeze %dma_start3A_1315 : memref<1x!tpu.dma_semaphore, #tpu.memory_space<semaphore_mem>> -> memref<!tpu.dma_semaphore, #tpu.memory_space<semaphore_mem>>
          tpu.enqueue_indirect_dma source(%dma_start3A_1314 : memref<10000x64xf32, #tpu.memory_space<hbm>>) target(%dma_start3A_1308 : memref<128x64xf32, #tpu.memory_space<vmem>>) offsets(%dma_start3A_1311 : memref<128xi32, #tpu.memory_space<vmem>>) semaphore(%dma_start3A_1316 : memref<!tpu.dma_semaphore, #tpu.memory_space<semaphore_mem>>)
        } else {
        }
        %ne3A_1297 = arith.constant 0 : i32
        %ne3A_1298 = arith.cmpi ne, %arg0, %ne3A_1297 : i32
        %convert_element_type3A_1299 = arith.extui %ne3A_1298 : i1 to i32
        %cond3A_1300 = arith.constant 0 : i32
        %cond3A_1301 = arith.cmpi ne, %convert_element_type3A_1299, %cond3A_1300 : i32
        scf.if %cond3A_1301 {
          %dma_start3A_1302 = arith.constant 2 : i32
          %dma_start3A_1303 = arith.constant 2 : i32
          %dma_start3A_1304 = arith.constant 2 : i32
          %dma_start3A_1305 = arith.constant 0 : i32
          %dma_start3A_1306 = arith.constant 0 : i32
          %dma_start3A_1307 = tpu.memref_slice %arg9[%dma_start3A_1303, %dma_start3A_1305, %dma_start3A_1306] : memref<8x128x64xf32, #tpu.memory_space<vmem>> -> memref<1x128x64xf32, #tpu.memory_space<vmem>>
          %dma_start3A_1308 = tpu.memref_squeeze %dma_start3A_1307 : memref<1x128x64xf32, #tpu.memory_space<vmem>> -> memref<128x64xf32, #tpu.memory_space<vmem>>
          %dma_start3A_1309 = arith.constant 0 : i32
          %dma_start3A_1310 = tpu.memref_slice %arg7[%rem3A_366, %dma_start3A_1302, %dma_start3A_1309] : memref<2x16x128xi32, #tpu.memory_space<vmem>> -> memref<1x1x128xi32, #tpu.memory_space<vmem>>
          %dma_start3A_1311 = tpu.memref_squeeze %dma_start3A_1310 : memref<1x1x128xi32, #tpu.memory_space<vmem>> -> memref<128xi32, #tpu.memory_space<vmem>>
          %dma_start3A_1312 = arith.constant 0 : i32
          %dma_start3A_1313 = arith.constant 0 : i32
          %dma_start3A_1314 = tpu.memref_slice %arg3[%dma_start3A_1312, %dma_start3A_1313] : memref<10000x64xf32, #tpu.memory_space<hbm>> -> memref<10000x64xf32, #tpu.memory_space<hbm>>
          %dma_start3A_1315 = tpu.memref_slice %arg11[%dma_start3A_1304] : memref<8x!tpu.dma_semaphore, #tpu.memory_space<semaphore_mem>> -> memref<1x!tpu.dma_semaphore, #tpu.memory_space<semaphore_mem>>
          %dma_start3A_1316 = tpu.memref_squeeze %dma_start3A_1315 : memref<1x!tpu.dma_semaphore, #tpu.memory_space<semaphore_mem>> -> memref<!tpu.dma_semaphore, #tpu.memory_space<semaphore_mem>>
          tpu.enqueue_indirect_dma source(%dma_start3A_1314 : memref<10000x64xf32, #tpu.memory_space<hbm>>) target(%dma_start3A_1308 : memref<128x64xf32, #tpu.memory_space<vmem>>) offsets(%dma_start3A_1311 : memref<128xi32, #tpu.memory_space<vmem>>) semaphore(%dma_start3A_1316 : memref<!tpu.dma_semaphore, #tpu.memory_space<semaphore_mem>>)
        } else {
        }
      } else {
      }
      %dma_wait3A_1234 = arith.constant 7 : i32
      %dma_wait3A_1235 = arith.constant 7 : i32
      %dma_wait3A_1236 = arith.constant 0 : i32
      %dma_wait3A_1237 = arith.constant 0 : i32
      %dma_wait3A_1238 = tpu.memref_slice %arg9[%dma_wait3A_1234, %dma_wait3A_1236, %dma_wait3A_1237] : memref<8x128x64xf32, #tpu.memory_space<vmem>> -> memref<1x128x64xf32, #tpu.memory_space<vmem>>
      %dma_wait3A_1239 = tpu.memref_squeeze %dma_wait3A_1238 : memref<1x128x64xf32, #tpu.memory_space<vmem>> -> memref<128x64xf32, #tpu.memory_space<vmem>>
      %dma_wait3A_1240 = arith.constant 0 : i32
      %dma_wait3A_1241 = arith.constant 0 : i32
      %dma_wait3A_1242 = tpu.memref_slice %arg2[%dma_wait3A_1240, %dma_wait3A_1241] : memref<10000x64xf32, #tpu.memory_space<hbm>> -> memref<128x64xf32, #tpu.memory_space<hbm>>
      %dma_wait3A_1243 = tpu.memref_slice %arg11[%dma_wait3A_1235] : memref<8x!tpu.dma_semaphore, #tpu.memory_space<semaphore_mem>> -> memref<1x!tpu.dma_semaphore, #tpu.memory_space<semaphore_mem>>
      %dma_wait3A_1244 = tpu.memref_squeeze %dma_wait3A_1243 : memref<1x!tpu.dma_semaphore, #tpu.memory_space<semaphore_mem>> -> memref<!tpu.dma_semaphore, #tpu.memory_space<semaphore_mem>>
      %dma_wait3A_1245 = arith.constant 0 : i32
      %dma_wait3A_1246 = arith.constant 0 : i32
      %dma_wait3A_1247 = tpu.memref_slice %arg9[%dma_wait3A_1234, %dma_wait3A_1245, %dma_wait3A_1246] : memref<8x128x64xf32, #tpu.memory_space<vmem>> -> memref<1x128x64xf32, #tpu.memory_space<vmem>>
      %dma_wait3A_1248 = tpu.memref_squeeze %dma_wait3A_1247 : memref<1x128x64xf32, #tpu.memory_space<vmem>> -> memref<128x64xf32, #tpu.memory_space<vmem>>
      %dma_wait3A_1249 = arith.constant 0 : i32
      %dma_wait3A_1250 = arith.constant 0 : i32
      %dma_wait3A_1251 = tpu.memref_slice %arg2[%dma_wait3A_1249, %dma_wait3A_1250] : memref<10000x64xf32, #tpu.memory_space<hbm>> -> memref<128x64xf32, #tpu.memory_space<hbm>>
      tpu.wait_dma2 semaphore(%dma_wait3A_1244 : memref<!tpu.dma_semaphore, #tpu.memory_space<semaphore_mem>>) src(%dma_wait3A_1251 : memref<128x64xf32, #tpu.memory_space<hbm>>) dst(%dma_wait3A_1248 : memref<128x64xf32, #tpu.memory_space<vmem>>)
      %dma_start3A_1252 = arith.constant 7 : i32
      %dma_start3A_1253 = arith.constant 15 : i32
      %dma_start3A_1254 = arith.constant 7 : i32
      %dma_start3A_1255 = arith.constant 0 : i32
      %dma_start3A_1256 = arith.constant 0 : i32
      %dma_start3A_1257 = tpu.memref_slice %arg9[%dma_start3A_1252, %dma_start3A_1255, %dma_start3A_1256] : memref<8x128x64xf32, #tpu.memory_space<vmem>> -> memref<1x128x64xf32, #tpu.memory_space<vmem>>
      %dma_start3A_1258 = tpu.memref_squeeze %dma_start3A_1257 : memref<1x128x64xf32, #tpu.memory_space<vmem>> -> memref<128x64xf32, #tpu.memory_space<vmem>>
      %dma_start3A_1259 = arith.constant 0 : i32
      %dma_start3A_1260 = tpu.memref_slice %arg8[%rem3A_362, %dma_start3A_1253, %dma_start3A_1259] : memref<2x16x128xi32, #tpu.memory_space<vmem>> -> memref<1x1x128xi32, #tpu.memory_space<vmem>>
      %dma_start3A_1261 = tpu.memref_squeeze %dma_start3A_1260 : memref<1x1x128xi32, #tpu.memory_space<vmem>> -> memref<128xi32, #tpu.memory_space<vmem>>
      %dma_start3A_1262 = arith.constant 0 : i32
      %dma_start3A_1263 = arith.constant 0 : i32
      %dma_start3A_1264 = tpu.memref_slice %arg10[%dma_start3A_1262, %dma_start3A_1263] : memref<10240x64xf32, #tpu.memory_space<vmem_shared>> -> memref<10240x64xf32, #tpu.memory_space<vmem_shared>>
      %dma_start3A_1265 = tpu.memref_slice %arg12[%dma_start3A_1254] : memref<8x!tpu.dma_semaphore, #tpu.memory_space<semaphore_mem>> -> memref<1x!tpu.dma_semaphore, #tpu.memory_space<semaphore_mem>>
      %dma_start3A_1266 = tpu.memref_squeeze %dma_start3A_1265 : memref<1x!tpu.dma_semaphore, #tpu.memory_space<semaphore_mem>> -> memref<!tpu.dma_semaphore, #tpu.memory_space<semaphore_mem>>
      tpu.enqueue_indirect_dma source(%dma_start3A_1258 : memref<128x64xf32, #tpu.memory_space<vmem>>) target(%dma_start3A_1264 : memref<10240x64xf32, #tpu.memory_space<vmem_shared>>) offsets(%dma_start3A_1261 : memref<128xi32, #tpu.memory_space<vmem>>) semaphore(%dma_start3A_1266 : memref<!tpu.dma_semaphore, #tpu.memory_space<semaphore_mem>>) {add = true}
      %dma_wait3A_1267 = arith.constant 3 : i32
      %dma_wait3A_1268 = arith.constant 3 : i32
      %dma_wait3A_1269 = arith.constant 0 : i32
      %dma_wait3A_1270 = arith.constant 0 : i32
      %dma_wait3A_1271 = tpu.memref_slice %arg9[%dma_wait3A_1267, %dma_wait3A_1269, %dma_wait3A_1270] : memref<8x128x64xf32, #tpu.memory_space<vmem>> -> memref<1x128x64xf32, #tpu.memory_space<vmem>>
      %dma_wait3A_1272 = tpu.memref_squeeze %dma_wait3A_1271 : memref<1x128x64xf32, #tpu.memory_space<vmem>> -> memref<128x64xf32, #tpu.memory_space<vmem>>
      %dma_wait3A_1273 = arith.constant 0 : i32
      %dma_wait3A_1274 = arith.constant 0 : i32
      %dma_wait3A_1275 = tpu.memref_slice %arg10[%dma_wait3A_1273, %dma_wait3A_1274] : memref<10240x64xf32, #tpu.memory_space<vmem_shared>> -> memref<128x64xf32, #tpu.memory_space<vmem_shared>>
      %dma_wait3A_1276 = tpu.memref_slice %arg12[%dma_wait3A_1268] : memref<8x!tpu.dma_semaphore, #tpu.memory_space<semaphore_mem>> -> memref<1x!tpu.dma_semaphore, #tpu.memory_space<semaphore_mem>>
      %dma_wait3A_1277 = tpu.memref_squeeze %dma_wait3A_1276 : memref<1x!tpu.dma_semaphore, #tpu.memory_space<semaphore_mem>> -> memref<!tpu.dma_semaphore, #tpu.memory_space<semaphore_mem>>
      %dma_wait3A_1278 = arith.constant 0 : i32
      %dma_wait3A_1279 = arith.constant 0 : i32
      %dma_wait3A_1280 = tpu.memref_slice %arg10[%dma_wait3A_1278, %dma_wait3A_1279] : memref<10240x64xf32, #tpu.memory_space<vmem_shared>> -> memref<128x64xf32, #tpu.memory_space<vmem_shared>>
      %dma_wait3A_1281 = arith.constant 0 : i32
      %dma_wait3A_1282 = arith.constant 0 : i32
      %dma_wait3A_1283 = tpu.memref_slice %arg9[%dma_wait3A_1267, %dma_wait3A_1281, %dma_wait3A_1282] : memref<8x128x64xf32, #tpu.memory_space<vmem>> -> memref<1x128x64xf32, #tpu.memory_space<vmem>>
      %dma_wait3A_1284 = tpu.memref_squeeze %dma_wait3A_1283 : memref<1x128x64xf32, #tpu.memory_space<vmem>> -> memref<128x64xf32, #tpu.memory_space<vmem>>
      tpu.wait_dma2 semaphore(%dma_wait3A_1277 : memref<!tpu.dma_semaphore, #tpu.memory_space<semaphore_mem>>) src(%dma_wait3A_1284 : memref<128x64xf32, #tpu.memory_space<vmem>>) dst(%dma_wait3A_1280 : memref<128x64xf32, #tpu.memory_space<vmem_shared>>)
      %add3A_1285 = arith.constant 1 : i32
      %add3A_1286 = arith.addi %scan3A_361, %add3A_1285 : i32
      %lt3A_1287 = arith.constant 10 : i32
      %lt3A_1288 = arith.cmpi slt, %add3A_1286, %lt3A_1287 : i32
      %convert_element_type3A_1289 = arith.extui %lt3A_1288 : i1 to i32
      %cond3A_1290 = arith.constant 0 : i32
      %cond3A_1291 = arith.cmpi ne, %convert_element_type3A_1289, %cond3A_1290 : i32
      scf.if %cond3A_1291 {
        %eq3A_1292 = arith.constant 0 : i32
        %eq3A_1293 = arith.cmpi eq, %arg0, %eq3A_1292 : i32
        %convert_element_type3A_1294 = arith.extui %eq3A_1293 : i1 to i32
        %cond3A_1295 = arith.constant 0 : i32
        %cond3A_1296 = arith.cmpi ne, %convert_element_type3A_1294, %cond3A_1295 : i32
        scf.if %cond3A_1296 {
          %dma_start3A_1302 = arith.constant 3 : i32
          %dma_start3A_1303 = arith.constant 3 : i32
          %dma_start3A_1304 = arith.constant 3 : i32
          %dma_start3A_1305 = arith.constant 0 : i32
          %dma_start3A_1306 = arith.constant 0 : i32
          %dma_start3A_1307 = tpu.memref_slice %arg9[%dma_start3A_1303, %dma_start3A_1305, %dma_start3A_1306] : memref<8x128x64xf32, #tpu.memory_space<vmem>> -> memref<1x128x64xf32, #tpu.memory_space<vmem>>
          %dma_start3A_1308 = tpu.memref_squeeze %dma_start3A_1307 : memref<1x128x64xf32, #tpu.memory_space<vmem>> -> memref<128x64xf32, #tpu.memory_space<vmem>>
          %dma_start3A_1309 = arith.constant 0 : i32
          %dma_start3A_1310 = tpu.memref_slice %arg7[%rem3A_366, %dma_start3A_1302, %dma_start3A_1309] : memref<2x16x128xi32, #tpu.memory_space<vmem>> -> memref<1x1x128xi32, #tpu.memory_space<vmem>>
          %dma_start3A_1311 = tpu.memref_squeeze %dma_start3A_1310 : memref<1x1x128xi32, #tpu.memory_space<vmem>> -> memref<128xi32, #tpu.memory_space<vmem>>
          %dma_start3A_1312 = arith.constant 0 : i32
          %dma_start3A_1313 = arith.constant 0 : i32
          %dma_start3A_1314 = tpu.memref_slice %arg2[%dma_start3A_1312, %dma_start3A_1313] : memref<10000x64xf32, #tpu.memory_space<hbm>> -> memref<10000x64xf32, #tpu.memory_space<hbm>>
          %dma_start3A_1315 = tpu.memref_slice %arg11[%dma_start3A_1304] : memref<8x!tpu.dma_semaphore, #tpu.memory_space<semaphore_mem>> -> memref<1x!tpu.dma_semaphore, #tpu.memory_space<semaphore_mem>>
          %dma_start3A_1316 = tpu.memref_squeeze %dma_start3A_1315 : memref<1x!tpu.dma_semaphore, #tpu.memory_space<semaphore_mem>> -> memref<!tpu.dma_semaphore, #tpu.memory_space<semaphore_mem>>
          tpu.enqueue_indirect_dma source(%dma_start3A_1314 : memref<10000x64xf32, #tpu.memory_space<hbm>>) target(%dma_start3A_1308 : memref<128x64xf32, #tpu.memory_space<vmem>>) offsets(%dma_start3A_1311 : memref<128xi32, #tpu.memory_space<vmem>>) semaphore(%dma_start3A_1316 : memref<!tpu.dma_semaphore, #tpu.memory_space<semaphore_mem>>)
        } else {
        }
        %ne3A_1297 = arith.constant 0 : i32
        %ne3A_1298 = arith.cmpi ne, %arg0, %ne3A_1297 : i32
        %convert_element_type3A_1299 = arith.extui %ne3A_1298 : i1 to i32
        %cond3A_1300 = arith.constant 0 : i32
        %cond3A_1301 = arith.cmpi ne, %convert_element_type3A_1299, %cond3A_1300 : i32
        scf.if %cond3A_1301 {
          %dma_start3A_1302 = arith.constant 3 : i32
          %dma_start3A_1303 = arith.constant 3 : i32
          %dma_start3A_1304 = arith.constant 3 : i32
          %dma_start3A_1305 = arith.constant 0 : i32
          %dma_start3A_1306 = arith.constant 0 : i32
          %dma_start3A_1307 = tpu.memref_slice %arg9[%dma_start3A_1303, %dma_start3A_1305, %dma_start3A_1306] : memref<8x128x64xf32, #tpu.memory_space<vmem>> -> memref<1x128x64xf32, #tpu.memory_space<vmem>>
          %dma_start3A_1308 = tpu.memref_squeeze %dma_start3A_1307 : memref<1x128x64xf32, #tpu.memory_space<vmem>> -> memref<128x64xf32, #tpu.memory_space<vmem>>
          %dma_start3A_1309 = arith.constant 0 : i32
          %dma_start3A_1310 = tpu.memref_slice %arg7[%rem3A_366, %dma_start3A_1302, %dma_start3A_1309] : memref<2x16x128xi32, #tpu.memory_space<vmem>> -> memref<1x1x128xi32, #tpu.memory_space<vmem>>
          %dma_start3A_1311 = tpu.memref_squeeze %dma_start3A_1310 : memref<1x1x128xi32, #tpu.memory_space<vmem>> -> memref<128xi32, #tpu.memory_space<vmem>>
          %dma_start3A_1312 = arith.constant 0 : i32
          %dma_start3A_1313 = arith.constant 0 : i32
          %dma_start3A_1314 = tpu.memref_slice %arg3[%dma_start3A_1312, %dma_start3A_1313] : memref<10000x64xf32, #tpu.memory_space<hbm>> -> memref<10000x64xf32, #tpu.memory_space<hbm>>
          %dma_start3A_1315 = tpu.memref_slice %arg11[%dma_start3A_1304] : memref<8x!tpu.dma_semaphore, #tpu.memory_space<semaphore_mem>> -> memref<1x!tpu.dma_semaphore, #tpu.memory_space<semaphore_mem>>
          %dma_start3A_1316 = tpu.memref_squeeze %dma_start3A_1315 : memref<1x!tpu.dma_semaphore, #tpu.memory_space<semaphore_mem>> -> memref<!tpu.dma_semaphore, #tpu.memory_space<semaphore_mem>>
          tpu.enqueue_indirect_dma source(%dma_start3A_1314 : memref<10000x64xf32, #tpu.memory_space<hbm>>) target(%dma_start3A_1308 : memref<128x64xf32, #tpu.memory_space<vmem>>) offsets(%dma_start3A_1311 : memref<128xi32, #tpu.memory_space<vmem>>) semaphore(%dma_start3A_1316 : memref<!tpu.dma_semaphore, #tpu.memory_space<semaphore_mem>>)
        } else {
        }
      } else {
      }
    }
    %scan3A_278 = arith.constant 10 : i32
    %dma_wait3A_279 = arith.constant 4 : i32
    %dma_wait3A_280 = arith.constant 4 : i32
    %dma_wait3A_281 = arith.constant 0 : i32
    %dma_wait3A_282 = arith.constant 0 : i32
    %dma_wait3A_283 = tpu.memref_slice %arg9[%dma_wait3A_279, %dma_wait3A_281, %dma_wait3A_282] : memref<8x128x64xf32, #tpu.memory_space<vmem>> -> memref<1x128x64xf32, #tpu.memory_space<vmem>>
    %dma_wait3A_284 = tpu.memref_squeeze %dma_wait3A_283 : memref<1x128x64xf32, #tpu.memory_space<vmem>> -> memref<128x64xf32, #tpu.memory_space<vmem>>
    %dma_wait3A_285 = arith.constant 0 : i32
    %dma_wait3A_286 = arith.constant 0 : i32
    %dma_wait3A_287 = tpu.memref_slice %arg10[%dma_wait3A_285, %dma_wait3A_286] : memref<10240x64xf32, #tpu.memory_space<vmem_shared>> -> memref<128x64xf32, #tpu.memory_space<vmem_shared>>
    %dma_wait3A_288 = tpu.memref_slice %arg12[%dma_wait3A_280] : memref<8x!tpu.dma_semaphore, #tpu.memory_space<semaphore_mem>> -> memref<1x!tpu.dma_semaphore, #tpu.memory_space<semaphore_mem>>
    %dma_wait3A_289 = tpu.memref_squeeze %dma_wait3A_288 : memref<1x!tpu.dma_semaphore, #tpu.memory_space<semaphore_mem>> -> memref<!tpu.dma_semaphore, #tpu.memory_space<semaphore_mem>>
    %dma_wait3A_290 = arith.constant 0 : i32
    %dma_wait3A_291 = arith.constant 0 : i32
    %dma_wait3A_292 = tpu.memref_slice %arg10[%dma_wait3A_290, %dma_wait3A_291] : memref<10240x64xf32, #tpu.memory_space<vmem_shared>> -> memref<128x64xf32, #tpu.memory_space<vmem_shared>>
    %dma_wait3A_293 = arith.constant 0 : i32
    %dma_wait3A_294 = arith.constant 0 : i32
    %dma_wait3A_295 = tpu.memref_slice %arg9[%dma_wait3A_279, %dma_wait3A_293, %dma_wait3A_294] : memref<8x128x64xf32, #tpu.memory_space<vmem>> -> memref<1x128x64xf32, #tpu.memory_space<vmem>>
    %dma_wait3A_296 = tpu.memref_squeeze %dma_wait3A_295 : memref<1x128x64xf32, #tpu.memory_space<vmem>> -> memref<128x64xf32, #tpu.memory_space<vmem>>
    tpu.wait_dma2 semaphore(%dma_wait3A_289 : memref<!tpu.dma_semaphore, #tpu.memory_space<semaphore_mem>>) src(%dma_wait3A_296 : memref<128x64xf32, #tpu.memory_space<vmem>>) dst(%dma_wait3A_292 : memref<128x64xf32, #tpu.memory_space<vmem_shared>>)
    %dma_wait3A_297 = arith.constant 5 : i32
    %dma_wait3A_298 = arith.constant 5 : i32
    %dma_wait3A_299 = arith.constant 0 : i32
    %dma_wait3A_300 = arith.constant 0 : i32
    %dma_wait3A_301 = tpu.memref_slice %arg9[%dma_wait3A_297, %dma_wait3A_299, %dma_wait3A_300] : memref<8x128x64xf32, #tpu.memory_space<vmem>> -> memref<1x128x64xf32, #tpu.memory_space<vmem>>
    %dma_wait3A_302 = tpu.memref_squeeze %dma_wait3A_301 : memref<1x128x64xf32, #tpu.memory_space<vmem>> -> memref<128x64xf32, #tpu.memory_space<vmem>>
    %dma_wait3A_303 = arith.constant 0 : i32
    %dma_wait3A_304 = arith.constant 0 : i32
    %dma_wait3A_305 = tpu.memref_slice %arg10[%dma_wait3A_303, %dma_wait3A_304] : memref<10240x64xf32, #tpu.memory_space<vmem_shared>> -> memref<128x64xf32, #tpu.memory_space<vmem_shared>>
    %dma_wait3A_306 = tpu.memref_slice %arg12[%dma_wait3A_298] : memref<8x!tpu.dma_semaphore, #tpu.memory_space<semaphore_mem>> -> memref<1x!tpu.dma_semaphore, #tpu.memory_space<semaphore_mem>>
    %dma_wait3A_307 = tpu.memref_squeeze %dma_wait3A_306 : memref<1x!tpu.dma_semaphore, #tpu.memory_space<semaphore_mem>> -> memref<!tpu.dma_semaphore, #tpu.memory_space<semaphore_mem>>
    %dma_wait3A_308 = arith.constant 0 : i32
    %dma_wait3A_309 = arith.constant 0 : i32
    %dma_wait3A_310 = tpu.memref_slice %arg10[%dma_wait3A_308, %dma_wait3A_309] : memref<10240x64xf32, #tpu.memory_space<vmem_shared>> -> memref<128x64xf32, #tpu.memory_space<vmem_shared>>
    %dma_wait3A_311 = arith.constant 0 : i32
    %dma_wait3A_312 = arith.constant 0 : i32
    %dma_wait3A_313 = tpu.memref_slice %arg9[%dma_wait3A_297, %dma_wait3A_311, %dma_wait3A_312] : memref<8x128x64xf32, #tpu.memory_space<vmem>> -> memref<1x128x64xf32, #tpu.memory_space<vmem>>
    %dma_wait3A_314 = tpu.memref_squeeze %dma_wait3A_313 : memref<1x128x64xf32, #tpu.memory_space<vmem>> -> memref<128x64xf32, #tpu.memory_space<vmem>>
    tpu.wait_dma2 semaphore(%dma_wait3A_307 : memref<!tpu.dma_semaphore, #tpu.memory_space<semaphore_mem>>) src(%dma_wait3A_314 : memref<128x64xf32, #tpu.memory_space<vmem>>) dst(%dma_wait3A_310 : memref<128x64xf32, #tpu.memory_space<vmem_shared>>)
    %dma_wait3A_315 = arith.constant 6 : i32
    %dma_wait3A_316 = arith.constant 6 : i32
    %dma_wait3A_317 = arith.constant 0 : i32
    %dma_wait3A_318 = arith.constant 0 : i32
    %dma_wait3A_319 = tpu.memref_slice %arg9[%dma_wait3A_315, %dma_wait3A_317, %dma_wait3A_318] : memref<8x128x64xf32, #tpu.memory_space<vmem>> -> memref<1x128x64xf32, #tpu.memory_space<vmem>>
    %dma_wait3A_320 = tpu.memref_squeeze %dma_wait3A_319 : memref<1x128x64xf32, #tpu.memory_space<vmem>> -> memref<128x64xf32, #tpu.memory_space<vmem>>
    %dma_wait3A_321 = arith.constant 0 : i32
    %dma_wait3A_322 = arith.constant 0 : i32
    %dma_wait3A_323 = tpu.memref_slice %arg10[%dma_wait3A_321, %dma_wait3A_322] : memref<10240x64xf32, #tpu.memory_space<vmem_shared>> -> memref<128x64xf32, #tpu.memory_space<vmem_shared>>
    %dma_wait3A_324 = tpu.memref_slice %arg12[%dma_wait3A_316] : memref<8x!tpu.dma_semaphore, #tpu.memory_space<semaphore_mem>> -> memref<1x!tpu.dma_semaphore, #tpu.memory_space<semaphore_mem>>
    %dma_wait3A_325 = tpu.memref_squeeze %dma_wait3A_324 : memref<1x!tpu.dma_semaphore, #tpu.memory_space<semaphore_mem>> -> memref<!tpu.dma_semaphore, #tpu.memory_space<semaphore_mem>>
    %dma_wait3A_326 = arith.constant 0 : i32
    %dma_wait3A_327 = arith.constant 0 : i32
    %dma_wait3A_328 = tpu.memref_slice %arg10[%dma_wait3A_326, %dma_wait3A_327] : memref<10240x64xf32, #tpu.memory_space<vmem_shared>> -> memref<128x64xf32, #tpu.memory_space<vmem_shared>>
    %dma_wait3A_329 = arith.constant 0 : i32
    %dma_wait3A_330 = arith.constant 0 : i32
    %dma_wait3A_331 = tpu.memref_slice %arg9[%dma_wait3A_315, %dma_wait3A_329, %dma_wait3A_330] : memref<8x128x64xf32, #tpu.memory_space<vmem>> -> memref<1x128x64xf32, #tpu.memory_space<vmem>>
    %dma_wait3A_332 = tpu.memref_squeeze %dma_wait3A_331 : memref<1x128x64xf32, #tpu.memory_space<vmem>> -> memref<128x64xf32, #tpu.memory_space<vmem>>
    tpu.wait_dma2 semaphore(%dma_wait3A_325 : memref<!tpu.dma_semaphore, #tpu.memory_space<semaphore_mem>>) src(%dma_wait3A_332 : memref<128x64xf32, #tpu.memory_space<vmem>>) dst(%dma_wait3A_328 : memref<128x64xf32, #tpu.memory_space<vmem_shared>>)
    %dma_wait3A_333 = arith.constant 7 : i32
    %dma_wait3A_334 = arith.constant 7 : i32
    %dma_wait3A_335 = arith.constant 0 : i32
    %dma_wait3A_336 = arith.constant 0 : i32
    %dma_wait3A_337 = tpu.memref_slice %arg9[%dma_wait3A_333, %dma_wait3A_335, %dma_wait3A_336] : memref<8x128x64xf32, #tpu.memory_space<vmem>> -> memref<1x128x64xf32, #tpu.memory_space<vmem>>
    %dma_wait3A_338 = tpu.memref_squeeze %dma_wait3A_337 : memref<1x128x64xf32, #tpu.memory_space<vmem>> -> memref<128x64xf32, #tpu.memory_space<vmem>>
    %dma_wait3A_339 = arith.constant 0 : i32
    %dma_wait3A_340 = arith.constant 0 : i32
    %dma_wait3A_341 = tpu.memref_slice %arg10[%dma_wait3A_339, %dma_wait3A_340] : memref<10240x64xf32, #tpu.memory_space<vmem_shared>> -> memref<128x64xf32, #tpu.memory_space<vmem_shared>>
    %dma_wait3A_342 = tpu.memref_slice %arg12[%dma_wait3A_334] : memref<8x!tpu.dma_semaphore, #tpu.memory_space<semaphore_mem>> -> memref<1x!tpu.dma_semaphore, #tpu.memory_space<semaphore_mem>>
    %dma_wait3A_343 = tpu.memref_squeeze %dma_wait3A_342 : memref<1x!tpu.dma_semaphore, #tpu.memory_space<semaphore_mem>> -> memref<!tpu.dma_semaphore, #tpu.memory_space<semaphore_mem>>
    %dma_wait3A_344 = arith.constant 0 : i32
    %dma_wait3A_345 = arith.constant 0 : i32
    %dma_wait3A_346 = tpu.memref_slice %arg10[%dma_wait3A_344, %dma_wait3A_345] : memref<10240x64xf32, #tpu.memory_space<vmem_shared>> -> memref<128x64xf32, #tpu.memory_space<vmem_shared>>
    %dma_wait3A_347 = arith.constant 0 : i32
    %dma_wait3A_348 = arith.constant 0 : i32
    %dma_wait3A_349 = tpu.memref_slice %arg9[%dma_wait3A_333, %dma_wait3A_347, %dma_wait3A_348] : memref<8x128x64xf32, #tpu.memory_space<vmem>> -> memref<1x128x64xf32, #tpu.memory_space<vmem>>
    %dma_wait3A_350 = tpu.memref_squeeze %dma_wait3A_349 : memref<1x128x64xf32, #tpu.memory_space<vmem>> -> memref<128x64xf32, #tpu.memory_space<vmem>>
    tpu.wait_dma2 semaphore(%dma_wait3A_343 : memref<!tpu.dma_semaphore, #tpu.memory_space<semaphore_mem>>) src(%dma_wait3A_350 : memref<128x64xf32, #tpu.memory_space<vmem>>) dst(%dma_wait3A_346 : memref<128x64xf32, #tpu.memory_space<vmem_shared>>)
    %barrier3A_351 = arith.constant 0 : index
    tpu.barrier barrier_id(%barrier3A_351)
    %lt3A = arith.constant 15 : i32
    %lt3A_352 = arith.cmpi slt, %arg1, %lt3A : i32
    %convert_element_type3A_353 = arith.extui %lt3A_352 : i1 to i32
    %cond3A_354 = arith.constant 0 : i32
    %cond3A_355 = arith.cmpi ne, %convert_element_type3A_353, %cond3A_354 : i32
    scf.if %cond3A_355 {
      %mul3A_361 = arith.constant 640 : i32
      %mul3A_362 = arith.muli %arg1, %mul3A_361 : i32
      %mul3A_363 = arith.constant 640 : i32
      %mul3A_364 = arith.muli %arg1, %mul3A_363 : i32
      "tpu.region"() ({
        %run_scoped3A = tpu.sem_alloc : memref<!tpu.dma_semaphore, #tpu.memory_space<semaphore_mem>>
        %dma_start3A_365 = arith.constant 0 : i32
        %dma_start3A_366 = tpu.memref_slice %arg6[%arg0, %mul3A_364, %dma_start3A_365] : memref<2x10000x64xf32, #tpu.memory_space<hbm>> -> memref<1x640x64xf32, #tpu.memory_space<hbm>>
        %dma_start3A_367 = tpu.memref_squeeze %dma_start3A_366 : memref<1x640x64xf32, #tpu.memory_space<hbm>> -> memref<640x64xf32, #tpu.memory_space<hbm>>
        %dma_start3A_368 = arith.constant 0 : i32
        %dma_start3A_369 = tpu.memref_slice %arg10[%mul3A_362, %dma_start3A_368] : memref<10240x64xf32, #tpu.memory_space<vmem_shared>> -> memref<640x64xf32, #tpu.memory_space<vmem_shared>>
        tpu.enqueue_dma source(%dma_start3A_369 : memref<640x64xf32, #tpu.memory_space<vmem_shared>>) target(%dma_start3A_367 : memref<640x64xf32, #tpu.memory_space<hbm>>) target_semaphore(%run_scoped3A : memref<!tpu.dma_semaphore, #tpu.memory_space<semaphore_mem>>)
        %dma_wait3A_370 = arith.constant 0 : i32
        %dma_wait3A_371 = tpu.memref_slice %arg6[%arg0, %mul3A_364, %dma_wait3A_370] : memref<2x10000x64xf32, #tpu.memory_space<hbm>> -> memref<1x640x64xf32, #tpu.memory_space<hbm>>
        %dma_wait3A_372 = tpu.memref_squeeze %dma_wait3A_371 : memref<1x640x64xf32, #tpu.memory_space<hbm>> -> memref<640x64xf32, #tpu.memory_space<hbm>>
        %dma_wait3A_373 = arith.constant 0 : i32
        %dma_wait3A_374 = tpu.memref_slice %arg10[%mul3A_362, %dma_wait3A_373] : memref<10240x64xf32, #tpu.memory_space<vmem_shared>> -> memref<640x64xf32, #tpu.memory_space<vmem_shared>>
        tpu.wait_dma2 semaphore(%run_scoped3A : memref<!tpu.dma_semaphore, #tpu.memory_space<semaphore_mem>>) src(%dma_wait3A_374 : memref<640x64xf32, #tpu.memory_space<vmem_shared>>) dst(%dma_wait3A_372 : memref<640x64xf32, #tpu.memory_space<hbm>>)
        tpu.yield
      }) : () -> ()
    } else {
    }
    %eq3A_356 = arith.constant 15 : i32
    %eq3A_357 = arith.cmpi eq, %arg1, %eq3A_356 : i32
    %convert_element_type3A_358 = arith.extui %eq3A_357 : i1 to i32
    %cond3A_359 = arith.constant 0 : i32
    %cond3A_360 = arith.cmpi ne, %convert_element_type3A_358, %cond3A_359 : i32
    scf.if %cond3A_360 {
      "tpu.region"() ({
        %run_scoped3A = tpu.sem_alloc : memref<!tpu.dma_semaphore, #tpu.memory_space<semaphore_mem>>
        %dma_start3A_361 = arith.constant 9600 : i32
        %dma_start3A_362 = arith.constant 0 : i32
        %dma_start3A_363 = tpu.memref_slice %arg6[%arg0, %dma_start3A_361, %dma_start3A_362] : memref<2x10000x64xf32, #tpu.memory_space<hbm>> -> memref<1x400x64xf32, #tpu.memory_space<hbm>>
        %dma_start3A_364 = tpu.memref_squeeze %dma_start3A_363 : memref<1x400x64xf32, #tpu.memory_space<hbm>> -> memref<400x64xf32, #tpu.memory_space<hbm>>
        %dma_start3A_365 = arith.constant 9600 : i32
        %dma_start3A_366 = arith.constant 0 : i32
        %dma_start3A_367 = tpu.memref_slice %arg10[%dma_start3A_365, %dma_start3A_366] : memref<10240x64xf32, #tpu.memory_space<vmem_shared>> -> memref<400x64xf32, #tpu.memory_space<vmem_shared>>
        tpu.enqueue_dma source(%dma_start3A_367 : memref<400x64xf32, #tpu.memory_space<vmem_shared>>) target(%dma_start3A_364 : memref<400x64xf32, #tpu.memory_space<hbm>>) target_semaphore(%run_scoped3A : memref<!tpu.dma_semaphore, #tpu.memory_space<semaphore_mem>>)
        %dma_wait3A_368 = arith.constant 9600 : i32
        %dma_wait3A_369 = arith.constant 0 : i32
        %dma_wait3A_370 = tpu.memref_slice %arg6[%arg0, %dma_wait3A_368, %dma_wait3A_369] : memref<2x10000x64xf32, #tpu.memory_space<hbm>> -> memref<1x400x64xf32, #tpu.memory_space<hbm>>
        %dma_wait3A_371 = tpu.memref_squeeze %dma_wait3A_370 : memref<1x400x64xf32, #tpu.memory_space<hbm>> -> memref<400x64xf32, #tpu.memory_space<hbm>>
        %dma_wait3A_372 = arith.constant 9600 : i32
        %dma_wait3A_373 = arith.constant 0 : i32
        %dma_wait3A_374 = tpu.memref_slice %arg10[%dma_wait3A_372, %dma_wait3A_373] : memref<10240x64xf32, #tpu.memory_space<vmem_shared>> -> memref<400x64xf32, #tpu.memory_space<vmem_shared>>
        tpu.wait_dma2 semaphore(%run_scoped3A : memref<!tpu.dma_semaphore, #tpu.memory_space<semaphore_mem>>) src(%dma_wait3A_374 : memref<400x64xf32, #tpu.memory_space<vmem_shared>>) dst(%dma_wait3A_371 : memref<400x64xf32, #tpu.memory_space<hbm>>)
        tpu.yield
      }) : () -> ()
    } else {
    }
    return
  }
}

module attributes {stable_mosaic.version = 14 : i64} {
  func.func @_stage1_body(%arg0: i32, %arg1: memref<1000x128xf32, #tpu.memory_space<vmem>>, %arg2: memref<1000x128xf32, #tpu.memory_space<vmem>>, %arg3: memref<2x1000x64xf32, #tpu.memory_space<vmem>>, %arg4: memref<2x1000x64xf32, #tpu.memory_space<vmem>>) attributes {dimension_semantics = [#tpu.dimension_semantics<arbitrary>], iteration_bounds = array<i64: 5>, scalar_prefetch = 0 : i64, scratch_operands = 0 : i64, tpu.core_type = #tpu.core_type<tc>, window_params = [{transform_indices = @transform_0, window_bounds = array<i64: 1000, 128>}, {transform_indices = @transform_1, window_bounds = array<i64: 1000, 128>}, {transform_indices = @transform_2, window_bounds = array<i64: 2, 1000, 64>}, {transform_indices = @transform_3, window_bounds = array<i64: 2, 1000, 64>}]} {
    %get3A = arith.constant 0 : index
    %get3A_0 = arith.constant 0 : index
    %get3A_1 = vector.load %arg1[%get3A, %get3A_0] : memref<1000x128xf32, #tpu.memory_space<vmem>>, vector<1000x128xf32>
    %iota3A = tpu.iota {dimensions = array<i32: 1>} : vector<1000x128xi32>
    %eq3A = arith.constant 0 : i32
    %eq3A_2 = vector.broadcast %eq3A : i32 to vector<1000x128xi32>
    %eq3A_3 = arith.cmpi eq, %iota3A, %eq3A_2 : vector<1000x128xi32>
    %jit3A = arith.constant 0.000000e+00 : f32
    %broadcast_in_dim3A = vector.broadcast %jit3A : f32 to vector<1000x128xf32>
    %select_n3A = arith.select %eq3A_3, %broadcast_in_dim3A, %get3A_1 : vector<1000x128xi1>, vector<1000x128xf32>
    %mul3A = arith.mulf %select_n3A, %select_n3A : vector<1000x128xf32>
    %reduce_sum3A = arith.constant dense<0.000000e+00> : vector<1000xf32>
    %reduce_sum3A_4 = vector.multi_reduction <add>, %mul3A, %reduce_sum3A [1] : vector<1000x128xf32> to vector<1000xf32>
    %broadcast_in_dim3A_5 = vector.shape_cast %reduce_sum3A_4 : vector<1000xf32> to vector<1000x1xf32>
    %jit3A_6 = arith.constant 1.000000e-15 : f32
    %max3A = vector.broadcast %jit3A_6 : f32 to vector<1000x1xf32>
    %max3A_7 = arith.maximumf %max3A, %broadcast_in_dim3A_5 : vector<1000x1xf32>
    %sqrt3A = math.sqrt %max3A_7 : vector<1000x1xf32>
    %add3A = arith.constant 1.000000e+00 : f32
    %add3A_8 = vector.broadcast %add3A : f32 to vector<1000x1xf32>
    %add3A_9 = arith.addf %add3A_8, %broadcast_in_dim3A_5 : vector<1000x1xf32>
    %sqrt3A_10 = math.sqrt %add3A_9 : vector<1000x1xf32>
    %max3A_11 = arith.constant 1.00000012 : f32
    %max3A_12 = vector.broadcast %max3A_11 : f32 to vector<1000x1xf32>
    %max3A_13 = arith.maximumf %sqrt3A_10, %max3A_12 : vector<1000x1xf32>
    %mul3A_14 = arith.mulf %max3A_13, %max3A_13 : vector<1000x1xf32>
    %sub3A = arith.constant 1.000000e+00 : f32
    %sub3A_15 = vector.broadcast %sub3A : f32 to vector<1000x1xf32>
    %sub3A_16 = arith.subf %mul3A_14, %sub3A_15 : vector<1000x1xf32>
    %sqrt3A_17 = math.sqrt %sub3A_16 : vector<1000x1xf32>
    %add3A_18 = arith.addf %max3A_13, %sqrt3A_17 : vector<1000x1xf32>
    %log3A = math.log %add3A_18 : vector<1000x1xf32>
    %eq3A_19 = arith.constant 0 : i32
    %eq3A_20 = vector.broadcast %eq3A_19 : i32 to vector<1000x128xi32>
    %eq3A_21 = arith.cmpi eq, %iota3A, %eq3A_20 : vector<1000x128xi32>
    %div3A = arith.divf %log3A, %sqrt3A : vector<1000x1xf32>
    %mul3A_22 = vector.broadcast %div3A : vector<1000x1xf32> to vector<1000x128xf32>
    %mul3A_23 = arith.mulf %select_n3A, %mul3A_22 : vector<1000x128xf32>
    %jit3A_24 = arith.constant 1.000000e+00 : f32
    %broadcast_in_dim3A_25 = vector.broadcast %jit3A_24 : f32 to vector<1000x128xf32>
    %select_n3A_26 = arith.select %eq3A_21, %broadcast_in_dim3A_25, %mul3A_23 : vector<1000x128xi1>, vector<1000x128xf32>
    %slice3A = vector.extract_strided_slice %select_n3A_26 {offsets = [0, 0], sizes = [1000, 64], strides = [1, 1]} : vector<1000x128xf32> to vector<1000x64xf32>
    %swap3A = arith.constant 0 : index
    %swap3A_27 = arith.constant 0 : index
    %swap3A_28 = arith.constant 0 : index
    %swap3A_29 = vector.load %arg3[%swap3A, %swap3A_27, %swap3A_28] : memref<2x1000x64xf32, #tpu.memory_space<vmem>>, vector<1x1000x64xf32>
    %swap3A_30 = vector.shape_cast %swap3A_29 : vector<1x1000x64xf32> to vector<1000x64xf32>
    %swap3A_31 = vector.shape_cast %slice3A : vector<1000x64xf32> to vector<1x1000x64xf32>
    tpu.vector_store %arg3[%swap3A, %swap3A_27, %swap3A_28], %swap3A_31 {strides = array<i32>} : memref<2x1000x64xf32, #tpu.memory_space<vmem>>, vector<1x1000x64xf32>,
    %slice3A_32 = vector.extract_strided_slice %select_n3A_26 {offsets = [0, 64], sizes = [1000, 64], strides = [1, 1]} : vector<1000x128xf32> to vector<1000x64xf32>
    %swap3A_33 = arith.constant 0 : index
    %swap3A_34 = arith.constant 0 : index
    %swap3A_35 = arith.constant 0 : index
    %swap3A_36 = vector.load %arg4[%swap3A_33, %swap3A_34, %swap3A_35] : memref<2x1000x64xf32, #tpu.memory_space<vmem>>, vector<1x1000x64xf32>
    %swap3A_37 = vector.shape_cast %swap3A_36 : vector<1x1000x64xf32> to vector<1000x64xf32>
    %swap3A_38 = vector.shape_cast %slice3A_32 : vector<1000x64xf32> to vector<1x1000x64xf32>
    tpu.vector_store %arg4[%swap3A_33, %swap3A_34, %swap3A_35], %swap3A_38 {strides = array<i32>} : memref<2x1000x64xf32, #tpu.memory_space<vmem>>, vector<1x1000x64xf32>,
    %get3A_39 = arith.constant 0 : index
    %get3A_40 = arith.constant 0 : index
    %get3A_41 = vector.load %arg2[%get3A_39, %get3A_40] : memref<1000x128xf32, #tpu.memory_space<vmem>>, vector<1000x128xf32>
    %iota3A_42 = tpu.iota {dimensions = array<i32: 1>} : vector<1000x128xi32>
    %eq3A_43 = arith.constant 0 : i32
    %eq3A_44 = vector.broadcast %eq3A_43 : i32 to vector<1000x128xi32>
    %eq3A_45 = arith.cmpi eq, %iota3A_42, %eq3A_44 : vector<1000x128xi32>
    %jit3A_46 = arith.constant 0.000000e+00 : f32
    %broadcast_in_dim3A_47 = vector.broadcast %jit3A_46 : f32 to vector<1000x128xf32>
    %select_n3A_48 = arith.select %eq3A_45, %broadcast_in_dim3A_47, %get3A_41 : vector<1000x128xi1>, vector<1000x128xf32>
    %mul3A_49 = arith.mulf %select_n3A_48, %select_n3A_48 : vector<1000x128xf32>
    %reduce_sum3A_50 = arith.constant dense<0.000000e+00> : vector<1000xf32>
    %reduce_sum3A_51 = vector.multi_reduction <add>, %mul3A_49, %reduce_sum3A_50 [1] : vector<1000x128xf32> to vector<1000xf32>
    %broadcast_in_dim3A_52 = vector.shape_cast %reduce_sum3A_51 : vector<1000xf32> to vector<1000x1xf32>
    %jit3A_53 = arith.constant 1.000000e-15 : f32
    %max3A_54 = vector.broadcast %jit3A_53 : f32 to vector<1000x1xf32>
    %max3A_55 = arith.maximumf %max3A_54, %broadcast_in_dim3A_52 : vector<1000x1xf32>
    %sqrt3A_56 = math.sqrt %max3A_55 : vector<1000x1xf32>
    %add3A_57 = arith.constant 1.000000e+00 : f32
    %add3A_58 = vector.broadcast %add3A_57 : f32 to vector<1000x1xf32>
    %add3A_59 = arith.addf %add3A_58, %broadcast_in_dim3A_52 : vector<1000x1xf32>
    %sqrt3A_60 = math.sqrt %add3A_59 : vector<1000x1xf32>
    %max3A_61 = arith.constant 1.00000012 : f32
    %max3A_62 = vector.broadcast %max3A_61 : f32 to vector<1000x1xf32>
    %max3A_63 = arith.maximumf %sqrt3A_60, %max3A_62 : vector<1000x1xf32>
    %mul3A_64 = arith.mulf %max3A_63, %max3A_63 : vector<1000x1xf32>
    %sub3A_65 = arith.constant 1.000000e+00 : f32
    %sub3A_66 = vector.broadcast %sub3A_65 : f32 to vector<1000x1xf32>
    %sub3A_67 = arith.subf %mul3A_64, %sub3A_66 : vector<1000x1xf32>
    %sqrt3A_68 = math.sqrt %sub3A_67 : vector<1000x1xf32>
    %add3A_69 = arith.addf %max3A_63, %sqrt3A_68 : vector<1000x1xf32>
    %log3A_70 = math.log %add3A_69 : vector<1000x1xf32>
    %eq3A_71 = arith.constant 0 : i32
    %eq3A_72 = vector.broadcast %eq3A_71 : i32 to vector<1000x128xi32>
    %eq3A_73 = arith.cmpi eq, %iota3A_42, %eq3A_72 : vector<1000x128xi32>
    %div3A_74 = arith.divf %log3A_70, %sqrt3A_56 : vector<1000x1xf32>
    %mul3A_75 = vector.broadcast %div3A_74 : vector<1000x1xf32> to vector<1000x128xf32>
    %mul3A_76 = arith.mulf %select_n3A_48, %mul3A_75 : vector<1000x128xf32>
    %jit3A_77 = arith.constant 1.000000e+00 : f32
    %broadcast_in_dim3A_78 = vector.broadcast %jit3A_77 : f32 to vector<1000x128xf32>
    %select_n3A_79 = arith.select %eq3A_73, %broadcast_in_dim3A_78, %mul3A_76 : vector<1000x128xi1>, vector<1000x128xf32>
    %slice3A_80 = vector.extract_strided_slice %select_n3A_79 {offsets = [0, 0], sizes = [1000, 64], strides = [1, 1]} : vector<1000x128xf32> to vector<1000x64xf32>
    %swap3A_81 = arith.constant 1 : index
    %swap3A_82 = arith.constant 0 : index
    %swap3A_83 = arith.constant 0 : index
    %swap3A_84 = vector.load %arg3[%swap3A_81, %swap3A_82, %swap3A_83] : memref<2x1000x64xf32, #tpu.memory_space<vmem>>, vector<1x1000x64xf32>
    %swap3A_85 = vector.shape_cast %swap3A_84 : vector<1x1000x64xf32> to vector<1000x64xf32>
    %swap3A_86 = vector.shape_cast %slice3A_80 : vector<1000x64xf32> to vector<1x1000x64xf32>
    tpu.vector_store %arg3[%swap3A_81, %swap3A_82, %swap3A_83], %swap3A_86 {strides = array<i32>} : memref<2x1000x64xf32, #tpu.memory_space<vmem>>, vector<1x1000x64xf32>,
    %slice3A_87 = vector.extract_strided_slice %select_n3A_79 {offsets = [0, 64], sizes = [1000, 64], strides = [1, 1]} : vector<1000x128xf32> to vector<1000x64xf32>
    %swap3A_88 = arith.constant 1 : index
    %swap3A_89 = arith.constant 0 : index
    %swap3A_90 = arith.constant 0 : index
    %swap3A_91 = vector.load %arg4[%swap3A_88, %swap3A_89, %swap3A_90] : memref<2x1000x64xf32, #tpu.memory_space<vmem>>, vector<1x1000x64xf32>
    %swap3A_92 = vector.shape_cast %swap3A_91 : vector<1x1000x64xf32> to vector<1000x64xf32>
    %swap3A_93 = vector.shape_cast %slice3A_87 : vector<1000x64xf32> to vector<1x1000x64xf32>
    tpu.vector_store %arg4[%swap3A_88, %swap3A_89, %swap3A_90], %swap3A_93 {strides = array<i32>} : memref<2x1000x64xf32, #tpu.memory_space<vmem>>, vector<1x1000x64xf32>,
    return
  }
  func.func @transform_0(%arg0: i32) -> (i32, i32) {
    %c0_i32 = arith.constant 0 : i32
    %c0_i32_0 = arith.constant 0 : i32
    return %arg0, %c0_i32 : i32, i32
  }
  func.func @transform_1(%arg0: i32) -> (i32, i32) {
    %c0_i32 = arith.constant 0 : i32
    %c0_i32_0 = arith.constant 0 : i32
    return %arg0, %c0_i32 : i32, i32
  }
  func.func @transform_2(%arg0: i32) -> (i32, i32, i32) {
    %c0_i32 = arith.constant 0 : i32
    %c0_i32_0 = arith.constant 0 : i32
    %c0_i32_1 = arith.constant 0 : i32
    return %c0_i32, %arg0, %c0_i32_0 : i32, i32, i32
  }
  func.func @transform_3(%arg0: i32) -> (i32, i32, i32) {
    %c0_i32 = arith.constant 0 : i32
    %c0_i32_0 = arith.constant 0 : i32
    %c0_i32_1 = arith.constant 0 : i32
    return %c0_i32, %arg0, %c0_i32_0 : i32, i32, i32
  }
}

module attributes {stable_mosaic.version = 14 : i64} {
  func.func @_stage3_body(%arg0: i32, %arg1: memref<2x2000x64xf32, #tpu.memory_space<vmem>>, %arg2: memref<128x128xf32, #tpu.memory_space<vmem>>, %arg3: memref<1x128xf32, #tpu.memory_space<vmem>>, %arg4: memref<2000x128xf32, #tpu.memory_space<vmem>>) attributes {dimension_semantics = [#tpu.dimension_semantics<arbitrary>], iteration_bounds = array<i64: 5>, scalar_prefetch = 0 : i64, scratch_operands = 0 : i64, tpu.core_type = #tpu.core_type<tc>, window_params = [{transform_indices = @transform_0, window_bounds = array<i64: 2, 2000, 64>}, {pipeline_mode = #tpu.pipeline_mode<synchronous>, transform_indices = @transform_1, window_bounds = array<i64: 128, 128>}, {pipeline_mode = #tpu.pipeline_mode<synchronous>, transform_indices = @transform_2, window_bounds = array<i64: 1, 128>}, {transform_indices = @transform_3, window_bounds = array<i64: 2000, 128>}]} {
    %get3A = arith.constant 0 : index
    %get3A_0 = arith.constant 0 : index
    %get3A_1 = arith.constant 0 : index
    %get3A_2 = vector.load %arg1[%get3A, %get3A_0, %get3A_1] : memref<2x2000x64xf32, #tpu.memory_space<vmem>>, vector<1x2000x64xf32>
    %get3A_3 = vector.shape_cast %get3A_2 : vector<1x2000x64xf32> to vector<2000x64xf32>
    %get3A_4 = arith.constant 1 : index
    %get3A_5 = arith.constant 0 : index
    %get3A_6 = arith.constant 0 : index
    %get3A_7 = vector.load %arg1[%get3A_4, %get3A_5, %get3A_6] : memref<2x2000x64xf32, #tpu.memory_space<vmem>>, vector<1x2000x64xf32>
    %get3A_8 = vector.shape_cast %get3A_7 : vector<1x2000x64xf32> to vector<2000x64xf32>
    %concatenate3A = tpu.concatenate %get3A_3, %get3A_8 in 1 : vector<2000x64xf32>, vector<2000x64xf32> -> vector<2000x128xf32>
    %slice3A = vector.extract_strided_slice %concatenate3A {offsets = [0, 0], sizes = [2000, 1], strides = [1, 1]} : vector<2000x128xf32> to vector<2000x1xf32>
    %max3A = arith.constant 1.000000e+00 : f32
    %max3A_9 = vector.broadcast %max3A : f32 to vector<2000x1xf32>
    %max3A_10 = arith.maximumf %slice3A, %max3A_9 : vector<2000x1xf32>
    %div3A = vector.broadcast %max3A_10 : vector<2000x1xf32> to vector<2000x128xf32>
    %div3A_11 = arith.divf %concatenate3A, %div3A : vector<2000x128xf32>
    %iota3A = tpu.iota {dimensions = array<i32: 1>} : vector<128x128xi32>
    %eq3A = arith.constant 0 : i32
    %eq3A_12 = vector.broadcast %eq3A : i32 to vector<128x128xi32>
    %eq3A_13 = arith.cmpi eq, %iota3A, %eq3A_12 : vector<128x128xi32>
    %get3A_14 = arith.constant 0 : index
    %get3A_15 = arith.constant 0 : index
    %get3A_16 = vector.load %arg2[%get3A_14, %get3A_15] : memref<128x128xf32, #tpu.memory_space<vmem>>, vector<128x128xf32>
    %jit3A = arith.constant 0.000000e+00 : f32
    %broadcast_in_dim3A = vector.broadcast %jit3A : f32 to vector<128x128xf32>
    %select_n3A = arith.select %eq3A_13, %broadcast_in_dim3A, %get3A_16 : vector<128x128xi1>, vector<128x128xf32>
    %dot_general3A = arith.constant dense<0.000000e+00> : vector<2000x128xf32>
    %dot_general3A_17 = tpu.matmul %div3A_11, %select_n3A, %dot_general3A {dimension_numbers = #tpu.dot_dimension_numbers<[1], [1], [0], [0], [0, 0, 1, 0], [], []>, transpose_lhs_hint = false} : vector<2000x128xf32>, vector<128x128xf32>, vector<2000x128xf32> -> vector<2000x128xf32>
    %get3A_18 = arith.constant 0 : index
    %get3A_19 = arith.constant 0 : index
    %get3A_20 = vector.load %arg3[%get3A_18, %get3A_19] : memref<1x128xf32, #tpu.memory_space<vmem>>, vector<1x128xf32>
    %add3A = vector.broadcast %get3A_20 : vector<1x128xf32> to vector<2000x128xf32>
    %add3A_21 = arith.addf %dot_general3A_17, %add3A : vector<2000x128xf32>
    %iota3A_22 = tpu.iota {dimensions = array<i32: 1>} : vector<2000x128xi32>
    %eq3A_23 = arith.constant 0 : i32
    %eq3A_24 = vector.broadcast %eq3A_23 : i32 to vector<2000x128xi32>
    %eq3A_25 = arith.cmpi eq, %iota3A_22, %eq3A_24 : vector<2000x128xi32>
    %jit3A_26 = arith.constant 0.000000e+00 : f32
    %broadcast_in_dim3A_27 = vector.broadcast %jit3A_26 : f32 to vector<2000x128xf32>
    %select_n3A_28 = arith.select %eq3A_25, %broadcast_in_dim3A_27, %add3A_21 : vector<2000x128xi1>, vector<2000x128xf32>
    %mul3A = arith.mulf %select_n3A_28, %select_n3A_28 : vector<2000x128xf32>
    %reduce_sum3A = arith.constant dense<0.000000e+00> : vector<2000xf32>
    %reduce_sum3A_29 = vector.multi_reduction <add>, %mul3A, %reduce_sum3A [1] : vector<2000x128xf32> to vector<2000xf32>
    %broadcast_in_dim3A_30 = vector.shape_cast %reduce_sum3A_29 : vector<2000xf32> to vector<2000x1xf32>
    %jit3A_31 = arith.constant 1.000000e-15 : f32
    %max3A_32 = vector.broadcast %jit3A_31 : f32 to vector<2000x1xf32>
    %max3A_33 = arith.maximumf %max3A_32, %broadcast_in_dim3A_30 : vector<2000x1xf32>
    %sqrt3A = math.sqrt %max3A_33 : vector<2000x1xf32>
    %exp3A = math.exp %sqrt3A : vector<2000x1xf32>
    %div3A_34 = arith.constant 1.000000e+00 : f32
    %div3A_35 = vector.broadcast %div3A_34 : f32 to vector<2000x1xf32>
    %div3A_36 = arith.divf %div3A_35, %exp3A : vector<2000x1xf32>
    %sub3A = arith.subf %exp3A, %div3A_36 : vector<2000x1xf32>
    %mul3A_37 = arith.constant 5.000000e-01 : f32
    %mul3A_38 = vector.broadcast %mul3A_37 : f32 to vector<2000x1xf32>
    %mul3A_39 = arith.mulf %sub3A, %mul3A_38 : vector<2000x1xf32>
    %div3A_40 = arith.divf %mul3A_39, %sqrt3A : vector<2000x1xf32>
    %mul3A_41 = vector.broadcast %div3A_40 : vector<2000x1xf32> to vector<2000x128xf32>
    %mul3A_42 = arith.mulf %select_n3A_28, %mul3A_41 : vector<2000x128xf32>
    %mul3A_43 = arith.mulf %mul3A_42, %mul3A_42 : vector<2000x128xf32>
    %reduce_sum3A_44 = arith.constant dense<0.000000e+00> : vector<2000xf32>
    %reduce_sum3A_45 = vector.multi_reduction <add>, %mul3A_43, %reduce_sum3A_44 [1] : vector<2000x128xf32> to vector<2000xf32>
    %broadcast_in_dim3A_46 = vector.shape_cast %reduce_sum3A_45 : vector<2000xf32> to vector<2000x1xf32>
    %add3A_47 = arith.constant 1.000000e+00 : f32
    %add3A_48 = vector.broadcast %add3A_47 : f32 to vector<2000x1xf32>
    %add3A_49 = arith.addf %add3A_48, %broadcast_in_dim3A_46 : vector<2000x1xf32>
    %sqrt3A_50 = math.sqrt %add3A_49 : vector<2000x1xf32>
    %eq3A_51 = arith.constant 0 : i32
    %eq3A_52 = vector.broadcast %eq3A_51 : i32 to vector<2000x128xi32>
    %eq3A_53 = arith.cmpi eq, %iota3A_22, %eq3A_52 : vector<2000x128xi32>
    %broadcast_in_dim3A_54 = vector.shape_cast %sqrt3A_50 : vector<2000x1xf32> to vector<2000x1xf32>
    %broadcast_in_dim3A_55 = vector.broadcast %broadcast_in_dim3A_54 : vector<2000x1xf32> to vector<2000x128xf32>
    %select_n3A_56 = arith.select %eq3A_53, %broadcast_in_dim3A_55, %mul3A_42 : vector<2000x128xi1>, vector<2000x128xf32>
    %swap3A = arith.constant 0 : index
    %swap3A_57 = arith.constant 0 : index
    %swap3A_58 = vector.load %arg4[%swap3A, %swap3A_57] : memref<2000x128xf32, #tpu.memory_space<vmem>>, vector<2000x128xf32>
    tpu.vector_store %arg4[%swap3A, %swap3A_57], %select_n3A_56 {strides = array<i32>} : memref<2000x128xf32, #tpu.memory_space<vmem>>, vector<2000x128xf32>,
    return
  }
  func.func @transform_0(%arg0: i32) -> (i32, i32, i32) {
    %c0_i32 = arith.constant 0 : i32
    %c0_i32_0 = arith.constant 0 : i32
    %c0_i32_1 = arith.constant 0 : i32
    return %c0_i32, %arg0, %c0_i32_0 : i32, i32, i32
  }
  func.func @transform_1(%arg0: i32) -> (i32, i32) {
    %c0_i32 = arith.constant 0 : i32
    %c0_i32_0 = arith.constant 0 : i32
    %c0_i32_1 = arith.constant 0 : i32
    return %c0_i32, %c0_i32_0 : i32, i32
  }
  func.func @transform_2(%arg0: i32) -> (i32, i32) {
    %c0_i32 = arith.constant 0 : i32
    %c0_i32_0 = arith.constant 0 : i32
    %c0_i32_1 = arith.constant 0 : i32
    return %c0_i32, %c0_i32_0 : i32, i32
  }
  func.func @transform_3(%arg0: i32) -> (i32, i32) {
    %c0_i32 = arith.constant 0 : i32
    %c0_i32_0 = arith.constant 0 : i32
    return %arg0, %c0_i32 : i32, i32
  }
}

</mosaic_0001>

<sc_bundles>
// kernel: kernel.5.cloned.1.call-start
scs
__scs_entry_jumppad:
0x0: {  	(pc) =	sbr.rel $0x88, $3  }
0x1: {  	(tag) =	ssettag $0x0;
	lr =	simm.s32 $0x1  }
0x2: {  	[smem:$0x3F9C] =	sst lr;
	_ =	strace $0xD0000000  }
0x3: {  	_ = 	snop  }
0x4: {  	_ = 	snop  }
0x5: {  	_ = 	snop  }
0x6: {  	_ = 	snop  }
0x7: {  	_ = 	snop  }
__scs_overlays_trampoline_lowered:
0x8: {  	[smem:$0x3FAB] =	sst s0  }
0x9: {  	[smem:$0x3FAC] =	sst s1  }
0xa: {  	[smem:$0x3FAD] =	sst s2  }
0xb: {  	[smem:$0x3FAE] =	sst s3  }
0xc: {  	[smem:$0x3FAF] =	sst s4  }
0xd: {  	[smem:$0x3FB0] =	sst s5  }
0xe: {  	[smem:$0x3FB1] =	sst s6  }
0xf: {  	[smem:$0x3FB2] =	sst s7  }
0x10: {  	[smem:$0x3FB3] =	sst s8  }
0x11: {  	[smem:$0x3FB4] =	sst s9;
	s0 =	simm.s32 @!p0 $0x0  }
0x12: {  	s1 =	sld [smem:$0x3F9A];
	s0 =	simm.s32 @p0 $0x1  }
0x13: {  	[smem:$0x3FB5] =	sst s0;
	s0 =	simm.s32 @!p1 $0x0  }
0x14: {  	s2 =	sld [smem:$0x3F99];
	s0 =	simm.s32 @p1 $0x1  }
0x15: {  	[smem:$0x3FB6] =	sst s0;
	s0 =	simm.s32 @!p2 $0x0  }
0x16: {  	s3 =	sld [smem:$0x3FDB];
	s0 =	simm.s32 @p2 $0x1  }
0x17: {  	s4 =	simm.s32 $0x1BF5;
	[smem:$0x3FB8] =	sst s0  }
0x18: {  	s0 =	sld [smem:$0x3F9B];
	_ =	swait.ge [sflag:s4], $0x0  }
0x19: {  	s7 =	sld [smem:$0x3F9C]  }
0x1a: {  	s8 =	sadd.s32 $0xFFFFE003, lr  }
0x1b: {  	s9 =	sadd.s32 $0xFFFFFEF7, lr;
	s5 =	simm.s32 $0xFFFFFFFF;
	p2 =	slt.u32 s8, $0xFFFFF086  }
0x1c: {  	p1 =	slt.u32 s9, $0xF7A;
	s5 =	simm.s32 @!p2 $0x0  }
0x1d: {  	s5 =	simm.s32 @p1 $0x1;
	p0 =	seq.s32 s7, s2  }
0x1e: {  	s7 =	smul.u32 @!p0 $0xF7A, s2;
	p2 =	seq.s32 @!p0 s5, $0x0  }
0x1f: {  	s9 =	smul.u32 $0xF7A, s1;
	s8 =	simm.s32 @!p0 $0x1BF5;
	p2 =	por !p2, p0  }
0x20: {  	[sflag:s8] =	ssyncset.s32 @!p0 $0xFFFFF086;
	s6 =	sadd.s32 @!p0 s3, s7;
	s7 =	simm.s32 @!p0 $0x108  }
0x21: {  	s3 =	sadd.s32 s3, s9;
	s6 =	sadd.s32 @!p0 $0x88, s6;
	s7 =	simm.s32 @p2 $0x1082  }
0x22: {  	[simem:s7], [sflag:s8] =	dma.local @!p0 [hbm:s6], $0xF7A  }
0x23: {  	s9 =	sor.u32 $0xD0000000, s2;
	s6 =	simm.s32 $0x108;
	_ =	swait.ge @!p0 [sflag:s8], $0x0  }
0x24: {  	s3 =	sadd.s32 $0x88, s3;
	s6 =	simm.s32 @!p1 $0x1082;
	[sflag:s4] =	ssyncset.s32 $0xFFFFF086  }
0x25: {  	[simem:s6], [sflag:s4] =	dma.local [hbm:s3], $0xF7A  }
0x26: {  	[smem:$0x3F9C] =	sst s1;
	(tag) =	ssettag s2;
	_ =	strace s9  }
0x27: {  	s1 =	sld [smem:$0x3FAC]  }
0x28: {  	s2 =	sld [smem:$0x3FAD]  }
0x29: {  	s4 =	sld [smem:$0x3FAF]  }
0x2a: {  	p0 =	seq.s32 s5, $0x0;
	s5 =	sld [smem:$0x3FB0]  }
0x2b: {  	s6 =	sld [smem:$0x3FB1]  }
0x2c: {  	s7 =	sld [smem:$0x3FB2]  }
0x2d: {  	s3 =	simm.s32 $0x108;
	s8 =	sld [smem:$0x3FB3]  }
0x2e: {  	s3 =	simm.s32 @!p0 $0x1082;
	s9 =	sld [smem:$0x3FB4]  }
0x2f: {  	lr =	sadd.s32 s0, s3;
	s0 =	sld [smem:$0x3FAB]  }
0x30: {  	s3 =	sld [smem:$0x3FAE]  }
0x31: {  	[smem:$0x3FB7] =	sst s10  }
0x32: {  	s10 =	sld [smem:$0x3FB5];
	_ =	sdelay $0x3  }
0x33: {  	p0 =	seq.s32 s10, $0x1;
	s10 =	sld [smem:$0x3FB7];
	_ =	sdelay $0x3  }
0x34: {  	[smem:$0x3FB7] =	sst s10  }
0x35: {  	s10 =	sld [smem:$0x3FB6];
	_ =	sdelay $0x3  }
0x36: {  	p1 =	seq.s32 s10, $0x1;
	s10 =	sld [smem:$0x3FB7];
	_ =	sdelay $0x3  }
0x37: {  	[smem:$0x3FB7] =	sst s10  }
0x38: {  	s10 =	sld [smem:$0x3FB8]  }
0x39: {  	_ = 	snop;
	(pc) =	sbr.ind lr, $3  }
0x3a: {  	_ = 	snop  }
0x3b: {  	_ = 	snop  }
0x3c: {  	p2 =	seq.s32 s10, $0x1;
	s10 =	sld [smem:$0x3FB7]  }
0x3d: {  	_ =	shalt  }
0x3e: {  	_ =	shalt  }
0x3f: {  	_ =	shalt  }
0x40: {  	_ =	shalt  }
0x41: {  	_ =	shalt  }
0x42: {  	_ =	shalt  }
0x43: {  	_ =	shalt  }
0x44: {  	_ =	shalt  }
0x45: {  	_ =	shalt  }
0x46: {  	_ =	shalt  }
0x47: {  	_ =	shalt  }
0x48: {  	_ =	shalt  }
0x49: {  	_ =	shalt  }
0x4a: {  	_ =	shalt  }
0x4b: {  	_ =	shalt  }
0x4c: {  	_ =	shalt  }
0x4d: {  	_ =	shalt  }
0x4e: {  	_ =	shalt  }
0x4f: {  	_ =	shalt  }
0x50: {  	_ =	shalt  }
0x51: {  	_ =	shalt  }
0x52: {  	_ =	shalt  }
0x53: {  	_ =	shalt  }
0x54: {  	_ =	shalt  }
0x55: {  	_ =	shalt  }
0x56: {  	_ =	shalt  }
0x57: {  	_ =	shalt  }
0x58: {  	_ =	shalt  }
0x59: {  	_ =	shalt  }
0x5a: {  	_ =	shalt  }
0x5b: {  	_ =	shalt  }
0x5c: {  	_ =	shalt  }
0x5d: {  	_ =	shalt  }
0x5e: {  	_ =	shalt  }
0x5f: {  	_ =	shalt  }
0x60: {  	_ =	shalt  }
0x61: {  	_ =	shalt  }
0x62: {  	_ =	shalt  }
0x63: {  	_ =	shalt  }
0x64: {  	_ =	shalt  }
0x65: {  	_ =	shalt  }
0x66: {  	_ =	shalt  }
0x67: {  	_ =	shalt  }
0x68: {  	_ =	shalt  }
0x69: {  	_ =	shalt  }
0x6a: {  	_ =	shalt  }
0x6b: {  	_ =	shalt  }
0x6c: {  	_ =	shalt  }
0x6d: {  	_ =	shalt  }
0x6e: {  	_ =	shalt  }
0x6f: {  	_ =	shalt  }
0x70: {  	_ =	shalt  }
0x71: {  	_ =	shalt  }
0x72: {  	_ =	shalt  }
0x73: {  	_ =	shalt  }
0x74: {  	_ =	shalt  }
0x75: {  	_ =	shalt  }
0x76: {  	_ =	shalt  }
0x77: {  	_ =	shalt  }
0x78: {  	_ =	shalt  }
0x79: {  	_ =	shalt  }
0x7a: {  	_ =	shalt  }
0x7b: {  	_ =	shalt  }
0x7c: {  	_ =	shalt  }
0x7d: {  	_ =	shalt  }
0x7e: {  	_ =	shalt  }
0x7f: {  	_ =	shalt  }
0x80: {  	_ =	shalt  }
0x81: {  	_ =	shalt  }
0x82: {  	_ =	shalt  }
0x83: {  	_ =	shalt  }
0x84: {  	_ =	shalt  }
0x85: {  	_ =	shalt  }
0x86: {  	_ =	shalt  }
0x87: {  	_ =	shalt  }
.Lfunc_end0:
.L_simem_size_0:
called_computation_lowered:
.L_overlay_start_0:
0x88: {  	s2 =	sld [smem:$0x3FD9]  }
0x89: {  	s3 =	sld [smem:$0x3FFE];
	_ =	sdelay $0x1  }
0x8a: {  	s1 =	srdreg.scid  }
0x8b: {  	s0 =	sand.u32 $0x1, s1  }
0x8c: {  	s17 =	sshll.u32 s0, $0xA;
	s2 =	sadd.s32 s3, s2  }
0x8d: {  	s2 =	sadd.s32 s2, s17  }
0x8e: {  	[smem:$0x3FC3] =	sst s2  }
0x8f: {  	_ = 	snop  }
0x90: {  	s2 =	sld [smem:$0x3FD0];
	(tm) =	ssettm $0x1  }
0x91: {  	s18 =	sld [smem:$0x3FFB];
	_ =	sdelay $0x3  }
0x92: {  	_ =	strace s18  }
0x93: {  	s3 =	sld [smem:$0x3FFC];
	_ =	sdelay $0x3  }
0x94: {  	_ =	strace s3  }
0x95: {  	s3 =	sld [smem:$0x3FFD];
	_ =	sdelay $0x3  }
0x96: {  	_ =	strace s3  }
0x97: {  	_ =	strace $0x8FFFFFFF  }
0x98: {  	s19 =	sld [smem:$0x3FDB];
	_ =	sdelay $0x1  }
0x99: {  	s4 =	simm.s32 $_scs_section_size  }
0x9a: {  	s5 =	simm.s32 $_size__tile_overlayer_lowered;
	s6 =	simm.s32 $_tile_overlayer_lowered  }
0x9b: {  	s22 =	simm.s32 $0x1BFF;
	s21 =	sshll.u32 s6, $0x1;
	s3 =	sadd.s32 s4, s19  }
0x9c: {  	s7 =	simm.s32 $0x0;
	s20 =	sshll.u32 s5, $0x1;
	s5 =	sadd.s32 s21, s3  }
0x9d: {  	[timem:s7], [sflag:s22] =	dma.local [hbm:s5], s20  }
0x9e: {  	_ =	swait.ge [sflag:s22], s20  }
0x9f: {  	s4 =	ssub.s32 $0x0, s20;
	[sflag:s22] =	ssyncset.done $0x0  }
0xa0: {  	[sflag:s22] =	ssyncadd.s32 s4;
	_ =	sdelay $0x1  }
0xa1: {  	s23 =	simm.s32 $0x1B8B  }
0xa2: {  	_ =	swait.ge [sflag:s23], $0x1  }
0xa3: {  	[sflag:s23] =	ssyncset.done $0x0  }
0xa4: {  	s25 =	simm.s32 $0x1B8E;
	s24 =	sld [smem:$0x3FFE];
	[sflag:s23] =	ssyncadd.s32 $0xFFFFFFFF  }
0xa5: {  	s26 =	simm.s32 $execute0_lowered;
	[smem:$0x3FD2] =	sst s25  }
0xa6: {  	s5 =	sshll.u32 s26, $0x1;
	_ =	strace $0x80000046;
	[dreg:$0x1] =	wrdreg $0xFFFFFFFF  }
0xa7: {  	s28 =	simm.s32 $_size_execute0_lowered;
	s3 =	sadd.s32 s3, s5;
	[dreg:$0x0] =	wrdreg $0x0  }
0xa8: {  	s5 =	sshll.u32 s28, $0x1;
	[dreg:$0x2] =	wrdreg s3  }
0xa9: {  	[dreg:$0x3] =	wrdreg s5  }
0xaa: {  	[dreg:$0x4] =	wrdreg $0xC0  }
0xab: {  	_ =	task [dreg:s7], $0x5FFFF  }
0xac: {  	[dreg:$0x1] =	wrdreg $0xFFFFFFFF  }
0xad: {  	[dreg:$0x0] =	wrdreg $0x60  }
0xae: {  	[dreg:$0x2] =	wrdreg s24  }
0xaf: {  	[dreg:$0x3] =	wrdreg s2  }
0xb0: {  	[dreg:$0x4] =	wrdreg $0x120000  }
0xb1: {  	[dreg:$0x5] =	wrdreg $0x9  }
0xb2: {  	_ =	task.clear_ibuf [dreg:s7], $0x6FFFF;
	_ =	strace $0x90000046  }
0xb3: {  	s29 =	simm.s32 $0x9;
	_ =	strace $0x80000048  }
0xb4: {  	_ =	swait.ge [sflag:s29], $0x1  }
0xb5: {  	[sflag:s29] =	ssyncadd.s32 $0xFFFFFFFF  }
0xb6: {  	_ =	strace $0x90000048  }
0xb7: {  	_ =	sfence  }
0xb8: {  	s30 =	sld [smem:$0x0];
	_ =	sdelay $0x2  }
0xb9: {  	s31 =	sshll.u32 s1, $0xD;
	s1 =	sshrl.u32 s1, $0x2  }
0xba: {  	s3 =	sand.u32 $0x4000, s31;
	s1 =	sadd.s32 s1, s30  }
0xbb: {  	s0 =	sor.u32 s3, s0;
	s1 =	sshll.u32 s1, $0x11  }
0xbc: {  	s0 =	sor.u32 s1, s0  }
0xbd: {  	s0 =	sadd.s32 $0x8F2B, s0  }
0xbe: {  	[sflag:s0] =	ssyncadd.remote.s32 $0x1  }
0xbf: {  	_ =	sfence.sel $0xFFFF  }
0xc0: {  	[dreg:$0x0] =	wrdreg $0xFFFFFFFF;
	(pc) =	sbr.abs _section_cstart, $3  }
0xc1: {  	[dreg:$0x1] =	wrdreg $0xFFFFFFFF  }
0xc2: {  	_ =	task.clear_ibuf [dreg:s7], $0x2FFFF;
	_ =	strace $0x9FFFFFFF  }
0xc3: {  	(tm) =	ssettm $0x7FFFFFFF  }
tec
execute0_lowered:
.L_overlay_start_1:
0x0: {  	(tag) =	ssettag $0x1  }
0x1: {  	s0 =	rddreg [dreg:$0x0]  }
0x2: {  	s1 =	rddreg [dreg:$0x1]  }
0x3: {  	s2 =	rddreg [dreg:$0x2];
	s12 =	simm.s32 $0x0;
	s9 =	stileid.u32  }
0x4: {  	s5 =	srdreg.scid;
	s29 =	simm.s32 $0x8000;
	s28 =	simm.s32 $0x3  }
0x5: {  	s11 =	simm.s32 $0xA;
	s15 =	simm.s32 $0x8;
	s30 =	simm.s32 $0xC000  }
0x6: {  	[smem:$0x7FF] =	sst s12;
	s3 =	smul.u32 $0xA00, s9;
	s4 =	sadd.s32 $0xA00, s0  }
0x7: {  	s14 =	sand.u32 $0x1, s5;
	s17 =	smul.u32 $0x28000, s9;
	s16 =	sadd.s32 $0x14400, s0  }
0x8: {  	s8 =	smul.u32 $0xA000, s9;
	_ =	strace $0x80000047;
	s7 =	ssub.s32 $0x2, s14  }
0x9: {  	s22 =	smul.u32 $0x9C400, s14;
	p0 =	seq.s32 s14, $0x0;
	[dreg:$0x13] =	wrdreg s16  }
0xa: {  	[dreg:$0x12] =	wrdreg s4;
	s0 =	sadd.s32 s3, s0;
	s18 =	sshrl.u32 s7, $0x1  }
0xb: {  	s5 =	sshrl.u32 s17, $0x2;
	s20 =	sadd.s32 s8, s2;
	s16 =	smov.u32 @p0 s4  }
0xc: {  	p0 =	seq.s32 s9, $0xF;
	s17 =	simm.s32 $0xC;
	s4 =	simm.s32 $0xD  }
0xd: {  	s3 =	ssub.s32 s7, s18;
	s23 =	sadd.s32 $0x27E00, s0;
	[dreg:$0x5] =	wrdreg s20  }
0xe: {  	s5 =	sadd.s32 s5, s2;
	s24 =	sadd.s32 $0x31E00, s0;
	[dreg:$0xa] =	wrdreg s23  }
0xf: {  	s25 =	sadd.s32 s8, s22;
	s31 =	sadd.s32 $0x31F00, s0;
	[dreg:$0xb] =	wrdreg s24  }
0x10: {  	s7 =	sshrl.u32 s22, $0x3;
	s0 =	sadd.s32 $0x27F00, s0;
	[dreg:$0xf] =	wrdreg s31  }
0x11: {  	s22 =	simm.s32 $0x6000;
	s19 =	sadd.s32 $0x2000, s5;
	[dreg:$0x10] =	wrdreg s0  }
0x12: {  	s21 =	sadd.s32 $0x4000, s5;
	s10 =	sadd.s32 $0x6000, s5;
	[dreg:$0x6] =	wrdreg s19  }
0x13: {  	s5 =	sadd.s32 $0x8000, s5;
	s7 =	sadd.s32 s1, s7;
	[dreg:$0x7] =	wrdreg s21  }
0x14: {  	s3 =	smax.u32 s3, $0x1;
	s24 =	simm.s32 $0x80;
	[dreg:$0x8] =	wrdreg s10  }
0x15: {  	s23 =	simm.s32 $0x4;
	[dreg:$0x9] =	wrdreg s5;
	s5 =	sshrl.u32 s25, $0x3  }
0x16: {  	s26 =	sadd.s32 $0x12C00, s7;
	[dreg:$0xe] =	wrdreg s3;
	s7 =	simm.s32 $0x2000  }
0x17: {  	s10 =	simm.s32 $0x6;
	s1 =	sadd.s32 s1, s5;
	[dreg:$0xd] =	wrdreg s26  }
0x18: {  	s25 =	simm.s32 $0xA000;
	[dreg:$0xc] =	wrdreg s1;
	s1 =	sadd.s32 $0x96000, s2  }
0x19: {  	s26 =	simm.s32 $0x4000;
	s5 =	simm.s32 $0x6000;
	s0 =	sshrl.u32 @p0 s1, $0x3  }
0x1a: {  	v0 =	vimm.f32 $0.0e+00;
	s1 =	simm.s32 $0x5;
	[dreg:$0x11] =	wrdreg s0;
	s0 =	simm.s32 $0x1  }
.LBB2_1:
0x1b: {  	[dreg:$0x4] =	wrdreg s12;
	s18 =	simm.s32 $0x100;
	s13 =	simm.s32 $0x0  }
.LBB2_2:
0x1c: {  	p1 =	sne.s32 s18, $0x7F00;
	[tilespmem:s13+$0x2030] =	vst v0;
	s19 =	smov.u32 s18;
	s18 =	sadd.s32 $0x100, s18  }
.Ltmp0:
0x1d: {  	[tilespmem:s13+$0x2020] =	vst v0;
	(pc) =	sbr.rel @p1 .LBB2_2-.Ltmp0, $3  }
0x1e: {  	[tilespmem:s13+$0x2000] =	vst v0  }
0x1f: {  	[tilespmem:s13+$0x2010] =	vst v0;
	_ =	sdelay $0x1  }
0x20: {  	s13 =	sshra.s32 s19, $0x2  }
0x21: {  	[tilespmem:s13+$0x2030] =	vst v0  }
0x22: {  	[tilespmem:s13+$0x2020] =	vst v0  }
0x23: {  	[tilespmem:s13+$0x2000] =	vst v0  }
0x24: {  	[tilespmem:s13+$0x2010] =	vst v0  }
0x25: {  	[spmem:s20] =	stream.linear.scatter [tilespmem:s7], [sflag:$0x13], $0x2000, $0x38;
	[tilespmem:$0x1C000] =	vst v63  }
0x26: {  	s8 =	rddreg [dreg:$0x6]  }
0x27: {  	[spmem:s8] =	stream.linear.scatter [tilespmem:s7], [sflag:$0x13], $0x2000, $0x38;
	[tilespmem:$0x1C000] =	vst v63  }
0x28: {  	s6 =	rddreg [dreg:$0x7]  }
0x29: {  	[spmem:s6] =	stream.linear.scatter [tilespmem:s7], [sflag:$0x13], $0x2000, $0x38;
	[tilespmem:$0x1C000] =	vst v63  }
0x2a: {  	s9 =	rddreg [dreg:$0x8]  }
0x2b: {  	[spmem:s9] =	stream.linear.scatter [tilespmem:s7], [sflag:$0x13], $0x2000, $0x38;
	[tilespmem:$0x1C000] =	vst v63  }
0x2c: {  	s12 =	rddreg [dreg:$0x9]  }
0x2d: {  	[spmem:s12] =	stream.linear.scatter [tilespmem:s7], [sflag:$0x13], $0x2000, $0x38;
	[tilespmem:$0x1C000] =	vst v63  }
0x2e: {  	s18 =	simm.s32 $0x0;
	s13 =	rddreg [dreg:$0xa]  }
0x2f: {  	[tilespmem:s18], [sflag:$0x11] =	stream.linear.gather [hbm4b:s13+s18], $0x800, $0x38;
	[tilespmem:$0x1C000] =	vst v63  }
0x30: {  	s19 =	rddreg [dreg:$0xb];
	s20 =	simm.s32 $0x13;
	s9 =	simm.s32 $0x1000  }
0x31: {  	[tilespmem:s9], [sflag:$0x11] =	stream.linear.gather [hbm4b:s19+s18], $0x800, $0x38;
	[tilespmem:$0x1C000] =	vst v63  }
0x32: {  	_ =	swait.ge [sflag:s20], $0x2000  }
0x33: {  	[sflag:s20] =	ssyncset.done $0x0  }
0x34: {  	[sflag:s20] =	ssyncadd.s32 $0xFFFFE000  }
0x35: {  	_ =	swait.ge [sflag:s20], $0x2000  }
0x36: {  	[sflag:s20] =	ssyncset.done $0x0  }
0x37: {  	[sflag:s20] =	ssyncadd.s32 $0xFFFFE000  }
0x38: {  	_ =	swait.ge [sflag:s20], $0x2000  }
0x39: {  	[sflag:s20] =	ssyncset.done $0x0  }
0x3a: {  	[sflag:s20] =	ssyncadd.s32 $0xFFFFE000  }
0x3b: {  	_ =	swait.ge [sflag:s20], $0x2000  }
0x3c: {  	[sflag:s20] =	ssyncset.done $0x0  }
0x3d: {  	[sflag:s20] =	ssyncadd.s32 $0xFFFFE000  }
0x3e: {  	_ =	swait.ge [sflag:s20], $0x2000  }
0x3f: {  	[sflag:s20] =	ssyncset.done $0x0  }
0x40: {  	[sflag:s20] =	ssyncadd.s32 $0xFFFFE000  }
0x41: {  	s21 =	simm.s32 $0x11;
	[bflag:$0x0] =	sbarrier.arrive $0xFFFF  }
0x42: {  	_ =	swait.ge [sflag:s21], $0x800  }
0x43: {  	[sflag:s21] =	ssyncset.done $0x0  }
0x44: {  	[sflag:s21] =	ssyncadd.s32 $0xFFFFF800  }
0x45: {  	_ =	swait.ge [sflag:s21], $0x800  }
0x46: {  	[sflag:s21] =	ssyncset.done $0x0  }
0x47: {  	[sflag:s21] =	ssyncadd.s32 $0xFFFFF800  }
0x48: {  	[tilespmem:s7], [sflag:$0x1] =	stream.indirect.gather [hbm4b:s16+s24], $0x40, s18, s24, $0xb8;
	[tilespmem:$0x1C000] =	vst v63  }
0x49: {  	s31 =	simm.s32 $0x180;
	s12 =	simm.s32 $0x10000  }
0x4a: {  	[tilespmem:s26], [sflag:$0x2] =	stream.indirect.gather [hbm4b:s16+s24], $0x40, s24, s24, $0xb8;
	[tilespmem:$0x1C000] =	vst v63  }
0x4b: {  	s19 =	simm.s32 $0x1;
	s6 =	rddreg [dreg:$0x12];
	s26 =	simm.s32 $0x100  }
0x4c: {  	[tilespmem:s22], [sflag:$0x3] =	stream.indirect.gather [hbm4b:s16+s24], $0x40, s26, s24, $0xb8;
	[tilespmem:$0x1C000] =	vst v63  }
0x4d: {  	s21 =	rddreg [dreg:$0x13];
	s26 =	simm.s32 $0x0;
	s22 =	simm.s32 $0xE  }
0x4e: {  	[tilespmem:s29], [sflag:$0x4] =	stream.indirect.gather [hbm4b:s16+s24], $0x40, s31, s24, $0xb8;
	[tilespmem:$0x1C000] =	vst v63  }
.LBB2_4:
0x4f: {  	_ =	swait.ge [sflag:s0], $0x2000  }
0x50: {  	s31 =	sand.u32 $0x800, s18;
	s3 =	simm.s32 $0x2000;
	[sflag:s0] =	ssyncset.done $0x0  }
0x51: {  	p1 =	seq.s32 s26, $0x0;
	s13 =	sor.u32 $0x1000, s31;
	[sflag:s0] =	ssyncadd.s32 $0xFFFFE000  }
0x52: {  	[spmem:s2] =	stream.indirect.scatter.add.f32 [tilespmem:s3], [sflag:$0x9], $0x40, s13, s24, $0xb8;
	[tilespmem:$0x1C000] =	vst v63  }
0x53: {  	s29 =	simm.s32 @p1 $0x80;
	s8 =	simm.s32 @p1 $0xA000;
	s13 =	sadd.s32 @p1 $0x200, s31  }
0x54: {  	[tilespmem:s8], [sflag:$0x5] =	stream.indirect.gather @p1 [hbm4b:s16+s29], $0x40, s13, s29, $0xb8;
	[tilespmem:$0x1C000] =	vst v63  }
0x55: {  	s8 =	simm.s32 @p1 $0x2  }
0x56: {  	_ =	swait.ge @p1 [sflag:s8], $0x2000  }
0x57: {  	[sflag:s8] =	ssyncset.done @p1 $0x0  }
0x58: {  	s13 =	simm.s32 @p1 $0x4000;
	[sflag:s8] =	ssyncadd.s32 @p1 $0xFFFFE000;
	s8 =	sadd.s32 @p1 $0x1080, s31  }
0x59: {  	[spmem:s2] =	stream.indirect.scatter.add.f32 @p1 [tilespmem:s13], [sflag:$0xA], $0x40, s8, s29, $0xb8;
	[tilespmem:$0x1C000] =	vst v63  }
0x5a: {  	s8 =	simm.s32 @!p1 $0xD  }
0x5b: {  	_ =	swait.ge @!p1 [sflag:s8], $0x2000  }
0x5c: {  	s9 =	simm.s32 @!p1 $0xA000;
	[sflag:s8] =	ssyncset.done @!p1 $0x0  }
0x5d: {  	s13 =	simm.s32 @!p1 $0x80;
	[sflag:s8] =	ssyncadd.s32 @!p1 $0xFFFFE000;
	s8 =	sadd.s32 @!p1 $0x200, s31  }
0x5e: {  	[tilespmem:s9], [sflag:$0x5] =	stream.indirect.gather @!p1 [hbm4b:s16+s13], $0x40, s8, s13, $0xb8;
	[tilespmem:$0x1C000] =	vst v63  }
0x5f: {  	s8 =	simm.s32 @!p1 $0x2  }
0x60: {  	_ =	swait.ge @!p1 [sflag:s8], $0x2000  }
0x61: {  	[sflag:s8] =	ssyncset.done @!p1 $0x0  }
0x62: {  	s9 =	simm.s32 @!p1 $0x4000;
	[sflag:s8] =	ssyncadd.s32 @!p1 $0xFFFFE000;
	s8 =	sadd.s32 @!p1 $0x1080, s31  }
0x63: {  	[spmem:s2] =	stream.indirect.scatter.add.f32 @!p1 [tilespmem:s9], [sflag:$0xA], $0x40, s8, s13, $0xb8;
	[tilespmem:$0x1C000] =	vst v63  }
0x64: {  	s8 =	simm.s32 @!p1 $0xE  }
0x65: {  	_ =	swait.ge @!p1 [sflag:s8], $0x2000  }
0x66: {  	[sflag:s8] =	ssyncset.done @!p1 $0x0  }
0x67: {  	s9 =	sadd.s32 $0x280, s31;
	[sflag:s8] =	ssyncadd.s32 @!p1 $0xFFFFE000  }
0x68: {  	[tilespmem:s30], [sflag:$0x6] =	stream.indirect.gather [hbm4b:s16+s24], $0x40, s9, s24, $0xb8;
	[tilespmem:$0x1C000] =	vst v63  }
0x69: {  	_ =	swait.ge [sflag:s28], $0x2000  }
0x6a: {  	[sflag:s28] =	ssyncset.done $0x0  }
0x6b: {  	s20 =	sadd.s32 $0x1100, s31;
	[sflag:s28] =	ssyncadd.s32 $0xFFFFE000  }
0x6c: {  	[spmem:s2] =	stream.indirect.scatter.add.f32 [tilespmem:s5], [sflag:$0xB], $0x40, s20, s24, $0xb8;
	[tilespmem:$0x1C000] =	vst v63  }
0x6d: {  	s8 =	sadd.s32 @p1 $0x300, s31;
	s9 =	simm.s32 @p1 $0xE000  }
0x6e: {  	[tilespmem:s9], [sflag:$0x7] =	stream.indirect.gather @p1 [hbm4b:s16+s29], $0x40, s8, s29, $0xb8;
	[tilespmem:$0x1C000] =	vst v63  }
0x6f: {  	s8 =	simm.s32 @p1 $0x4  }
0x70: {  	_ =	swait.ge @p1 [sflag:s8], $0x2000  }
0x71: {  	[sflag:s8] =	ssyncset.done @p1 $0x0  }
0x72: {  	s9 =	simm.s32 @p1 $0x8000;
	[sflag:s8] =	ssyncadd.s32 @p1 $0xFFFFE000;
	s8 =	sadd.s32 @p1 $0x1180, s31  }
0x73: {  	[spmem:s2] =	stream.indirect.scatter.add.f32 @p1 [tilespmem:s9], [sflag:$0xC], $0x40, s8, s29, $0xb8;
	[tilespmem:$0x1C000] =	vst v63  }
0x74: {  	s8 =	simm.s32 @!p1 $0xF  }
0x75: {  	_ =	swait.ge @!p1 [sflag:s8], $0x2000  }
0x76: {  	[sflag:s8] =	ssyncset.done @!p1 $0x0  }
0x77: {  	s9 =	simm.s32 @!p1 $0xE000;
	[sflag:s8] =	ssyncadd.s32 @!p1 $0xFFFFE000;
	s8 =	sadd.s32 @!p1 $0x300, s31  }
0x78: {  	[tilespmem:s9], [sflag:$0x7] =	stream.indirect.gather @!p1 [hbm4b:s16+s13], $0x40, s8, s13, $0xb8;
	[tilespmem:$0x1C000] =	vst v63  }
0x79: {  	s8 =	simm.s32 @!p1 $0x4  }
0x7a: {  	_ =	swait.ge @!p1 [sflag:s8], $0x2000  }
0x7b: {  	[sflag:s8] =	ssyncset.done @!p1 $0x0  }
0x7c: {  	s9 =	simm.s32 @!p1 $0x8000;
	[sflag:s8] =	ssyncadd.s32 @!p1 $0xFFFFE000;
	s8 =	sadd.s32 @!p1 $0x1180, s31  }
0x7d: {  	[spmem:s2] =	stream.indirect.scatter.add.f32 @!p1 [tilespmem:s9], [sflag:$0xC], $0x40, s8, s13, $0xb8;
	[tilespmem:$0x1C000] =	vst v63  }
0x7e: {  	s8 =	simm.s32 @!p1 $0x10  }
0x7f: {  	_ =	swait.ge @!p1 [sflag:s8], $0x2000  }
0x80: {  	[sflag:s8] =	ssyncset.done @!p1 $0x0  }
0x81: {  	s7 =	sadd.s32 $0x380, s31;
	[sflag:s8] =	ssyncadd.s32 @!p1 $0xFFFFE000  }
0x82: {  	[tilespmem:s12], [sflag:$0x8] =	stream.indirect.gather [hbm4b:s16+s24], $0x40, s7, s24, $0xb8;
	[tilespmem:$0x1C000] =	vst v63  }
0x83: {  	s8 =	sand.u32 $0x1, s19;
	p1 =	seq.s32 s26, $0x900;
	_ =	swait.ge [sflag:s1], $0x2000  }
0x84: {  	s9 =	sadd.s32 $0x1200, s31;
	s29 =	sadd.s32 @!p1 $0x11, s8;
	[sflag:s1] =	ssyncset.done $0x0  }
0x85: {  	s13 =	sshll.u32 @!p1 s8, $0xB;
	s8 =	rddreg [dreg:$0x10];
	[sflag:s1] =	ssyncadd.s32 $0xFFFFE000  }
0x86: {  	[spmem:s2] =	stream.indirect.scatter.add.f32 [tilespmem:s25], [sflag:$0xD], $0x40, s9, s24, $0xb8;
	[tilespmem:$0x1C000] =	vst v63  }
0x87: {  	s12 =	rddreg [dreg:$0xf];
	s8 =	sadd.s32 @!p1 s26, s8;
	s9 =	simm.s32 @!p1 $0x0  }
0x88: {  	[tilespmem:s13], [sflag:s29] =	stream.linear.gather @!p1 [hbm4b:s8+s9], $0x800, $0x38;
	[tilespmem:$0x1C000] =	vst v63  }
0x89: {  	s12 =	sadd.s32 @!p1 s26, s12;
	s8 =	sor.u32 @!p1 $0x1000, s13  }
0x8a: {  	[tilespmem:s8], [sflag:s29] =	stream.linear.gather @!p1 [hbm4b:s12+s9], $0x800, $0x38;
	[tilespmem:$0x1C000] =	vst v63  }
0x8b: {  	s12 =	simm.s32 $0x9  }
0x8c: {  	_ =	swait.ge [sflag:s12], $0x2000  }
0x8d: {  	[sflag:s12] =	ssyncset.done $0x0  }
0x8e: {  	s7 =	sadd.s32 $0x400, s31;
	[sflag:s12] =	ssyncadd.s32 $0xFFFFE000  }
0x8f: {  	[tilespmem:s3], [sflag:$0x1] =	stream.indirect.gather [hbm4b:s16+s24], $0x40, s7, s24, $0xb8;
	[tilespmem:$0x1C000] =	vst v63  }
0x90: {  	_ =	swait.ge [sflag:s10], $0x2000  }
0x91: {  	[sflag:s10] =	ssyncset.done $0x0  }
0x92: {  	s9 =	sadd.s32 $0x1280, s31;
	[sflag:s10] =	ssyncadd.s32 $0xFFFFE000  }
0x93: {  	[spmem:s2] =	stream.indirect.scatter.add.f32 [tilespmem:s30], [sflag:$0xE], $0x40, s9, s24, $0xb8;
	[tilespmem:$0x1C000] =	vst v63  }
0x94: {  	_ =	swait.ge [sflag:s11], $0x2000  }
0x95: {  	s12 =	sadd.s32 $0x480, s31;
	[sflag:s11] =	ssyncset.done $0x0  }
0x96: {  	s7 =	simm.s32 $0x7;
	s9 =	simm.s32 $0x4000;
	[sflag:s11] =	ssyncadd.s32 $0xFFFFE000  }
0x97: {  	[tilespmem:s9], [sflag:$0x2] =	stream.indirect.gather [hbm4b:s16+s24], $0x40, s12, s24, $0xb8;
	[tilespmem:$0x1C000] =	vst v63  }
0x98: {  	_ =	swait.ge [sflag:s7], $0x2000  }
0x99: {  	[sflag:s7] =	ssyncset.done $0x0  }
0x9a: {  	s12 =	sadd.s32 $0x1300, s31;
	[sflag:s7] =	ssyncadd.s32 $0xFFFFE000;
	s7 =	simm.s32 $0xE000  }
0x9b: {  	[spmem:s2] =	stream.indirect.scatter.add.f32 [tilespmem:s7], [sflag:$0xF], $0x40, s12, s24, $0xb8;
	[tilespmem:$0x1C000] =	vst v63  }
0x9c: {  	s12 =	simm.s32 $0xB  }
0x9d: {  	_ =	swait.ge [sflag:s12], $0x2000  }
0x9e: {  	[sflag:s12] =	ssyncset.done $0x0  }
0x9f: {  	[sflag:s12] =	ssyncadd.s32 $0xFFFFE000;
	s12 =	sadd.s32 $0x500, s31  }
0xa0: {  	[tilespmem:s5], [sflag:$0x3] =	stream.indirect.gather [hbm4b:s16+s24], $0x40, s12, s24, $0xb8;
	[tilespmem:$0x1C000] =	vst v63  }
0xa1: {  	_ =	swait.ge [sflag:s15], $0x2000  }
0xa2: {  	[sflag:s15] =	ssyncset.done $0x0  }
0xa3: {  	s20 =	simm.s32 $0x10000;
	s12 =	sadd.s32 $0x1380, s31;
	[sflag:s15] =	ssyncadd.s32 $0xFFFFE000  }
0xa4: {  	[spmem:s2] =	stream.indirect.scatter.add.f32 [tilespmem:s20], [sflag:$0x10], $0x40, s12, s24, $0xb8;
	[tilespmem:$0x1C000] =	vst v63  }
0xa5: {  	_ =	swait.ge [sflag:s17], $0x2000  }
0xa6: {  	[sflag:s17] =	ssyncset.done $0x0  }
0xa7: {  	s8 =	sadd.s32 $0x580, s31;
	s12 =	simm.s32 $0x8000;
	[sflag:s17] =	ssyncadd.s32 $0xFFFFE000  }
0xa8: {  	[tilespmem:s12], [sflag:$0x4] =	stream.indirect.gather [hbm4b:s16+s24], $0x40, s8, s24, $0xb8;
	[tilespmem:$0x1C000] =	vst v63  }
0xa9: {  	_ =	swait.ge [sflag:s0], $0x2000  }
0xaa: {  	[sflag:s0] =	ssyncset.done $0x0  }
0xab: {  	s8 =	sadd.s32 $0x1400, s31;
	[sflag:s0] =	ssyncadd.s32 $0xFFFFE000  }
0xac: {  	[spmem:s2] =	stream.indirect.scatter.add.f32 [tilespmem:s3], [sflag:$0x9], $0x40, s8, s24, $0xb8;
	[tilespmem:$0x1C000] =	vst v63  }
0xad: {  	_ =	swait.ge [sflag:s4], $0x2000  }
0xae: {  	[sflag:s4] =	ssyncset.done $0x0  }
0xaf: {  	s3 =	sadd.s32 $0x600, s31;
	s8 =	simm.s32 $0x2;
	[sflag:s4] =	ssyncadd.s32 $0xFFFFE000  }
0xb0: {  	[tilespmem:s25], [sflag:$0x5] =	stream.indirect.gather [hbm4b:s16+s24], $0x40, s3, s24, $0xb8;
	[tilespmem:$0x1C000] =	vst v63  }
0xb1: {  	_ =	swait.ge [sflag:s8], $0x2000  }
0xb2: {  	[sflag:s8] =	ssyncset.done $0x0  }
0xb3: {  	s3 =	sadd.s32 $0x1480, s31;
	[sflag:s8] =	ssyncadd.s32 $0xFFFFE000  }
0xb4: {  	[spmem:s2] =	stream.indirect.scatter.add.f32 [tilespmem:s9], [sflag:$0xA], $0x40, s3, s24, $0xb8;
	[tilespmem:$0x1C000] =	vst v63  }
0xb5: {  	_ =	swait.ge [sflag:s22], $0x2000  }
0xb6: {  	[sflag:s22] =	ssyncset.done $0x0  }
0xb7: {  	s9 =	sadd.s32 $0x680, s31;
	[sflag:s22] =	ssyncadd.s32 $0xFFFFE000  }
0xb8: {  	[tilespmem:s30], [sflag:$0x6] =	stream.indirect.gather [hbm4b:s16+s24], $0x40, s9, s24, $0xb8;
	[tilespmem:$0x1C000] =	vst v63  }
0xb9: {  	_ =	swait.ge [sflag:s28], $0x2000  }
0xba: {  	[sflag:s28] =	ssyncset.done $0x0  }
0xbb: {  	s3 =	sadd.s32 $0x1500, s31;
	s9 =	simm.s32 $0xF;
	[sflag:s28] =	ssyncadd.s32 $0xFFFFE000  }
0xbc: {  	[spmem:s2] =	stream.indirect.scatter.add.f32 [tilespmem:s5], [sflag:$0xB], $0x40, s3, s24, $0xb8;
	[tilespmem:$0x1C000] =	vst v63  }
0xbd: {  	_ =	swait.ge [sflag:s9], $0x2000  }
0xbe: {  	[sflag:s9] =	ssyncset.done $0x0  }
0xbf: {  	s3 =	sadd.s32 $0x700, s31;
	[sflag:s9] =	ssyncadd.s32 $0xFFFFE000  }
0xc0: {  	[tilespmem:s7], [sflag:$0x7] =	stream.indirect.gather [hbm4b:s16+s24], $0x40, s3, s24, $0xb8;
	[tilespmem:$0x1C000] =	vst v63  }
0xc1: {  	_ =	swait.ge [sflag:s23], $0x2000  }
0xc2: {  	[sflag:s23] =	ssyncset.done $0x0  }
0xc3: {  	s9 =	simm.s32 $0x10;
	s7 =	sadd.s32 $0x1580, s31;
	[sflag:s23] =	ssyncadd.s32 $0xFFFFE000  }
0xc4: {  	[spmem:s2] =	stream.indirect.scatter.add.f32 [tilespmem:s12], [sflag:$0xC], $0x40, s7, s24, $0xb8;
	[tilespmem:$0x1C000] =	vst v63  }
0xc5: {  	_ =	swait.ge [sflag:s9], $0x2000  }
0xc6: {  	[sflag:s9] =	ssyncset.done $0x0  }
0xc7: {  	s12 =	sadd.s32 $0x780, s31;
	[sflag:s9] =	ssyncadd.s32 $0xFFFFE000  }
0xc8: {  	[tilespmem:s20], [sflag:$0x8] =	stream.indirect.gather [hbm4b:s16+s24], $0x40, s12, s24, $0xb8;
	[tilespmem:$0x1C000] =	vst v63  }
0xc9: {  	_ =	swait.ge [sflag:s1], $0x2000  }
0xca: {  	[sflag:s1] =	ssyncset.done $0x0  }
0xcb: {  	s8 =	simm.s32 @p1 $0x9;
	s20 =	sadd.s32 $0x1600, s31;
	[sflag:s1] =	ssyncadd.s32 $0xFFFFE000  }
0xcc: {  	[spmem:s2] =	stream.indirect.scatter.add.f32 [tilespmem:s25], [sflag:$0xD], $0x40, s20, s24, $0xb8;
	[tilespmem:$0x1C000] =	vst v63  }
0xcd: {  	_ =	swait.ge @p1 [sflag:s8], $0x2000  }
0xce: {  	[sflag:s8] =	ssyncset.done @p1 $0x0  }
0xcf: {  	[sflag:s8] =	ssyncadd.s32 @p1 $0xFFFFE000  }
0xd0: {  	_ =	swait.ge @!p1 [sflag:s29], $0x800  }
0xd1: {  	[sflag:s29] =	ssyncset.done @!p1 $0x0  }
0xd2: {  	[sflag:s29] =	ssyncadd.s32 @!p1 $0xFFFFF800  }
0xd3: {  	_ =	swait.ge @!p1 [sflag:s29], $0x800  }
0xd4: {  	[sflag:s29] =	ssyncset.done @!p1 $0x0  }
0xd5: {  	s8 =	simm.s32 @!p1 $0x9;
	[sflag:s29] =	ssyncadd.s32 @!p1 $0xFFFFF800  }
0xd6: {  	p3 =	sne.s32 @!p1 s14, $0x0;
	_ =	swait.ge @!p1 [sflag:s8], $0x2000  }
0xd7: {  	p2 =	por !p3, p1;
	p3 =	por p3, p1;
	[sflag:s8] =	ssyncset.done @!p1 $0x0  }
0xd8: {  	s9 =	simm.s32 @!p2 $0x2000;
	[sflag:s8] =	ssyncadd.s32 @!p1 $0xFFFFE000;
	s8 =	simm.s32 @!p2 $0x80  }
0xd9: {  	[tilespmem:s9], [sflag:$0x1] =	stream.indirect.gather @!p2 [hbm4b:s21+s8], $0x40, s13, s8, $0xb8;
	[tilespmem:$0x1C000] =	vst v63  }
0xda: {  	s12 =	simm.s32 @!p3 $0x2000;
	s9 =	simm.s32 @!p3 $0x80  }
0xdb: {  	[tilespmem:s12], [sflag:$0x1] =	stream.indirect.gather @!p3 [hbm4b:s6+s9], $0x40, s13, s9, $0xb8;
	[tilespmem:$0x1C000] =	vst v63  }
0xdc: {  	_ =	swait.ge [sflag:s10], $0x2000  }
0xdd: {  	[sflag:s10] =	ssyncset.done $0x0  }
0xde: {  	s3 =	sadd.s32 $0x1680, s31;
	[sflag:s10] =	ssyncadd.s32 $0xFFFFE000  }
0xdf: {  	[spmem:s2] =	stream.indirect.scatter.add.f32 [tilespmem:s30], [sflag:$0xE], $0x40, s3, s24, $0xb8;
	[tilespmem:$0x1C000] =	vst v63  }
0xe0: {  	_ =	swait.ge [sflag:s11], $0x2000  }
0xe1: {  	[sflag:s11] =	ssyncset.done $0x0  }
0xe2: {  	s12 =	simm.s32 @p1 $0x7;
	[sflag:s11] =	ssyncadd.s32 $0xFFFFE000  }
0xe3: {  	_ =	swait.ge @p1 [sflag:s12], $0x2000  }
0xe4: {  	s7 =	smov.u32 s14;
	s14 =	simm.s32 @p1 $0xE000;
	[sflag:s12] =	ssyncset.done @p1 $0x0  }
0xe5: {  	s29 =	simm.s32 @p1 $0x80;
	[sflag:s12] =	ssyncadd.s32 @p1 $0xFFFFE000;
	s12 =	sadd.s32 @p1 $0x1700, s31  }
0xe6: {  	[spmem:s2] =	stream.indirect.scatter.add.f32 @p1 [tilespmem:s14], [sflag:$0xF], $0x40, s12, s29, $0xb8;
	[tilespmem:$0x1C000] =	vst v63  }
0xe7: {  	s12 =	simm.s32 @p1 $0xB  }
0xe8: {  	_ =	swait.ge @p1 [sflag:s12], $0x2000  }
0xe9: {  	s14 =	simm.s32 @!p1 $0x80;
	[sflag:s12] =	ssyncset.done @p1 $0x0  }
0xea: {  	s29 =	simm.s32 @!p1 $0x4000;
	[sflag:s12] =	ssyncadd.s32 @p1 $0xFFFFE000;
	s12 =	sor.u32 @!p1 $0x80, s13  }
0xeb: {  	[tilespmem:s29], [sflag:$0x2] =	stream.indirect.gather @!p1 [hbm4b:s16+s14], $0x40, s12, s14, $0xb8;
	[tilespmem:$0x1C000] =	vst v63  }
0xec: {  	s12 =	simm.s32 @!p1 $0x7  }
0xed: {  	_ =	swait.ge @!p1 [sflag:s12], $0x2000  }
0xee: {  	[sflag:s12] =	ssyncset.done @!p1 $0x0  }
0xef: {  	s29 =	simm.s32 @!p1 $0xE000;
	[sflag:s12] =	ssyncadd.s32 @!p1 $0xFFFFE000;
	s12 =	sadd.s32 @!p1 $0x1700, s31  }
0xf0: {  	[spmem:s2] =	stream.indirect.scatter.add.f32 @!p1 [tilespmem:s29], [sflag:$0xF], $0x40, s12, s14, $0xb8;
	[tilespmem:$0x1C000] =	vst v63  }
0xf1: {  	s12 =	simm.s32 @!p1 $0xB  }
0xf2: {  	_ =	swait.ge @!p1 [sflag:s12], $0x2000  }
0xf3: {  	[sflag:s12] =	ssyncset.done @!p1 $0x0  }
0xf4: {  	s29 =	simm.s32 @!p2 $0x6000;
	[sflag:s12] =	ssyncadd.s32 @!p1 $0xFFFFE000;
	s12 =	sor.u32 @!p1 $0x100, s13  }
0xf5: {  	[tilespmem:s29], [sflag:$0x3] =	stream.indirect.gather @!p2 [hbm4b:s21+s8], $0x40, s12, s8, $0xb8;
	[tilespmem:$0x1C000] =	vst v63  }
0xf6: {  	s8 =	simm.s32 @!p3 $0x6000  }
0xf7: {  	[tilespmem:s8], [sflag:$0x3] =	stream.indirect.gather @!p3 [hbm4b:s6+s9], $0x40, s12, s9, $0xb8;
	[tilespmem:$0x1C000] =	vst v63  }
0xf8: {  	s26 =	sadd.s32 @!p1 $0x100, s26;
	_ =	swait.ge [sflag:s15], $0x2000  }
0xf9: {  	s31 =	sadd.s32 $0x1780, s31;
	p2 =	sne.s32 @!p1 s26, $0xA00;
	[sflag:s15] =	ssyncset.done $0x0  }
0xfa: {  	p2 =	por p1, !p2;
	s12 =	simm.s32 $0x10000;
	[sflag:s15] =	ssyncadd.s32 $0xFFFFE000  }
0xfb: {  	[spmem:s2] =	stream.indirect.scatter.add.f32 [tilespmem:s12], [sflag:$0x10], $0x40, s31, s24, $0xb8;
	[tilespmem:$0x1C000] =	vst v63  }
.Ltmp1:
0xfc: {  	_ =	swait.ge [sflag:s17], $0x2000;
	(pc) =	sbr.rel @!p2 .LBB2_4-.Ltmp1, $4  }
0xfd: {  	[sflag:s17] =	ssyncset.done $0x0  }
0xfe: {  	s8 =	sor.u32 @!p1 $0x180, s13;
	s9 =	simm.s32 @!p1 $0x8000;
	[sflag:s17] =	ssyncadd.s32 $0xFFFFE000  }
0xff: {  	[tilespmem:s9], [sflag:$0x4] =	stream.indirect.gather @!p1 [hbm4b:s16+s14], $0x40, s8, s14, $0xb8;
	[tilespmem:$0x1C000] =	vst v63  }
0x100: {  	s19 =	sadd.s32 @!p1 $0x1, s19;
	s18 =	sadd.s32 @!p1 $0x800, s18;
	s14 =	smov.u32 s7  }
0x101: {  	_ =	swait.ge [sflag:s4], $0x2000  }
0x102: {  	[sflag:s4] =	ssyncset.done $0x0  }
0x103: {  	[sflag:s4] =	ssyncadd.s32 $0xFFFFE000  }
0x104: {  	_ =	swait.ge [sflag:s22], $0x2000  }
0x105: {  	[sflag:s22] =	ssyncset.done $0x0  }
0x106: {  	s3 =	simm.s32 $0xF;
	[sflag:s22] =	ssyncadd.s32 $0xFFFFE000  }
0x107: {  	_ =	swait.ge [sflag:s3], $0x2000  }
0x108: {  	[sflag:s3] =	ssyncset.done $0x0  }
0x109: {  	s22 =	simm.s32 $0x10;
	[sflag:s3] =	ssyncadd.s32 $0xFFFFE000  }
0x10a: {  	_ =	swait.ge [sflag:s22], $0x2000  }
0x10b: {  	[sflag:s22] =	ssyncset.done $0x0  }
0x10c: {  	[sflag:s22] =	ssyncadd.s32 $0xFFFFE000  }
0x10d: {  	[bflag:$0x0] =	sbarrier.arrive $0xFFFF  }
0x10e: {  	s9 =	rddreg [dreg:$0xd]  }
0x10f: {  	s8 =	simm.s32 @p0 $0x1FD4;
	s7 =	rddreg [dreg:$0x11]  }
0x110: {  	[hbm:s9], [sflag:s8] =	dma.local @p0 [spmem:s7], $0xC80  }
0x111: {  	s8 =	simm.s32 @p0 $0x14  }
0x112: {  	_ =	swait.ge @p0 [sflag:s8], $0xC80  }
0x113: {  	s9 =	stileid.u32;
	s20 =	rddreg [dreg:$0x5]  }
0x114: {  	s9 =	sshll.u32 @!p0 s9, $0x6;
	[sflag:s8] =	ssyncset.done @p0 $0x0;
	s12 =	rddreg [dreg:$0xc]  }
0x115: {  	[sflag:s8] =	ssyncadd.s32 @p0 $0xFFFFF380;
	s8 =	sor.u32 @!p0 $0x1C14, s9;
	s9 =	sshrl.u32 @!p0 s20, $0x3  }
0x116: {  	[hbm:s12], [sflag:s8] =	dma.local @!p0 [spmem:s9], $0x1400  }
0x117: {  	s8 =	simm.s32 @!p0 $0x14  }
0x118: {  	_ =	swait.ge @!p0 [sflag:s8], $0x1400  }
0x119: {  	s26 =	rddreg [dreg:$0x4]  }
0x11a: {  	s31 =	rddreg [dreg:$0xe];
	s12 =	sadd.s32 $0x1, s26  }
0x11b: {  	p1 =	sne.s32 s12, s31  }
.Ltmp2:
0x11c: {  	_ = 	snop;
	(pc) =	sbr.rel @p1 .LBB2_1-.Ltmp2, $3  }
0x11d: {  	_ =	sdelay $0x1  }
0x11e: {  	s29 =	simm.s32 $0x8000;
	s22 =	simm.s32 $0x6000;
	[sflag:s8] =	ssyncset.done @!p0 $0x0  }
0x11f: {  	s7 =	simm.s32 $0x2000;
	[sflag:s8] =	ssyncadd.s32 @!p0 $0xFFFFEC00;
	s26 =	simm.s32 $0x4000  }
0x120: {  	_ =	sfence.sel $0x180000  }
0x121: {  	[bflag:$0x0] =	sbarrier.arrive $0xFFFF  }
0x122: {  	_ =	strace $0x90000047  }
0x123: {  	s0 =	stileid.u32;
	[bflag:$0x2] =	sbarrier.arrive $0xFFFF  }
0x124: {  	p0 =	sne.s32 s0, $0x0;
	s0 =	rddreg [dreg:$0x3]  }
0x125: {  	s0 =	sadd.s32 @!p0 $0x100000, s0  }
0x126: {  	[sflag:s0] =	ssyncadd.tile.s32 @!p0 $0x1;
	_ =	shalt  }
.Lfunc_end2:
_tile_overlayer_lowered:
.L_overlay_start_2:
0x127: {  	(tag) =	ssettag $0x2  }
0x128: {  	s0 =	rddreg [dreg:$0x0];
	s2 =	stileid.u32  }
0x129: {  	s1 =	rddreg [dreg:$0x1];
	p0 =	sne.s32 s2, $0x0  }
0x12a: {  	s3 =	rddreg [dreg:$0x2];
	[bflag:$0x3] =	sbarrier.arrive $0xFFFF;
	s2 =	simm.s32 @!p0 $0x1C14  }
0x12b: {  	[timem:s3], [sflag:s2] =	dma.local @!p0 [hbm:s0], s1  }
0x12c: {  	s0 =	simm.s32 @!p0 $0x14  }
0x12d: {  	_ =	swait.ge @!p0 [sflag:s0], s1  }
0x12e: {  	s1 =	ssub.s32 @!p0 $0x0, s1;
	[sflag:s0] =	ssyncset.done @!p0 $0x0  }
0x12f: {  	[sflag:s0] =	ssyncadd.s32 @!p0 s1  }
0x130: {  	[bflag:$0x3] =	sbarrier.arrive $0xFFFF  }
0x131: {  	_ =	shalt  }

</sc_bundles>
